<compile_context>
chip_gen: v7x
topology: tpu7x:2x2x1
jax: 0.10.2.dev20260603
libtpu: 0.0.44.dev20260713+nightly
codegen_flags: <defaults>
</compile_context>

<pallas_src>
import functools

import jax
import jax.numpy as jnp
from jax import lax
from jax.experimental import pallas as pl
from jax.experimental.pallas import tpu as pltpu
from jax.experimental.pallas import tpu_sc as plsc

B = 1024
N = 128
F = 9
H = 64
NW = 32
BPW = B // NW
C = 64
NCH = 2 * BPW
CIDX = C * F


def _sc_body(x_hbm, din_hbm, dout_hbm, atom_hbm, indt_hbm, outdt_hbm, gt_hbm,
             out_hbm,
             xidx0, xidx1, din0, din1, dout0, dout1,
             rows0, rows1, dinr0, dinr1, doutr0, doutr1,
             outb0, outb1, gt_v,
             isem0, isem1, gsem0, gsem1, wsem0, wsem1):
    wid = lax.axis_index("s") * 2 + lax.axis_index("c")

    xidx = [xidx0, xidx1]
    din = [din0, din1]
    dout = [dout0, dout1]
    rows = [rows0, rows1]
    dinr = [dinr0, dinr1]
    doutr = [doutr0, doutr1]
    outb = [outb0, outb1]
    isem = [isem0, isem1]
    gsem = [gsem0, gsem1]
    wsem = [wsem0, wsem1]

    pltpu.sync_copy(gt_hbm, gt_v)
    for j in range(H // 16):
        outb0[0, pl.ds(j * 16, 16)] = gt_v[pl.ds(j * 16, 16)]

    def idx_copies(g, k):
        b = wid * BPW + g // 2
        h = g % 2
        cps = [
            pltpu.make_async_copy(
                x_hbm.at[f, b, pl.ds(h * C, C)], xidx[k].at[f], isem[k])
            for f in range(F)
        ]
        cps.append(pltpu.make_async_copy(
            din_hbm.at[pl.ds(wid * (BPW * N) + g * C, C)], din[k], isem[k]))
        cps.append(pltpu.make_async_copy(
            dout_hbm.at[pl.ds(wid * (BPW * N) + g * C, C)], dout[k], isem[k]))
        return cps

    def gather_copies(k):
        cps = [
            pltpu.make_async_copy(
                atom_hbm.at[xidx[k].at[f]],
                rows[k].at[pl.ds(f * C, C)], gsem[k])
            for f in range(F)
        ]
        cps.append(pltpu.make_async_copy(indt_hbm.at[din[k]], dinr[k],
                                         gsem[k]))
        cps.append(pltpu.make_async_copy(outdt_hbm.at[dout[k]], doutr[k],
                                         gsem[k]))
        return cps

    def wb_copy(q, e):
        b = wid * BPW + q
        if e == 0:
            dst = out_hbm.at[b, pl.ds(0, C + 1)]
        else:
            dst = out_hbm.at[b, pl.ds(C + 1, C)]
        return pltpu.make_async_copy(outb[e], dst, wsem[e])

    def step(q, e):
        g = 2 * q + e
        k = e
        k1 = 1 - e
        for c in gather_copies(k):
            c.wait()

        @pl.when(g + 2 < NCH)
        def _():
            for c in idx_copies(g + 2, k):
                c.start()

        @pl.when(g + 1 < NCH)
        def _():
            for c in idx_copies(g + 1, k1):
                c.wait()
            for c in gather_copies(k1):
                c.start()

        @pl.when(g >= 2)
        def _():
            wb_copy(q - 1, e).wait()

        base_row = 1 if e == 0 else 0

        def node_body(n, c2):
            for j in range(H // 16):
                sl = pl.ds(j * 16, 16)
                vals = [rows[k][f * C + n, sl] for f in range(F)]
                vals.append(dinr[k][n, sl])
                vals.append(doutr[k][n, sl])
                while len(vals) > 1:
                    nxt = [vals[i] + vals[i + 1]
                           for i in range(0, len(vals) - 1, 2)]
                    if len(vals) % 2:
                        nxt.append(vals[-1])
                    vals = nxt
                outb[k][base_row + n, sl] = vals[0]
            return c2

        lax.fori_loop(0, C, node_body, 0, unroll=2)
        wb_copy(q, e).start()

    for c in idx_copies(0, 0):
        c.start()
    for c in idx_copies(1, 1):
        c.start()
    for c in idx_copies(0, 0):
        c.wait()
    for c in gather_copies(0):
        c.start()

    def pair_body(q, carry):
        step(q, 0)
        step(q, 1)
        return carry

    lax.fori_loop(0, BPW, pair_body, 0)

    wb_copy(BPW - 1, 0).wait()
    wb_copy(BPW - 1, 1).wait()


_sc_kernel = functools.partial(
    pl.kernel,
    out_type=jax.ShapeDtypeStruct((B, N + 1, H), jnp.float32),
    mesh=plsc.VectorSubcoreMesh(core_axis_name="c", subcore_axis_name="s"),
    compiler_params=pltpu.CompilerParams(use_tc_tiling_on_sc=False),
    scratch_types=[
        pltpu.VMEM((F, C), jnp.int32),
        pltpu.VMEM((F, C), jnp.int32),
        pltpu.VMEM((C,), jnp.int32),
        pltpu.VMEM((C,), jnp.int32),
        pltpu.VMEM((C,), jnp.int32),
        pltpu.VMEM((C,), jnp.int32),
        pltpu.VMEM((CIDX, H), jnp.float32),
        pltpu.VMEM((CIDX, H), jnp.float32),
        pltpu.VMEM((C, H), jnp.float32),
        pltpu.VMEM((C, H), jnp.float32),
        pltpu.VMEM((C, H), jnp.float32),
        pltpu.VMEM((C, H), jnp.float32),
        pltpu.VMEM((C + 1, H), jnp.float32),
        pltpu.VMEM((C, H), jnp.float32),
        pltpu.VMEM((H,), jnp.float32),
        pltpu.SemaphoreType.DMA,
        pltpu.SemaphoreType.DMA,
        pltpu.SemaphoreType.DMA,
        pltpu.SemaphoreType.DMA,
        pltpu.SemaphoreType.DMA,
        pltpu.SemaphoreType.DMA,
    ],
)(_sc_body)


def kernel(x, in_degree, out_degree, atom_table, in_deg_table, out_deg_table,
           graph_token):
    x_t = jnp.transpose(x.astype(jnp.int32), (2, 0, 1))
    din = in_degree.reshape(-1).astype(jnp.int32)
    dout = out_degree.reshape(-1).astype(jnp.int32)
    gt = graph_token.reshape(H)
    return _sc_kernel(x_t, din, dout, atom_table, in_deg_table,
                      out_deg_table, gt)

# --- scband reference (transcript-rebuilt; emitter-appended) ---
"""Pipeline reference for scband-graph-node-feature-25812753449658 (READ-ONLY COPY).

The authoritative reference and input builder live on the scoring server;
editing this copy changes nothing except your own understanding.
"""

import jax, jax.numpy as jnp
import numpy as np


def setup_inputs(seed: int = 0) -> dict:
    key = jax.random.key(seed)
    k1, k2, k3, k4, k5, k6, k7 = jax.random.split(key, 7)
    x = jax.random.randint(k1, (1024, 128, 9), 0, 100000, dtype=jnp.int64 if jax.config.jax_enable_x64 else jnp.int32)
    in_degree = jax.random.randint(k2, (1024, 128), 0, 512, dtype=jnp.int32)
    out_degree = jax.random.randint(k3, (1024, 128), 0, 512, dtype=jnp.int32)
    atom_table = jax.random.normal(k4, (100001, 64), dtype=jnp.float32) * 0.02
    atom_table = atom_table.at[0].set(0.0)  # padding_idx=0
    in_deg_table = jax.random.normal(k5, (512, 64), dtype=jnp.float32) * 0.02
    in_deg_table = in_deg_table.at[0].set(0.0)
    out_deg_table = jax.random.normal(k6, (512, 64), dtype=jnp.float32) * 0.02
    out_deg_table = out_deg_table.at[0].set(0.0)
    graph_token = jax.random.normal(k7, (1, 64), dtype=jnp.float32) * 0.02
    return {
        "x": x,
        "in_degree": in_degree,
        "out_degree": out_degree,
        "atom_table": atom_table,
        "in_deg_table": in_deg_table,
        "out_deg_table": out_deg_table,
        "graph_token": graph_token,
    }


def reference(x, in_degree, out_degree, atom_table, in_deg_table, out_deg_table, graph_token):
    batch_size = x.shape[0]
    x = jnp.clip(x, 0, atom_table.shape[0] - 1)
    in_degree = jnp.clip(in_degree, 0, in_deg_table.shape[0] - 1)
    out_degree = jnp.clip(out_degree, 0, out_deg_table.shape[0] - 1)
    # atom embedding lookup: [B, N, F, H] -> sum over feature axis -> [B, N, H]
    node_feature = jnp.take(atom_table, x, axis=0).sum(axis=-2)
    node_feature = node_feature + jnp.take(in_deg_table, in_degree, axis=0) + jnp.take(out_deg_table, out_degree, axis=0)
    graph_tok = jnp.broadcast_to(graph_token[None, :, :], (batch_size, 1, graph_token.shape[-1]))
    node_feature = jnp.concatenate([graph_tok, node_feature], axis=1)
    return node_feature

if __name__ == "__main__":
    import jax
    _d = setup_inputs()
    print(jax.jit(kernel)(*tuple(_d.values())))

</pallas_src>

<mosaic_0001>
#map = affine_map<(d0, d1) -> (0, 0, 0)>
#map1 = affine_map<(d0, d1) -> (0)>
#map2 = affine_map<(d0, d1) -> (0, 0)>
module attributes {stable_mosaic.version = 14 : i64} {
  func.func @_sc_body(%arg0: i32, %arg1: i32, %arg2: memref<9x1024x128xi32, #tpu.memory_space<hbm>>, %arg3: memref<131072xi32, #tpu.memory_space<hbm>>, %arg4: memref<131072xi32, #tpu.memory_space<hbm>>, %arg5: memref<100001x64xf32, #tpu.memory_space<hbm>>, %arg6: memref<512x64xf32, #tpu.memory_space<hbm>>, %arg7: memref<512x64xf32, #tpu.memory_space<hbm>>, %arg8: memref<64xf32, #tpu.memory_space<hbm>>, %arg9: memref<1024x129x64xf32, #tpu.memory_space<hbm>>, %arg10: memref<9x64xi32, #tpu.memory_space<vmem>>, %arg11: memref<9x64xi32, #tpu.memory_space<vmem>>, %arg12: memref<64xi32, #tpu.memory_space<vmem>>, %arg13: memref<64xi32, #tpu.memory_space<vmem>>, %arg14: memref<64xi32, #tpu.memory_space<vmem>>, %arg15: memref<64xi32, #tpu.memory_space<vmem>>, %arg16: memref<576x64xf32, #tpu.memory_space<vmem>>, %arg17: memref<576x64xf32, #tpu.memory_space<vmem>>, %arg18: memref<64x64xf32, #tpu.memory_space<vmem>>, %arg19: memref<64x64xf32, #tpu.memory_space<vmem>>, %arg20: memref<64x64xf32, #tpu.memory_space<vmem>>, %arg21: memref<64x64xf32, #tpu.memory_space<vmem>>, %arg22: memref<65x64xf32, #tpu.memory_space<vmem>>, %arg23: memref<64x64xf32, #tpu.memory_space<vmem>>, %arg24: memref<64xf32, #tpu.memory_space<vmem>>, %arg25: memref<!tpu.dma_semaphore, #tpu.memory_space<semaphore_mem>>, %arg26: memref<!tpu.dma_semaphore, #tpu.memory_space<semaphore_mem>>, %arg27: memref<!tpu.dma_semaphore, #tpu.memory_space<semaphore_mem>>, %arg28: memref<!tpu.dma_semaphore, #tpu.memory_space<semaphore_mem>>, %arg29: memref<!tpu.dma_semaphore, #tpu.memory_space<semaphore_mem>>, %arg30: memref<!tpu.dma_semaphore, #tpu.memory_space<semaphore_mem>>) attributes {dimension_semantics = [#tpu.dimension_semantics<core_parallel>, #tpu.dimension_semantics<subcore_parallel>], iteration_bounds = array<i64: 2, 16>, scalar_prefetch = 0 : i64, scratch_operands = 21 : i64, tpu.core_type = #tpu.core_type<sc_vector_subcore>, window_params = [{transform_indices = #map}, {transform_indices = #map1}, {transform_indices = #map1}, {transform_indices = #map2}, {transform_indices = #map2}, {transform_indices = #map2}, {transform_indices = #map1}, {transform_indices = #map}]} {
    %mul3A = arith.constant 2 : i32
    %mul3A_0 = arith.muli %arg1, %mul3A : i32
    %add3A = arith.addi %mul3A_0, %arg0 : i32
    "tpu.region"() ({
      %run_scoped3A = tpu.sem_alloc : memref<!tpu.dma_semaphore, #tpu.memory_space<semaphore_mem>>
      tpu.enqueue_dma source(%arg8 : memref<64xf32, #tpu.memory_space<hbm>>) target(%arg24 : memref<64xf32, #tpu.memory_space<vmem>>) target_semaphore(%run_scoped3A : memref<!tpu.dma_semaphore, #tpu.memory_space<semaphore_mem>>)
      tpu.wait_dma2 semaphore(%run_scoped3A : memref<!tpu.dma_semaphore, #tpu.memory_space<semaphore_mem>>) src(%arg8 : memref<64xf32, #tpu.memory_space<hbm>>) dst(%arg24 : memref<64xf32, #tpu.memory_space<vmem>>)
      tpu.yield
    }) : () -> ()
    %get3A = arith.constant 0 : index
    %get3A_1 = tpu.vector_load %arg24[%get3A] {strides = array<i32>} : memref<64xf32, #tpu.memory_space<vmem>>, vector<16xf32>,
    %get3A_2 = vector.shape_cast %get3A_1 : vector<16xf32> to vector<16xf32>
    %swap3A = arith.constant 0 : i32
    %swap3A_3 = arith.index_cast %swap3A : i32 to index
    %swap3A_4 = arith.constant 0 : index
    %swap3A_5 = tpu.vector_load %arg22[%swap3A_3, %swap3A_4] {strides = array<i32>} : memref<65x64xf32, #tpu.memory_space<vmem>>, vector<1x16xf32>,
    %swap3A_6 = vector.shape_cast %swap3A_5 : vector<1x16xf32> to vector<16xf32>
    %swap3A_7 = vector.shape_cast %get3A_2 : vector<16xf32> to vector<1x16xf32>
    tpu.vector_store %arg22[%swap3A_3, %swap3A_4], %swap3A_7 {strides = array<i32>} : memref<65x64xf32, #tpu.memory_space<vmem>>, vector<1x16xf32>,
    %get3A_8 = arith.constant 16 : index
    %get3A_9 = tpu.vector_load %arg24[%get3A_8] {strides = array<i32>} : memref<64xf32, #tpu.memory_space<vmem>>, vector<16xf32>,
    %get3A_10 = vector.shape_cast %get3A_9 : vector<16xf32> to vector<16xf32>
    %swap3A_11 = arith.constant 0 : i32
    %swap3A_12 = arith.index_cast %swap3A_11 : i32 to index
    %swap3A_13 = arith.constant 16 : index
    %swap3A_14 = tpu.vector_load %arg22[%swap3A_12, %swap3A_13] {strides = array<i32>} : memref<65x64xf32, #tpu.memory_space<vmem>>, vector<1x16xf32>,
    %swap3A_15 = vector.shape_cast %swap3A_14 : vector<1x16xf32> to vector<16xf32>
    %swap3A_16 = vector.shape_cast %get3A_10 : vector<16xf32> to vector<1x16xf32>
    tpu.vector_store %arg22[%swap3A_12, %swap3A_13], %swap3A_16 {strides = array<i32>} : memref<65x64xf32, #tpu.memory_space<vmem>>, vector<1x16xf32>,
    %get3A_17 = arith.constant 32 : index
    %get3A_18 = tpu.vector_load %arg24[%get3A_17] {strides = array<i32>} : memref<64xf32, #tpu.memory_space<vmem>>, vector<16xf32>,
    %get3A_19 = vector.shape_cast %get3A_18 : vector<16xf32> to vector<16xf32>
    %swap3A_20 = arith.constant 0 : i32
    %swap3A_21 = arith.index_cast %swap3A_20 : i32 to index
    %swap3A_22 = arith.constant 32 : index
    %swap3A_23 = tpu.vector_load %arg22[%swap3A_21, %swap3A_22] {strides = array<i32>} : memref<65x64xf32, #tpu.memory_space<vmem>>, vector<1x16xf32>,
    %swap3A_24 = vector.shape_cast %swap3A_23 : vector<1x16xf32> to vector<16xf32>
    %swap3A_25 = vector.shape_cast %get3A_19 : vector<16xf32> to vector<1x16xf32>
    tpu.vector_store %arg22[%swap3A_21, %swap3A_22], %swap3A_25 {strides = array<i32>} : memref<65x64xf32, #tpu.memory_space<vmem>>, vector<1x16xf32>,
    %get3A_26 = arith.constant 48 : index
    %get3A_27 = tpu.vector_load %arg24[%get3A_26] {strides = array<i32>} : memref<64xf32, #tpu.memory_space<vmem>>, vector<16xf32>,
    %get3A_28 = vector.shape_cast %get3A_27 : vector<16xf32> to vector<16xf32>
    %swap3A_29 = arith.constant 0 : i32
    %swap3A_30 = arith.index_cast %swap3A_29 : i32 to index
    %swap3A_31 = arith.constant 48 : index
    %swap3A_32 = tpu.vector_load %arg22[%swap3A_30, %swap3A_31] {strides = array<i32>} : memref<65x64xf32, #tpu.memory_space<vmem>>, vector<1x16xf32>,
    %swap3A_33 = vector.shape_cast %swap3A_32 : vector<1x16xf32> to vector<16xf32>
    %swap3A_34 = vector.shape_cast %get3A_28 : vector<16xf32> to vector<1x16xf32>
    tpu.vector_store %arg22[%swap3A_30, %swap3A_31], %swap3A_34 {strides = array<i32>} : memref<65x64xf32, #tpu.memory_space<vmem>>, vector<1x16xf32>,
    %mul3A_35 = arith.constant 32 : i32
    %mul3A_36 = arith.muli %add3A, %mul3A_35 : i32
    %add3A_37 = arith.constant 0 : i32
    %add3A_38 = arith.addi %mul3A_36, %add3A_37 : i32
    %mul3A_39 = arith.constant 4096 : i32
    %mul3A_40 = arith.muli %add3A, %mul3A_39 : i32
    %add3A_41 = arith.constant 0 : i32
    %add3A_42 = arith.addi %mul3A_40, %add3A_41 : i32
    %mul3A_43 = arith.constant 4096 : i32
    %mul3A_44 = arith.muli %add3A, %mul3A_43 : i32
    %add3A_45 = arith.constant 0 : i32
    %add3A_46 = arith.addi %mul3A_44, %add3A_45 : i32
    %dma_start3A = arith.constant 0 : i32
    %dma_start3A_47 = arith.constant 0 : i32
    %dma_start3A_48 = arith.constant 0 : i32
    %dma_start3A_49 = tpu.memref_slice %arg10[%dma_start3A_47, %dma_start3A_48] : memref<9x64xi32, #tpu.memory_space<vmem>> -> memref<1x64xi32, #tpu.memory_space<vmem>>
    %dma_start3A_50 = tpu.memref_squeeze %dma_start3A_49 : memref<1x64xi32, #tpu.memory_space<vmem>> -> memref<64xi32, #tpu.memory_space<vmem>>
    %dma_start3A_51 = arith.constant 0 : i32
    %dma_start3A_52 = tpu.memref_slice %arg2[%dma_start3A, %add3A_38, %dma_start3A_51] : memref<9x1024x128xi32, #tpu.memory_space<hbm>> -> memref<1x1x64xi32, #tpu.memory_space<hbm>>
    %dma_start3A_53 = tpu.memref_squeeze %dma_start3A_52 : memref<1x1x64xi32, #tpu.memory_space<hbm>> -> memref<64xi32, #tpu.memory_space<hbm>>
    %dma_start3A_54 = arith.constant 0 : i32
    %dma_start3A_55 = tpu.memref_slice %arg10[%dma_start3A_47, %dma_start3A_54] : memref<9x64xi32, #tpu.memory_space<vmem>> -> memref<1x64xi32, #tpu.memory_space<vmem>>
    %dma_start3A_56 = tpu.memref_squeeze %dma_start3A_55 : memref<1x64xi32, #tpu.memory_space<vmem>> -> memref<64xi32, #tpu.memory_space<vmem>>
    %dma_start3A_57 = arith.constant 0 : i32
    %dma_start3A_58 = tpu.memref_slice %arg2[%dma_start3A, %add3A_38, %dma_start3A_57] : memref<9x1024x128xi32, #tpu.memory_space<hbm>> -> memref<1x1x64xi32, #tpu.memory_space<hbm>>
    %dma_start3A_59 = tpu.memref_squeeze %dma_start3A_58 : memref<1x1x64xi32, #tpu.memory_space<hbm>> -> memref<64xi32, #tpu.memory_space<hbm>>
    tpu.enqueue_dma source(%dma_start3A_59 : memref<64xi32, #tpu.memory_space<hbm>>) target(%dma_start3A_56 : memref<64xi32, #tpu.memory_space<vmem>>) target_semaphore(%arg25 : memref<!tpu.dma_semaphore, #tpu.memory_space<semaphore_mem>>)
    %dma_start3A_60 = arith.constant 1 : i32
    %dma_start3A_61 = arith.constant 1 : i32
    %dma_start3A_62 = arith.constant 0 : i32
    %dma_start3A_63 = tpu.memref_slice %arg10[%dma_start3A_61, %dma_start3A_62] : memref<9x64xi32, #tpu.memory_space<vmem>> -> memref<1x64xi32, #tpu.memory_space<vmem>>
    %dma_start3A_64 = tpu.memref_squeeze %dma_start3A_63 : memref<1x64xi32, #tpu.memory_space<vmem>> -> memref<64xi32, #tpu.memory_space<vmem>>
    %dma_start3A_65 = arith.constant 0 : i32
    %dma_start3A_66 = tpu.memref_slice %arg2[%dma_start3A_60, %add3A_38, %dma_start3A_65] : memref<9x1024x128xi32, #tpu.memory_space<hbm>> -> memref<1x1x64xi32, #tpu.memory_space<hbm>>
    %dma_start3A_67 = tpu.memref_squeeze %dma_start3A_66 : memref<1x1x64xi32, #tpu.memory_space<hbm>> -> memref<64xi32, #tpu.memory_space<hbm>>
    %dma_start3A_68 = arith.constant 0 : i32
    %dma_start3A_69 = tpu.memref_slice %arg10[%dma_start3A_61, %dma_start3A_68] : memref<9x64xi32, #tpu.memory_space<vmem>> -> memref<1x64xi32, #tpu.memory_space<vmem>>
    %dma_start3A_70 = tpu.memref_squeeze %dma_start3A_69 : memref<1x64xi32, #tpu.memory_space<vmem>> -> memref<64xi32, #tpu.memory_space<vmem>>
    %dma_start3A_71 = arith.constant 0 : i32
    %dma_start3A_72 = tpu.memref_slice %arg2[%dma_start3A_60, %add3A_38, %dma_start3A_71] : memref<9x1024x128xi32, #tpu.memory_space<hbm>> -> memref<1x1x64xi32, #tpu.memory_space<hbm>>
    %dma_start3A_73 = tpu.memref_squeeze %dma_start3A_72 : memref<1x1x64xi32, #tpu.memory_space<hbm>> -> memref<64xi32, #tpu.memory_space<hbm>>
    tpu.enqueue_dma source(%dma_start3A_73 : memref<64xi32, #tpu.memory_space<hbm>>) target(%dma_start3A_70 : memref<64xi32, #tpu.memory_space<vmem>>) target_semaphore(%arg25 : memref<!tpu.dma_semaphore, #tpu.memory_space<semaphore_mem>>)
    %dma_start3A_74 = arith.constant 2 : i32
    %dma_start3A_75 = arith.constant 2 : i32
    %dma_start3A_76 = arith.constant 0 : i32
    %dma_start3A_77 = tpu.memref_slice %arg10[%dma_start3A_75, %dma_start3A_76] : memref<9x64xi32, #tpu.memory_space<vmem>> -> memref<1x64xi32, #tpu.memory_space<vmem>>
    %dma_start3A_78 = tpu.memref_squeeze %dma_start3A_77 : memref<1x64xi32, #tpu.memory_space<vmem>> -> memref<64xi32, #tpu.memory_space<vmem>>
    %dma_start3A_79 = arith.constant 0 : i32
    %dma_start3A_80 = tpu.memref_slice %arg2[%dma_start3A_74, %add3A_38, %dma_start3A_79] : memref<9x1024x128xi32, #tpu.memory_space<hbm>> -> memref<1x1x64xi32, #tpu.memory_space<hbm>>
    %dma_start3A_81 = tpu.memref_squeeze %dma_start3A_80 : memref<1x1x64xi32, #tpu.memory_space<hbm>> -> memref<64xi32, #tpu.memory_space<hbm>>
    %dma_start3A_82 = arith.constant 0 : i32
    %dma_start3A_83 = tpu.memref_slice %arg10[%dma_start3A_75, %dma_start3A_82] : memref<9x64xi32, #tpu.memory_space<vmem>> -> memref<1x64xi32, #tpu.memory_space<vmem>>
    %dma_start3A_84 = tpu.memref_squeeze %dma_start3A_83 : memref<1x64xi32, #tpu.memory_space<vmem>> -> memref<64xi32, #tpu.memory_space<vmem>>
    %dma_start3A_85 = arith.constant 0 : i32
    %dma_start3A_86 = tpu.memref_slice %arg2[%dma_start3A_74, %add3A_38, %dma_start3A_85] : memref<9x1024x128xi32, #tpu.memory_space<hbm>> -> memref<1x1x64xi32, #tpu.memory_space<hbm>>
    %dma_start3A_87 = tpu.memref_squeeze %dma_start3A_86 : memref<1x1x64xi32, #tpu.memory_space<hbm>> -> memref<64xi32, #tpu.memory_space<hbm>>
    tpu.enqueue_dma source(%dma_start3A_87 : memref<64xi32, #tpu.memory_space<hbm>>) target(%dma_start3A_84 : memref<64xi32, #tpu.memory_space<vmem>>) target_semaphore(%arg25 : memref<!tpu.dma_semaphore, #tpu.memory_space<semaphore_mem>>)
    %dma_start3A_88 = arith.constant 3 : i32
    %dma_start3A_89 = arith.constant 3 : i32
    %dma_start3A_90 = arith.constant 0 : i32
    %dma_start3A_91 = tpu.memref_slice %arg10[%dma_start3A_89, %dma_start3A_90] : memref<9x64xi32, #tpu.memory_space<vmem>> -> memref<1x64xi32, #tpu.memory_space<vmem>>
    %dma_start3A_92 = tpu.memref_squeeze %dma_start3A_91 : memref<1x64xi32, #tpu.memory_space<vmem>> -> memref<64xi32, #tpu.memory_space<vmem>>
    %dma_start3A_93 = arith.constant 0 : i32
    %dma_start3A_94 = tpu.memref_slice %arg2[%dma_start3A_88, %add3A_38, %dma_start3A_93] : memref<9x1024x128xi32, #tpu.memory_space<hbm>> -> memref<1x1x64xi32, #tpu.memory_space<hbm>>
    %dma_start3A_95 = tpu.memref_squeeze %dma_start3A_94 : memref<1x1x64xi32, #tpu.memory_space<hbm>> -> memref<64xi32, #tpu.memory_space<hbm>>
    %dma_start3A_96 = arith.constant 0 : i32
    %dma_start3A_97 = tpu.memref_slice %arg10[%dma_start3A_89, %dma_start3A_96] : memref<9x64xi32, #tpu.memory_space<vmem>> -> memref<1x64xi32, #tpu.memory_space<vmem>>
    %dma_start3A_98 = tpu.memref_squeeze %dma_start3A_97 : memref<1x64xi32, #tpu.memory_space<vmem>> -> memref<64xi32, #tpu.memory_space<vmem>>
    %dma_start3A_99 = arith.constant 0 : i32
    %dma_start3A_100 = tpu.memref_slice %arg2[%dma_start3A_88, %add3A_38, %dma_start3A_99] : memref<9x1024x128xi32, #tpu.memory_space<hbm>> -> memref<1x1x64xi32, #tpu.memory_space<hbm>>
    %dma_start3A_101 = tpu.memref_squeeze %dma_start3A_100 : memref<1x1x64xi32, #tpu.memory_space<hbm>> -> memref<64xi32, #tpu.memory_space<hbm>>
    tpu.enqueue_dma source(%dma_start3A_101 : memref<64xi32, #tpu.memory_space<hbm>>) target(%dma_start3A_98 : memref<64xi32, #tpu.memory_space<vmem>>) target_semaphore(%arg25 : memref<!tpu.dma_semaphore, #tpu.memory_space<semaphore_mem>>)
    %dma_start3A_102 = arith.constant 4 : i32
    %dma_start3A_103 = arith.constant 4 : i32
    %dma_start3A_104 = arith.constant 0 : i32
    %dma_start3A_105 = tpu.memref_slice %arg10[%dma_start3A_103, %dma_start3A_104] : memref<9x64xi32, #tpu.memory_space<vmem>> -> memref<1x64xi32, #tpu.memory_space<vmem>>
    %dma_start3A_106 = tpu.memref_squeeze %dma_start3A_105 : memref<1x64xi32, #tpu.memory_space<vmem>> -> memref<64xi32, #tpu.memory_space<vmem>>
    %dma_start3A_107 = arith.constant 0 : i32
    %dma_start3A_108 = tpu.memref_slice %arg2[%dma_start3A_102, %add3A_38, %dma_start3A_107] : memref<9x1024x128xi32, #tpu.memory_space<hbm>> -> memref<1x1x64xi32, #tpu.memory_space<hbm>>
    %dma_start3A_109 = tpu.memref_squeeze %dma_start3A_108 : memref<1x1x64xi32, #tpu.memory_space<hbm>> -> memref<64xi32, #tpu.memory_space<hbm>>
    %dma_start3A_110 = arith.constant 0 : i32
    %dma_start3A_111 = tpu.memref_slice %arg10[%dma_start3A_103, %dma_start3A_110] : memref<9x64xi32, #tpu.memory_space<vmem>> -> memref<1x64xi32, #tpu.memory_space<vmem>>
    %dma_start3A_112 = tpu.memref_squeeze %dma_start3A_111 : memref<1x64xi32, #tpu.memory_space<vmem>> -> memref<64xi32, #tpu.memory_space<vmem>>
    %dma_start3A_113 = arith.constant 0 : i32
    %dma_start3A_114 = tpu.memref_slice %arg2[%dma_start3A_102, %add3A_38, %dma_start3A_113] : memref<9x1024x128xi32, #tpu.memory_space<hbm>> -> memref<1x1x64xi32, #tpu.memory_space<hbm>>
    %dma_start3A_115 = tpu.memref_squeeze %dma_start3A_114 : memref<1x1x64xi32, #tpu.memory_space<hbm>> -> memref<64xi32, #tpu.memory_space<hbm>>
    tpu.enqueue_dma source(%dma_start3A_115 : memref<64xi32, #tpu.memory_space<hbm>>) target(%dma_start3A_112 : memref<64xi32, #tpu.memory_space<vmem>>) target_semaphore(%arg25 : memref<!tpu.dma_semaphore, #tpu.memory_space<semaphore_mem>>)
    %dma_start3A_116 = arith.constant 5 : i32
    %dma_start3A_117 = arith.constant 5 : i32
    %dma_start3A_118 = arith.constant 0 : i32
    %dma_start3A_119 = tpu.memref_slice %arg10[%dma_start3A_117, %dma_start3A_118] : memref<9x64xi32, #tpu.memory_space<vmem>> -> memref<1x64xi32, #tpu.memory_space<vmem>>
    %dma_start3A_120 = tpu.memref_squeeze %dma_start3A_119 : memref<1x64xi32, #tpu.memory_space<vmem>> -> memref<64xi32, #tpu.memory_space<vmem>>
    %dma_start3A_121 = arith.constant 0 : i32
    %dma_start3A_122 = tpu.memref_slice %arg2[%dma_start3A_116, %add3A_38, %dma_start3A_121] : memref<9x1024x128xi32, #tpu.memory_space<hbm>> -> memref<1x1x64xi32, #tpu.memory_space<hbm>>
    %dma_start3A_123 = tpu.memref_squeeze %dma_start3A_122 : memref<1x1x64xi32, #tpu.memory_space<hbm>> -> memref<64xi32, #tpu.memory_space<hbm>>
    %dma_start3A_124 = arith.constant 0 : i32
    %dma_start3A_125 = tpu.memref_slice %arg10[%dma_start3A_117, %dma_start3A_124] : memref<9x64xi32, #tpu.memory_space<vmem>> -> memref<1x64xi32, #tpu.memory_space<vmem>>
    %dma_start3A_126 = tpu.memref_squeeze %dma_start3A_125 : memref<1x64xi32, #tpu.memory_space<vmem>> -> memref<64xi32, #tpu.memory_space<vmem>>
    %dma_start3A_127 = arith.constant 0 : i32
    %dma_start3A_128 = tpu.memref_slice %arg2[%dma_start3A_116, %add3A_38, %dma_start3A_127] : memref<9x1024x128xi32, #tpu.memory_space<hbm>> -> memref<1x1x64xi32, #tpu.memory_space<hbm>>
    %dma_start3A_129 = tpu.memref_squeeze %dma_start3A_128 : memref<1x1x64xi32, #tpu.memory_space<hbm>> -> memref<64xi32, #tpu.memory_space<hbm>>
    tpu.enqueue_dma source(%dma_start3A_129 : memref<64xi32, #tpu.memory_space<hbm>>) target(%dma_start3A_126 : memref<64xi32, #tpu.memory_space<vmem>>) target_semaphore(%arg25 : memref<!tpu.dma_semaphore, #tpu.memory_space<semaphore_mem>>)
    %dma_start3A_130 = arith.constant 6 : i32
    %dma_start3A_131 = arith.constant 6 : i32
    %dma_start3A_132 = arith.constant 0 : i32
    %dma_start3A_133 = tpu.memref_slice %arg10[%dma_start3A_131, %dma_start3A_132] : memref<9x64xi32, #tpu.memory_space<vmem>> -> memref<1x64xi32, #tpu.memory_space<vmem>>
    %dma_start3A_134 = tpu.memref_squeeze %dma_start3A_133 : memref<1x64xi32, #tpu.memory_space<vmem>> -> memref<64xi32, #tpu.memory_space<vmem>>
    %dma_start3A_135 = arith.constant 0 : i32
    %dma_start3A_136 = tpu.memref_slice %arg2[%dma_start3A_130, %add3A_38, %dma_start3A_135] : memref<9x1024x128xi32, #tpu.memory_space<hbm>> -> memref<1x1x64xi32, #tpu.memory_space<hbm>>
    %dma_start3A_137 = tpu.memref_squeeze %dma_start3A_136 : memref<1x1x64xi32, #tpu.memory_space<hbm>> -> memref<64xi32, #tpu.memory_space<hbm>>
    %dma_start3A_138 = arith.constant 0 : i32
    %dma_start3A_139 = tpu.memref_slice %arg10[%dma_start3A_131, %dma_start3A_138] : memref<9x64xi32, #tpu.memory_space<vmem>> -> memref<1x64xi32, #tpu.memory_space<vmem>>
    %dma_start3A_140 = tpu.memref_squeeze %dma_start3A_139 : memref<1x64xi32, #tpu.memory_space<vmem>> -> memref<64xi32, #tpu.memory_space<vmem>>
    %dma_start3A_141 = arith.constant 0 : i32
    %dma_start3A_142 = tpu.memref_slice %arg2[%dma_start3A_130, %add3A_38, %dma_start3A_141] : memref<9x1024x128xi32, #tpu.memory_space<hbm>> -> memref<1x1x64xi32, #tpu.memory_space<hbm>>
    %dma_start3A_143 = tpu.memref_squeeze %dma_start3A_142 : memref<1x1x64xi32, #tpu.memory_space<hbm>> -> memref<64xi32, #tpu.memory_space<hbm>>
    tpu.enqueue_dma source(%dma_start3A_143 : memref<64xi32, #tpu.memory_space<hbm>>) target(%dma_start3A_140 : memref<64xi32, #tpu.memory_space<vmem>>) target_semaphore(%arg25 : memref<!tpu.dma_semaphore, #tpu.memory_space<semaphore_mem>>)
    %dma_start3A_144 = arith.constant 7 : i32
    %dma_start3A_145 = arith.constant 7 : i32
    %dma_start3A_146 = arith.constant 0 : i32
    %dma_start3A_147 = tpu.memref_slice %arg10[%dma_start3A_145, %dma_start3A_146] : memref<9x64xi32, #tpu.memory_space<vmem>> -> memref<1x64xi32, #tpu.memory_space<vmem>>
    %dma_start3A_148 = tpu.memref_squeeze %dma_start3A_147 : memref<1x64xi32, #tpu.memory_space<vmem>> -> memref<64xi32, #tpu.memory_space<vmem>>
    %dma_start3A_149 = arith.constant 0 : i32
    %dma_start3A_150 = tpu.memref_slice %arg2[%dma_start3A_144, %add3A_38, %dma_start3A_149] : memref<9x1024x128xi32, #tpu.memory_space<hbm>> -> memref<1x1x64xi32, #tpu.memory_space<hbm>>
    %dma_start3A_151 = tpu.memref_squeeze %dma_start3A_150 : memref<1x1x64xi32, #tpu.memory_space<hbm>> -> memref<64xi32, #tpu.memory_space<hbm>>
    %dma_start3A_152 = arith.constant 0 : i32
    %dma_start3A_153 = tpu.memref_slice %arg10[%dma_start3A_145, %dma_start3A_152] : memref<9x64xi32, #tpu.memory_space<vmem>> -> memref<1x64xi32, #tpu.memory_space<vmem>>
    %dma_start3A_154 = tpu.memref_squeeze %dma_start3A_153 : memref<1x64xi32, #tpu.memory_space<vmem>> -> memref<64xi32, #tpu.memory_space<vmem>>
    %dma_start3A_155 = arith.constant 0 : i32
    %dma_start3A_156 = tpu.memref_slice %arg2[%dma_start3A_144, %add3A_38, %dma_start3A_155] : memref<9x1024x128xi32, #tpu.memory_space<hbm>> -> memref<1x1x64xi32, #tpu.memory_space<hbm>>
    %dma_start3A_157 = tpu.memref_squeeze %dma_start3A_156 : memref<1x1x64xi32, #tpu.memory_space<hbm>> -> memref<64xi32, #tpu.memory_space<hbm>>
    tpu.enqueue_dma source(%dma_start3A_157 : memref<64xi32, #tpu.memory_space<hbm>>) target(%dma_start3A_154 : memref<64xi32, #tpu.memory_space<vmem>>) target_semaphore(%arg25 : memref<!tpu.dma_semaphore, #tpu.memory_space<semaphore_mem>>)
    %dma_start3A_158 = arith.constant 8 : i32
    %dma_start3A_159 = arith.constant 8 : i32
    %dma_start3A_160 = arith.constant 0 : i32
    %dma_start3A_161 = tpu.memref_slice %arg10[%dma_start3A_159, %dma_start3A_160] : memref<9x64xi32, #tpu.memory_space<vmem>> -> memref<1x64xi32, #tpu.memory_space<vmem>>
    %dma_start3A_162 = tpu.memref_squeeze %dma_start3A_161 : memref<1x64xi32, #tpu.memory_space<vmem>> -> memref<64xi32, #tpu.memory_space<vmem>>
    %dma_start3A_163 = arith.constant 0 : i32
    %dma_start3A_164 = tpu.memref_slice %arg2[%dma_start3A_158, %add3A_38, %dma_start3A_163] : memref<9x1024x128xi32, #tpu.memory_space<hbm>> -> memref<1x1x64xi32, #tpu.memory_space<hbm>>
    %dma_start3A_165 = tpu.memref_squeeze %dma_start3A_164 : memref<1x1x64xi32, #tpu.memory_space<hbm>> -> memref<64xi32, #tpu.memory_space<hbm>>
    %dma_start3A_166 = arith.constant 0 : i32
    %dma_start3A_167 = tpu.memref_slice %arg10[%dma_start3A_159, %dma_start3A_166] : memref<9x64xi32, #tpu.memory_space<vmem>> -> memref<1x64xi32, #tpu.memory_space<vmem>>
    %dma_start3A_168 = tpu.memref_squeeze %dma_start3A_167 : memref<1x64xi32, #tpu.memory_space<vmem>> -> memref<64xi32, #tpu.memory_space<vmem>>
    %dma_start3A_169 = arith.constant 0 : i32
    %dma_start3A_170 = tpu.memref_slice %arg2[%dma_start3A_158, %add3A_38, %dma_start3A_169] : memref<9x1024x128xi32, #tpu.memory_space<hbm>> -> memref<1x1x64xi32, #tpu.memory_space<hbm>>
    %dma_start3A_171 = tpu.memref_squeeze %dma_start3A_170 : memref<1x1x64xi32, #tpu.memory_space<hbm>> -> memref<64xi32, #tpu.memory_space<hbm>>
    tpu.enqueue_dma source(%dma_start3A_171 : memref<64xi32, #tpu.memory_space<hbm>>) target(%dma_start3A_168 : memref<64xi32, #tpu.memory_space<vmem>>) target_semaphore(%arg25 : memref<!tpu.dma_semaphore, #tpu.memory_space<semaphore_mem>>)
    %dma_start3A_172 = tpu.memref_slice %arg3[%add3A_42] : memref<131072xi32, #tpu.memory_space<hbm>> -> memref<64xi32, #tpu.memory_space<hbm>>
    %dma_start3A_173 = tpu.memref_slice %arg3[%add3A_42] : memref<131072xi32, #tpu.memory_space<hbm>> -> memref<64xi32, #tpu.memory_space<hbm>>
    tpu.enqueue_dma source(%dma_start3A_173 : memref<64xi32, #tpu.memory_space<hbm>>) target(%arg12 : memref<64xi32, #tpu.memory_space<vmem>>) target_semaphore(%arg25 : memref<!tpu.dma_semaphore, #tpu.memory_space<semaphore_mem>>)
    %dma_start3A_174 = tpu.memref_slice %arg4[%add3A_46] : memref<131072xi32, #tpu.memory_space<hbm>> -> memref<64xi32, #tpu.memory_space<hbm>>
    %dma_start3A_175 = tpu.memref_slice %arg4[%add3A_46] : memref<131072xi32, #tpu.memory_space<hbm>> -> memref<64xi32, #tpu.memory_space<hbm>>
    tpu.enqueue_dma source(%dma_start3A_175 : memref<64xi32, #tpu.memory_space<hbm>>) target(%arg14 : memref<64xi32, #tpu.memory_space<vmem>>) target_semaphore(%arg25 : memref<!tpu.dma_semaphore, #tpu.memory_space<semaphore_mem>>)
    %mul3A_176 = arith.constant 32 : i32
    %mul3A_177 = arith.muli %add3A, %mul3A_176 : i32
    %add3A_178 = arith.constant 0 : i32
    %add3A_179 = arith.addi %mul3A_177, %add3A_178 : i32
    %mul3A_180 = arith.constant 4096 : i32
    %mul3A_181 = arith.muli %add3A, %mul3A_180 : i32
    %add3A_182 = arith.constant 64 : i32
    %add3A_183 = arith.addi %mul3A_181, %add3A_182 : i32
    %mul3A_184 = arith.constant 4096 : i32
    %mul3A_185 = arith.muli %add3A, %mul3A_184 : i32
    %add3A_186 = arith.constant 64 : i32
    %add3A_187 = arith.addi %mul3A_185, %add3A_186 : i32
    %dma_start3A_188 = arith.constant 0 : i32
    %dma_start3A_189 = arith.constant 0 : i32
    %dma_start3A_190 = arith.constant 0 : i32
    %dma_start3A_191 = tpu.memref_slice %arg11[%dma_start3A_189, %dma_start3A_190] : memref<9x64xi32, #tpu.memory_space<vmem>> -> memref<1x64xi32, #tpu.memory_space<vmem>>
    %dma_start3A_192 = tpu.memref_squeeze %dma_start3A_191 : memref<1x64xi32, #tpu.memory_space<vmem>> -> memref<64xi32, #tpu.memory_space<vmem>>
    %dma_start3A_193 = arith.constant 64 : i32
    %dma_start3A_194 = tpu.memref_slice %arg2[%dma_start3A_188, %add3A_179, %dma_start3A_193] : memref<9x1024x128xi32, #tpu.memory_space<hbm>> -> memref<1x1x64xi32, #tpu.memory_space<hbm>>
    %dma_start3A_195 = tpu.memref_squeeze %dma_start3A_194 : memref<1x1x64xi32, #tpu.memory_space<hbm>> -> memref<64xi32, #tpu.memory_space<hbm>>
    %dma_start3A_196 = arith.constant 0 : i32
    %dma_start3A_197 = tpu.memref_slice %arg11[%dma_start3A_189, %dma_start3A_196] : memref<9x64xi32, #tpu.memory_space<vmem>> -> memref<1x64xi32, #tpu.memory_space<vmem>>
    %dma_start3A_198 = tpu.memref_squeeze %dma_start3A_197 : memref<1x64xi32, #tpu.memory_space<vmem>> -> memref<64xi32, #tpu.memory_space<vmem>>
    %dma_start3A_199 = arith.constant 64 : i32
    %dma_start3A_200 = tpu.memref_slice %arg2[%dma_start3A_188, %add3A_179, %dma_start3A_199] : memref<9x1024x128xi32, #tpu.memory_space<hbm>> -> memref<1x1x64xi32, #tpu.memory_space<hbm>>
    %dma_start3A_201 = tpu.memref_squeeze %dma_start3A_200 : memref<1x1x64xi32, #tpu.memory_space<hbm>> -> memref<64xi32, #tpu.memory_space<hbm>>
    tpu.enqueue_dma source(%dma_start3A_201 : memref<64xi32, #tpu.memory_space<hbm>>) target(%dma_start3A_198 : memref<64xi32, #tpu.memory_space<vmem>>) target_semaphore(%arg26 : memref<!tpu.dma_semaphore, #tpu.memory_space<semaphore_mem>>)
    %dma_start3A_202 = arith.constant 1 : i32
    %dma_start3A_203 = arith.constant 1 : i32
    %dma_start3A_204 = arith.constant 0 : i32
    %dma_start3A_205 = tpu.memref_slice %arg11[%dma_start3A_203, %dma_start3A_204] : memref<9x64xi32, #tpu.memory_space<vmem>> -> memref<1x64xi32, #tpu.memory_space<vmem>>
    %dma_start3A_206 = tpu.memref_squeeze %dma_start3A_205 : memref<1x64xi32, #tpu.memory_space<vmem>> -> memref<64xi32, #tpu.memory_space<vmem>>
    %dma_start3A_207 = arith.constant 64 : i32
    %dma_start3A_208 = tpu.memref_slice %arg2[%dma_start3A_202, %add3A_179, %dma_start3A_207] : memref<9x1024x128xi32, #tpu.memory_space<hbm>> -> memref<1x1x64xi32, #tpu.memory_space<hbm>>
    %dma_start3A_209 = tpu.memref_squeeze %dma_start3A_208 : memref<1x1x64xi32, #tpu.memory_space<hbm>> -> memref<64xi32, #tpu.memory_space<hbm>>
    %dma_start3A_210 = arith.constant 0 : i32
    %dma_start3A_211 = tpu.memref_slice %arg11[%dma_start3A_203, %dma_start3A_210] : memref<9x64xi32, #tpu.memory_space<vmem>> -> memref<1x64xi32, #tpu.memory_space<vmem>>
    %dma_start3A_212 = tpu.memref_squeeze %dma_start3A_211 : memref<1x64xi32, #tpu.memory_space<vmem>> -> memref<64xi32, #tpu.memory_space<vmem>>
    %dma_start3A_213 = arith.constant 64 : i32
    %dma_start3A_214 = tpu.memref_slice %arg2[%dma_start3A_202, %add3A_179, %dma_start3A_213] : memref<9x1024x128xi32, #tpu.memory_space<hbm>> -> memref<1x1x64xi32, #tpu.memory_space<hbm>>
    %dma_start3A_215 = tpu.memref_squeeze %dma_start3A_214 : memref<1x1x64xi32, #tpu.memory_space<hbm>> -> memref<64xi32, #tpu.memory_space<hbm>>
    tpu.enqueue_dma source(%dma_start3A_215 : memref<64xi32, #tpu.memory_space<hbm>>) target(%dma_start3A_212 : memref<64xi32, #tpu.memory_space<vmem>>) target_semaphore(%arg26 : memref<!tpu.dma_semaphore, #tpu.memory_space<semaphore_mem>>)
    %dma_start3A_216 = arith.constant 2 : i32
    %dma_start3A_217 = arith.constant 2 : i32
    %dma_start3A_218 = arith.constant 0 : i32
    %dma_start3A_219 = tpu.memref_slice %arg11[%dma_start3A_217, %dma_start3A_218] : memref<9x64xi32, #tpu.memory_space<vmem>> -> memref<1x64xi32, #tpu.memory_space<vmem>>
    %dma_start3A_220 = tpu.memref_squeeze %dma_start3A_219 : memref<1x64xi32, #tpu.memory_space<vmem>> -> memref<64xi32, #tpu.memory_space<vmem>>
    %dma_start3A_221 = arith.constant 64 : i32
    %dma_start3A_222 = tpu.memref_slice %arg2[%dma_start3A_216, %add3A_179, %dma_start3A_221] : memref<9x1024x128xi32, #tpu.memory_space<hbm>> -> memref<1x1x64xi32, #tpu.memory_space<hbm>>
    %dma_start3A_223 = tpu.memref_squeeze %dma_start3A_222 : memref<1x1x64xi32, #tpu.memory_space<hbm>> -> memref<64xi32, #tpu.memory_space<hbm>>
    %dma_start3A_224 = arith.constant 0 : i32
    %dma_start3A_225 = tpu.memref_slice %arg11[%dma_start3A_217, %dma_start3A_224] : memref<9x64xi32, #tpu.memory_space<vmem>> -> memref<1x64xi32, #tpu.memory_space<vmem>>
    %dma_start3A_226 = tpu.memref_squeeze %dma_start3A_225 : memref<1x64xi32, #tpu.memory_space<vmem>> -> memref<64xi32, #tpu.memory_space<vmem>>
    %dma_start3A_227 = arith.constant 64 : i32
    %dma_start3A_228 = tpu.memref_slice %arg2[%dma_start3A_216, %add3A_179, %dma_start3A_227] : memref<9x1024x128xi32, #tpu.memory_space<hbm>> -> memref<1x1x64xi32, #tpu.memory_space<hbm>>
    %dma_start3A_229 = tpu.memref_squeeze %dma_start3A_228 : memref<1x1x64xi32, #tpu.memory_space<hbm>> -> memref<64xi32, #tpu.memory_space<hbm>>
    tpu.enqueue_dma source(%dma_start3A_229 : memref<64xi32, #tpu.memory_space<hbm>>) target(%dma_start3A_226 : memref<64xi32, #tpu.memory_space<vmem>>) target_semaphore(%arg26 : memref<!tpu.dma_semaphore, #tpu.memory_space<semaphore_mem>>)
    %dma_start3A_230 = arith.constant 3 : i32
    %dma_start3A_231 = arith.constant 3 : i32
    %dma_start3A_232 = arith.constant 0 : i32
    %dma_start3A_233 = tpu.memref_slice %arg11[%dma_start3A_231, %dma_start3A_232] : memref<9x64xi32, #tpu.memory_space<vmem>> -> memref<1x64xi32, #tpu.memory_space<vmem>>
    %dma_start3A_234 = tpu.memref_squeeze %dma_start3A_233 : memref<1x64xi32, #tpu.memory_space<vmem>> -> memref<64xi32, #tpu.memory_space<vmem>>
    %dma_start3A_235 = arith.constant 64 : i32
    %dma_start3A_236 = tpu.memref_slice %arg2[%dma_start3A_230, %add3A_179, %dma_start3A_235] : memref<9x1024x128xi32, #tpu.memory_space<hbm>> -> memref<1x1x64xi32, #tpu.memory_space<hbm>>
    %dma_start3A_237 = tpu.memref_squeeze %dma_start3A_236 : memref<1x1x64xi32, #tpu.memory_space<hbm>> -> memref<64xi32, #tpu.memory_space<hbm>>
    %dma_start3A_238 = arith.constant 0 : i32
    %dma_start3A_239 = tpu.memref_slice %arg11[%dma_start3A_231, %dma_start3A_238] : memref<9x64xi32, #tpu.memory_space<vmem>> -> memref<1x64xi32, #tpu.memory_space<vmem>>
    %dma_start3A_240 = tpu.memref_squeeze %dma_start3A_239 : memref<1x64xi32, #tpu.memory_space<vmem>> -> memref<64xi32, #tpu.memory_space<vmem>>
    %dma_start3A_241 = arith.constant 64 : i32
    %dma_start3A_242 = tpu.memref_slice %arg2[%dma_start3A_230, %add3A_179, %dma_start3A_241] : memref<9x1024x128xi32, #tpu.memory_space<hbm>> -> memref<1x1x64xi32, #tpu.memory_space<hbm>>
    %dma_start3A_243 = tpu.memref_squeeze %dma_start3A_242 : memref<1x1x64xi32, #tpu.memory_space<hbm>> -> memref<64xi32, #tpu.memory_space<hbm>>
    tpu.enqueue_dma source(%dma_start3A_243 : memref<64xi32, #tpu.memory_space<hbm>>) target(%dma_start3A_240 : memref<64xi32, #tpu.memory_space<vmem>>) target_semaphore(%arg26 : memref<!tpu.dma_semaphore, #tpu.memory_space<semaphore_mem>>)
    %dma_start3A_244 = arith.constant 4 : i32
    %dma_start3A_245 = arith.constant 4 : i32
    %dma_start3A_246 = arith.constant 0 : i32
    %dma_start3A_247 = tpu.memref_slice %arg11[%dma_start3A_245, %dma_start3A_246] : memref<9x64xi32, #tpu.memory_space<vmem>> -> memref<1x64xi32, #tpu.memory_space<vmem>>
    %dma_start3A_248 = tpu.memref_squeeze %dma_start3A_247 : memref<1x64xi32, #tpu.memory_space<vmem>> -> memref<64xi32, #tpu.memory_space<vmem>>
    %dma_start3A_249 = arith.constant 64 : i32
    %dma_start3A_250 = tpu.memref_slice %arg2[%dma_start3A_244, %add3A_179, %dma_start3A_249] : memref<9x1024x128xi32, #tpu.memory_space<hbm>> -> memref<1x1x64xi32, #tpu.memory_space<hbm>>
    %dma_start3A_251 = tpu.memref_squeeze %dma_start3A_250 : memref<1x1x64xi32, #tpu.memory_space<hbm>> -> memref<64xi32, #tpu.memory_space<hbm>>
    %dma_start3A_252 = arith.constant 0 : i32
    %dma_start3A_253 = tpu.memref_slice %arg11[%dma_start3A_245, %dma_start3A_252] : memref<9x64xi32, #tpu.memory_space<vmem>> -> memref<1x64xi32, #tpu.memory_space<vmem>>
    %dma_start3A_254 = tpu.memref_squeeze %dma_start3A_253 : memref<1x64xi32, #tpu.memory_space<vmem>> -> memref<64xi32, #tpu.memory_space<vmem>>
    %dma_start3A_255 = arith.constant 64 : i32
    %dma_start3A_256 = tpu.memref_slice %arg2[%dma_start3A_244, %add3A_179, %dma_start3A_255] : memref<9x1024x128xi32, #tpu.memory_space<hbm>> -> memref<1x1x64xi32, #tpu.memory_space<hbm>>
    %dma_start3A_257 = tpu.memref_squeeze %dma_start3A_256 : memref<1x1x64xi32, #tpu.memory_space<hbm>> -> memref<64xi32, #tpu.memory_space<hbm>>
    tpu.enqueue_dma source(%dma_start3A_257 : memref<64xi32, #tpu.memory_space<hbm>>) target(%dma_start3A_254 : memref<64xi32, #tpu.memory_space<vmem>>) target_semaphore(%arg26 : memref<!tpu.dma_semaphore, #tpu.memory_space<semaphore_mem>>)
    %dma_start3A_258 = arith.constant 5 : i32
    %dma_start3A_259 = arith.constant 5 : i32
    %dma_start3A_260 = arith.constant 0 : i32
    %dma_start3A_261 = tpu.memref_slice %arg11[%dma_start3A_259, %dma_start3A_260] : memref<9x64xi32, #tpu.memory_space<vmem>> -> memref<1x64xi32, #tpu.memory_space<vmem>>
    %dma_start3A_262 = tpu.memref_squeeze %dma_start3A_261 : memref<1x64xi32, #tpu.memory_space<vmem>> -> memref<64xi32, #tpu.memory_space<vmem>>
    %dma_start3A_263 = arith.constant 64 : i32
    %dma_start3A_264 = tpu.memref_slice %arg2[%dma_start3A_258, %add3A_179, %dma_start3A_263] : memref<9x1024x128xi32, #tpu.memory_space<hbm>> -> memref<1x1x64xi32, #tpu.memory_space<hbm>>
    %dma_start3A_265 = tpu.memref_squeeze %dma_start3A_264 : memref<1x1x64xi32, #tpu.memory_space<hbm>> -> memref<64xi32, #tpu.memory_space<hbm>>
    %dma_start3A_266 = arith.constant 0 : i32
    %dma_start3A_267 = tpu.memref_slice %arg11[%dma_start3A_259, %dma_start3A_266] : memref<9x64xi32, #tpu.memory_space<vmem>> -> memref<1x64xi32, #tpu.memory_space<vmem>>
    %dma_start3A_268 = tpu.memref_squeeze %dma_start3A_267 : memref<1x64xi32, #tpu.memory_space<vmem>> -> memref<64xi32, #tpu.memory_space<vmem>>
    %dma_start3A_269 = arith.constant 64 : i32
    %dma_start3A_270 = tpu.memref_slice %arg2[%dma_start3A_258, %add3A_179, %dma_start3A_269] : memref<9x1024x128xi32, #tpu.memory_space<hbm>> -> memref<1x1x64xi32, #tpu.memory_space<hbm>>
    %dma_start3A_271 = tpu.memref_squeeze %dma_start3A_270 : memref<1x1x64xi32, #tpu.memory_space<hbm>> -> memref<64xi32, #tpu.memory_space<hbm>>
    tpu.enqueue_dma source(%dma_start3A_271 : memref<64xi32, #tpu.memory_space<hbm>>) target(%dma_start3A_268 : memref<64xi32, #tpu.memory_space<vmem>>) target_semaphore(%arg26 : memref<!tpu.dma_semaphore, #tpu.memory_space<semaphore_mem>>)
    %dma_start3A_272 = arith.constant 6 : i32
    %dma_start3A_273 = arith.constant 6 : i32
    %dma_start3A_274 = arith.constant 0 : i32
    %dma_start3A_275 = tpu.memref_slice %arg11[%dma_start3A_273, %dma_start3A_274] : memref<9x64xi32, #tpu.memory_space<vmem>> -> memref<1x64xi32, #tpu.memory_space<vmem>>
    %dma_start3A_276 = tpu.memref_squeeze %dma_start3A_275 : memref<1x64xi32, #tpu.memory_space<vmem>> -> memref<64xi32, #tpu.memory_space<vmem>>
    %dma_start3A_277 = arith.constant 64 : i32
    %dma_start3A_278 = tpu.memref_slice %arg2[%dma_start3A_272, %add3A_179, %dma_start3A_277] : memref<9x1024x128xi32, #tpu.memory_space<hbm>> -> memref<1x1x64xi32, #tpu.memory_space<hbm>>
    %dma_start3A_279 = tpu.memref_squeeze %dma_start3A_278 : memref<1x1x64xi32, #tpu.memory_space<hbm>> -> memref<64xi32, #tpu.memory_space<hbm>>
    %dma_start3A_280 = arith.constant 0 : i32
    %dma_start3A_281 = tpu.memref_slice %arg11[%dma_start3A_273, %dma_start3A_280] : memref<9x64xi32, #tpu.memory_space<vmem>> -> memref<1x64xi32, #tpu.memory_space<vmem>>
    %dma_start3A_282 = tpu.memref_squeeze %dma_start3A_281 : memref<1x64xi32, #tpu.memory_space<vmem>> -> memref<64xi32, #tpu.memory_space<vmem>>
    %dma_start3A_283 = arith.constant 64 : i32
    %dma_start3A_284 = tpu.memref_slice %arg2[%dma_start3A_272, %add3A_179, %dma_start3A_283] : memref<9x1024x128xi32, #tpu.memory_space<hbm>> -> memref<1x1x64xi32, #tpu.memory_space<hbm>>
    %dma_start3A_285 = tpu.memref_squeeze %dma_start3A_284 : memref<1x1x64xi32, #tpu.memory_space<hbm>> -> memref<64xi32, #tpu.memory_space<hbm>>
    tpu.enqueue_dma source(%dma_start3A_285 : memref<64xi32, #tpu.memory_space<hbm>>) target(%dma_start3A_282 : memref<64xi32, #tpu.memory_space<vmem>>) target_semaphore(%arg26 : memref<!tpu.dma_semaphore, #tpu.memory_space<semaphore_mem>>)
    %dma_start3A_286 = arith.constant 7 : i32
    %dma_start3A_287 = arith.constant 7 : i32
    %dma_start3A_288 = arith.constant 0 : i32
    %dma_start3A_289 = tpu.memref_slice %arg11[%dma_start3A_287, %dma_start3A_288] : memref<9x64xi32, #tpu.memory_space<vmem>> -> memref<1x64xi32, #tpu.memory_space<vmem>>
    %dma_start3A_290 = tpu.memref_squeeze %dma_start3A_289 : memref<1x64xi32, #tpu.memory_space<vmem>> -> memref<64xi32, #tpu.memory_space<vmem>>
    %dma_start3A_291 = arith.constant 64 : i32
    %dma_start3A_292 = tpu.memref_slice %arg2[%dma_start3A_286, %add3A_179, %dma_start3A_291] : memref<9x1024x128xi32, #tpu.memory_space<hbm>> -> memref<1x1x64xi32, #tpu.memory_space<hbm>>
    %dma_start3A_293 = tpu.memref_squeeze %dma_start3A_292 : memref<1x1x64xi32, #tpu.memory_space<hbm>> -> memref<64xi32, #tpu.memory_space<hbm>>
    %dma_start3A_294 = arith.constant 0 : i32
    %dma_start3A_295 = tpu.memref_slice %arg11[%dma_start3A_287, %dma_start3A_294] : memref<9x64xi32, #tpu.memory_space<vmem>> -> memref<1x64xi32, #tpu.memory_space<vmem>>
    %dma_start3A_296 = tpu.memref_squeeze %dma_start3A_295 : memref<1x64xi32, #tpu.memory_space<vmem>> -> memref<64xi32, #tpu.memory_space<vmem>>
    %dma_start3A_297 = arith.constant 64 : i32
    %dma_start3A_298 = tpu.memref_slice %arg2[%dma_start3A_286, %add3A_179, %dma_start3A_297] : memref<9x1024x128xi32, #tpu.memory_space<hbm>> -> memref<1x1x64xi32, #tpu.memory_space<hbm>>
    %dma_start3A_299 = tpu.memref_squeeze %dma_start3A_298 : memref<1x1x64xi32, #tpu.memory_space<hbm>> -> memref<64xi32, #tpu.memory_space<hbm>>
    tpu.enqueue_dma source(%dma_start3A_299 : memref<64xi32, #tpu.memory_space<hbm>>) target(%dma_start3A_296 : memref<64xi32, #tpu.memory_space<vmem>>) target_semaphore(%arg26 : memref<!tpu.dma_semaphore, #tpu.memory_space<semaphore_mem>>)
    %dma_start3A_300 = arith.constant 8 : i32
    %dma_start3A_301 = arith.constant 8 : i32
    %dma_start3A_302 = arith.constant 0 : i32
    %dma_start3A_303 = tpu.memref_slice %arg11[%dma_start3A_301, %dma_start3A_302] : memref<9x64xi32, #tpu.memory_space<vmem>> -> memref<1x64xi32, #tpu.memory_space<vmem>>
    %dma_start3A_304 = tpu.memref_squeeze %dma_start3A_303 : memref<1x64xi32, #tpu.memory_space<vmem>> -> memref<64xi32, #tpu.memory_space<vmem>>
    %dma_start3A_305 = arith.constant 64 : i32
    %dma_start3A_306 = tpu.memref_slice %arg2[%dma_start3A_300, %add3A_179, %dma_start3A_305] : memref<9x1024x128xi32, #tpu.memory_space<hbm>> -> memref<1x1x64xi32, #tpu.memory_space<hbm>>
    %dma_start3A_307 = tpu.memref_squeeze %dma_start3A_306 : memref<1x1x64xi32, #tpu.memory_space<hbm>> -> memref<64xi32, #tpu.memory_space<hbm>>
    %dma_start3A_308 = arith.constant 0 : i32
    %dma_start3A_309 = tpu.memref_slice %arg11[%dma_start3A_301, %dma_start3A_308] : memref<9x64xi32, #tpu.memory_space<vmem>> -> memref<1x64xi32, #tpu.memory_space<vmem>>
    %dma_start3A_310 = tpu.memref_squeeze %dma_start3A_309 : memref<1x64xi32, #tpu.memory_space<vmem>> -> memref<64xi32, #tpu.memory_space<vmem>>
    %dma_start3A_311 = arith.constant 64 : i32
    %dma_start3A_312 = tpu.memref_slice %arg2[%dma_start3A_300, %add3A_179, %dma_start3A_311] : memref<9x1024x128xi32, #tpu.memory_space<hbm>> -> memref<1x1x64xi32, #tpu.memory_space<hbm>>
    %dma_start3A_313 = tpu.memref_squeeze %dma_start3A_312 : memref<1x1x64xi32, #tpu.memory_space<hbm>> -> memref<64xi32, #tpu.memory_space<hbm>>
    tpu.enqueue_dma source(%dma_start3A_313 : memref<64xi32, #tpu.memory_space<hbm>>) target(%dma_start3A_310 : memref<64xi32, #tpu.memory_space<vmem>>) target_semaphore(%arg26 : memref<!tpu.dma_semaphore, #tpu.memory_space<semaphore_mem>>)
    %dma_start3A_314 = tpu.memref_slice %arg3[%add3A_183] : memref<131072xi32, #tpu.memory_space<hbm>> -> memref<64xi32, #tpu.memory_space<hbm>>
    %dma_start3A_315 = tpu.memref_slice %arg3[%add3A_183] : memref<131072xi32, #tpu.memory_space<hbm>> -> memref<64xi32, #tpu.memory_space<hbm>>
    tpu.enqueue_dma source(%dma_start3A_315 : memref<64xi32, #tpu.memory_space<hbm>>) target(%arg13 : memref<64xi32, #tpu.memory_space<vmem>>) target_semaphore(%arg26 : memref<!tpu.dma_semaphore, #tpu.memory_space<semaphore_mem>>)
    %dma_start3A_316 = tpu.memref_slice %arg4[%add3A_187] : memref<131072xi32, #tpu.memory_space<hbm>> -> memref<64xi32, #tpu.memory_space<hbm>>
    %dma_start3A_317 = tpu.memref_slice %arg4[%add3A_187] : memref<131072xi32, #tpu.memory_space<hbm>> -> memref<64xi32, #tpu.memory_space<hbm>>
    tpu.enqueue_dma source(%dma_start3A_317 : memref<64xi32, #tpu.memory_space<hbm>>) target(%arg15 : memref<64xi32, #tpu.memory_space<vmem>>) target_semaphore(%arg26 : memref<!tpu.dma_semaphore, #tpu.memory_space<semaphore_mem>>)
    %mul3A_318 = arith.constant 32 : i32
    %mul3A_319 = arith.muli %add3A, %mul3A_318 : i32
    %add3A_320 = arith.constant 0 : i32
    %add3A_321 = arith.addi %mul3A_319, %add3A_320 : i32
    %mul3A_322 = arith.constant 4096 : i32
    %mul3A_323 = arith.muli %add3A, %mul3A_322 : i32
    %add3A_324 = arith.constant 0 : i32
    %add3A_325 = arith.addi %mul3A_323, %add3A_324 : i32
    %mul3A_326 = arith.constant 4096 : i32
    %mul3A_327 = arith.muli %add3A, %mul3A_326 : i32
    %add3A_328 = arith.constant 0 : i32
    %add3A_329 = arith.addi %mul3A_327, %add3A_328 : i32
    %dma_wait3A = arith.constant 0 : i32
    %dma_wait3A_330 = arith.constant 0 : i32
    %dma_wait3A_331 = arith.constant 0 : i32
    %dma_wait3A_332 = tpu.memref_slice %arg10[%dma_wait3A_330, %dma_wait3A_331] : memref<9x64xi32, #tpu.memory_space<vmem>> -> memref<1x64xi32, #tpu.memory_space<vmem>>
    %dma_wait3A_333 = tpu.memref_squeeze %dma_wait3A_332 : memref<1x64xi32, #tpu.memory_space<vmem>> -> memref<64xi32, #tpu.memory_space<vmem>>
    %dma_wait3A_334 = arith.constant 0 : i32
    %dma_wait3A_335 = tpu.memref_slice %arg2[%dma_wait3A, %add3A_321, %dma_wait3A_334] : memref<9x1024x128xi32, #tpu.memory_space<hbm>> -> memref<1x1x64xi32, #tpu.memory_space<hbm>>
    %dma_wait3A_336 = tpu.memref_squeeze %dma_wait3A_335 : memref<1x1x64xi32, #tpu.memory_space<hbm>> -> memref<64xi32, #tpu.memory_space<hbm>>
    %dma_wait3A_337 = arith.constant 0 : i32
    %dma_wait3A_338 = tpu.memref_slice %arg10[%dma_wait3A_330, %dma_wait3A_337] : memref<9x64xi32, #tpu.memory_space<vmem>> -> memref<1x64xi32, #tpu.memory_space<vmem>>
    %dma_wait3A_339 = tpu.memref_squeeze %dma_wait3A_338 : memref<1x64xi32, #tpu.memory_space<vmem>> -> memref<64xi32, #tpu.memory_space<vmem>>
    %dma_wait3A_340 = arith.constant 0 : i32
    %dma_wait3A_341 = tpu.memref_slice %arg2[%dma_wait3A, %add3A_321, %dma_wait3A_340] : memref<9x1024x128xi32, #tpu.memory_space<hbm>> -> memref<1x1x64xi32, #tpu.memory_space<hbm>>
    %dma_wait3A_342 = tpu.memref_squeeze %dma_wait3A_341 : memref<1x1x64xi32, #tpu.memory_space<hbm>> -> memref<64xi32, #tpu.memory_space<hbm>>
    tpu.wait_dma2 semaphore(%arg25 : memref<!tpu.dma_semaphore, #tpu.memory_space<semaphore_mem>>) src(%dma_wait3A_342 : memref<64xi32, #tpu.memory_space<hbm>>) dst(%dma_wait3A_339 : memref<64xi32, #tpu.memory_space<vmem>>)
    %dma_wait3A_343 = arith.constant 1 : i32
    %dma_wait3A_344 = arith.constant 1 : i32
    %dma_wait3A_345 = arith.constant 0 : i32
    %dma_wait3A_346 = tpu.memref_slice %arg10[%dma_wait3A_344, %dma_wait3A_345] : memref<9x64xi32, #tpu.memory_space<vmem>> -> memref<1x64xi32, #tpu.memory_space<vmem>>
    %dma_wait3A_347 = tpu.memref_squeeze %dma_wait3A_346 : memref<1x64xi32, #tpu.memory_space<vmem>> -> memref<64xi32, #tpu.memory_space<vmem>>
    %dma_wait3A_348 = arith.constant 0 : i32
    %dma_wait3A_349 = tpu.memref_slice %arg2[%dma_wait3A_343, %add3A_321, %dma_wait3A_348] : memref<9x1024x128xi32, #tpu.memory_space<hbm>> -> memref<1x1x64xi32, #tpu.memory_space<hbm>>
    %dma_wait3A_350 = tpu.memref_squeeze %dma_wait3A_349 : memref<1x1x64xi32, #tpu.memory_space<hbm>> -> memref<64xi32, #tpu.memory_space<hbm>>
    %dma_wait3A_351 = arith.constant 0 : i32
    %dma_wait3A_352 = tpu.memref_slice %arg10[%dma_wait3A_344, %dma_wait3A_351] : memref<9x64xi32, #tpu.memory_space<vmem>> -> memref<1x64xi32, #tpu.memory_space<vmem>>
    %dma_wait3A_353 = tpu.memref_squeeze %dma_wait3A_352 : memref<1x64xi32, #tpu.memory_space<vmem>> -> memref<64xi32, #tpu.memory_space<vmem>>
    %dma_wait3A_354 = arith.constant 0 : i32
    %dma_wait3A_355 = tpu.memref_slice %arg2[%dma_wait3A_343, %add3A_321, %dma_wait3A_354] : memref<9x1024x128xi32, #tpu.memory_space<hbm>> -> memref<1x1x64xi32, #tpu.memory_space<hbm>>
    %dma_wait3A_356 = tpu.memref_squeeze %dma_wait3A_355 : memref<1x1x64xi32, #tpu.memory_space<hbm>> -> memref<64xi32, #tpu.memory_space<hbm>>
    tpu.wait_dma2 semaphore(%arg25 : memref<!tpu.dma_semaphore, #tpu.memory_space<semaphore_mem>>) src(%dma_wait3A_356 : memref<64xi32, #tpu.memory_space<hbm>>) dst(%dma_wait3A_353 : memref<64xi32, #tpu.memory_space<vmem>>)
    %dma_wait3A_357 = arith.constant 2 : i32
    %dma_wait3A_358 = arith.constant 2 : i32
    %dma_wait3A_359 = arith.constant 0 : i32
    %dma_wait3A_360 = tpu.memref_slice %arg10[%dma_wait3A_358, %dma_wait3A_359] : memref<9x64xi32, #tpu.memory_space<vmem>> -> memref<1x64xi32, #tpu.memory_space<vmem>>
    %dma_wait3A_361 = tpu.memref_squeeze %dma_wait3A_360 : memref<1x64xi32, #tpu.memory_space<vmem>> -> memref<64xi32, #tpu.memory_space<vmem>>
    %dma_wait3A_362 = arith.constant 0 : i32
    %dma_wait3A_363 = tpu.memref_slice %arg2[%dma_wait3A_357, %add3A_321, %dma_wait3A_362] : memref<9x1024x128xi32, #tpu.memory_space<hbm>> -> memref<1x1x64xi32, #tpu.memory_space<hbm>>
    %dma_wait3A_364 = tpu.memref_squeeze %dma_wait3A_363 : memref<1x1x64xi32, #tpu.memory_space<hbm>> -> memref<64xi32, #tpu.memory_space<hbm>>
    %dma_wait3A_365 = arith.constant 0 : i32
    %dma_wait3A_366 = tpu.memref_slice %arg10[%dma_wait3A_358, %dma_wait3A_365] : memref<9x64xi32, #tpu.memory_space<vmem>> -> memref<1x64xi32, #tpu.memory_space<vmem>>
    %dma_wait3A_367 = tpu.memref_squeeze %dma_wait3A_366 : memref<1x64xi32, #tpu.memory_space<vmem>> -> memref<64xi32, #tpu.memory_space<vmem>>
    %dma_wait3A_368 = arith.constant 0 : i32
    %dma_wait3A_369 = tpu.memref_slice %arg2[%dma_wait3A_357, %add3A_321, %dma_wait3A_368] : memref<9x1024x128xi32, #tpu.memory_space<hbm>> -> memref<1x1x64xi32, #tpu.memory_space<hbm>>
    %dma_wait3A_370 = tpu.memref_squeeze %dma_wait3A_369 : memref<1x1x64xi32, #tpu.memory_space<hbm>> -> memref<64xi32, #tpu.memory_space<hbm>>
    tpu.wait_dma2 semaphore(%arg25 : memref<!tpu.dma_semaphore, #tpu.memory_space<semaphore_mem>>) src(%dma_wait3A_370 : memref<64xi32, #tpu.memory_space<hbm>>) dst(%dma_wait3A_367 : memref<64xi32, #tpu.memory_space<vmem>>)
    %dma_wait3A_371 = arith.constant 3 : i32
    %dma_wait3A_372 = arith.constant 3 : i32
    %dma_wait3A_373 = arith.constant 0 : i32
    %dma_wait3A_374 = tpu.memref_slice %arg10[%dma_wait3A_372, %dma_wait3A_373] : memref<9x64xi32, #tpu.memory_space<vmem>> -> memref<1x64xi32, #tpu.memory_space<vmem>>
    %dma_wait3A_375 = tpu.memref_squeeze %dma_wait3A_374 : memref<1x64xi32, #tpu.memory_space<vmem>> -> memref<64xi32, #tpu.memory_space<vmem>>
    %dma_wait3A_376 = arith.constant 0 : i32
    %dma_wait3A_377 = tpu.memref_slice %arg2[%dma_wait3A_371, %add3A_321, %dma_wait3A_376] : memref<9x1024x128xi32, #tpu.memory_space<hbm>> -> memref<1x1x64xi32, #tpu.memory_space<hbm>>
    %dma_wait3A_378 = tpu.memref_squeeze %dma_wait3A_377 : memref<1x1x64xi32, #tpu.memory_space<hbm>> -> memref<64xi32, #tpu.memory_space<hbm>>
    %dma_wait3A_379 = arith.constant 0 : i32
    %dma_wait3A_380 = tpu.memref_slice %arg10[%dma_wait3A_372, %dma_wait3A_379] : memref<9x64xi32, #tpu.memory_space<vmem>> -> memref<1x64xi32, #tpu.memory_space<vmem>>
    %dma_wait3A_381 = tpu.memref_squeeze %dma_wait3A_380 : memref<1x64xi32, #tpu.memory_space<vmem>> -> memref<64xi32, #tpu.memory_space<vmem>>
    %dma_wait3A_382 = arith.constant 0 : i32
    %dma_wait3A_383 = tpu.memref_slice %arg2[%dma_wait3A_371, %add3A_321, %dma_wait3A_382] : memref<9x1024x128xi32, #tpu.memory_space<hbm>> -> memref<1x1x64xi32, #tpu.memory_space<hbm>>
    %dma_wait3A_384 = tpu.memref_squeeze %dma_wait3A_383 : memref<1x1x64xi32, #tpu.memory_space<hbm>> -> memref<64xi32, #tpu.memory_space<hbm>>
    tpu.wait_dma2 semaphore(%arg25 : memref<!tpu.dma_semaphore, #tpu.memory_space<semaphore_mem>>) src(%dma_wait3A_384 : memref<64xi32, #tpu.memory_space<hbm>>) dst(%dma_wait3A_381 : memref<64xi32, #tpu.memory_space<vmem>>)
    %dma_wait3A_385 = arith.constant 4 : i32
    %dma_wait3A_386 = arith.constant 4 : i32
    %dma_wait3A_387 = arith.constant 0 : i32
    %dma_wait3A_388 = tpu.memref_slice %arg10[%dma_wait3A_386, %dma_wait3A_387] : memref<9x64xi32, #tpu.memory_space<vmem>> -> memref<1x64xi32, #tpu.memory_space<vmem>>
    %dma_wait3A_389 = tpu.memref_squeeze %dma_wait3A_388 : memref<1x64xi32, #tpu.memory_space<vmem>> -> memref<64xi32, #tpu.memory_space<vmem>>
    %dma_wait3A_390 = arith.constant 0 : i32
    %dma_wait3A_391 = tpu.memref_slice %arg2[%dma_wait3A_385, %add3A_321, %dma_wait3A_390] : memref<9x1024x128xi32, #tpu.memory_space<hbm>> -> memref<1x1x64xi32, #tpu.memory_space<hbm>>
    %dma_wait3A_392 = tpu.memref_squeeze %dma_wait3A_391 : memref<1x1x64xi32, #tpu.memory_space<hbm>> -> memref<64xi32, #tpu.memory_space<hbm>>
    %dma_wait3A_393 = arith.constant 0 : i32
    %dma_wait3A_394 = tpu.memref_slice %arg10[%dma_wait3A_386, %dma_wait3A_393] : memref<9x64xi32, #tpu.memory_space<vmem>> -> memref<1x64xi32, #tpu.memory_space<vmem>>
    %dma_wait3A_395 = tpu.memref_squeeze %dma_wait3A_394 : memref<1x64xi32, #tpu.memory_space<vmem>> -> memref<64xi32, #tpu.memory_space<vmem>>
    %dma_wait3A_396 = arith.constant 0 : i32
    %dma_wait3A_397 = tpu.memref_slice %arg2[%dma_wait3A_385, %add3A_321, %dma_wait3A_396] : memref<9x1024x128xi32, #tpu.memory_space<hbm>> -> memref<1x1x64xi32, #tpu.memory_space<hbm>>
    %dma_wait3A_398 = tpu.memref_squeeze %dma_wait3A_397 : memref<1x1x64xi32, #tpu.memory_space<hbm>> -> memref<64xi32, #tpu.memory_space<hbm>>
    tpu.wait_dma2 semaphore(%arg25 : memref<!tpu.dma_semaphore, #tpu.memory_space<semaphore_mem>>) src(%dma_wait3A_398 : memref<64xi32, #tpu.memory_space<hbm>>) dst(%dma_wait3A_395 : memref<64xi32, #tpu.memory_space<vmem>>)
    %dma_wait3A_399 = arith.constant 5 : i32
    %dma_wait3A_400 = arith.constant 5 : i32
    %dma_wait3A_401 = arith.constant 0 : i32
    %dma_wait3A_402 = tpu.memref_slice %arg10[%dma_wait3A_400, %dma_wait3A_401] : memref<9x64xi32, #tpu.memory_space<vmem>> -> memref<1x64xi32, #tpu.memory_space<vmem>>
    %dma_wait3A_403 = tpu.memref_squeeze %dma_wait3A_402 : memref<1x64xi32, #tpu.memory_space<vmem>> -> memref<64xi32, #tpu.memory_space<vmem>>
    %dma_wait3A_404 = arith.constant 0 : i32
    %dma_wait3A_405 = tpu.memref_slice %arg2[%dma_wait3A_399, %add3A_321, %dma_wait3A_404] : memref<9x1024x128xi32, #tpu.memory_space<hbm>> -> memref<1x1x64xi32, #tpu.memory_space<hbm>>
    %dma_wait3A_406 = tpu.memref_squeeze %dma_wait3A_405 : memref<1x1x64xi32, #tpu.memory_space<hbm>> -> memref<64xi32, #tpu.memory_space<hbm>>
    %dma_wait3A_407 = arith.constant 0 : i32
    %dma_wait3A_408 = tpu.memref_slice %arg10[%dma_wait3A_400, %dma_wait3A_407] : memref<9x64xi32, #tpu.memory_space<vmem>> -> memref<1x64xi32, #tpu.memory_space<vmem>>
    %dma_wait3A_409 = tpu.memref_squeeze %dma_wait3A_408 : memref<1x64xi32, #tpu.memory_space<vmem>> -> memref<64xi32, #tpu.memory_space<vmem>>
    %dma_wait3A_410 = arith.constant 0 : i32
    %dma_wait3A_411 = tpu.memref_slice %arg2[%dma_wait3A_399, %add3A_321, %dma_wait3A_410] : memref<9x1024x128xi32, #tpu.memory_space<hbm>> -> memref<1x1x64xi32, #tpu.memory_space<hbm>>
    %dma_wait3A_412 = tpu.memref_squeeze %dma_wait3A_411 : memref<1x1x64xi32, #tpu.memory_space<hbm>> -> memref<64xi32, #tpu.memory_space<hbm>>
    tpu.wait_dma2 semaphore(%arg25 : memref<!tpu.dma_semaphore, #tpu.memory_space<semaphore_mem>>) src(%dma_wait3A_412 : memref<64xi32, #tpu.memory_space<hbm>>) dst(%dma_wait3A_409 : memref<64xi32, #tpu.memory_space<vmem>>)
    %dma_wait3A_413 = arith.constant 6 : i32
    %dma_wait3A_414 = arith.constant 6 : i32
    %dma_wait3A_415 = arith.constant 0 : i32
    %dma_wait3A_416 = tpu.memref_slice %arg10[%dma_wait3A_414, %dma_wait3A_415] : memref<9x64xi32, #tpu.memory_space<vmem>> -> memref<1x64xi32, #tpu.memory_space<vmem>>
    %dma_wait3A_417 = tpu.memref_squeeze %dma_wait3A_416 : memref<1x64xi32, #tpu.memory_space<vmem>> -> memref<64xi32, #tpu.memory_space<vmem>>
    %dma_wait3A_418 = arith.constant 0 : i32
    %dma_wait3A_419 = tpu.memref_slice %arg2[%dma_wait3A_413, %add3A_321, %dma_wait3A_418] : memref<9x1024x128xi32, #tpu.memory_space<hbm>> -> memref<1x1x64xi32, #tpu.memory_space<hbm>>
    %dma_wait3A_420 = tpu.memref_squeeze %dma_wait3A_419 : memref<1x1x64xi32, #tpu.memory_space<hbm>> -> memref<64xi32, #tpu.memory_space<hbm>>
    %dma_wait3A_421 = arith.constant 0 : i32
    %dma_wait3A_422 = tpu.memref_slice %arg10[%dma_wait3A_414, %dma_wait3A_421] : memref<9x64xi32, #tpu.memory_space<vmem>> -> memref<1x64xi32, #tpu.memory_space<vmem>>
    %dma_wait3A_423 = tpu.memref_squeeze %dma_wait3A_422 : memref<1x64xi32, #tpu.memory_space<vmem>> -> memref<64xi32, #tpu.memory_space<vmem>>
    %dma_wait3A_424 = arith.constant 0 : i32
    %dma_wait3A_425 = tpu.memref_slice %arg2[%dma_wait3A_413, %add3A_321, %dma_wait3A_424] : memref<9x1024x128xi32, #tpu.memory_space<hbm>> -> memref<1x1x64xi32, #tpu.memory_space<hbm>>
    %dma_wait3A_426 = tpu.memref_squeeze %dma_wait3A_425 : memref<1x1x64xi32, #tpu.memory_space<hbm>> -> memref<64xi32, #tpu.memory_space<hbm>>
    tpu.wait_dma2 semaphore(%arg25 : memref<!tpu.dma_semaphore, #tpu.memory_space<semaphore_mem>>) src(%dma_wait3A_426 : memref<64xi32, #tpu.memory_space<hbm>>) dst(%dma_wait3A_423 : memref<64xi32, #tpu.memory_space<vmem>>)
    %dma_wait3A_427 = arith.constant 7 : i32
    %dma_wait3A_428 = arith.constant 7 : i32
    %dma_wait3A_429 = arith.constant 0 : i32
    %dma_wait3A_430 = tpu.memref_slice %arg10[%dma_wait3A_428, %dma_wait3A_429] : memref<9x64xi32, #tpu.memory_space<vmem>> -> memref<1x64xi32, #tpu.memory_space<vmem>>
    %dma_wait3A_431 = tpu.memref_squeeze %dma_wait3A_430 : memref<1x64xi32, #tpu.memory_space<vmem>> -> memref<64xi32, #tpu.memory_space<vmem>>
    %dma_wait3A_432 = arith.constant 0 : i32
    %dma_wait3A_433 = tpu.memref_slice %arg2[%dma_wait3A_427, %add3A_321, %dma_wait3A_432] : memref<9x1024x128xi32, #tpu.memory_space<hbm>> -> memref<1x1x64xi32, #tpu.memory_space<hbm>>
    %dma_wait3A_434 = tpu.memref_squeeze %dma_wait3A_433 : memref<1x1x64xi32, #tpu.memory_space<hbm>> -> memref<64xi32, #tpu.memory_space<hbm>>
    %dma_wait3A_435 = arith.constant 0 : i32
    %dma_wait3A_436 = tpu.memref_slice %arg10[%dma_wait3A_428, %dma_wait3A_435] : memref<9x64xi32, #tpu.memory_space<vmem>> -> memref<1x64xi32, #tpu.memory_space<vmem>>
    %dma_wait3A_437 = tpu.memref_squeeze %dma_wait3A_436 : memref<1x64xi32, #tpu.memory_space<vmem>> -> memref<64xi32, #tpu.memory_space<vmem>>
    %dma_wait3A_438 = arith.constant 0 : i32
    %dma_wait3A_439 = tpu.memref_slice %arg2[%dma_wait3A_427, %add3A_321, %dma_wait3A_438] : memref<9x1024x128xi32, #tpu.memory_space<hbm>> -> memref<1x1x64xi32, #tpu.memory_space<hbm>>
    %dma_wait3A_440 = tpu.memref_squeeze %dma_wait3A_439 : memref<1x1x64xi32, #tpu.memory_space<hbm>> -> memref<64xi32, #tpu.memory_space<hbm>>
    tpu.wait_dma2 semaphore(%arg25 : memref<!tpu.dma_semaphore, #tpu.memory_space<semaphore_mem>>) src(%dma_wait3A_440 : memref<64xi32, #tpu.memory_space<hbm>>) dst(%dma_wait3A_437 : memref<64xi32, #tpu.memory_space<vmem>>)
    %dma_wait3A_441 = arith.constant 8 : i32
    %dma_wait3A_442 = arith.constant 8 : i32
    %dma_wait3A_443 = arith.constant 0 : i32
    %dma_wait3A_444 = tpu.memref_slice %arg10[%dma_wait3A_442, %dma_wait3A_443] : memref<9x64xi32, #tpu.memory_space<vmem>> -> memref<1x64xi32, #tpu.memory_space<vmem>>
    %dma_wait3A_445 = tpu.memref_squeeze %dma_wait3A_444 : memref<1x64xi32, #tpu.memory_space<vmem>> -> memref<64xi32, #tpu.memory_space<vmem>>
    %dma_wait3A_446 = arith.constant 0 : i32
    %dma_wait3A_447 = tpu.memref_slice %arg2[%dma_wait3A_441, %add3A_321, %dma_wait3A_446] : memref<9x1024x128xi32, #tpu.memory_space<hbm>> -> memref<1x1x64xi32, #tpu.memory_space<hbm>>
    %dma_wait3A_448 = tpu.memref_squeeze %dma_wait3A_447 : memref<1x1x64xi32, #tpu.memory_space<hbm>> -> memref<64xi32, #tpu.memory_space<hbm>>
    %dma_wait3A_449 = arith.constant 0 : i32
    %dma_wait3A_450 = tpu.memref_slice %arg10[%dma_wait3A_442, %dma_wait3A_449] : memref<9x64xi32, #tpu.memory_space<vmem>> -> memref<1x64xi32, #tpu.memory_space<vmem>>
    %dma_wait3A_451 = tpu.memref_squeeze %dma_wait3A_450 : memref<1x64xi32, #tpu.memory_space<vmem>> -> memref<64xi32, #tpu.memory_space<vmem>>
    %dma_wait3A_452 = arith.constant 0 : i32
    %dma_wait3A_453 = tpu.memref_slice %arg2[%dma_wait3A_441, %add3A_321, %dma_wait3A_452] : memref<9x1024x128xi32, #tpu.memory_space<hbm>> -> memref<1x1x64xi32, #tpu.memory_space<hbm>>
    %dma_wait3A_454 = tpu.memref_squeeze %dma_wait3A_453 : memref<1x1x64xi32, #tpu.memory_space<hbm>> -> memref<64xi32, #tpu.memory_space<hbm>>
    tpu.wait_dma2 semaphore(%arg25 : memref<!tpu.dma_semaphore, #tpu.memory_space<semaphore_mem>>) src(%dma_wait3A_454 : memref<64xi32, #tpu.memory_space<hbm>>) dst(%dma_wait3A_451 : memref<64xi32, #tpu.memory_space<vmem>>)
    %dma_wait3A_455 = tpu.memref_slice %arg3[%add3A_325] : memref<131072xi32, #tpu.memory_space<hbm>> -> memref<64xi32, #tpu.memory_space<hbm>>
    %dma_wait3A_456 = tpu.memref_slice %arg3[%add3A_325] : memref<131072xi32, #tpu.memory_space<hbm>> -> memref<64xi32, #tpu.memory_space<hbm>>
    tpu.wait_dma2 semaphore(%arg25 : memref<!tpu.dma_semaphore, #tpu.memory_space<semaphore_mem>>) src(%dma_wait3A_456 : memref<64xi32, #tpu.memory_space<hbm>>) dst(%arg12 : memref<64xi32, #tpu.memory_space<vmem>>)
    %dma_wait3A_457 = tpu.memref_slice %arg4[%add3A_329] : memref<131072xi32, #tpu.memory_space<hbm>> -> memref<64xi32, #tpu.memory_space<hbm>>
    %dma_wait3A_458 = tpu.memref_slice %arg4[%add3A_329] : memref<131072xi32, #tpu.memory_space<hbm>> -> memref<64xi32, #tpu.memory_space<hbm>>
    tpu.wait_dma2 semaphore(%arg25 : memref<!tpu.dma_semaphore, #tpu.memory_space<semaphore_mem>>) src(%dma_wait3A_458 : memref<64xi32, #tpu.memory_space<hbm>>) dst(%arg14 : memref<64xi32, #tpu.memory_space<vmem>>)
    %dma_start3A_459 = arith.constant 0 : i32
    %dma_start3A_460 = arith.constant 0 : i32
    %dma_start3A_461 = arith.constant 0 : i32
    %dma_start3A_462 = tpu.memref_slice %arg16[%dma_start3A_460, %dma_start3A_461] : memref<576x64xf32, #tpu.memory_space<vmem>> -> memref<64x64xf32, #tpu.memory_space<vmem>>
    %dma_start3A_463 = arith.constant 0 : i32
    %dma_start3A_464 = tpu.memref_slice %arg10[%dma_start3A_459, %dma_start3A_463] : memref<9x64xi32, #tpu.memory_space<vmem>> -> memref<1x64xi32, #tpu.memory_space<vmem>>
    %dma_start3A_465 = tpu.memref_squeeze %dma_start3A_464 : memref<1x64xi32, #tpu.memory_space<vmem>> -> memref<64xi32, #tpu.memory_space<vmem>>
    %dma_start3A_466 = arith.constant 0 : i32
    %dma_start3A_467 = arith.constant 0 : i32
    %dma_start3A_468 = tpu.memref_slice %arg5[%dma_start3A_466, %dma_start3A_467] : memref<100001x64xf32, #tpu.memory_space<hbm>> -> memref<100001x64xf32, #tpu.memory_space<hbm>>
    tpu.enqueue_indirect_dma source(%dma_start3A_468 : memref<100001x64xf32, #tpu.memory_space<hbm>>) target(%dma_start3A_462 : memref<64x64xf32, #tpu.memory_space<vmem>>) offsets(%dma_start3A_465 : memref<64xi32, #tpu.memory_space<vmem>>) semaphore(%arg27 : memref<!tpu.dma_semaphore, #tpu.memory_space<semaphore_mem>>)
    %dma_start3A_469 = arith.constant 1 : i32
    %dma_start3A_470 = arith.constant 64 : i32
    %dma_start3A_471 = arith.constant 0 : i32
    %dma_start3A_472 = tpu.memref_slice %arg16[%dma_start3A_470, %dma_start3A_471] : memref<576x64xf32, #tpu.memory_space<vmem>> -> memref<64x64xf32, #tpu.memory_space<vmem>>
    %dma_start3A_473 = arith.constant 0 : i32
    %dma_start3A_474 = tpu.memref_slice %arg10[%dma_start3A_469, %dma_start3A_473] : memref<9x64xi32, #tpu.memory_space<vmem>> -> memref<1x64xi32, #tpu.memory_space<vmem>>
    %dma_start3A_475 = tpu.memref_squeeze %dma_start3A_474 : memref<1x64xi32, #tpu.memory_space<vmem>> -> memref<64xi32, #tpu.memory_space<vmem>>
    %dma_start3A_476 = arith.constant 0 : i32
    %dma_start3A_477 = arith.constant 0 : i32
    %dma_start3A_478 = tpu.memref_slice %arg5[%dma_start3A_476, %dma_start3A_477] : memref<100001x64xf32, #tpu.memory_space<hbm>> -> memref<100001x64xf32, #tpu.memory_space<hbm>>
    tpu.enqueue_indirect_dma source(%dma_start3A_478 : memref<100001x64xf32, #tpu.memory_space<hbm>>) target(%dma_start3A_472 : memref<64x64xf32, #tpu.memory_space<vmem>>) offsets(%dma_start3A_475 : memref<64xi32, #tpu.memory_space<vmem>>) semaphore(%arg27 : memref<!tpu.dma_semaphore, #tpu.memory_space<semaphore_mem>>)
    %dma_start3A_479 = arith.constant 2 : i32
    %dma_start3A_480 = arith.constant 128 : i32
    %dma_start3A_481 = arith.constant 0 : i32
    %dma_start3A_482 = tpu.memref_slice %arg16[%dma_start3A_480, %dma_start3A_481] : memref<576x64xf32, #tpu.memory_space<vmem>> -> memref<64x64xf32, #tpu.memory_space<vmem>>
    %dma_start3A_483 = arith.constant 0 : i32
    %dma_start3A_484 = tpu.memref_slice %arg10[%dma_start3A_479, %dma_start3A_483] : memref<9x64xi32, #tpu.memory_space<vmem>> -> memref<1x64xi32, #tpu.memory_space<vmem>>
    %dma_start3A_485 = tpu.memref_squeeze %dma_start3A_484 : memref<1x64xi32, #tpu.memory_space<vmem>> -> memref<64xi32, #tpu.memory_space<vmem>>
    %dma_start3A_486 = arith.constant 0 : i32
    %dma_start3A_487 = arith.constant 0 : i32
    %dma_start3A_488 = tpu.memref_slice %arg5[%dma_start3A_486, %dma_start3A_487] : memref<100001x64xf32, #tpu.memory_space<hbm>> -> memref<100001x64xf32, #tpu.memory_space<hbm>>
    tpu.enqueue_indirect_dma source(%dma_start3A_488 : memref<100001x64xf32, #tpu.memory_space<hbm>>) target(%dma_start3A_482 : memref<64x64xf32, #tpu.memory_space<vmem>>) offsets(%dma_start3A_485 : memref<64xi32, #tpu.memory_space<vmem>>) semaphore(%arg27 : memref<!tpu.dma_semaphore, #tpu.memory_space<semaphore_mem>>)
    %dma_start3A_489 = arith.constant 3 : i32
    %dma_start3A_490 = arith.constant 192 : i32
    %dma_start3A_491 = arith.constant 0 : i32
    %dma_start3A_492 = tpu.memref_slice %arg16[%dma_start3A_490, %dma_start3A_491] : memref<576x64xf32, #tpu.memory_space<vmem>> -> memref<64x64xf32, #tpu.memory_space<vmem>>
    %dma_start3A_493 = arith.constant 0 : i32
    %dma_start3A_494 = tpu.memref_slice %arg10[%dma_start3A_489, %dma_start3A_493] : memref<9x64xi32, #tpu.memory_space<vmem>> -> memref<1x64xi32, #tpu.memory_space<vmem>>
    %dma_start3A_495 = tpu.memref_squeeze %dma_start3A_494 : memref<1x64xi32, #tpu.memory_space<vmem>> -> memref<64xi32, #tpu.memory_space<vmem>>
    %dma_start3A_496 = arith.constant 0 : i32
    %dma_start3A_497 = arith.constant 0 : i32
    %dma_start3A_498 = tpu.memref_slice %arg5[%dma_start3A_496, %dma_start3A_497] : memref<100001x64xf32, #tpu.memory_space<hbm>> -> memref<100001x64xf32, #tpu.memory_space<hbm>>
    tpu.enqueue_indirect_dma source(%dma_start3A_498 : memref<100001x64xf32, #tpu.memory_space<hbm>>) target(%dma_start3A_492 : memref<64x64xf32, #tpu.memory_space<vmem>>) offsets(%dma_start3A_495 : memref<64xi32, #tpu.memory_space<vmem>>) semaphore(%arg27 : memref<!tpu.dma_semaphore, #tpu.memory_space<semaphore_mem>>)
    %dma_start3A_499 = arith.constant 4 : i32
    %dma_start3A_500 = arith.constant 256 : i32
    %dma_start3A_501 = arith.constant 0 : i32
    %dma_start3A_502 = tpu.memref_slice %arg16[%dma_start3A_500, %dma_start3A_501] : memref<576x64xf32, #tpu.memory_space<vmem>> -> memref<64x64xf32, #tpu.memory_space<vmem>>
    %dma_start3A_503 = arith.constant 0 : i32
    %dma_start3A_504 = tpu.memref_slice %arg10[%dma_start3A_499, %dma_start3A_503] : memref<9x64xi32, #tpu.memory_space<vmem>> -> memref<1x64xi32, #tpu.memory_space<vmem>>
    %dma_start3A_505 = tpu.memref_squeeze %dma_start3A_504 : memref<1x64xi32, #tpu.memory_space<vmem>> -> memref<64xi32, #tpu.memory_space<vmem>>
    %dma_start3A_506 = arith.constant 0 : i32
    %dma_start3A_507 = arith.constant 0 : i32
    %dma_start3A_508 = tpu.memref_slice %arg5[%dma_start3A_506, %dma_start3A_507] : memref<100001x64xf32, #tpu.memory_space<hbm>> -> memref<100001x64xf32, #tpu.memory_space<hbm>>
    tpu.enqueue_indirect_dma source(%dma_start3A_508 : memref<100001x64xf32, #tpu.memory_space<hbm>>) target(%dma_start3A_502 : memref<64x64xf32, #tpu.memory_space<vmem>>) offsets(%dma_start3A_505 : memref<64xi32, #tpu.memory_space<vmem>>) semaphore(%arg27 : memref<!tpu.dma_semaphore, #tpu.memory_space<semaphore_mem>>)
    %dma_start3A_509 = arith.constant 5 : i32
    %dma_start3A_510 = arith.constant 320 : i32
    %dma_start3A_511 = arith.constant 0 : i32
    %dma_start3A_512 = tpu.memref_slice %arg16[%dma_start3A_510, %dma_start3A_511] : memref<576x64xf32, #tpu.memory_space<vmem>> -> memref<64x64xf32, #tpu.memory_space<vmem>>
    %dma_start3A_513 = arith.constant 0 : i32
    %dma_start3A_514 = tpu.memref_slice %arg10[%dma_start3A_509, %dma_start3A_513] : memref<9x64xi32, #tpu.memory_space<vmem>> -> memref<1x64xi32, #tpu.memory_space<vmem>>
    %dma_start3A_515 = tpu.memref_squeeze %dma_start3A_514 : memref<1x64xi32, #tpu.memory_space<vmem>> -> memref<64xi32, #tpu.memory_space<vmem>>
    %dma_start3A_516 = arith.constant 0 : i32
    %dma_start3A_517 = arith.constant 0 : i32
    %dma_start3A_518 = tpu.memref_slice %arg5[%dma_start3A_516, %dma_start3A_517] : memref<100001x64xf32, #tpu.memory_space<hbm>> -> memref<100001x64xf32, #tpu.memory_space<hbm>>
    tpu.enqueue_indirect_dma source(%dma_start3A_518 : memref<100001x64xf32, #tpu.memory_space<hbm>>) target(%dma_start3A_512 : memref<64x64xf32, #tpu.memory_space<vmem>>) offsets(%dma_start3A_515 : memref<64xi32, #tpu.memory_space<vmem>>) semaphore(%arg27 : memref<!tpu.dma_semaphore, #tpu.memory_space<semaphore_mem>>)
    %dma_start3A_519 = arith.constant 6 : i32
    %dma_start3A_520 = arith.constant 384 : i32
    %dma_start3A_521 = arith.constant 0 : i32
    %dma_start3A_522 = tpu.memref_slice %arg16[%dma_start3A_520, %dma_start3A_521] : memref<576x64xf32, #tpu.memory_space<vmem>> -> memref<64x64xf32, #tpu.memory_space<vmem>>
    %dma_start3A_523 = arith.constant 0 : i32
    %dma_start3A_524 = tpu.memref_slice %arg10[%dma_start3A_519, %dma_start3A_523] : memref<9x64xi32, #tpu.memory_space<vmem>> -> memref<1x64xi32, #tpu.memory_space<vmem>>
    %dma_start3A_525 = tpu.memref_squeeze %dma_start3A_524 : memref<1x64xi32, #tpu.memory_space<vmem>> -> memref<64xi32, #tpu.memory_space<vmem>>
    %dma_start3A_526 = arith.constant 0 : i32
    %dma_start3A_527 = arith.constant 0 : i32
    %dma_start3A_528 = tpu.memref_slice %arg5[%dma_start3A_526, %dma_start3A_527] : memref<100001x64xf32, #tpu.memory_space<hbm>> -> memref<100001x64xf32, #tpu.memory_space<hbm>>
    tpu.enqueue_indirect_dma source(%dma_start3A_528 : memref<100001x64xf32, #tpu.memory_space<hbm>>) target(%dma_start3A_522 : memref<64x64xf32, #tpu.memory_space<vmem>>) offsets(%dma_start3A_525 : memref<64xi32, #tpu.memory_space<vmem>>) semaphore(%arg27 : memref<!tpu.dma_semaphore, #tpu.memory_space<semaphore_mem>>)
    %dma_start3A_529 = arith.constant 7 : i32
    %dma_start3A_530 = arith.constant 448 : i32
    %dma_start3A_531 = arith.constant 0 : i32
    %dma_start3A_532 = tpu.memref_slice %arg16[%dma_start3A_530, %dma_start3A_531] : memref<576x64xf32, #tpu.memory_space<vmem>> -> memref<64x64xf32, #tpu.memory_space<vmem>>
    %dma_start3A_533 = arith.constant 0 : i32
    %dma_start3A_534 = tpu.memref_slice %arg10[%dma_start3A_529, %dma_start3A_533] : memref<9x64xi32, #tpu.memory_space<vmem>> -> memref<1x64xi32, #tpu.memory_space<vmem>>
    %dma_start3A_535 = tpu.memref_squeeze %dma_start3A_534 : memref<1x64xi32, #tpu.memory_space<vmem>> -> memref<64xi32, #tpu.memory_space<vmem>>
    %dma_start3A_536 = arith.constant 0 : i32
    %dma_start3A_537 = arith.constant 0 : i32
    %dma_start3A_538 = tpu.memref_slice %arg5[%dma_start3A_536, %dma_start3A_537] : memref<100001x64xf32, #tpu.memory_space<hbm>> -> memref<100001x64xf32, #tpu.memory_space<hbm>>
    tpu.enqueue_indirect_dma source(%dma_start3A_538 : memref<100001x64xf32, #tpu.memory_space<hbm>>) target(%dma_start3A_532 : memref<64x64xf32, #tpu.memory_space<vmem>>) offsets(%dma_start3A_535 : memref<64xi32, #tpu.memory_space<vmem>>) semaphore(%arg27 : memref<!tpu.dma_semaphore, #tpu.memory_space<semaphore_mem>>)
    %dma_start3A_539 = arith.constant 8 : i32
    %dma_start3A_540 = arith.constant 512 : i32
    %dma_start3A_541 = arith.constant 0 : i32
    %dma_start3A_542 = tpu.memref_slice %arg16[%dma_start3A_540, %dma_start3A_541] : memref<576x64xf32, #tpu.memory_space<vmem>> -> memref<64x64xf32, #tpu.memory_space<vmem>>
    %dma_start3A_543 = arith.constant 0 : i32
    %dma_start3A_544 = tpu.memref_slice %arg10[%dma_start3A_539, %dma_start3A_543] : memref<9x64xi32, #tpu.memory_space<vmem>> -> memref<1x64xi32, #tpu.memory_space<vmem>>
    %dma_start3A_545 = tpu.memref_squeeze %dma_start3A_544 : memref<1x64xi32, #tpu.memory_space<vmem>> -> memref<64xi32, #tpu.memory_space<vmem>>
    %dma_start3A_546 = arith.constant 0 : i32
    %dma_start3A_547 = arith.constant 0 : i32
    %dma_start3A_548 = tpu.memref_slice %arg5[%dma_start3A_546, %dma_start3A_547] : memref<100001x64xf32, #tpu.memory_space<hbm>> -> memref<100001x64xf32, #tpu.memory_space<hbm>>
    tpu.enqueue_indirect_dma source(%dma_start3A_548 : memref<100001x64xf32, #tpu.memory_space<hbm>>) target(%dma_start3A_542 : memref<64x64xf32, #tpu.memory_space<vmem>>) offsets(%dma_start3A_545 : memref<64xi32, #tpu.memory_space<vmem>>) semaphore(%arg27 : memref<!tpu.dma_semaphore, #tpu.memory_space<semaphore_mem>>)
    %dma_start3A_549 = arith.constant 0 : i32
    %dma_start3A_550 = arith.constant 0 : i32
    %dma_start3A_551 = tpu.memref_slice %arg6[%dma_start3A_549, %dma_start3A_550] : memref<512x64xf32, #tpu.memory_space<hbm>> -> memref<512x64xf32, #tpu.memory_space<hbm>>
    tpu.enqueue_indirect_dma source(%dma_start3A_551 : memref<512x64xf32, #tpu.memory_space<hbm>>) target(%arg18 : memref<64x64xf32, #tpu.memory_space<vmem>>) offsets(%arg12 : memref<64xi32, #tpu.memory_space<vmem>>) semaphore(%arg27 : memref<!tpu.dma_semaphore, #tpu.memory_space<semaphore_mem>>)
    %dma_start3A_552 = arith.constant 0 : i32
    %dma_start3A_553 = arith.constant 0 : i32
    %dma_start3A_554 = tpu.memref_slice %arg7[%dma_start3A_552, %dma_start3A_553] : memref<512x64xf32, #tpu.memory_space<hbm>> -> memref<512x64xf32, #tpu.memory_space<hbm>>
    tpu.enqueue_indirect_dma source(%dma_start3A_554 : memref<512x64xf32, #tpu.memory_space<hbm>>) target(%arg20 : memref<64x64xf32, #tpu.memory_space<vmem>>) offsets(%arg14 : memref<64xi32, #tpu.memory_space<vmem>>) semaphore(%arg27 : memref<!tpu.dma_semaphore, #tpu.memory_space<semaphore_mem>>)
    %scan3A = arith.constant 0 : i32
    %scan3A_555 = arith.constant 0 : i32
    %scan3A_556 = arith.constant 32 : i32
    %scan3A_557 = arith.addi %scan3A_555, %scan3A_556 : i32
    %scan3A_558 = arith.constant 1 : i32
    scf.for %scan3A_584 = %scan3A_555 to %scan3A_557 step %scan3A_558  : i32 {
      %mul3A_585 = arith.constant 2 : i32
      %mul3A_586 = arith.muli %mul3A_585, %scan3A_584 : i32
      %add3A_587 = arith.constant 0 : i32
      %add3A_588 = arith.addi %mul3A_586, %add3A_587 : i32
      %dma_wait3A_589 = arith.constant 0 : i32
      %dma_wait3A_590 = arith.constant 0 : i32
      %dma_wait3A_591 = arith.constant 0 : i32
      %dma_wait3A_592 = tpu.memref_slice %arg16[%dma_wait3A_590, %dma_wait3A_591] : memref<576x64xf32, #tpu.memory_space<vmem>> -> memref<64x64xf32, #tpu.memory_space<vmem>>
      %dma_wait3A_593 = arith.constant 0 : i32
      %dma_wait3A_594 = tpu.memref_slice %arg10[%dma_wait3A_589, %dma_wait3A_593] : memref<9x64xi32, #tpu.memory_space<vmem>> -> memref<1x64xi32, #tpu.memory_space<vmem>>
      %dma_wait3A_595 = tpu.memref_squeeze %dma_wait3A_594 : memref<1x64xi32, #tpu.memory_space<vmem>> -> memref<64xi32, #tpu.memory_space<vmem>>
      %dma_wait3A_596 = arith.constant 0 : i32
      %dma_wait3A_597 = arith.constant 0 : i32
      %dma_wait3A_598 = tpu.memref_slice %arg5[%dma_wait3A_596, %dma_wait3A_597] : memref<100001x64xf32, #tpu.memory_space<hbm>> -> memref<100001x64xf32, #tpu.memory_space<hbm>>
      tpu.wait_indirect_dma semaphore(%arg27 : memref<!tpu.dma_semaphore, #tpu.memory_space<semaphore_mem>>) src(%dma_wait3A_598 : memref<100001x64xf32, #tpu.memory_space<hbm>>) dst(%dma_wait3A_592 : memref<64x64xf32, #tpu.memory_space<vmem>>)
      %dma_wait3A_599 = arith.constant 1 : i32
      %dma_wait3A_600 = arith.constant 64 : i32
      %dma_wait3A_601 = arith.constant 0 : i32
      %dma_wait3A_602 = tpu.memref_slice %arg16[%dma_wait3A_600, %dma_wait3A_601] : memref<576x64xf32, #tpu.memory_space<vmem>> -> memref<64x64xf32, #tpu.memory_space<vmem>>
      %dma_wait3A_603 = arith.constant 0 : i32
      %dma_wait3A_604 = tpu.memref_slice %arg10[%dma_wait3A_599, %dma_wait3A_603] : memref<9x64xi32, #tpu.memory_space<vmem>> -> memref<1x64xi32, #tpu.memory_space<vmem>>
      %dma_wait3A_605 = tpu.memref_squeeze %dma_wait3A_604 : memref<1x64xi32, #tpu.memory_space<vmem>> -> memref<64xi32, #tpu.memory_space<vmem>>
      %dma_wait3A_606 = arith.constant 0 : i32
      %dma_wait3A_607 = arith.constant 0 : i32
      %dma_wait3A_608 = tpu.memref_slice %arg5[%dma_wait3A_606, %dma_wait3A_607] : memref<100001x64xf32, #tpu.memory_space<hbm>> -> memref<100001x64xf32, #tpu.memory_space<hbm>>
      tpu.wait_indirect_dma semaphore(%arg27 : memref<!tpu.dma_semaphore, #tpu.memory_space<semaphore_mem>>) src(%dma_wait3A_608 : memref<100001x64xf32, #tpu.memory_space<hbm>>) dst(%dma_wait3A_602 : memref<64x64xf32, #tpu.memory_space<vmem>>)
      %dma_wait3A_609 = arith.constant 2 : i32
      %dma_wait3A_610 = arith.constant 128 : i32
      %dma_wait3A_611 = arith.constant 0 : i32
      %dma_wait3A_612 = tpu.memref_slice %arg16[%dma_wait3A_610, %dma_wait3A_611] : memref<576x64xf32, #tpu.memory_space<vmem>> -> memref<64x64xf32, #tpu.memory_space<vmem>>
      %dma_wait3A_613 = arith.constant 0 : i32
      %dma_wait3A_614 = tpu.memref_slice %arg10[%dma_wait3A_609, %dma_wait3A_613] : memref<9x64xi32, #tpu.memory_space<vmem>> -> memref<1x64xi32, #tpu.memory_space<vmem>>
      %dma_wait3A_615 = tpu.memref_squeeze %dma_wait3A_614 : memref<1x64xi32, #tpu.memory_space<vmem>> -> memref<64xi32, #tpu.memory_space<vmem>>
      %dma_wait3A_616 = arith.constant 0 : i32
      %dma_wait3A_617 = arith.constant 0 : i32
      %dma_wait3A_618 = tpu.memref_slice %arg5[%dma_wait3A_616, %dma_wait3A_617] : memref<100001x64xf32, #tpu.memory_space<hbm>> -> memref<100001x64xf32, #tpu.memory_space<hbm>>
      tpu.wait_indirect_dma semaphore(%arg27 : memref<!tpu.dma_semaphore, #tpu.memory_space<semaphore_mem>>) src(%dma_wait3A_618 : memref<100001x64xf32, #tpu.memory_space<hbm>>) dst(%dma_wait3A_612 : memref<64x64xf32, #tpu.memory_space<vmem>>)
      %dma_wait3A_619 = arith.constant 3 : i32
      %dma_wait3A_620 = arith.constant 192 : i32
      %dma_wait3A_621 = arith.constant 0 : i32
      %dma_wait3A_622 = tpu.memref_slice %arg16[%dma_wait3A_620, %dma_wait3A_621] : memref<576x64xf32, #tpu.memory_space<vmem>> -> memref<64x64xf32, #tpu.memory_space<vmem>>
      %dma_wait3A_623 = arith.constant 0 : i32
      %dma_wait3A_624 = tpu.memref_slice %arg10[%dma_wait3A_619, %dma_wait3A_623] : memref<9x64xi32, #tpu.memory_space<vmem>> -> memref<1x64xi32, #tpu.memory_space<vmem>>
      %dma_wait3A_625 = tpu.memref_squeeze %dma_wait3A_624 : memref<1x64xi32, #tpu.memory_space<vmem>> -> memref<64xi32, #tpu.memory_space<vmem>>
      %dma_wait3A_626 = arith.constant 0 : i32
      %dma_wait3A_627 = arith.constant 0 : i32
      %dma_wait3A_628 = tpu.memref_slice %arg5[%dma_wait3A_626, %dma_wait3A_627] : memref<100001x64xf32, #tpu.memory_space<hbm>> -> memref<100001x64xf32, #tpu.memory_space<hbm>>
      tpu.wait_indirect_dma semaphore(%arg27 : memref<!tpu.dma_semaphore, #tpu.memory_space<semaphore_mem>>) src(%dma_wait3A_628 : memref<100001x64xf32, #tpu.memory_space<hbm>>) dst(%dma_wait3A_622 : memref<64x64xf32, #tpu.memory_space<vmem>>)
      %dma_wait3A_629 = arith.constant 4 : i32
      %dma_wait3A_630 = arith.constant 256 : i32
      %dma_wait3A_631 = arith.constant 0 : i32
      %dma_wait3A_632 = tpu.memref_slice %arg16[%dma_wait3A_630, %dma_wait3A_631] : memref<576x64xf32, #tpu.memory_space<vmem>> -> memref<64x64xf32, #tpu.memory_space<vmem>>
      %dma_wait3A_633 = arith.constant 0 : i32
      %dma_wait3A_634 = tpu.memref_slice %arg10[%dma_wait3A_629, %dma_wait3A_633] : memref<9x64xi32, #tpu.memory_space<vmem>> -> memref<1x64xi32, #tpu.memory_space<vmem>>
      %dma_wait3A_635 = tpu.memref_squeeze %dma_wait3A_634 : memref<1x64xi32, #tpu.memory_space<vmem>> -> memref<64xi32, #tpu.memory_space<vmem>>
      %dma_wait3A_636 = arith.constant 0 : i32
      %dma_wait3A_637 = arith.constant 0 : i32
      %dma_wait3A_638 = tpu.memref_slice %arg5[%dma_wait3A_636, %dma_wait3A_637] : memref<100001x64xf32, #tpu.memory_space<hbm>> -> memref<100001x64xf32, #tpu.memory_space<hbm>>
      tpu.wait_indirect_dma semaphore(%arg27 : memref<!tpu.dma_semaphore, #tpu.memory_space<semaphore_mem>>) src(%dma_wait3A_638 : memref<100001x64xf32, #tpu.memory_space<hbm>>) dst(%dma_wait3A_632 : memref<64x64xf32, #tpu.memory_space<vmem>>)
      %dma_wait3A_639 = arith.constant 5 : i32
      %dma_wait3A_640 = arith.constant 320 : i32
      %dma_wait3A_641 = arith.constant 0 : i32
      %dma_wait3A_642 = tpu.memref_slice %arg16[%dma_wait3A_640, %dma_wait3A_641] : memref<576x64xf32, #tpu.memory_space<vmem>> -> memref<64x64xf32, #tpu.memory_space<vmem>>
      %dma_wait3A_643 = arith.constant 0 : i32
      %dma_wait3A_644 = tpu.memref_slice %arg10[%dma_wait3A_639, %dma_wait3A_643] : memref<9x64xi32, #tpu.memory_space<vmem>> -> memref<1x64xi32, #tpu.memory_space<vmem>>
      %dma_wait3A_645 = tpu.memref_squeeze %dma_wait3A_644 : memref<1x64xi32, #tpu.memory_space<vmem>> -> memref<64xi32, #tpu.memory_space<vmem>>
      %dma_wait3A_646 = arith.constant 0 : i32
      %dma_wait3A_647 = arith.constant 0 : i32
      %dma_wait3A_648 = tpu.memref_slice %arg5[%dma_wait3A_646, %dma_wait3A_647] : memref<100001x64xf32, #tpu.memory_space<hbm>> -> memref<100001x64xf32, #tpu.memory_space<hbm>>
      tpu.wait_indirect_dma semaphore(%arg27 : memref<!tpu.dma_semaphore, #tpu.memory_space<semaphore_mem>>) src(%dma_wait3A_648 : memref<100001x64xf32, #tpu.memory_space<hbm>>) dst(%dma_wait3A_642 : memref<64x64xf32, #tpu.memory_space<vmem>>)
      %dma_wait3A_649 = arith.constant 6 : i32
      %dma_wait3A_650 = arith.constant 384 : i32
      %dma_wait3A_651 = arith.constant 0 : i32
      %dma_wait3A_652 = tpu.memref_slice %arg16[%dma_wait3A_650, %dma_wait3A_651] : memref<576x64xf32, #tpu.memory_space<vmem>> -> memref<64x64xf32, #tpu.memory_space<vmem>>
      %dma_wait3A_653 = arith.constant 0 : i32
      %dma_wait3A_654 = tpu.memref_slice %arg10[%dma_wait3A_649, %dma_wait3A_653] : memref<9x64xi32, #tpu.memory_space<vmem>> -> memref<1x64xi32, #tpu.memory_space<vmem>>
      %dma_wait3A_655 = tpu.memref_squeeze %dma_wait3A_654 : memref<1x64xi32, #tpu.memory_space<vmem>> -> memref<64xi32, #tpu.memory_space<vmem>>
      %dma_wait3A_656 = arith.constant 0 : i32
      %dma_wait3A_657 = arith.constant 0 : i32
      %dma_wait3A_658 = tpu.memref_slice %arg5[%dma_wait3A_656, %dma_wait3A_657] : memref<100001x64xf32, #tpu.memory_space<hbm>> -> memref<100001x64xf32, #tpu.memory_space<hbm>>
      tpu.wait_indirect_dma semaphore(%arg27 : memref<!tpu.dma_semaphore, #tpu.memory_space<semaphore_mem>>) src(%dma_wait3A_658 : memref<100001x64xf32, #tpu.memory_space<hbm>>) dst(%dma_wait3A_652 : memref<64x64xf32, #tpu.memory_space<vmem>>)
      %dma_wait3A_659 = arith.constant 7 : i32
      %dma_wait3A_660 = arith.constant 448 : i32
      %dma_wait3A_661 = arith.constant 0 : i32
      %dma_wait3A_662 = tpu.memref_slice %arg16[%dma_wait3A_660, %dma_wait3A_661] : memref<576x64xf32, #tpu.memory_space<vmem>> -> memref<64x64xf32, #tpu.memory_space<vmem>>
      %dma_wait3A_663 = arith.constant 0 : i32
      %dma_wait3A_664 = tpu.memref_slice %arg10[%dma_wait3A_659, %dma_wait3A_663] : memref<9x64xi32, #tpu.memory_space<vmem>> -> memref<1x64xi32, #tpu.memory_space<vmem>>
      %dma_wait3A_665 = tpu.memref_squeeze %dma_wait3A_664 : memref<1x64xi32, #tpu.memory_space<vmem>> -> memref<64xi32, #tpu.memory_space<vmem>>
      %dma_wait3A_666 = arith.constant 0 : i32
      %dma_wait3A_667 = arith.constant 0 : i32
      %dma_wait3A_668 = tpu.memref_slice %arg5[%dma_wait3A_666, %dma_wait3A_667] : memref<100001x64xf32, #tpu.memory_space<hbm>> -> memref<100001x64xf32, #tpu.memory_space<hbm>>
      tpu.wait_indirect_dma semaphore(%arg27 : memref<!tpu.dma_semaphore, #tpu.memory_space<semaphore_mem>>) src(%dma_wait3A_668 : memref<100001x64xf32, #tpu.memory_space<hbm>>) dst(%dma_wait3A_662 : memref<64x64xf32, #tpu.memory_space<vmem>>)
      %dma_wait3A_669 = arith.constant 8 : i32
      %dma_wait3A_670 = arith.constant 512 : i32
      %dma_wait3A_671 = arith.constant 0 : i32
      %dma_wait3A_672 = tpu.memref_slice %arg16[%dma_wait3A_670, %dma_wait3A_671] : memref<576x64xf32, #tpu.memory_space<vmem>> -> memref<64x64xf32, #tpu.memory_space<vmem>>
      %dma_wait3A_673 = arith.constant 0 : i32
      %dma_wait3A_674 = tpu.memref_slice %arg10[%dma_wait3A_669, %dma_wait3A_673] : memref<9x64xi32, #tpu.memory_space<vmem>> -> memref<1x64xi32, #tpu.memory_space<vmem>>
      %dma_wait3A_675 = tpu.memref_squeeze %dma_wait3A_674 : memref<1x64xi32, #tpu.memory_space<vmem>> -> memref<64xi32, #tpu.memory_space<vmem>>
      %dma_wait3A_676 = arith.constant 0 : i32
      %dma_wait3A_677 = arith.constant 0 : i32
      %dma_wait3A_678 = tpu.memref_slice %arg5[%dma_wait3A_676, %dma_wait3A_677] : memref<100001x64xf32, #tpu.memory_space<hbm>> -> memref<100001x64xf32, #tpu.memory_space<hbm>>
      tpu.wait_indirect_dma semaphore(%arg27 : memref<!tpu.dma_semaphore, #tpu.memory_space<semaphore_mem>>) src(%dma_wait3A_678 : memref<100001x64xf32, #tpu.memory_space<hbm>>) dst(%dma_wait3A_672 : memref<64x64xf32, #tpu.memory_space<vmem>>)
      %dma_wait3A_679 = arith.constant 0 : i32
      %dma_wait3A_680 = arith.constant 0 : i32
      %dma_wait3A_681 = tpu.memref_slice %arg6[%dma_wait3A_679, %dma_wait3A_680] : memref<512x64xf32, #tpu.memory_space<hbm>> -> memref<512x64xf32, #tpu.memory_space<hbm>>
      tpu.wait_indirect_dma semaphore(%arg27 : memref<!tpu.dma_semaphore, #tpu.memory_space<semaphore_mem>>) src(%dma_wait3A_681 : memref<512x64xf32, #tpu.memory_space<hbm>>) dst(%arg18 : memref<64x64xf32, #tpu.memory_space<vmem>>)
      %dma_wait3A_682 = arith.constant 0 : i32
      %dma_wait3A_683 = arith.constant 0 : i32
      %dma_wait3A_684 = tpu.memref_slice %arg7[%dma_wait3A_682, %dma_wait3A_683] : memref<512x64xf32, #tpu.memory_space<hbm>> -> memref<512x64xf32, #tpu.memory_space<hbm>>
      tpu.wait_indirect_dma semaphore(%arg27 : memref<!tpu.dma_semaphore, #tpu.memory_space<semaphore_mem>>) src(%dma_wait3A_684 : memref<512x64xf32, #tpu.memory_space<hbm>>) dst(%arg20 : memref<64x64xf32, #tpu.memory_space<vmem>>)
      %add3A_685 = arith.constant 2 : i32
      %add3A_686 = arith.addi %add3A_588, %add3A_685 : i32
      %lt3A = arith.constant 64 : i32
      %lt3A_687 = arith.cmpi slt, %add3A_686, %lt3A : i32
      %convert_element_type3A = arith.extui %lt3A_687 : i1 to i32
      %cond3A = arith.constant 0 : i32
      %cond3A_688 = arith.cmpi ne, %convert_element_type3A, %cond3A : i32
      scf.if %cond3A_688 {
        %add3A_853 = arith.constant 2 : i32
        %add3A_854 = arith.addi %add3A_588, %add3A_853 : i32
        %mul3A_855 = arith.constant 32 : i32
        %mul3A_856 = arith.muli %add3A, %mul3A_855 : i32
        %jit3A = arith.constant 2 : i32
        %div3A = arith.divsi %add3A_854, %jit3A : i32
        %sign3A = arith.constant 0 : i32
        %sign3A_857 = arith.cmpi sgt, %add3A_854, %sign3A : i32
        %sign3A_858 = arith.extui %sign3A_857 : i1 to i32
        %sign3A_859 = arith.constant 0 : i32
        %sign3A_860 = arith.cmpi slt, %add3A_854, %sign3A_859 : i32
        %sign3A_861 = arith.extui %sign3A_860 : i1 to i32
        %sign3A_862 = arith.subi %sign3A_858, %sign3A_861 : i32
        %sign3A_863 = arith.constant 0 : i32
        %sign3A_864 = arith.cmpi sgt, %jit3A, %sign3A_863 : i32
        %sign3A_865 = arith.extui %sign3A_864 : i1 to i32
        %sign3A_866 = arith.constant 0 : i32
        %sign3A_867 = arith.cmpi slt, %jit3A, %sign3A_866 : i32
        %sign3A_868 = arith.extui %sign3A_867 : i1 to i32
        %sign3A_869 = arith.subi %sign3A_865, %sign3A_868 : i32
        %ne3A = arith.cmpi ne, %sign3A_862, %sign3A_869 : i32
        %rem3A = arith.remsi %add3A_854, %jit3A : i32
        %ne3A_870 = arith.constant 0 : i32
        %ne3A_871 = arith.cmpi ne, %rem3A, %ne3A_870 : i32
        %and3A = arith.andi %ne3A, %ne3A_871 : i1
        %sub3A = arith.constant 1 : i32
        %sub3A_872 = arith.subi %div3A, %sub3A : i32
        %select_n3A = arith.select %and3A, %sub3A_872, %div3A : i32
        %add3A_873 = arith.addi %mul3A_856, %select_n3A : i32
        %jit3A_874 = arith.constant 2 : i32
        %eq3A = arith.constant 0 : i32
        %eq3A_875 = arith.cmpi eq, %jit3A_874, %eq3A : i32
        %jit3A_876 = arith.constant 1 : i32
        %select_n3A_877 = arith.select %eq3A_875, %jit3A_876, %jit3A_874 : i32
        %rem3A_878 = arith.remsi %add3A_854, %select_n3A_877 : i32
        %ne3A_879 = arith.constant 0 : i32
        %ne3A_880 = arith.cmpi ne, %rem3A_878, %ne3A_879 : i32
        %lt3A_881 = arith.constant 0 : i32
        %lt3A_882 = arith.cmpi slt, %rem3A_878, %lt3A_881 : i32
        %lt3A_883 = arith.constant 0 : i32
        %lt3A_884 = arith.cmpi slt, %select_n3A_877, %lt3A_883 : i32
        %ne3A_885 = arith.xori %lt3A_882, %lt3A_884 : i1
        %and3A_886 = arith.andi %ne3A_885, %ne3A_880 : i1
        %add3A_887 = arith.addi %rem3A_878, %select_n3A_877 : i32
        %select_n3A_888 = arith.select %and3A_886, %add3A_887, %rem3A_878 : i32
        %mul3A_889 = arith.constant 64 : i32
        %mul3A_890 = arith.muli %select_n3A_888, %mul3A_889 : i32
        %mul3A_891 = arith.constant 64 : i32
        %mul3A_892 = arith.muli %select_n3A_888, %mul3A_891 : i32
        %mul3A_893 = arith.constant 64 : i32
        %mul3A_894 = arith.muli %select_n3A_888, %mul3A_893 : i32
        %mul3A_895 = arith.constant 64 : i32
        %mul3A_896 = arith.muli %select_n3A_888, %mul3A_895 : i32
        %mul3A_897 = arith.constant 64 : i32
        %mul3A_898 = arith.muli %select_n3A_888, %mul3A_897 : i32
        %mul3A_899 = arith.constant 64 : i32
        %mul3A_900 = arith.muli %select_n3A_888, %mul3A_899 : i32
        %mul3A_901 = arith.constant 64 : i32
        %mul3A_902 = arith.muli %select_n3A_888, %mul3A_901 : i32
        %mul3A_903 = arith.constant 64 : i32
        %mul3A_904 = arith.muli %select_n3A_888, %mul3A_903 : i32
        %mul3A_905 = arith.constant 64 : i32
        %mul3A_906 = arith.muli %select_n3A_888, %mul3A_905 : i32
        %mul3A_907 = arith.constant 4096 : i32
        %mul3A_908 = arith.muli %add3A, %mul3A_907 : i32
        %mul3A_909 = arith.constant 64 : i32
        %mul3A_910 = arith.muli %add3A_854, %mul3A_909 : i32
        %add3A_911 = arith.addi %mul3A_908, %mul3A_910 : i32
        %mul3A_912 = arith.constant 4096 : i32
        %mul3A_913 = arith.muli %add3A, %mul3A_912 : i32
        %mul3A_914 = arith.constant 64 : i32
        %mul3A_915 = arith.muli %add3A_854, %mul3A_914 : i32
        %add3A_916 = arith.addi %mul3A_913, %mul3A_915 : i32
        %dma_start3A_917 = arith.constant 0 : i32
        %dma_start3A_918 = arith.constant 0 : i32
        %dma_start3A_919 = arith.constant 0 : i32
        %dma_start3A_920 = tpu.memref_slice %arg10[%dma_start3A_918, %dma_start3A_919] : memref<9x64xi32, #tpu.memory_space<vmem>> -> memref<1x64xi32, #tpu.memory_space<vmem>>
        %dma_start3A_921 = tpu.memref_squeeze %dma_start3A_920 : memref<1x64xi32, #tpu.memory_space<vmem>> -> memref<64xi32, #tpu.memory_space<vmem>>
        %dma_start3A_922 = tpu.memref_slice %arg2[%dma_start3A_917, %add3A_873, %mul3A_890] : memref<9x1024x128xi32, #tpu.memory_space<hbm>> -> memref<1x1x64xi32, #tpu.memory_space<hbm>>
        %dma_start3A_923 = tpu.memref_squeeze %dma_start3A_922 : memref<1x1x64xi32, #tpu.memory_space<hbm>> -> memref<64xi32, #tpu.memory_space<hbm>>
        %dma_start3A_924 = arith.constant 0 : i32
        %dma_start3A_925 = tpu.memref_slice %arg10[%dma_start3A_918, %dma_start3A_924] : memref<9x64xi32, #tpu.memory_space<vmem>> -> memref<1x64xi32, #tpu.memory_space<vmem>>
        %dma_start3A_926 = tpu.memref_squeeze %dma_start3A_925 : memref<1x64xi32, #tpu.memory_space<vmem>> -> memref<64xi32, #tpu.memory_space<vmem>>
        %dma_start3A_927 = tpu.memref_slice %arg2[%dma_start3A_917, %add3A_873, %mul3A_890] : memref<9x1024x128xi32, #tpu.memory_space<hbm>> -> memref<1x1x64xi32, #tpu.memory_space<hbm>>
        %dma_start3A_928 = tpu.memref_squeeze %dma_start3A_927 : memref<1x1x64xi32, #tpu.memory_space<hbm>> -> memref<64xi32, #tpu.memory_space<hbm>>
        tpu.enqueue_dma source(%dma_start3A_928 : memref<64xi32, #tpu.memory_space<hbm>>) target(%dma_start3A_926 : memref<64xi32, #tpu.memory_space<vmem>>) target_semaphore(%arg25 : memref<!tpu.dma_semaphore, #tpu.memory_space<semaphore_mem>>)
        %dma_start3A_929 = arith.constant 1 : i32
        %dma_start3A_930 = arith.constant 1 : i32
        %dma_start3A_931 = arith.constant 0 : i32
        %dma_start3A_932 = tpu.memref_slice %arg10[%dma_start3A_930, %dma_start3A_931] : memref<9x64xi32, #tpu.memory_space<vmem>> -> memref<1x64xi32, #tpu.memory_space<vmem>>
        %dma_start3A_933 = tpu.memref_squeeze %dma_start3A_932 : memref<1x64xi32, #tpu.memory_space<vmem>> -> memref<64xi32, #tpu.memory_space<vmem>>
        %dma_start3A_934 = tpu.memref_slice %arg2[%dma_start3A_929, %add3A_873, %mul3A_892] : memref<9x1024x128xi32, #tpu.memory_space<hbm>> -> memref<1x1x64xi32, #tpu.memory_space<hbm>>
        %dma_start3A_935 = tpu.memref_squeeze %dma_start3A_934 : memref<1x1x64xi32, #tpu.memory_space<hbm>> -> memref<64xi32, #tpu.memory_space<hbm>>
        %dma_start3A_936 = arith.constant 0 : i32
        %dma_start3A_937 = tpu.memref_slice %arg10[%dma_start3A_930, %dma_start3A_936] : memref<9x64xi32, #tpu.memory_space<vmem>> -> memref<1x64xi32, #tpu.memory_space<vmem>>
        %dma_start3A_938 = tpu.memref_squeeze %dma_start3A_937 : memref<1x64xi32, #tpu.memory_space<vmem>> -> memref<64xi32, #tpu.memory_space<vmem>>
        %dma_start3A_939 = tpu.memref_slice %arg2[%dma_start3A_929, %add3A_873, %mul3A_892] : memref<9x1024x128xi32, #tpu.memory_space<hbm>> -> memref<1x1x64xi32, #tpu.memory_space<hbm>>
        %dma_start3A_940 = tpu.memref_squeeze %dma_start3A_939 : memref<1x1x64xi32, #tpu.memory_space<hbm>> -> memref<64xi32, #tpu.memory_space<hbm>>
        tpu.enqueue_dma source(%dma_start3A_940 : memref<64xi32, #tpu.memory_space<hbm>>) target(%dma_start3A_938 : memref<64xi32, #tpu.memory_space<vmem>>) target_semaphore(%arg25 : memref<!tpu.dma_semaphore, #tpu.memory_space<semaphore_mem>>)
        %dma_start3A_941 = arith.constant 2 : i32
        %dma_start3A_942 = arith.constant 2 : i32
        %dma_start3A_943 = arith.constant 0 : i32
        %dma_start3A_944 = tpu.memref_slice %arg10[%dma_start3A_942, %dma_start3A_943] : memref<9x64xi32, #tpu.memory_space<vmem>> -> memref<1x64xi32, #tpu.memory_space<vmem>>
        %dma_start3A_945 = tpu.memref_squeeze %dma_start3A_944 : memref<1x64xi32, #tpu.memory_space<vmem>> -> memref<64xi32, #tpu.memory_space<vmem>>
        %dma_start3A_946 = tpu.memref_slice %arg2[%dma_start3A_941, %add3A_873, %mul3A_894] : memref<9x1024x128xi32, #tpu.memory_space<hbm>> -> memref<1x1x64xi32, #tpu.memory_space<hbm>>
        %dma_start3A_947 = tpu.memref_squeeze %dma_start3A_946 : memref<1x1x64xi32, #tpu.memory_space<hbm>> -> memref<64xi32, #tpu.memory_space<hbm>>
        %dma_start3A_948 = arith.constant 0 : i32
        %dma_start3A_949 = tpu.memref_slice %arg10[%dma_start3A_942, %dma_start3A_948] : memref<9x64xi32, #tpu.memory_space<vmem>> -> memref<1x64xi32, #tpu.memory_space<vmem>>
        %dma_start3A_950 = tpu.memref_squeeze %dma_start3A_949 : memref<1x64xi32, #tpu.memory_space<vmem>> -> memref<64xi32, #tpu.memory_space<vmem>>
        %dma_start3A_951 = tpu.memref_slice %arg2[%dma_start3A_941, %add3A_873, %mul3A_894] : memref<9x1024x128xi32, #tpu.memory_space<hbm>> -> memref<1x1x64xi32, #tpu.memory_space<hbm>>
        %dma_start3A_952 = tpu.memref_squeeze %dma_start3A_951 : memref<1x1x64xi32, #tpu.memory_space<hbm>> -> memref<64xi32, #tpu.memory_space<hbm>>
        tpu.enqueue_dma source(%dma_start3A_952 : memref<64xi32, #tpu.memory_space<hbm>>) target(%dma_start3A_950 : memref<64xi32, #tpu.memory_space<vmem>>) target_semaphore(%arg25 : memref<!tpu.dma_semaphore, #tpu.memory_space<semaphore_mem>>)
        %dma_start3A_953 = arith.constant 3 : i32
        %dma_start3A_954 = arith.constant 3 : i32
        %dma_start3A_955 = arith.constant 0 : i32
        %dma_start3A_956 = tpu.memref_slice %arg10[%dma_start3A_954, %dma_start3A_955] : memref<9x64xi32, #tpu.memory_space<vmem>> -> memref<1x64xi32, #tpu.memory_space<vmem>>
        %dma_start3A_957 = tpu.memref_squeeze %dma_start3A_956 : memref<1x64xi32, #tpu.memory_space<vmem>> -> memref<64xi32, #tpu.memory_space<vmem>>
        %dma_start3A_958 = tpu.memref_slice %arg2[%dma_start3A_953, %add3A_873, %mul3A_896] : memref<9x1024x128xi32, #tpu.memory_space<hbm>> -> memref<1x1x64xi32, #tpu.memory_space<hbm>>
        %dma_start3A_959 = tpu.memref_squeeze %dma_start3A_958 : memref<1x1x64xi32, #tpu.memory_space<hbm>> -> memref<64xi32, #tpu.memory_space<hbm>>
        %dma_start3A_960 = arith.constant 0 : i32
        %dma_start3A_961 = tpu.memref_slice %arg10[%dma_start3A_954, %dma_start3A_960] : memref<9x64xi32, #tpu.memory_space<vmem>> -> memref<1x64xi32, #tpu.memory_space<vmem>>
        %dma_start3A_962 = tpu.memref_squeeze %dma_start3A_961 : memref<1x64xi32, #tpu.memory_space<vmem>> -> memref<64xi32, #tpu.memory_space<vmem>>
        %dma_start3A_963 = tpu.memref_slice %arg2[%dma_start3A_953, %add3A_873, %mul3A_896] : memref<9x1024x128xi32, #tpu.memory_space<hbm>> -> memref<1x1x64xi32, #tpu.memory_space<hbm>>
        %dma_start3A_964 = tpu.memref_squeeze %dma_start3A_963 : memref<1x1x64xi32, #tpu.memory_space<hbm>> -> memref<64xi32, #tpu.memory_space<hbm>>
        tpu.enqueue_dma source(%dma_start3A_964 : memref<64xi32, #tpu.memory_space<hbm>>) target(%dma_start3A_962 : memref<64xi32, #tpu.memory_space<vmem>>) target_semaphore(%arg25 : memref<!tpu.dma_semaphore, #tpu.memory_space<semaphore_mem>>)
        %dma_start3A_965 = arith.constant 4 : i32
        %dma_start3A_966 = arith.constant 4 : i32
        %dma_start3A_967 = arith.constant 0 : i32
        %dma_start3A_968 = tpu.memref_slice %arg10[%dma_start3A_966, %dma_start3A_967] : memref<9x64xi32, #tpu.memory_space<vmem>> -> memref<1x64xi32, #tpu.memory_space<vmem>>
        %dma_start3A_969 = tpu.memref_squeeze %dma_start3A_968 : memref<1x64xi32, #tpu.memory_space<vmem>> -> memref<64xi32, #tpu.memory_space<vmem>>
        %dma_start3A_970 = tpu.memref_slice %arg2[%dma_start3A_965, %add3A_873, %mul3A_898] : memref<9x1024x128xi32, #tpu.memory_space<hbm>> -> memref<1x1x64xi32, #tpu.memory_space<hbm>>
        %dma_start3A_971 = tpu.memref_squeeze %dma_start3A_970 : memref<1x1x64xi32, #tpu.memory_space<hbm>> -> memref<64xi32, #tpu.memory_space<hbm>>
        %dma_start3A_972 = arith.constant 0 : i32
        %dma_start3A_973 = tpu.memref_slice %arg10[%dma_start3A_966, %dma_start3A_972] : memref<9x64xi32, #tpu.memory_space<vmem>> -> memref<1x64xi32, #tpu.memory_space<vmem>>
        %dma_start3A_974 = tpu.memref_squeeze %dma_start3A_973 : memref<1x64xi32, #tpu.memory_space<vmem>> -> memref<64xi32, #tpu.memory_space<vmem>>
        %dma_start3A_975 = tpu.memref_slice %arg2[%dma_start3A_965, %add3A_873, %mul3A_898] : memref<9x1024x128xi32, #tpu.memory_space<hbm>> -> memref<1x1x64xi32, #tpu.memory_space<hbm>>
        %dma_start3A_976 = tpu.memref_squeeze %dma_start3A_975 : memref<1x1x64xi32, #tpu.memory_space<hbm>> -> memref<64xi32, #tpu.memory_space<hbm>>
        tpu.enqueue_dma source(%dma_start3A_976 : memref<64xi32, #tpu.memory_space<hbm>>) target(%dma_start3A_974 : memref<64xi32, #tpu.memory_space<vmem>>) target_semaphore(%arg25 : memref<!tpu.dma_semaphore, #tpu.memory_space<semaphore_mem>>)
        %dma_start3A_977 = arith.constant 5 : i32
        %dma_start3A_978 = arith.constant 5 : i32
        %dma_start3A_979 = arith.constant 0 : i32
        %dma_start3A_980 = tpu.memref_slice %arg10[%dma_start3A_978, %dma_start3A_979] : memref<9x64xi32, #tpu.memory_space<vmem>> -> memref<1x64xi32, #tpu.memory_space<vmem>>
        %dma_start3A_981 = tpu.memref_squeeze %dma_start3A_980 : memref<1x64xi32, #tpu.memory_space<vmem>> -> memref<64xi32, #tpu.memory_space<vmem>>
        %dma_start3A_982 = tpu.memref_slice %arg2[%dma_start3A_977, %add3A_873, %mul3A_900] : memref<9x1024x128xi32, #tpu.memory_space<hbm>> -> memref<1x1x64xi32, #tpu.memory_space<hbm>>
        %dma_start3A_983 = tpu.memref_squeeze %dma_start3A_982 : memref<1x1x64xi32, #tpu.memory_space<hbm>> -> memref<64xi32, #tpu.memory_space<hbm>>
        %dma_start3A_984 = arith.constant 0 : i32
        %dma_start3A_985 = tpu.memref_slice %arg10[%dma_start3A_978, %dma_start3A_984] : memref<9x64xi32, #tpu.memory_space<vmem>> -> memref<1x64xi32, #tpu.memory_space<vmem>>
        %dma_start3A_986 = tpu.memref_squeeze %dma_start3A_985 : memref<1x64xi32, #tpu.memory_space<vmem>> -> memref<64xi32, #tpu.memory_space<vmem>>
        %dma_start3A_987 = tpu.memref_slice %arg2[%dma_start3A_977, %add3A_873, %mul3A_900] : memref<9x1024x128xi32, #tpu.memory_space<hbm>> -> memref<1x1x64xi32, #tpu.memory_space<hbm>>
        %dma_start3A_988 = tpu.memref_squeeze %dma_start3A_987 : memref<1x1x64xi32, #tpu.memory_space<hbm>> -> memref<64xi32, #tpu.memory_space<hbm>>
        tpu.enqueue_dma source(%dma_start3A_988 : memref<64xi32, #tpu.memory_space<hbm>>) target(%dma_start3A_986 : memref<64xi32, #tpu.memory_space<vmem>>) target_semaphore(%arg25 : memref<!tpu.dma_semaphore, #tpu.memory_space<semaphore_mem>>)
        %dma_start3A_989 = arith.constant 6 : i32
        %dma_start3A_990 = arith.constant 6 : i32
        %dma_start3A_991 = arith.constant 0 : i32
        %dma_start3A_992 = tpu.memref_slice %arg10[%dma_start3A_990, %dma_start3A_991] : memref<9x64xi32, #tpu.memory_space<vmem>> -> memref<1x64xi32, #tpu.memory_space<vmem>>
        %dma_start3A_993 = tpu.memref_squeeze %dma_start3A_992 : memref<1x64xi32, #tpu.memory_space<vmem>> -> memref<64xi32, #tpu.memory_space<vmem>>
        %dma_start3A_994 = tpu.memref_slice %arg2[%dma_start3A_989, %add3A_873, %mul3A_902] : memref<9x1024x128xi32, #tpu.memory_space<hbm>> -> memref<1x1x64xi32, #tpu.memory_space<hbm>>
        %dma_start3A_995 = tpu.memref_squeeze %dma_start3A_994 : memref<1x1x64xi32, #tpu.memory_space<hbm>> -> memref<64xi32, #tpu.memory_space<hbm>>
        %dma_start3A_996 = arith.constant 0 : i32
        %dma_start3A_997 = tpu.memref_slice %arg10[%dma_start3A_990, %dma_start3A_996] : memref<9x64xi32, #tpu.memory_space<vmem>> -> memref<1x64xi32, #tpu.memory_space<vmem>>
        %dma_start3A_998 = tpu.memref_squeeze %dma_start3A_997 : memref<1x64xi32, #tpu.memory_space<vmem>> -> memref<64xi32, #tpu.memory_space<vmem>>
        %dma_start3A_999 = tpu.memref_slice %arg2[%dma_start3A_989, %add3A_873, %mul3A_902] : memref<9x1024x128xi32, #tpu.memory_space<hbm>> -> memref<1x1x64xi32, #tpu.memory_space<hbm>>
        %dma_start3A_1000 = tpu.memref_squeeze %dma_start3A_999 : memref<1x1x64xi32, #tpu.memory_space<hbm>> -> memref<64xi32, #tpu.memory_space<hbm>>
        tpu.enqueue_dma source(%dma_start3A_1000 : memref<64xi32, #tpu.memory_space<hbm>>) target(%dma_start3A_998 : memref<64xi32, #tpu.memory_space<vmem>>) target_semaphore(%arg25 : memref<!tpu.dma_semaphore, #tpu.memory_space<semaphore_mem>>)
        %dma_start3A_1001 = arith.constant 7 : i32
        %dma_start3A_1002 = arith.constant 7 : i32
        %dma_start3A_1003 = arith.constant 0 : i32
        %dma_start3A_1004 = tpu.memref_slice %arg10[%dma_start3A_1002, %dma_start3A_1003] : memref<9x64xi32, #tpu.memory_space<vmem>> -> memref<1x64xi32, #tpu.memory_space<vmem>>
        %dma_start3A_1005 = tpu.memref_squeeze %dma_start3A_1004 : memref<1x64xi32, #tpu.memory_space<vmem>> -> memref<64xi32, #tpu.memory_space<vmem>>
        %dma_start3A_1006 = tpu.memref_slice %arg2[%dma_start3A_1001, %add3A_873, %mul3A_904] : memref<9x1024x128xi32, #tpu.memory_space<hbm>> -> memref<1x1x64xi32, #tpu.memory_space<hbm>>
        %dma_start3A_1007 = tpu.memref_squeeze %dma_start3A_1006 : memref<1x1x64xi32, #tpu.memory_space<hbm>> -> memref<64xi32, #tpu.memory_space<hbm>>
        %dma_start3A_1008 = arith.constant 0 : i32
        %dma_start3A_1009 = tpu.memref_slice %arg10[%dma_start3A_1002, %dma_start3A_1008] : memref<9x64xi32, #tpu.memory_space<vmem>> -> memref<1x64xi32, #tpu.memory_space<vmem>>
        %dma_start3A_1010 = tpu.memref_squeeze %dma_start3A_1009 : memref<1x64xi32, #tpu.memory_space<vmem>> -> memref<64xi32, #tpu.memory_space<vmem>>
        %dma_start3A_1011 = tpu.memref_slice %arg2[%dma_start3A_1001, %add3A_873, %mul3A_904] : memref<9x1024x128xi32, #tpu.memory_space<hbm>> -> memref<1x1x64xi32, #tpu.memory_space<hbm>>
        %dma_start3A_1012 = tpu.memref_squeeze %dma_start3A_1011 : memref<1x1x64xi32, #tpu.memory_space<hbm>> -> memref<64xi32, #tpu.memory_space<hbm>>
        tpu.enqueue_dma source(%dma_start3A_1012 : memref<64xi32, #tpu.memory_space<hbm>>) target(%dma_start3A_1010 : memref<64xi32, #tpu.memory_space<vmem>>) target_semaphore(%arg25 : memref<!tpu.dma_semaphore, #tpu.memory_space<semaphore_mem>>)
        %dma_start3A_1013 = arith.constant 8 : i32
        %dma_start3A_1014 = arith.constant 8 : i32
        %dma_start3A_1015 = arith.constant 0 : i32
        %dma_start3A_1016 = tpu.memref_slice %arg10[%dma_start3A_1014, %dma_start3A_1015] : memref<9x64xi32, #tpu.memory_space<vmem>> -> memref<1x64xi32, #tpu.memory_space<vmem>>
        %dma_start3A_1017 = tpu.memref_squeeze %dma_start3A_1016 : memref<1x64xi32, #tpu.memory_space<vmem>> -> memref<64xi32, #tpu.memory_space<vmem>>
        %dma_start3A_1018 = tpu.memref_slice %arg2[%dma_start3A_1013, %add3A_873, %mul3A_906] : memref<9x1024x128xi32, #tpu.memory_space<hbm>> -> memref<1x1x64xi32, #tpu.memory_space<hbm>>
        %dma_start3A_1019 = tpu.memref_squeeze %dma_start3A_1018 : memref<1x1x64xi32, #tpu.memory_space<hbm>> -> memref<64xi32, #tpu.memory_space<hbm>>
        %dma_start3A_1020 = arith.constant 0 : i32
        %dma_start3A_1021 = tpu.memref_slice %arg10[%dma_start3A_1014, %dma_start3A_1020] : memref<9x64xi32, #tpu.memory_space<vmem>> -> memref<1x64xi32, #tpu.memory_space<vmem>>
        %dma_start3A_1022 = tpu.memref_squeeze %dma_start3A_1021 : memref<1x64xi32, #tpu.memory_space<vmem>> -> memref<64xi32, #tpu.memory_space<vmem>>
        %dma_start3A_1023 = tpu.memref_slice %arg2[%dma_start3A_1013, %add3A_873, %mul3A_906] : memref<9x1024x128xi32, #tpu.memory_space<hbm>> -> memref<1x1x64xi32, #tpu.memory_space<hbm>>
        %dma_start3A_1024 = tpu.memref_squeeze %dma_start3A_1023 : memref<1x1x64xi32, #tpu.memory_space<hbm>> -> memref<64xi32, #tpu.memory_space<hbm>>
        tpu.enqueue_dma source(%dma_start3A_1024 : memref<64xi32, #tpu.memory_space<hbm>>) target(%dma_start3A_1022 : memref<64xi32, #tpu.memory_space<vmem>>) target_semaphore(%arg25 : memref<!tpu.dma_semaphore, #tpu.memory_space<semaphore_mem>>)
        %dma_start3A_1025 = tpu.memref_slice %arg3[%add3A_911] : memref<131072xi32, #tpu.memory_space<hbm>> -> memref<64xi32, #tpu.memory_space<hbm>>
        %dma_start3A_1026 = tpu.memref_slice %arg3[%add3A_911] : memref<131072xi32, #tpu.memory_space<hbm>> -> memref<64xi32, #tpu.memory_space<hbm>>
        tpu.enqueue_dma source(%dma_start3A_1026 : memref<64xi32, #tpu.memory_space<hbm>>) target(%arg12 : memref<64xi32, #tpu.memory_space<vmem>>) target_semaphore(%arg25 : memref<!tpu.dma_semaphore, #tpu.memory_space<semaphore_mem>>)
        %dma_start3A_1027 = tpu.memref_slice %arg4[%add3A_916] : memref<131072xi32, #tpu.memory_space<hbm>> -> memref<64xi32, #tpu.memory_space<hbm>>
        %dma_start3A_1028 = tpu.memref_slice %arg4[%add3A_916] : memref<131072xi32, #tpu.memory_space<hbm>> -> memref<64xi32, #tpu.memory_space<hbm>>
        tpu.enqueue_dma source(%dma_start3A_1028 : memref<64xi32, #tpu.memory_space<hbm>>) target(%arg14 : memref<64xi32, #tpu.memory_space<vmem>>) target_semaphore(%arg25 : memref<!tpu.dma_semaphore, #tpu.memory_space<semaphore_mem>>)
      } else {
      }
      %add3A_689 = arith.constant 1 : i32
      %add3A_690 = arith.addi %add3A_588, %add3A_689 : i32
      %lt3A_691 = arith.constant 64 : i32
      %lt3A_692 = arith.cmpi slt, %add3A_690, %lt3A_691 : i32
      %convert_element_type3A_693 = arith.extui %lt3A_692 : i1 to i32
      %cond3A_694 = arith.constant 0 : i32
      %cond3A_695 = arith.cmpi ne, %convert_element_type3A_693, %cond3A_694 : i32
      scf.if %cond3A_695 {
        %add3A_853 = arith.constant 1 : i32
        %add3A_854 = arith.addi %add3A_588, %add3A_853 : i32
        %mul3A_855 = arith.constant 32 : i32
        %mul3A_856 = arith.muli %add3A, %mul3A_855 : i32
        %jit3A = arith.constant 2 : i32
        %div3A = arith.divsi %add3A_854, %jit3A : i32
        %sign3A = arith.constant 0 : i32
        %sign3A_857 = arith.cmpi sgt, %add3A_854, %sign3A : i32
        %sign3A_858 = arith.extui %sign3A_857 : i1 to i32
        %sign3A_859 = arith.constant 0 : i32
        %sign3A_860 = arith.cmpi slt, %add3A_854, %sign3A_859 : i32
        %sign3A_861 = arith.extui %sign3A_860 : i1 to i32
        %sign3A_862 = arith.subi %sign3A_858, %sign3A_861 : i32
        %sign3A_863 = arith.constant 0 : i32
        %sign3A_864 = arith.cmpi sgt, %jit3A, %sign3A_863 : i32
        %sign3A_865 = arith.extui %sign3A_864 : i1 to i32
        %sign3A_866 = arith.constant 0 : i32
        %sign3A_867 = arith.cmpi slt, %jit3A, %sign3A_866 : i32
        %sign3A_868 = arith.extui %sign3A_867 : i1 to i32
        %sign3A_869 = arith.subi %sign3A_865, %sign3A_868 : i32
        %ne3A = arith.cmpi ne, %sign3A_862, %sign3A_869 : i32
        %rem3A = arith.remsi %add3A_854, %jit3A : i32
        %ne3A_870 = arith.constant 0 : i32
        %ne3A_871 = arith.cmpi ne, %rem3A, %ne3A_870 : i32
        %and3A = arith.andi %ne3A, %ne3A_871 : i1
        %sub3A = arith.constant 1 : i32
        %sub3A_872 = arith.subi %div3A, %sub3A : i32
        %select_n3A = arith.select %and3A, %sub3A_872, %div3A : i32
        %add3A_873 = arith.addi %mul3A_856, %select_n3A : i32
        %jit3A_874 = arith.constant 2 : i32
        %eq3A = arith.constant 0 : i32
        %eq3A_875 = arith.cmpi eq, %jit3A_874, %eq3A : i32
        %jit3A_876 = arith.constant 1 : i32
        %select_n3A_877 = arith.select %eq3A_875, %jit3A_876, %jit3A_874 : i32
        %rem3A_878 = arith.remsi %add3A_854, %select_n3A_877 : i32
        %ne3A_879 = arith.constant 0 : i32
        %ne3A_880 = arith.cmpi ne, %rem3A_878, %ne3A_879 : i32
        %lt3A_881 = arith.constant 0 : i32
        %lt3A_882 = arith.cmpi slt, %rem3A_878, %lt3A_881 : i32
        %lt3A_883 = arith.constant 0 : i32
        %lt3A_884 = arith.cmpi slt, %select_n3A_877, %lt3A_883 : i32
        %ne3A_885 = arith.xori %lt3A_882, %lt3A_884 : i1
        %and3A_886 = arith.andi %ne3A_885, %ne3A_880 : i1
        %add3A_887 = arith.addi %rem3A_878, %select_n3A_877 : i32
        %select_n3A_888 = arith.select %and3A_886, %add3A_887, %rem3A_878 : i32
        %mul3A_889 = arith.constant 64 : i32
        %mul3A_890 = arith.muli %select_n3A_888, %mul3A_889 : i32
        %mul3A_891 = arith.constant 64 : i32
        %mul3A_892 = arith.muli %select_n3A_888, %mul3A_891 : i32
        %mul3A_893 = arith.constant 64 : i32
        %mul3A_894 = arith.muli %select_n3A_888, %mul3A_893 : i32
        %mul3A_895 = arith.constant 64 : i32
        %mul3A_896 = arith.muli %select_n3A_888, %mul3A_895 : i32
        %mul3A_897 = arith.constant 64 : i32
        %mul3A_898 = arith.muli %select_n3A_888, %mul3A_897 : i32
        %mul3A_899 = arith.constant 64 : i32
        %mul3A_900 = arith.muli %select_n3A_888, %mul3A_899 : i32
        %mul3A_901 = arith.constant 64 : i32
        %mul3A_902 = arith.muli %select_n3A_888, %mul3A_901 : i32
        %mul3A_903 = arith.constant 64 : i32
        %mul3A_904 = arith.muli %select_n3A_888, %mul3A_903 : i32
        %mul3A_905 = arith.constant 64 : i32
        %mul3A_906 = arith.muli %select_n3A_888, %mul3A_905 : i32
        %mul3A_907 = arith.constant 4096 : i32
        %mul3A_908 = arith.muli %add3A, %mul3A_907 : i32
        %mul3A_909 = arith.constant 64 : i32
        %mul3A_910 = arith.muli %add3A_854, %mul3A_909 : i32
        %add3A_911 = arith.addi %mul3A_908, %mul3A_910 : i32
        %mul3A_912 = arith.constant 4096 : i32
        %mul3A_913 = arith.muli %add3A, %mul3A_912 : i32
        %mul3A_914 = arith.constant 64 : i32
        %mul3A_915 = arith.muli %add3A_854, %mul3A_914 : i32
        %add3A_916 = arith.addi %mul3A_913, %mul3A_915 : i32
        %dma_wait3A_917 = arith.constant 0 : i32
        %dma_wait3A_918 = arith.constant 0 : i32
        %dma_wait3A_919 = arith.constant 0 : i32
        %dma_wait3A_920 = tpu.memref_slice %arg11[%dma_wait3A_918, %dma_wait3A_919] : memref<9x64xi32, #tpu.memory_space<vmem>> -> memref<1x64xi32, #tpu.memory_space<vmem>>
        %dma_wait3A_921 = tpu.memref_squeeze %dma_wait3A_920 : memref<1x64xi32, #tpu.memory_space<vmem>> -> memref<64xi32, #tpu.memory_space<vmem>>
        %dma_wait3A_922 = tpu.memref_slice %arg2[%dma_wait3A_917, %add3A_873, %mul3A_890] : memref<9x1024x128xi32, #tpu.memory_space<hbm>> -> memref<1x1x64xi32, #tpu.memory_space<hbm>>
        %dma_wait3A_923 = tpu.memref_squeeze %dma_wait3A_922 : memref<1x1x64xi32, #tpu.memory_space<hbm>> -> memref<64xi32, #tpu.memory_space<hbm>>
        %dma_wait3A_924 = arith.constant 0 : i32
        %dma_wait3A_925 = tpu.memref_slice %arg11[%dma_wait3A_918, %dma_wait3A_924] : memref<9x64xi32, #tpu.memory_space<vmem>> -> memref<1x64xi32, #tpu.memory_space<vmem>>
        %dma_wait3A_926 = tpu.memref_squeeze %dma_wait3A_925 : memref<1x64xi32, #tpu.memory_space<vmem>> -> memref<64xi32, #tpu.memory_space<vmem>>
        %dma_wait3A_927 = tpu.memref_slice %arg2[%dma_wait3A_917, %add3A_873, %mul3A_890] : memref<9x1024x128xi32, #tpu.memory_space<hbm>> -> memref<1x1x64xi32, #tpu.memory_space<hbm>>
        %dma_wait3A_928 = tpu.memref_squeeze %dma_wait3A_927 : memref<1x1x64xi32, #tpu.memory_space<hbm>> -> memref<64xi32, #tpu.memory_space<hbm>>
        tpu.wait_dma2 semaphore(%arg26 : memref<!tpu.dma_semaphore, #tpu.memory_space<semaphore_mem>>) src(%dma_wait3A_928 : memref<64xi32, #tpu.memory_space<hbm>>) dst(%dma_wait3A_926 : memref<64xi32, #tpu.memory_space<vmem>>)
        %dma_wait3A_929 = arith.constant 1 : i32
        %dma_wait3A_930 = arith.constant 1 : i32
        %dma_wait3A_931 = arith.constant 0 : i32
        %dma_wait3A_932 = tpu.memref_slice %arg11[%dma_wait3A_930, %dma_wait3A_931] : memref<9x64xi32, #tpu.memory_space<vmem>> -> memref<1x64xi32, #tpu.memory_space<vmem>>
        %dma_wait3A_933 = tpu.memref_squeeze %dma_wait3A_932 : memref<1x64xi32, #tpu.memory_space<vmem>> -> memref<64xi32, #tpu.memory_space<vmem>>
        %dma_wait3A_934 = tpu.memref_slice %arg2[%dma_wait3A_929, %add3A_873, %mul3A_892] : memref<9x1024x128xi32, #tpu.memory_space<hbm>> -> memref<1x1x64xi32, #tpu.memory_space<hbm>>
        %dma_wait3A_935 = tpu.memref_squeeze %dma_wait3A_934 : memref<1x1x64xi32, #tpu.memory_space<hbm>> -> memref<64xi32, #tpu.memory_space<hbm>>
        %dma_wait3A_936 = arith.constant 0 : i32
        %dma_wait3A_937 = tpu.memref_slice %arg11[%dma_wait3A_930, %dma_wait3A_936] : memref<9x64xi32, #tpu.memory_space<vmem>> -> memref<1x64xi32, #tpu.memory_space<vmem>>
        %dma_wait3A_938 = tpu.memref_squeeze %dma_wait3A_937 : memref<1x64xi32, #tpu.memory_space<vmem>> -> memref<64xi32, #tpu.memory_space<vmem>>
        %dma_wait3A_939 = tpu.memref_slice %arg2[%dma_wait3A_929, %add3A_873, %mul3A_892] : memref<9x1024x128xi32, #tpu.memory_space<hbm>> -> memref<1x1x64xi32, #tpu.memory_space<hbm>>
        %dma_wait3A_940 = tpu.memref_squeeze %dma_wait3A_939 : memref<1x1x64xi32, #tpu.memory_space<hbm>> -> memref<64xi32, #tpu.memory_space<hbm>>
        tpu.wait_dma2 semaphore(%arg26 : memref<!tpu.dma_semaphore, #tpu.memory_space<semaphore_mem>>) src(%dma_wait3A_940 : memref<64xi32, #tpu.memory_space<hbm>>) dst(%dma_wait3A_938 : memref<64xi32, #tpu.memory_space<vmem>>)
        %dma_wait3A_941 = arith.constant 2 : i32
        %dma_wait3A_942 = arith.constant 2 : i32
        %dma_wait3A_943 = arith.constant 0 : i32
        %dma_wait3A_944 = tpu.memref_slice %arg11[%dma_wait3A_942, %dma_wait3A_943] : memref<9x64xi32, #tpu.memory_space<vmem>> -> memref<1x64xi32, #tpu.memory_space<vmem>>
        %dma_wait3A_945 = tpu.memref_squeeze %dma_wait3A_944 : memref<1x64xi32, #tpu.memory_space<vmem>> -> memref<64xi32, #tpu.memory_space<vmem>>
        %dma_wait3A_946 = tpu.memref_slice %arg2[%dma_wait3A_941, %add3A_873, %mul3A_894] : memref<9x1024x128xi32, #tpu.memory_space<hbm>> -> memref<1x1x64xi32, #tpu.memory_space<hbm>>
        %dma_wait3A_947 = tpu.memref_squeeze %dma_wait3A_946 : memref<1x1x64xi32, #tpu.memory_space<hbm>> -> memref<64xi32, #tpu.memory_space<hbm>>
        %dma_wait3A_948 = arith.constant 0 : i32
        %dma_wait3A_949 = tpu.memref_slice %arg11[%dma_wait3A_942, %dma_wait3A_948] : memref<9x64xi32, #tpu.memory_space<vmem>> -> memref<1x64xi32, #tpu.memory_space<vmem>>
        %dma_wait3A_950 = tpu.memref_squeeze %dma_wait3A_949 : memref<1x64xi32, #tpu.memory_space<vmem>> -> memref<64xi32, #tpu.memory_space<vmem>>
        %dma_wait3A_951 = tpu.memref_slice %arg2[%dma_wait3A_941, %add3A_873, %mul3A_894] : memref<9x1024x128xi32, #tpu.memory_space<hbm>> -> memref<1x1x64xi32, #tpu.memory_space<hbm>>
        %dma_wait3A_952 = tpu.memref_squeeze %dma_wait3A_951 : memref<1x1x64xi32, #tpu.memory_space<hbm>> -> memref<64xi32, #tpu.memory_space<hbm>>
        tpu.wait_dma2 semaphore(%arg26 : memref<!tpu.dma_semaphore, #tpu.memory_space<semaphore_mem>>) src(%dma_wait3A_952 : memref<64xi32, #tpu.memory_space<hbm>>) dst(%dma_wait3A_950 : memref<64xi32, #tpu.memory_space<vmem>>)
        %dma_wait3A_953 = arith.constant 3 : i32
        %dma_wait3A_954 = arith.constant 3 : i32
        %dma_wait3A_955 = arith.constant 0 : i32
        %dma_wait3A_956 = tpu.memref_slice %arg11[%dma_wait3A_954, %dma_wait3A_955] : memref<9x64xi32, #tpu.memory_space<vmem>> -> memref<1x64xi32, #tpu.memory_space<vmem>>
        %dma_wait3A_957 = tpu.memref_squeeze %dma_wait3A_956 : memref<1x64xi32, #tpu.memory_space<vmem>> -> memref<64xi32, #tpu.memory_space<vmem>>
        %dma_wait3A_958 = tpu.memref_slice %arg2[%dma_wait3A_953, %add3A_873, %mul3A_896] : memref<9x1024x128xi32, #tpu.memory_space<hbm>> -> memref<1x1x64xi32, #tpu.memory_space<hbm>>
        %dma_wait3A_959 = tpu.memref_squeeze %dma_wait3A_958 : memref<1x1x64xi32, #tpu.memory_space<hbm>> -> memref<64xi32, #tpu.memory_space<hbm>>
        %dma_wait3A_960 = arith.constant 0 : i32
        %dma_wait3A_961 = tpu.memref_slice %arg11[%dma_wait3A_954, %dma_wait3A_960] : memref<9x64xi32, #tpu.memory_space<vmem>> -> memref<1x64xi32, #tpu.memory_space<vmem>>
        %dma_wait3A_962 = tpu.memref_squeeze %dma_wait3A_961 : memref<1x64xi32, #tpu.memory_space<vmem>> -> memref<64xi32, #tpu.memory_space<vmem>>
        %dma_wait3A_963 = tpu.memref_slice %arg2[%dma_wait3A_953, %add3A_873, %mul3A_896] : memref<9x1024x128xi32, #tpu.memory_space<hbm>> -> memref<1x1x64xi32, #tpu.memory_space<hbm>>
        %dma_wait3A_964 = tpu.memref_squeeze %dma_wait3A_963 : memref<1x1x64xi32, #tpu.memory_space<hbm>> -> memref<64xi32, #tpu.memory_space<hbm>>
        tpu.wait_dma2 semaphore(%arg26 : memref<!tpu.dma_semaphore, #tpu.memory_space<semaphore_mem>>) src(%dma_wait3A_964 : memref<64xi32, #tpu.memory_space<hbm>>) dst(%dma_wait3A_962 : memref<64xi32, #tpu.memory_space<vmem>>)
        %dma_wait3A_965 = arith.constant 4 : i32
        %dma_wait3A_966 = arith.constant 4 : i32
        %dma_wait3A_967 = arith.constant 0 : i32
        %dma_wait3A_968 = tpu.memref_slice %arg11[%dma_wait3A_966, %dma_wait3A_967] : memref<9x64xi32, #tpu.memory_space<vmem>> -> memref<1x64xi32, #tpu.memory_space<vmem>>
        %dma_wait3A_969 = tpu.memref_squeeze %dma_wait3A_968 : memref<1x64xi32, #tpu.memory_space<vmem>> -> memref<64xi32, #tpu.memory_space<vmem>>
        %dma_wait3A_970 = tpu.memref_slice %arg2[%dma_wait3A_965, %add3A_873, %mul3A_898] : memref<9x1024x128xi32, #tpu.memory_space<hbm>> -> memref<1x1x64xi32, #tpu.memory_space<hbm>>
        %dma_wait3A_971 = tpu.memref_squeeze %dma_wait3A_970 : memref<1x1x64xi32, #tpu.memory_space<hbm>> -> memref<64xi32, #tpu.memory_space<hbm>>
        %dma_wait3A_972 = arith.constant 0 : i32
        %dma_wait3A_973 = tpu.memref_slice %arg11[%dma_wait3A_966, %dma_wait3A_972] : memref<9x64xi32, #tpu.memory_space<vmem>> -> memref<1x64xi32, #tpu.memory_space<vmem>>
        %dma_wait3A_974 = tpu.memref_squeeze %dma_wait3A_973 : memref<1x64xi32, #tpu.memory_space<vmem>> -> memref<64xi32, #tpu.memory_space<vmem>>
        %dma_wait3A_975 = tpu.memref_slice %arg2[%dma_wait3A_965, %add3A_873, %mul3A_898] : memref<9x1024x128xi32, #tpu.memory_space<hbm>> -> memref<1x1x64xi32, #tpu.memory_space<hbm>>
        %dma_wait3A_976 = tpu.memref_squeeze %dma_wait3A_975 : memref<1x1x64xi32, #tpu.memory_space<hbm>> -> memref<64xi32, #tpu.memory_space<hbm>>
        tpu.wait_dma2 semaphore(%arg26 : memref<!tpu.dma_semaphore, #tpu.memory_space<semaphore_mem>>) src(%dma_wait3A_976 : memref<64xi32, #tpu.memory_space<hbm>>) dst(%dma_wait3A_974 : memref<64xi32, #tpu.memory_space<vmem>>)
        %dma_wait3A_977 = arith.constant 5 : i32
        %dma_wait3A_978 = arith.constant 5 : i32
        %dma_wait3A_979 = arith.constant 0 : i32
        %dma_wait3A_980 = tpu.memref_slice %arg11[%dma_wait3A_978, %dma_wait3A_979] : memref<9x64xi32, #tpu.memory_space<vmem>> -> memref<1x64xi32, #tpu.memory_space<vmem>>
        %dma_wait3A_981 = tpu.memref_squeeze %dma_wait3A_980 : memref<1x64xi32, #tpu.memory_space<vmem>> -> memref<64xi32, #tpu.memory_space<vmem>>
        %dma_wait3A_982 = tpu.memref_slice %arg2[%dma_wait3A_977, %add3A_873, %mul3A_900] : memref<9x1024x128xi32, #tpu.memory_space<hbm>> -> memref<1x1x64xi32, #tpu.memory_space<hbm>>
        %dma_wait3A_983 = tpu.memref_squeeze %dma_wait3A_982 : memref<1x1x64xi32, #tpu.memory_space<hbm>> -> memref<64xi32, #tpu.memory_space<hbm>>
        %dma_wait3A_984 = arith.constant 0 : i32
        %dma_wait3A_985 = tpu.memref_slice %arg11[%dma_wait3A_978, %dma_wait3A_984] : memref<9x64xi32, #tpu.memory_space<vmem>> -> memref<1x64xi32, #tpu.memory_space<vmem>>
        %dma_wait3A_986 = tpu.memref_squeeze %dma_wait3A_985 : memref<1x64xi32, #tpu.memory_space<vmem>> -> memref<64xi32, #tpu.memory_space<vmem>>
        %dma_wait3A_987 = tpu.memref_slice %arg2[%dma_wait3A_977, %add3A_873, %mul3A_900] : memref<9x1024x128xi32, #tpu.memory_space<hbm>> -> memref<1x1x64xi32, #tpu.memory_space<hbm>>
        %dma_wait3A_988 = tpu.memref_squeeze %dma_wait3A_987 : memref<1x1x64xi32, #tpu.memory_space<hbm>> -> memref<64xi32, #tpu.memory_space<hbm>>
        tpu.wait_dma2 semaphore(%arg26 : memref<!tpu.dma_semaphore, #tpu.memory_space<semaphore_mem>>) src(%dma_wait3A_988 : memref<64xi32, #tpu.memory_space<hbm>>) dst(%dma_wait3A_986 : memref<64xi32, #tpu.memory_space<vmem>>)
        %dma_wait3A_989 = arith.constant 6 : i32
        %dma_wait3A_990 = arith.constant 6 : i32
        %dma_wait3A_991 = arith.constant 0 : i32
        %dma_wait3A_992 = tpu.memref_slice %arg11[%dma_wait3A_990, %dma_wait3A_991] : memref<9x64xi32, #tpu.memory_space<vmem>> -> memref<1x64xi32, #tpu.memory_space<vmem>>
        %dma_wait3A_993 = tpu.memref_squeeze %dma_wait3A_992 : memref<1x64xi32, #tpu.memory_space<vmem>> -> memref<64xi32, #tpu.memory_space<vmem>>
        %dma_wait3A_994 = tpu.memref_slice %arg2[%dma_wait3A_989, %add3A_873, %mul3A_902] : memref<9x1024x128xi32, #tpu.memory_space<hbm>> -> memref<1x1x64xi32, #tpu.memory_space<hbm>>
        %dma_wait3A_995 = tpu.memref_squeeze %dma_wait3A_994 : memref<1x1x64xi32, #tpu.memory_space<hbm>> -> memref<64xi32, #tpu.memory_space<hbm>>
        %dma_wait3A_996 = arith.constant 0 : i32
        %dma_wait3A_997 = tpu.memref_slice %arg11[%dma_wait3A_990, %dma_wait3A_996] : memref<9x64xi32, #tpu.memory_space<vmem>> -> memref<1x64xi32, #tpu.memory_space<vmem>>
        %dma_wait3A_998 = tpu.memref_squeeze %dma_wait3A_997 : memref<1x64xi32, #tpu.memory_space<vmem>> -> memref<64xi32, #tpu.memory_space<vmem>>
        %dma_wait3A_999 = tpu.memref_slice %arg2[%dma_wait3A_989, %add3A_873, %mul3A_902] : memref<9x1024x128xi32, #tpu.memory_space<hbm>> -> memref<1x1x64xi32, #tpu.memory_space<hbm>>
        %dma_wait3A_1000 = tpu.memref_squeeze %dma_wait3A_999 : memref<1x1x64xi32, #tpu.memory_space<hbm>> -> memref<64xi32, #tpu.memory_space<hbm>>
        tpu.wait_dma2 semaphore(%arg26 : memref<!tpu.dma_semaphore, #tpu.memory_space<semaphore_mem>>) src(%dma_wait3A_1000 : memref<64xi32, #tpu.memory_space<hbm>>) dst(%dma_wait3A_998 : memref<64xi32, #tpu.memory_space<vmem>>)
        %dma_wait3A_1001 = arith.constant 7 : i32
        %dma_wait3A_1002 = arith.constant 7 : i32
        %dma_wait3A_1003 = arith.constant 0 : i32
        %dma_wait3A_1004 = tpu.memref_slice %arg11[%dma_wait3A_1002, %dma_wait3A_1003] : memref<9x64xi32, #tpu.memory_space<vmem>> -> memref<1x64xi32, #tpu.memory_space<vmem>>
        %dma_wait3A_1005 = tpu.memref_squeeze %dma_wait3A_1004 : memref<1x64xi32, #tpu.memory_space<vmem>> -> memref<64xi32, #tpu.memory_space<vmem>>
        %dma_wait3A_1006 = tpu.memref_slice %arg2[%dma_wait3A_1001, %add3A_873, %mul3A_904] : memref<9x1024x128xi32, #tpu.memory_space<hbm>> -> memref<1x1x64xi32, #tpu.memory_space<hbm>>
        %dma_wait3A_1007 = tpu.memref_squeeze %dma_wait3A_1006 : memref<1x1x64xi32, #tpu.memory_space<hbm>> -> memref<64xi32, #tpu.memory_space<hbm>>
        %dma_wait3A_1008 = arith.constant 0 : i32
        %dma_wait3A_1009 = tpu.memref_slice %arg11[%dma_wait3A_1002, %dma_wait3A_1008] : memref<9x64xi32, #tpu.memory_space<vmem>> -> memref<1x64xi32, #tpu.memory_space<vmem>>
        %dma_wait3A_1010 = tpu.memref_squeeze %dma_wait3A_1009 : memref<1x64xi32, #tpu.memory_space<vmem>> -> memref<64xi32, #tpu.memory_space<vmem>>
        %dma_wait3A_1011 = tpu.memref_slice %arg2[%dma_wait3A_1001, %add3A_873, %mul3A_904] : memref<9x1024x128xi32, #tpu.memory_space<hbm>> -> memref<1x1x64xi32, #tpu.memory_space<hbm>>
        %dma_wait3A_1012 = tpu.memref_squeeze %dma_wait3A_1011 : memref<1x1x64xi32, #tpu.memory_space<hbm>> -> memref<64xi32, #tpu.memory_space<hbm>>
        tpu.wait_dma2 semaphore(%arg26 : memref<!tpu.dma_semaphore, #tpu.memory_space<semaphore_mem>>) src(%dma_wait3A_1012 : memref<64xi32, #tpu.memory_space<hbm>>) dst(%dma_wait3A_1010 : memref<64xi32, #tpu.memory_space<vmem>>)
        %dma_wait3A_1013 = arith.constant 8 : i32
        %dma_wait3A_1014 = arith.constant 8 : i32
        %dma_wait3A_1015 = arith.constant 0 : i32
        %dma_wait3A_1016 = tpu.memref_slice %arg11[%dma_wait3A_1014, %dma_wait3A_1015] : memref<9x64xi32, #tpu.memory_space<vmem>> -> memref<1x64xi32, #tpu.memory_space<vmem>>
        %dma_wait3A_1017 = tpu.memref_squeeze %dma_wait3A_1016 : memref<1x64xi32, #tpu.memory_space<vmem>> -> memref<64xi32, #tpu.memory_space<vmem>>
        %dma_wait3A_1018 = tpu.memref_slice %arg2[%dma_wait3A_1013, %add3A_873, %mul3A_906] : memref<9x1024x128xi32, #tpu.memory_space<hbm>> -> memref<1x1x64xi32, #tpu.memory_space<hbm>>
        %dma_wait3A_1019 = tpu.memref_squeeze %dma_wait3A_1018 : memref<1x1x64xi32, #tpu.memory_space<hbm>> -> memref<64xi32, #tpu.memory_space<hbm>>
        %dma_wait3A_1020 = arith.constant 0 : i32
        %dma_wait3A_1021 = tpu.memref_slice %arg11[%dma_wait3A_1014, %dma_wait3A_1020] : memref<9x64xi32, #tpu.memory_space<vmem>> -> memref<1x64xi32, #tpu.memory_space<vmem>>
        %dma_wait3A_1022 = tpu.memref_squeeze %dma_wait3A_1021 : memref<1x64xi32, #tpu.memory_space<vmem>> -> memref<64xi32, #tpu.memory_space<vmem>>
        %dma_wait3A_1023 = tpu.memref_slice %arg2[%dma_wait3A_1013, %add3A_873, %mul3A_906] : memref<9x1024x128xi32, #tpu.memory_space<hbm>> -> memref<1x1x64xi32, #tpu.memory_space<hbm>>
        %dma_wait3A_1024 = tpu.memref_squeeze %dma_wait3A_1023 : memref<1x1x64xi32, #tpu.memory_space<hbm>> -> memref<64xi32, #tpu.memory_space<hbm>>
        tpu.wait_dma2 semaphore(%arg26 : memref<!tpu.dma_semaphore, #tpu.memory_space<semaphore_mem>>) src(%dma_wait3A_1024 : memref<64xi32, #tpu.memory_space<hbm>>) dst(%dma_wait3A_1022 : memref<64xi32, #tpu.memory_space<vmem>>)
        %dma_wait3A_1025 = tpu.memref_slice %arg3[%add3A_911] : memref<131072xi32, #tpu.memory_space<hbm>> -> memref<64xi32, #tpu.memory_space<hbm>>
        %dma_wait3A_1026 = tpu.memref_slice %arg3[%add3A_911] : memref<131072xi32, #tpu.memory_space<hbm>> -> memref<64xi32, #tpu.memory_space<hbm>>
        tpu.wait_dma2 semaphore(%arg26 : memref<!tpu.dma_semaphore, #tpu.memory_space<semaphore_mem>>) src(%dma_wait3A_1026 : memref<64xi32, #tpu.memory_space<hbm>>) dst(%arg13 : memref<64xi32, #tpu.memory_space<vmem>>)
        %dma_wait3A_1027 = tpu.memref_slice %arg4[%add3A_916] : memref<131072xi32, #tpu.memory_space<hbm>> -> memref<64xi32, #tpu.memory_space<hbm>>
        %dma_wait3A_1028 = tpu.memref_slice %arg4[%add3A_916] : memref<131072xi32, #tpu.memory_space<hbm>> -> memref<64xi32, #tpu.memory_space<hbm>>
        tpu.wait_dma2 semaphore(%arg26 : memref<!tpu.dma_semaphore, #tpu.memory_space<semaphore_mem>>) src(%dma_wait3A_1028 : memref<64xi32, #tpu.memory_space<hbm>>) dst(%arg15 : memref<64xi32, #tpu.memory_space<vmem>>)
        %dma_start3A_1029 = arith.constant 0 : i32
        %dma_start3A_1030 = arith.constant 0 : i32
        %dma_start3A_1031 = arith.constant 0 : i32
        %dma_start3A_1032 = tpu.memref_slice %arg17[%dma_start3A_1030, %dma_start3A_1031] : memref<576x64xf32, #tpu.memory_space<vmem>> -> memref<64x64xf32, #tpu.memory_space<vmem>>
        %dma_start3A_1033 = arith.constant 0 : i32
        %dma_start3A_1034 = tpu.memref_slice %arg11[%dma_start3A_1029, %dma_start3A_1033] : memref<9x64xi32, #tpu.memory_space<vmem>> -> memref<1x64xi32, #tpu.memory_space<vmem>>
        %dma_start3A_1035 = tpu.memref_squeeze %dma_start3A_1034 : memref<1x64xi32, #tpu.memory_space<vmem>> -> memref<64xi32, #tpu.memory_space<vmem>>
        %dma_start3A_1036 = arith.constant 0 : i32
        %dma_start3A_1037 = arith.constant 0 : i32
        %dma_start3A_1038 = tpu.memref_slice %arg5[%dma_start3A_1036, %dma_start3A_1037] : memref<100001x64xf32, #tpu.memory_space<hbm>> -> memref<100001x64xf32, #tpu.memory_space<hbm>>
        tpu.enqueue_indirect_dma source(%dma_start3A_1038 : memref<100001x64xf32, #tpu.memory_space<hbm>>) target(%dma_start3A_1032 : memref<64x64xf32, #tpu.memory_space<vmem>>) offsets(%dma_start3A_1035 : memref<64xi32, #tpu.memory_space<vmem>>) semaphore(%arg28 : memref<!tpu.dma_semaphore, #tpu.memory_space<semaphore_mem>>)
        %dma_start3A_1039 = arith.constant 1 : i32
        %dma_start3A_1040 = arith.constant 64 : i32
        %dma_start3A_1041 = arith.constant 0 : i32
        %dma_start3A_1042 = tpu.memref_slice %arg17[%dma_start3A_1040, %dma_start3A_1041] : memref<576x64xf32, #tpu.memory_space<vmem>> -> memref<64x64xf32, #tpu.memory_space<vmem>>
        %dma_start3A_1043 = arith.constant 0 : i32
        %dma_start3A_1044 = tpu.memref_slice %arg11[%dma_start3A_1039, %dma_start3A_1043] : memref<9x64xi32, #tpu.memory_space<vmem>> -> memref<1x64xi32, #tpu.memory_space<vmem>>
        %dma_start3A_1045 = tpu.memref_squeeze %dma_start3A_1044 : memref<1x64xi32, #tpu.memory_space<vmem>> -> memref<64xi32, #tpu.memory_space<vmem>>
        %dma_start3A_1046 = arith.constant 0 : i32
        %dma_start3A_1047 = arith.constant 0 : i32
        %dma_start3A_1048 = tpu.memref_slice %arg5[%dma_start3A_1046, %dma_start3A_1047] : memref<100001x64xf32, #tpu.memory_space<hbm>> -> memref<100001x64xf32, #tpu.memory_space<hbm>>
        tpu.enqueue_indirect_dma source(%dma_start3A_1048 : memref<100001x64xf32, #tpu.memory_space<hbm>>) target(%dma_start3A_1042 : memref<64x64xf32, #tpu.memory_space<vmem>>) offsets(%dma_start3A_1045 : memref<64xi32, #tpu.memory_space<vmem>>) semaphore(%arg28 : memref<!tpu.dma_semaphore, #tpu.memory_space<semaphore_mem>>)
        %dma_start3A_1049 = arith.constant 2 : i32
        %dma_start3A_1050 = arith.constant 128 : i32
        %dma_start3A_1051 = arith.constant 0 : i32
        %dma_start3A_1052 = tpu.memref_slice %arg17[%dma_start3A_1050, %dma_start3A_1051] : memref<576x64xf32, #tpu.memory_space<vmem>> -> memref<64x64xf32, #tpu.memory_space<vmem>>
        %dma_start3A_1053 = arith.constant 0 : i32
        %dma_start3A_1054 = tpu.memref_slice %arg11[%dma_start3A_1049, %dma_start3A_1053] : memref<9x64xi32, #tpu.memory_space<vmem>> -> memref<1x64xi32, #tpu.memory_space<vmem>>
        %dma_start3A_1055 = tpu.memref_squeeze %dma_start3A_1054 : memref<1x64xi32, #tpu.memory_space<vmem>> -> memref<64xi32, #tpu.memory_space<vmem>>
        %dma_start3A_1056 = arith.constant 0 : i32
        %dma_start3A_1057 = arith.constant 0 : i32
        %dma_start3A_1058 = tpu.memref_slice %arg5[%dma_start3A_1056, %dma_start3A_1057] : memref<100001x64xf32, #tpu.memory_space<hbm>> -> memref<100001x64xf32, #tpu.memory_space<hbm>>
        tpu.enqueue_indirect_dma source(%dma_start3A_1058 : memref<100001x64xf32, #tpu.memory_space<hbm>>) target(%dma_start3A_1052 : memref<64x64xf32, #tpu.memory_space<vmem>>) offsets(%dma_start3A_1055 : memref<64xi32, #tpu.memory_space<vmem>>) semaphore(%arg28 : memref<!tpu.dma_semaphore, #tpu.memory_space<semaphore_mem>>)
        %dma_start3A_1059 = arith.constant 3 : i32
        %dma_start3A_1060 = arith.constant 192 : i32
        %dma_start3A_1061 = arith.constant 0 : i32
        %dma_start3A_1062 = tpu.memref_slice %arg17[%dma_start3A_1060, %dma_start3A_1061] : memref<576x64xf32, #tpu.memory_space<vmem>> -> memref<64x64xf32, #tpu.memory_space<vmem>>
        %dma_start3A_1063 = arith.constant 0 : i32
        %dma_start3A_1064 = tpu.memref_slice %arg11[%dma_start3A_1059, %dma_start3A_1063] : memref<9x64xi32, #tpu.memory_space<vmem>> -> memref<1x64xi32, #tpu.memory_space<vmem>>
        %dma_start3A_1065 = tpu.memref_squeeze %dma_start3A_1064 : memref<1x64xi32, #tpu.memory_space<vmem>> -> memref<64xi32, #tpu.memory_space<vmem>>
        %dma_start3A_1066 = arith.constant 0 : i32
        %dma_start3A_1067 = arith.constant 0 : i32
        %dma_start3A_1068 = tpu.memref_slice %arg5[%dma_start3A_1066, %dma_start3A_1067] : memref<100001x64xf32, #tpu.memory_space<hbm>> -> memref<100001x64xf32, #tpu.memory_space<hbm>>
        tpu.enqueue_indirect_dma source(%dma_start3A_1068 : memref<100001x64xf32, #tpu.memory_space<hbm>>) target(%dma_start3A_1062 : memref<64x64xf32, #tpu.memory_space<vmem>>) offsets(%dma_start3A_1065 : memref<64xi32, #tpu.memory_space<vmem>>) semaphore(%arg28 : memref<!tpu.dma_semaphore, #tpu.memory_space<semaphore_mem>>)
        %dma_start3A_1069 = arith.constant 4 : i32
        %dma_start3A_1070 = arith.constant 256 : i32
        %dma_start3A_1071 = arith.constant 0 : i32
        %dma_start3A_1072 = tpu.memref_slice %arg17[%dma_start3A_1070, %dma_start3A_1071] : memref<576x64xf32, #tpu.memory_space<vmem>> -> memref<64x64xf32, #tpu.memory_space<vmem>>
        %dma_start3A_1073 = arith.constant 0 : i32
        %dma_start3A_1074 = tpu.memref_slice %arg11[%dma_start3A_1069, %dma_start3A_1073] : memref<9x64xi32, #tpu.memory_space<vmem>> -> memref<1x64xi32, #tpu.memory_space<vmem>>
        %dma_start3A_1075 = tpu.memref_squeeze %dma_start3A_1074 : memref<1x64xi32, #tpu.memory_space<vmem>> -> memref<64xi32, #tpu.memory_space<vmem>>
        %dma_start3A_1076 = arith.constant 0 : i32
        %dma_start3A_1077 = arith.constant 0 : i32
        %dma_start3A_1078 = tpu.memref_slice %arg5[%dma_start3A_1076, %dma_start3A_1077] : memref<100001x64xf32, #tpu.memory_space<hbm>> -> memref<100001x64xf32, #tpu.memory_space<hbm>>
        tpu.enqueue_indirect_dma source(%dma_start3A_1078 : memref<100001x64xf32, #tpu.memory_space<hbm>>) target(%dma_start3A_1072 : memref<64x64xf32, #tpu.memory_space<vmem>>) offsets(%dma_start3A_1075 : memref<64xi32, #tpu.memory_space<vmem>>) semaphore(%arg28 : memref<!tpu.dma_semaphore, #tpu.memory_space<semaphore_mem>>)
        %dma_start3A_1079 = arith.constant 5 : i32
        %dma_start3A_1080 = arith.constant 320 : i32
        %dma_start3A_1081 = arith.constant 0 : i32
        %dma_start3A_1082 = tpu.memref_slice %arg17[%dma_start3A_1080, %dma_start3A_1081] : memref<576x64xf32, #tpu.memory_space<vmem>> -> memref<64x64xf32, #tpu.memory_space<vmem>>
        %dma_start3A_1083 = arith.constant 0 : i32
        %dma_start3A_1084 = tpu.memref_slice %arg11[%dma_start3A_1079, %dma_start3A_1083] : memref<9x64xi32, #tpu.memory_space<vmem>> -> memref<1x64xi32, #tpu.memory_space<vmem>>
        %dma_start3A_1085 = tpu.memref_squeeze %dma_start3A_1084 : memref<1x64xi32, #tpu.memory_space<vmem>> -> memref<64xi32, #tpu.memory_space<vmem>>
        %dma_start3A_1086 = arith.constant 0 : i32
        %dma_start3A_1087 = arith.constant 0 : i32
        %dma_start3A_1088 = tpu.memref_slice %arg5[%dma_start3A_1086, %dma_start3A_1087] : memref<100001x64xf32, #tpu.memory_space<hbm>> -> memref<100001x64xf32, #tpu.memory_space<hbm>>
        tpu.enqueue_indirect_dma source(%dma_start3A_1088 : memref<100001x64xf32, #tpu.memory_space<hbm>>) target(%dma_start3A_1082 : memref<64x64xf32, #tpu.memory_space<vmem>>) offsets(%dma_start3A_1085 : memref<64xi32, #tpu.memory_space<vmem>>) semaphore(%arg28 : memref<!tpu.dma_semaphore, #tpu.memory_space<semaphore_mem>>)
        %dma_start3A_1089 = arith.constant 6 : i32
        %dma_start3A_1090 = arith.constant 384 : i32
        %dma_start3A_1091 = arith.constant 0 : i32
        %dma_start3A_1092 = tpu.memref_slice %arg17[%dma_start3A_1090, %dma_start3A_1091] : memref<576x64xf32, #tpu.memory_space<vmem>> -> memref<64x64xf32, #tpu.memory_space<vmem>>
        %dma_start3A_1093 = arith.constant 0 : i32
        %dma_start3A_1094 = tpu.memref_slice %arg11[%dma_start3A_1089, %dma_start3A_1093] : memref<9x64xi32, #tpu.memory_space<vmem>> -> memref<1x64xi32, #tpu.memory_space<vmem>>
        %dma_start3A_1095 = tpu.memref_squeeze %dma_start3A_1094 : memref<1x64xi32, #tpu.memory_space<vmem>> -> memref<64xi32, #tpu.memory_space<vmem>>
        %dma_start3A_1096 = arith.constant 0 : i32
        %dma_start3A_1097 = arith.constant 0 : i32
        %dma_start3A_1098 = tpu.memref_slice %arg5[%dma_start3A_1096, %dma_start3A_1097] : memref<100001x64xf32, #tpu.memory_space<hbm>> -> memref<100001x64xf32, #tpu.memory_space<hbm>>
        tpu.enqueue_indirect_dma source(%dma_start3A_1098 : memref<100001x64xf32, #tpu.memory_space<hbm>>) target(%dma_start3A_1092 : memref<64x64xf32, #tpu.memory_space<vmem>>) offsets(%dma_start3A_1095 : memref<64xi32, #tpu.memory_space<vmem>>) semaphore(%arg28 : memref<!tpu.dma_semaphore, #tpu.memory_space<semaphore_mem>>)
        %dma_start3A_1099 = arith.constant 7 : i32
        %dma_start3A_1100 = arith.constant 448 : i32
        %dma_start3A_1101 = arith.constant 0 : i32
        %dma_start3A_1102 = tpu.memref_slice %arg17[%dma_start3A_1100, %dma_start3A_1101] : memref<576x64xf32, #tpu.memory_space<vmem>> -> memref<64x64xf32, #tpu.memory_space<vmem>>
        %dma_start3A_1103 = arith.constant 0 : i32
        %dma_start3A_1104 = tpu.memref_slice %arg11[%dma_start3A_1099, %dma_start3A_1103] : memref<9x64xi32, #tpu.memory_space<vmem>> -> memref<1x64xi32, #tpu.memory_space<vmem>>
        %dma_start3A_1105 = tpu.memref_squeeze %dma_start3A_1104 : memref<1x64xi32, #tpu.memory_space<vmem>> -> memref<64xi32, #tpu.memory_space<vmem>>
        %dma_start3A_1106 = arith.constant 0 : i32
        %dma_start3A_1107 = arith.constant 0 : i32
        %dma_start3A_1108 = tpu.memref_slice %arg5[%dma_start3A_1106, %dma_start3A_1107] : memref<100001x64xf32, #tpu.memory_space<hbm>> -> memref<100001x64xf32, #tpu.memory_space<hbm>>
        tpu.enqueue_indirect_dma source(%dma_start3A_1108 : memref<100001x64xf32, #tpu.memory_space<hbm>>) target(%dma_start3A_1102 : memref<64x64xf32, #tpu.memory_space<vmem>>) offsets(%dma_start3A_1105 : memref<64xi32, #tpu.memory_space<vmem>>) semaphore(%arg28 : memref<!tpu.dma_semaphore, #tpu.memory_space<semaphore_mem>>)
        %dma_start3A_1109 = arith.constant 8 : i32
        %dma_start3A_1110 = arith.constant 512 : i32
        %dma_start3A_1111 = arith.constant 0 : i32
        %dma_start3A_1112 = tpu.memref_slice %arg17[%dma_start3A_1110, %dma_start3A_1111] : memref<576x64xf32, #tpu.memory_space<vmem>> -> memref<64x64xf32, #tpu.memory_space<vmem>>
        %dma_start3A_1113 = arith.constant 0 : i32
        %dma_start3A_1114 = tpu.memref_slice %arg11[%dma_start3A_1109, %dma_start3A_1113] : memref<9x64xi32, #tpu.memory_space<vmem>> -> memref<1x64xi32, #tpu.memory_space<vmem>>
        %dma_start3A_1115 = tpu.memref_squeeze %dma_start3A_1114 : memref<1x64xi32, #tpu.memory_space<vmem>> -> memref<64xi32, #tpu.memory_space<vmem>>
        %dma_start3A_1116 = arith.constant 0 : i32
        %dma_start3A_1117 = arith.constant 0 : i32
        %dma_start3A_1118 = tpu.memref_slice %arg5[%dma_start3A_1116, %dma_start3A_1117] : memref<100001x64xf32, #tpu.memory_space<hbm>> -> memref<100001x64xf32, #tpu.memory_space<hbm>>
        tpu.enqueue_indirect_dma source(%dma_start3A_1118 : memref<100001x64xf32, #tpu.memory_space<hbm>>) target(%dma_start3A_1112 : memref<64x64xf32, #tpu.memory_space<vmem>>) offsets(%dma_start3A_1115 : memref<64xi32, #tpu.memory_space<vmem>>) semaphore(%arg28 : memref<!tpu.dma_semaphore, #tpu.memory_space<semaphore_mem>>)
        %dma_start3A_1119 = arith.constant 0 : i32
        %dma_start3A_1120 = arith.constant 0 : i32
        %dma_start3A_1121 = tpu.memref_slice %arg6[%dma_start3A_1119, %dma_start3A_1120] : memref<512x64xf32, #tpu.memory_space<hbm>> -> memref<512x64xf32, #tpu.memory_space<hbm>>
        tpu.enqueue_indirect_dma source(%dma_start3A_1121 : memref<512x64xf32, #tpu.memory_space<hbm>>) target(%arg19 : memref<64x64xf32, #tpu.memory_space<vmem>>) offsets(%arg13 : memref<64xi32, #tpu.memory_space<vmem>>) semaphore(%arg28 : memref<!tpu.dma_semaphore, #tpu.memory_space<semaphore_mem>>)
        %dma_start3A_1122 = arith.constant 0 : i32
        %dma_start3A_1123 = arith.constant 0 : i32
        %dma_start3A_1124 = tpu.memref_slice %arg7[%dma_start3A_1122, %dma_start3A_1123] : memref<512x64xf32, #tpu.memory_space<hbm>> -> memref<512x64xf32, #tpu.memory_space<hbm>>
        tpu.enqueue_indirect_dma source(%dma_start3A_1124 : memref<512x64xf32, #tpu.memory_space<hbm>>) target(%arg21 : memref<64x64xf32, #tpu.memory_space<vmem>>) offsets(%arg15 : memref<64xi32, #tpu.memory_space<vmem>>) semaphore(%arg28 : memref<!tpu.dma_semaphore, #tpu.memory_space<semaphore_mem>>)
      } else {
      }
      %ge3A = arith.constant 2 : i32
      %ge3A_696 = arith.cmpi sge, %add3A_588, %ge3A : i32
      %convert_element_type3A_697 = arith.extui %ge3A_696 : i1 to i32
      %cond3A_698 = arith.constant 0 : i32
      %cond3A_699 = arith.cmpi ne, %convert_element_type3A_697, %cond3A_698 : i32
      scf.if %cond3A_699 {
        %sub3A = arith.constant 1 : i32
        %sub3A_853 = arith.subi %scan3A_584, %sub3A : i32
        %mul3A_854 = arith.constant 32 : i32
        %mul3A_855 = arith.muli %add3A, %mul3A_854 : i32
        %add3A_856 = arith.addi %mul3A_855, %sub3A_853 : i32
        %dma_wait3A_857 = arith.constant 0 : i32
        %dma_wait3A_858 = arith.constant 0 : i32
        %dma_wait3A_859 = tpu.memref_slice %arg9[%add3A_856, %dma_wait3A_857, %dma_wait3A_858] : memref<1024x129x64xf32, #tpu.memory_space<hbm>> -> memref<1x65x64xf32, #tpu.memory_space<hbm>>
        %dma_wait3A_860 = tpu.memref_squeeze %dma_wait3A_859 : memref<1x65x64xf32, #tpu.memory_space<hbm>> -> memref<65x64xf32, #tpu.memory_space<hbm>>
        %dma_wait3A_861 = arith.constant 0 : i32
        %dma_wait3A_862 = arith.constant 0 : i32
        %dma_wait3A_863 = tpu.memref_slice %arg9[%add3A_856, %dma_wait3A_861, %dma_wait3A_862] : memref<1024x129x64xf32, #tpu.memory_space<hbm>> -> memref<1x65x64xf32, #tpu.memory_space<hbm>>
        %dma_wait3A_864 = tpu.memref_squeeze %dma_wait3A_863 : memref<1x65x64xf32, #tpu.memory_space<hbm>> -> memref<65x64xf32, #tpu.memory_space<hbm>>
        tpu.wait_dma2 semaphore(%arg29 : memref<!tpu.dma_semaphore, #tpu.memory_space<semaphore_mem>>) src(%arg22 : memref<65x64xf32, #tpu.memory_space<vmem>>) dst(%dma_wait3A_864 : memref<65x64xf32, #tpu.memory_space<hbm>>)
      } else {
      }
      %scan3A_700 = arith.constant 0 : i32
      %scan3A_701 = arith.constant 0 : i32
      %scan3A_702 = arith.constant 64 : i32
      %scan3A_703 = arith.addi %scan3A_701, %scan3A_702 : i32
      %scan3A_704 = arith.constant 2 : i32
      scf.for %scan3A_853 = %scan3A_701 to %scan3A_703 step %scan3A_704  : i32 {
        %add3A_854 = arith.constant 0 : i32
        %add3A_855 = arith.addi %add3A_854, %scan3A_853 : i32
        %get3A_856 = arith.index_cast %add3A_855 : i32 to index
        %get3A_857 = arith.constant 0 : index
        %get3A_858 = tpu.vector_load %arg16[%get3A_856, %get3A_857] {strides = array<i32>} : memref<576x64xf32, #tpu.memory_space<vmem>>, vector<1x16xf32>,
        %get3A_859 = vector.shape_cast %get3A_858 : vector<1x16xf32> to vector<16xf32>
        %add3A_860 = arith.constant 64 : i32
        %add3A_861 = arith.addi %add3A_860, %scan3A_853 : i32
        %get3A_862 = arith.index_cast %add3A_861 : i32 to index
        %get3A_863 = arith.constant 0 : index
        %get3A_864 = tpu.vector_load %arg16[%get3A_862, %get3A_863] {strides = array<i32>} : memref<576x64xf32, #tpu.memory_space<vmem>>, vector<1x16xf32>,
        %get3A_865 = vector.shape_cast %get3A_864 : vector<1x16xf32> to vector<16xf32>
        %add3A_866 = arith.constant 128 : i32
        %add3A_867 = arith.addi %add3A_866, %scan3A_853 : i32
        %get3A_868 = arith.index_cast %add3A_867 : i32 to index
        %get3A_869 = arith.constant 0 : index
        %get3A_870 = tpu.vector_load %arg16[%get3A_868, %get3A_869] {strides = array<i32>} : memref<576x64xf32, #tpu.memory_space<vmem>>, vector<1x16xf32>,
        %get3A_871 = vector.shape_cast %get3A_870 : vector<1x16xf32> to vector<16xf32>
        %add3A_872 = arith.constant 192 : i32
        %add3A_873 = arith.addi %add3A_872, %scan3A_853 : i32
        %get3A_874 = arith.index_cast %add3A_873 : i32 to index
        %get3A_875 = arith.constant 0 : index
        %get3A_876 = tpu.vector_load %arg16[%get3A_874, %get3A_875] {strides = array<i32>} : memref<576x64xf32, #tpu.memory_space<vmem>>, vector<1x16xf32>,
        %get3A_877 = vector.shape_cast %get3A_876 : vector<1x16xf32> to vector<16xf32>
        %add3A_878 = arith.constant 256 : i32
        %add3A_879 = arith.addi %add3A_878, %scan3A_853 : i32
        %get3A_880 = arith.index_cast %add3A_879 : i32 to index
        %get3A_881 = arith.constant 0 : index
        %get3A_882 = tpu.vector_load %arg16[%get3A_880, %get3A_881] {strides = array<i32>} : memref<576x64xf32, #tpu.memory_space<vmem>>, vector<1x16xf32>,
        %get3A_883 = vector.shape_cast %get3A_882 : vector<1x16xf32> to vector<16xf32>
        %add3A_884 = arith.constant 320 : i32
        %add3A_885 = arith.addi %add3A_884, %scan3A_853 : i32
        %get3A_886 = arith.index_cast %add3A_885 : i32 to index
        %get3A_887 = arith.constant 0 : index
        %get3A_888 = tpu.vector_load %arg16[%get3A_886, %get3A_887] {strides = array<i32>} : memref<576x64xf32, #tpu.memory_space<vmem>>, vector<1x16xf32>,
        %get3A_889 = vector.shape_cast %get3A_888 : vector<1x16xf32> to vector<16xf32>
        %add3A_890 = arith.constant 384 : i32
        %add3A_891 = arith.addi %add3A_890, %scan3A_853 : i32
        %get3A_892 = arith.index_cast %add3A_891 : i32 to index
        %get3A_893 = arith.constant 0 : index
        %get3A_894 = tpu.vector_load %arg16[%get3A_892, %get3A_893] {strides = array<i32>} : memref<576x64xf32, #tpu.memory_space<vmem>>, vector<1x16xf32>,
        %get3A_895 = vector.shape_cast %get3A_894 : vector<1x16xf32> to vector<16xf32>
        %add3A_896 = arith.constant 448 : i32
        %add3A_897 = arith.addi %add3A_896, %scan3A_853 : i32
        %get3A_898 = arith.index_cast %add3A_897 : i32 to index
        %get3A_899 = arith.constant 0 : index
        %get3A_900 = tpu.vector_load %arg16[%get3A_898, %get3A_899] {strides = array<i32>} : memref<576x64xf32, #tpu.memory_space<vmem>>, vector<1x16xf32>,
        %get3A_901 = vector.shape_cast %get3A_900 : vector<1x16xf32> to vector<16xf32>
        %add3A_902 = arith.constant 512 : i32
        %add3A_903 = arith.addi %add3A_902, %scan3A_853 : i32
        %get3A_904 = arith.index_cast %add3A_903 : i32 to index
        %get3A_905 = arith.constant 0 : index
        %get3A_906 = tpu.vector_load %arg16[%get3A_904, %get3A_905] {strides = array<i32>} : memref<576x64xf32, #tpu.memory_space<vmem>>, vector<1x16xf32>,
        %get3A_907 = vector.shape_cast %get3A_906 : vector<1x16xf32> to vector<16xf32>
        %get3A_908 = arith.index_cast %scan3A_853 : i32 to index
        %get3A_909 = arith.constant 0 : index
        %get3A_910 = tpu.vector_load %arg18[%get3A_908, %get3A_909] {strides = array<i32>} : memref<64x64xf32, #tpu.memory_space<vmem>>, vector<1x16xf32>,
        %get3A_911 = vector.shape_cast %get3A_910 : vector<1x16xf32> to vector<16xf32>
        %get3A_912 = arith.index_cast %scan3A_853 : i32 to index
        %get3A_913 = arith.constant 0 : index
        %get3A_914 = tpu.vector_load %arg20[%get3A_912, %get3A_913] {strides = array<i32>} : memref<64x64xf32, #tpu.memory_space<vmem>>, vector<1x16xf32>,
        %get3A_915 = vector.shape_cast %get3A_914 : vector<1x16xf32> to vector<16xf32>
        %add3A_916 = arith.addf %get3A_859, %get3A_865 : vector<16xf32>
        %add3A_917 = arith.addf %get3A_871, %get3A_877 : vector<16xf32>
        %add3A_918 = arith.addf %get3A_883, %get3A_889 : vector<16xf32>
        %add3A_919 = arith.addf %get3A_895, %get3A_901 : vector<16xf32>
        %add3A_920 = arith.addf %get3A_907, %get3A_911 : vector<16xf32>
        %add3A_921 = arith.addf %add3A_916, %add3A_917 : vector<16xf32>
        %add3A_922 = arith.addf %add3A_918, %add3A_919 : vector<16xf32>
        %add3A_923 = arith.addf %add3A_920, %get3A_915 : vector<16xf32>
        %add3A_924 = arith.addf %add3A_921, %add3A_922 : vector<16xf32>
        %add3A_925 = arith.addf %add3A_924, %add3A_923 : vector<16xf32>
        %add3A_926 = arith.constant 1 : i32
        %add3A_927 = arith.addi %add3A_926, %scan3A_853 : i32
        %swap3A_928 = arith.index_cast %add3A_927 : i32 to index
        %swap3A_929 = arith.constant 0 : index
        %swap3A_930 = tpu.vector_load %arg22[%swap3A_928, %swap3A_929] {strides = array<i32>} : memref<65x64xf32, #tpu.memory_space<vmem>>, vector<1x16xf32>,
        %swap3A_931 = vector.shape_cast %swap3A_930 : vector<1x16xf32> to vector<16xf32>
        %swap3A_932 = vector.shape_cast %add3A_925 : vector<16xf32> to vector<1x16xf32>
        tpu.vector_store %arg22[%swap3A_928, %swap3A_929], %swap3A_932 {strides = array<i32>} : memref<65x64xf32, #tpu.memory_space<vmem>>, vector<1x16xf32>,
        %add3A_933 = arith.constant 0 : i32
        %add3A_934 = arith.addi %add3A_933, %scan3A_853 : i32
        %get3A_935 = arith.index_cast %add3A_934 : i32 to index
        %get3A_936 = arith.constant 16 : index
        %get3A_937 = tpu.vector_load %arg16[%get3A_935, %get3A_936] {strides = array<i32>} : memref<576x64xf32, #tpu.memory_space<vmem>>, vector<1x16xf32>,
        %get3A_938 = vector.shape_cast %get3A_937 : vector<1x16xf32> to vector<16xf32>
        %add3A_939 = arith.constant 64 : i32
        %add3A_940 = arith.addi %add3A_939, %scan3A_853 : i32
        %get3A_941 = arith.index_cast %add3A_940 : i32 to index
        %get3A_942 = arith.constant 16 : index
        %get3A_943 = tpu.vector_load %arg16[%get3A_941, %get3A_942] {strides = array<i32>} : memref<576x64xf32, #tpu.memory_space<vmem>>, vector<1x16xf32>,
        %get3A_944 = vector.shape_cast %get3A_943 : vector<1x16xf32> to vector<16xf32>
        %add3A_945 = arith.constant 128 : i32
        %add3A_946 = arith.addi %add3A_945, %scan3A_853 : i32
        %get3A_947 = arith.index_cast %add3A_946 : i32 to index
        %get3A_948 = arith.constant 16 : index
        %get3A_949 = tpu.vector_load %arg16[%get3A_947, %get3A_948] {strides = array<i32>} : memref<576x64xf32, #tpu.memory_space<vmem>>, vector<1x16xf32>,
        %get3A_950 = vector.shape_cast %get3A_949 : vector<1x16xf32> to vector<16xf32>
        %add3A_951 = arith.constant 192 : i32
        %add3A_952 = arith.addi %add3A_951, %scan3A_853 : i32
        %get3A_953 = arith.index_cast %add3A_952 : i32 to index
        %get3A_954 = arith.constant 16 : index
        %get3A_955 = tpu.vector_load %arg16[%get3A_953, %get3A_954] {strides = array<i32>} : memref<576x64xf32, #tpu.memory_space<vmem>>, vector<1x16xf32>,
        %get3A_956 = vector.shape_cast %get3A_955 : vector<1x16xf32> to vector<16xf32>
        %add3A_957 = arith.constant 256 : i32
        %add3A_958 = arith.addi %add3A_957, %scan3A_853 : i32
        %get3A_959 = arith.index_cast %add3A_958 : i32 to index
        %get3A_960 = arith.constant 16 : index
        %get3A_961 = tpu.vector_load %arg16[%get3A_959, %get3A_960] {strides = array<i32>} : memref<576x64xf32, #tpu.memory_space<vmem>>, vector<1x16xf32>,
        %get3A_962 = vector.shape_cast %get3A_961 : vector<1x16xf32> to vector<16xf32>
        %add3A_963 = arith.constant 320 : i32
        %add3A_964 = arith.addi %add3A_963, %scan3A_853 : i32
        %get3A_965 = arith.index_cast %add3A_964 : i32 to index
        %get3A_966 = arith.constant 16 : index
        %get3A_967 = tpu.vector_load %arg16[%get3A_965, %get3A_966] {strides = array<i32>} : memref<576x64xf32, #tpu.memory_space<vmem>>, vector<1x16xf32>,
        %get3A_968 = vector.shape_cast %get3A_967 : vector<1x16xf32> to vector<16xf32>
        %add3A_969 = arith.constant 384 : i32
        %add3A_970 = arith.addi %add3A_969, %scan3A_853 : i32
        %get3A_971 = arith.index_cast %add3A_970 : i32 to index
        %get3A_972 = arith.constant 16 : index
        %get3A_973 = tpu.vector_load %arg16[%get3A_971, %get3A_972] {strides = array<i32>} : memref<576x64xf32, #tpu.memory_space<vmem>>, vector<1x16xf32>,
        %get3A_974 = vector.shape_cast %get3A_973 : vector<1x16xf32> to vector<16xf32>
        %add3A_975 = arith.constant 448 : i32
        %add3A_976 = arith.addi %add3A_975, %scan3A_853 : i32
        %get3A_977 = arith.index_cast %add3A_976 : i32 to index
        %get3A_978 = arith.constant 16 : index
        %get3A_979 = tpu.vector_load %arg16[%get3A_977, %get3A_978] {strides = array<i32>} : memref<576x64xf32, #tpu.memory_space<vmem>>, vector<1x16xf32>,
        %get3A_980 = vector.shape_cast %get3A_979 : vector<1x16xf32> to vector<16xf32>
        %add3A_981 = arith.constant 512 : i32
        %add3A_982 = arith.addi %add3A_981, %scan3A_853 : i32
        %get3A_983 = arith.index_cast %add3A_982 : i32 to index
        %get3A_984 = arith.constant 16 : index
        %get3A_985 = tpu.vector_load %arg16[%get3A_983, %get3A_984] {strides = array<i32>} : memref<576x64xf32, #tpu.memory_space<vmem>>, vector<1x16xf32>,
        %get3A_986 = vector.shape_cast %get3A_985 : vector<1x16xf32> to vector<16xf32>
        %get3A_987 = arith.index_cast %scan3A_853 : i32 to index
        %get3A_988 = arith.constant 16 : index
        %get3A_989 = tpu.vector_load %arg18[%get3A_987, %get3A_988] {strides = array<i32>} : memref<64x64xf32, #tpu.memory_space<vmem>>, vector<1x16xf32>,
        %get3A_990 = vector.shape_cast %get3A_989 : vector<1x16xf32> to vector<16xf32>
        %get3A_991 = arith.index_cast %scan3A_853 : i32 to index
        %get3A_992 = arith.constant 16 : index
        %get3A_993 = tpu.vector_load %arg20[%get3A_991, %get3A_992] {strides = array<i32>} : memref<64x64xf32, #tpu.memory_space<vmem>>, vector<1x16xf32>,
        %get3A_994 = vector.shape_cast %get3A_993 : vector<1x16xf32> to vector<16xf32>
        %add3A_995 = arith.addf %get3A_938, %get3A_944 : vector<16xf32>
        %add3A_996 = arith.addf %get3A_950, %get3A_956 : vector<16xf32>
        %add3A_997 = arith.addf %get3A_962, %get3A_968 : vector<16xf32>
        %add3A_998 = arith.addf %get3A_974, %get3A_980 : vector<16xf32>
        %add3A_999 = arith.addf %get3A_986, %get3A_990 : vector<16xf32>
        %add3A_1000 = arith.addf %add3A_995, %add3A_996 : vector<16xf32>
        %add3A_1001 = arith.addf %add3A_997, %add3A_998 : vector<16xf32>
        %add3A_1002 = arith.addf %add3A_999, %get3A_994 : vector<16xf32>
        %add3A_1003 = arith.addf %add3A_1000, %add3A_1001 : vector<16xf32>
        %add3A_1004 = arith.addf %add3A_1003, %add3A_1002 : vector<16xf32>
        %add3A_1005 = arith.constant 1 : i32
        %add3A_1006 = arith.addi %add3A_1005, %scan3A_853 : i32
        %swap3A_1007 = arith.index_cast %add3A_1006 : i32 to index
        %swap3A_1008 = arith.constant 16 : index
        %swap3A_1009 = tpu.vector_load %arg22[%swap3A_1007, %swap3A_1008] {strides = array<i32>} : memref<65x64xf32, #tpu.memory_space<vmem>>, vector<1x16xf32>,
        %swap3A_1010 = vector.shape_cast %swap3A_1009 : vector<1x16xf32> to vector<16xf32>
        %swap3A_1011 = vector.shape_cast %add3A_1004 : vector<16xf32> to vector<1x16xf32>
        tpu.vector_store %arg22[%swap3A_1007, %swap3A_1008], %swap3A_1011 {strides = array<i32>} : memref<65x64xf32, #tpu.memory_space<vmem>>, vector<1x16xf32>,
        %add3A_1012 = arith.constant 0 : i32
        %add3A_1013 = arith.addi %add3A_1012, %scan3A_853 : i32
        %get3A_1014 = arith.index_cast %add3A_1013 : i32 to index
        %get3A_1015 = arith.constant 32 : index
        %get3A_1016 = tpu.vector_load %arg16[%get3A_1014, %get3A_1015] {strides = array<i32>} : memref<576x64xf32, #tpu.memory_space<vmem>>, vector<1x16xf32>,
        %get3A_1017 = vector.shape_cast %get3A_1016 : vector<1x16xf32> to vector<16xf32>
        %add3A_1018 = arith.constant 64 : i32
        %add3A_1019 = arith.addi %add3A_1018, %scan3A_853 : i32
        %get3A_1020 = arith.index_cast %add3A_1019 : i32 to index
        %get3A_1021 = arith.constant 32 : index
        %get3A_1022 = tpu.vector_load %arg16[%get3A_1020, %get3A_1021] {strides = array<i32>} : memref<576x64xf32, #tpu.memory_space<vmem>>, vector<1x16xf32>,
        %get3A_1023 = vector.shape_cast %get3A_1022 : vector<1x16xf32> to vector<16xf32>
        %add3A_1024 = arith.constant 128 : i32
        %add3A_1025 = arith.addi %add3A_1024, %scan3A_853 : i32
        %get3A_1026 = arith.index_cast %add3A_1025 : i32 to index
        %get3A_1027 = arith.constant 32 : index
        %get3A_1028 = tpu.vector_load %arg16[%get3A_1026, %get3A_1027] {strides = array<i32>} : memref<576x64xf32, #tpu.memory_space<vmem>>, vector<1x16xf32>,
        %get3A_1029 = vector.shape_cast %get3A_1028 : vector<1x16xf32> to vector<16xf32>
        %add3A_1030 = arith.constant 192 : i32
        %add3A_1031 = arith.addi %add3A_1030, %scan3A_853 : i32
        %get3A_1032 = arith.index_cast %add3A_1031 : i32 to index
        %get3A_1033 = arith.constant 32 : index
        %get3A_1034 = tpu.vector_load %arg16[%get3A_1032, %get3A_1033] {strides = array<i32>} : memref<576x64xf32, #tpu.memory_space<vmem>>, vector<1x16xf32>,
        %get3A_1035 = vector.shape_cast %get3A_1034 : vector<1x16xf32> to vector<16xf32>
        %add3A_1036 = arith.constant 256 : i32
        %add3A_1037 = arith.addi %add3A_1036, %scan3A_853 : i32
        %get3A_1038 = arith.index_cast %add3A_1037 : i32 to index
        %get3A_1039 = arith.constant 32 : index
        %get3A_1040 = tpu.vector_load %arg16[%get3A_1038, %get3A_1039] {strides = array<i32>} : memref<576x64xf32, #tpu.memory_space<vmem>>, vector<1x16xf32>,
        %get3A_1041 = vector.shape_cast %get3A_1040 : vector<1x16xf32> to vector<16xf32>
        %add3A_1042 = arith.constant 320 : i32
        %add3A_1043 = arith.addi %add3A_1042, %scan3A_853 : i32
        %get3A_1044 = arith.index_cast %add3A_1043 : i32 to index
        %get3A_1045 = arith.constant 32 : index
        %get3A_1046 = tpu.vector_load %arg16[%get3A_1044, %get3A_1045] {strides = array<i32>} : memref<576x64xf32, #tpu.memory_space<vmem>>, vector<1x16xf32>,
        %get3A_1047 = vector.shape_cast %get3A_1046 : vector<1x16xf32> to vector<16xf32>
        %add3A_1048 = arith.constant 384 : i32
        %add3A_1049 = arith.addi %add3A_1048, %scan3A_853 : i32
        %get3A_1050 = arith.index_cast %add3A_1049 : i32 to index
        %get3A_1051 = arith.constant 32 : index
        %get3A_1052 = tpu.vector_load %arg16[%get3A_1050, %get3A_1051] {strides = array<i32>} : memref<576x64xf32, #tpu.memory_space<vmem>>, vector<1x16xf32>,
        %get3A_1053 = vector.shape_cast %get3A_1052 : vector<1x16xf32> to vector<16xf32>
        %add3A_1054 = arith.constant 448 : i32
        %add3A_1055 = arith.addi %add3A_1054, %scan3A_853 : i32
        %get3A_1056 = arith.index_cast %add3A_1055 : i32 to index
        %get3A_1057 = arith.constant 32 : index
        %get3A_1058 = tpu.vector_load %arg16[%get3A_1056, %get3A_1057] {strides = array<i32>} : memref<576x64xf32, #tpu.memory_space<vmem>>, vector<1x16xf32>,
        %get3A_1059 = vector.shape_cast %get3A_1058 : vector<1x16xf32> to vector<16xf32>
        %add3A_1060 = arith.constant 512 : i32
        %add3A_1061 = arith.addi %add3A_1060, %scan3A_853 : i32
        %get3A_1062 = arith.index_cast %add3A_1061 : i32 to index
        %get3A_1063 = arith.constant 32 : index
        %get3A_1064 = tpu.vector_load %arg16[%get3A_1062, %get3A_1063] {strides = array<i32>} : memref<576x64xf32, #tpu.memory_space<vmem>>, vector<1x16xf32>,
        %get3A_1065 = vector.shape_cast %get3A_1064 : vector<1x16xf32> to vector<16xf32>
        %get3A_1066 = arith.index_cast %scan3A_853 : i32 to index
        %get3A_1067 = arith.constant 32 : index
        %get3A_1068 = tpu.vector_load %arg18[%get3A_1066, %get3A_1067] {strides = array<i32>} : memref<64x64xf32, #tpu.memory_space<vmem>>, vector<1x16xf32>,
        %get3A_1069 = vector.shape_cast %get3A_1068 : vector<1x16xf32> to vector<16xf32>
        %get3A_1070 = arith.index_cast %scan3A_853 : i32 to index
        %get3A_1071 = arith.constant 32 : index
        %get3A_1072 = tpu.vector_load %arg20[%get3A_1070, %get3A_1071] {strides = array<i32>} : memref<64x64xf32, #tpu.memory_space<vmem>>, vector<1x16xf32>,
        %get3A_1073 = vector.shape_cast %get3A_1072 : vector<1x16xf32> to vector<16xf32>
        %add3A_1074 = arith.addf %get3A_1017, %get3A_1023 : vector<16xf32>
        %add3A_1075 = arith.addf %get3A_1029, %get3A_1035 : vector<16xf32>
        %add3A_1076 = arith.addf %get3A_1041, %get3A_1047 : vector<16xf32>
        %add3A_1077 = arith.addf %get3A_1053, %get3A_1059 : vector<16xf32>
        %add3A_1078 = arith.addf %get3A_1065, %get3A_1069 : vector<16xf32>
        %add3A_1079 = arith.addf %add3A_1074, %add3A_1075 : vector<16xf32>
        %add3A_1080 = arith.addf %add3A_1076, %add3A_1077 : vector<16xf32>
        %add3A_1081 = arith.addf %add3A_1078, %get3A_1073 : vector<16xf32>
        %add3A_1082 = arith.addf %add3A_1079, %add3A_1080 : vector<16xf32>
        %add3A_1083 = arith.addf %add3A_1082, %add3A_1081 : vector<16xf32>
        %add3A_1084 = arith.constant 1 : i32
        %add3A_1085 = arith.addi %add3A_1084, %scan3A_853 : i32
        %swap3A_1086 = arith.index_cast %add3A_1085 : i32 to index
        %swap3A_1087 = arith.constant 32 : index
        %swap3A_1088 = tpu.vector_load %arg22[%swap3A_1086, %swap3A_1087] {strides = array<i32>} : memref<65x64xf32, #tpu.memory_space<vmem>>, vector<1x16xf32>,
        %swap3A_1089 = vector.shape_cast %swap3A_1088 : vector<1x16xf32> to vector<16xf32>
        %swap3A_1090 = vector.shape_cast %add3A_1083 : vector<16xf32> to vector<1x16xf32>
        tpu.vector_store %arg22[%swap3A_1086, %swap3A_1087], %swap3A_1090 {strides = array<i32>} : memref<65x64xf32, #tpu.memory_space<vmem>>, vector<1x16xf32>,
        %add3A_1091 = arith.constant 0 : i32
        %add3A_1092 = arith.addi %add3A_1091, %scan3A_853 : i32
        %get3A_1093 = arith.index_cast %add3A_1092 : i32 to index
        %get3A_1094 = arith.constant 48 : index
        %get3A_1095 = tpu.vector_load %arg16[%get3A_1093, %get3A_1094] {strides = array<i32>} : memref<576x64xf32, #tpu.memory_space<vmem>>, vector<1x16xf32>,
        %get3A_1096 = vector.shape_cast %get3A_1095 : vector<1x16xf32> to vector<16xf32>
        %add3A_1097 = arith.constant 64 : i32
        %add3A_1098 = arith.addi %add3A_1097, %scan3A_853 : i32
        %get3A_1099 = arith.index_cast %add3A_1098 : i32 to index
        %get3A_1100 = arith.constant 48 : index
        %get3A_1101 = tpu.vector_load %arg16[%get3A_1099, %get3A_1100] {strides = array<i32>} : memref<576x64xf32, #tpu.memory_space<vmem>>, vector<1x16xf32>,
        %get3A_1102 = vector.shape_cast %get3A_1101 : vector<1x16xf32> to vector<16xf32>
        %add3A_1103 = arith.constant 128 : i32
        %add3A_1104 = arith.addi %add3A_1103, %scan3A_853 : i32
        %get3A_1105 = arith.index_cast %add3A_1104 : i32 to index
        %get3A_1106 = arith.constant 48 : index
        %get3A_1107 = tpu.vector_load %arg16[%get3A_1105, %get3A_1106] {strides = array<i32>} : memref<576x64xf32, #tpu.memory_space<vmem>>, vector<1x16xf32>,
        %get3A_1108 = vector.shape_cast %get3A_1107 : vector<1x16xf32> to vector<16xf32>
        %add3A_1109 = arith.constant 192 : i32
        %add3A_1110 = arith.addi %add3A_1109, %scan3A_853 : i32
        %get3A_1111 = arith.index_cast %add3A_1110 : i32 to index
        %get3A_1112 = arith.constant 48 : index
        %get3A_1113 = tpu.vector_load %arg16[%get3A_1111, %get3A_1112] {strides = array<i32>} : memref<576x64xf32, #tpu.memory_space<vmem>>, vector<1x16xf32>,
        %get3A_1114 = vector.shape_cast %get3A_1113 : vector<1x16xf32> to vector<16xf32>
        %add3A_1115 = arith.constant 256 : i32
        %add3A_1116 = arith.addi %add3A_1115, %scan3A_853 : i32
        %get3A_1117 = arith.index_cast %add3A_1116 : i32 to index
        %get3A_1118 = arith.constant 48 : index
        %get3A_1119 = tpu.vector_load %arg16[%get3A_1117, %get3A_1118] {strides = array<i32>} : memref<576x64xf32, #tpu.memory_space<vmem>>, vector<1x16xf32>,
        %get3A_1120 = vector.shape_cast %get3A_1119 : vector<1x16xf32> to vector<16xf32>
        %add3A_1121 = arith.constant 320 : i32
        %add3A_1122 = arith.addi %add3A_1121, %scan3A_853 : i32
        %get3A_1123 = arith.index_cast %add3A_1122 : i32 to index
        %get3A_1124 = arith.constant 48 : index
        %get3A_1125 = tpu.vector_load %arg16[%get3A_1123, %get3A_1124] {strides = array<i32>} : memref<576x64xf32, #tpu.memory_space<vmem>>, vector<1x16xf32>,
        %get3A_1126 = vector.shape_cast %get3A_1125 : vector<1x16xf32> to vector<16xf32>
        %add3A_1127 = arith.constant 384 : i32
        %add3A_1128 = arith.addi %add3A_1127, %scan3A_853 : i32
        %get3A_1129 = arith.index_cast %add3A_1128 : i32 to index
        %get3A_1130 = arith.constant 48 : index
        %get3A_1131 = tpu.vector_load %arg16[%get3A_1129, %get3A_1130] {strides = array<i32>} : memref<576x64xf32, #tpu.memory_space<vmem>>, vector<1x16xf32>,
        %get3A_1132 = vector.shape_cast %get3A_1131 : vector<1x16xf32> to vector<16xf32>
        %add3A_1133 = arith.constant 448 : i32
        %add3A_1134 = arith.addi %add3A_1133, %scan3A_853 : i32
        %get3A_1135 = arith.index_cast %add3A_1134 : i32 to index
        %get3A_1136 = arith.constant 48 : index
        %get3A_1137 = tpu.vector_load %arg16[%get3A_1135, %get3A_1136] {strides = array<i32>} : memref<576x64xf32, #tpu.memory_space<vmem>>, vector<1x16xf32>,
        %get3A_1138 = vector.shape_cast %get3A_1137 : vector<1x16xf32> to vector<16xf32>
        %add3A_1139 = arith.constant 512 : i32
        %add3A_1140 = arith.addi %add3A_1139, %scan3A_853 : i32
        %get3A_1141 = arith.index_cast %add3A_1140 : i32 to index
        %get3A_1142 = arith.constant 48 : index
        %get3A_1143 = tpu.vector_load %arg16[%get3A_1141, %get3A_1142] {strides = array<i32>} : memref<576x64xf32, #tpu.memory_space<vmem>>, vector<1x16xf32>,
        %get3A_1144 = vector.shape_cast %get3A_1143 : vector<1x16xf32> to vector<16xf32>
        %get3A_1145 = arith.index_cast %scan3A_853 : i32 to index
        %get3A_1146 = arith.constant 48 : index
        %get3A_1147 = tpu.vector_load %arg18[%get3A_1145, %get3A_1146] {strides = array<i32>} : memref<64x64xf32, #tpu.memory_space<vmem>>, vector<1x16xf32>,
        %get3A_1148 = vector.shape_cast %get3A_1147 : vector<1x16xf32> to vector<16xf32>
        %get3A_1149 = arith.index_cast %scan3A_853 : i32 to index
        %get3A_1150 = arith.constant 48 : index
        %get3A_1151 = tpu.vector_load %arg20[%get3A_1149, %get3A_1150] {strides = array<i32>} : memref<64x64xf32, #tpu.memory_space<vmem>>, vector<1x16xf32>,
        %get3A_1152 = vector.shape_cast %get3A_1151 : vector<1x16xf32> to vector<16xf32>
        %add3A_1153 = arith.addf %get3A_1096, %get3A_1102 : vector<16xf32>
        %add3A_1154 = arith.addf %get3A_1108, %get3A_1114 : vector<16xf32>
        %add3A_1155 = arith.addf %get3A_1120, %get3A_1126 : vector<16xf32>
        %add3A_1156 = arith.addf %get3A_1132, %get3A_1138 : vector<16xf32>
        %add3A_1157 = arith.addf %get3A_1144, %get3A_1148 : vector<16xf32>
        %add3A_1158 = arith.addf %add3A_1153, %add3A_1154 : vector<16xf32>
        %add3A_1159 = arith.addf %add3A_1155, %add3A_1156 : vector<16xf32>
        %add3A_1160 = arith.addf %add3A_1157, %get3A_1152 : vector<16xf32>
        %add3A_1161 = arith.addf %add3A_1158, %add3A_1159 : vector<16xf32>
        %add3A_1162 = arith.addf %add3A_1161, %add3A_1160 : vector<16xf32>
        %add3A_1163 = arith.constant 1 : i32
        %add3A_1164 = arith.addi %add3A_1163, %scan3A_853 : i32
        %swap3A_1165 = arith.index_cast %add3A_1164 : i32 to index
        %swap3A_1166 = arith.constant 48 : index
        %swap3A_1167 = tpu.vector_load %arg22[%swap3A_1165, %swap3A_1166] {strides = array<i32>} : memref<65x64xf32, #tpu.memory_space<vmem>>, vector<1x16xf32>,
        %swap3A_1168 = vector.shape_cast %swap3A_1167 : vector<1x16xf32> to vector<16xf32>
        %swap3A_1169 = vector.shape_cast %add3A_1162 : vector<16xf32> to vector<1x16xf32>
        tpu.vector_store %arg22[%swap3A_1165, %swap3A_1166], %swap3A_1169 {strides = array<i32>} : memref<65x64xf32, #tpu.memory_space<vmem>>, vector<1x16xf32>,
        %scan3A_1170 = arith.constant 1 : i32
        %scan3A_1171 = arith.addi %scan3A_853, %scan3A_1170 : i32
        %add3A_1172 = arith.constant 0 : i32
        %add3A_1173 = arith.addi %add3A_1172, %scan3A_1171 : i32
        %get3A_1174 = arith.index_cast %add3A_1173 : i32 to index
        %get3A_1175 = arith.constant 0 : index
        %get3A_1176 = tpu.vector_load %arg16[%get3A_1174, %get3A_1175] {strides = array<i32>} : memref<576x64xf32, #tpu.memory_space<vmem>>, vector<1x16xf32>,
        %get3A_1177 = vector.shape_cast %get3A_1176 : vector<1x16xf32> to vector<16xf32>
        %add3A_1178 = arith.constant 64 : i32
        %add3A_1179 = arith.addi %add3A_1178, %scan3A_1171 : i32
        %get3A_1180 = arith.index_cast %add3A_1179 : i32 to index
        %get3A_1181 = arith.constant 0 : index
        %get3A_1182 = tpu.vector_load %arg16[%get3A_1180, %get3A_1181] {strides = array<i32>} : memref<576x64xf32, #tpu.memory_space<vmem>>, vector<1x16xf32>,
        %get3A_1183 = vector.shape_cast %get3A_1182 : vector<1x16xf32> to vector<16xf32>
        %add3A_1184 = arith.constant 128 : i32
        %add3A_1185 = arith.addi %add3A_1184, %scan3A_1171 : i32
        %get3A_1186 = arith.index_cast %add3A_1185 : i32 to index
        %get3A_1187 = arith.constant 0 : index
        %get3A_1188 = tpu.vector_load %arg16[%get3A_1186, %get3A_1187] {strides = array<i32>} : memref<576x64xf32, #tpu.memory_space<vmem>>, vector<1x16xf32>,
        %get3A_1189 = vector.shape_cast %get3A_1188 : vector<1x16xf32> to vector<16xf32>
        %add3A_1190 = arith.constant 192 : i32
        %add3A_1191 = arith.addi %add3A_1190, %scan3A_1171 : i32
        %get3A_1192 = arith.index_cast %add3A_1191 : i32 to index
        %get3A_1193 = arith.constant 0 : index
        %get3A_1194 = tpu.vector_load %arg16[%get3A_1192, %get3A_1193] {strides = array<i32>} : memref<576x64xf32, #tpu.memory_space<vmem>>, vector<1x16xf32>,
        %get3A_1195 = vector.shape_cast %get3A_1194 : vector<1x16xf32> to vector<16xf32>
        %add3A_1196 = arith.constant 256 : i32
        %add3A_1197 = arith.addi %add3A_1196, %scan3A_1171 : i32
        %get3A_1198 = arith.index_cast %add3A_1197 : i32 to index
        %get3A_1199 = arith.constant 0 : index
        %get3A_1200 = tpu.vector_load %arg16[%get3A_1198, %get3A_1199] {strides = array<i32>} : memref<576x64xf32, #tpu.memory_space<vmem>>, vector<1x16xf32>,
        %get3A_1201 = vector.shape_cast %get3A_1200 : vector<1x16xf32> to vector<16xf32>
        %add3A_1202 = arith.constant 320 : i32
        %add3A_1203 = arith.addi %add3A_1202, %scan3A_1171 : i32
        %get3A_1204 = arith.index_cast %add3A_1203 : i32 to index
        %get3A_1205 = arith.constant 0 : index
        %get3A_1206 = tpu.vector_load %arg16[%get3A_1204, %get3A_1205] {strides = array<i32>} : memref<576x64xf32, #tpu.memory_space<vmem>>, vector<1x16xf32>,
        %get3A_1207 = vector.shape_cast %get3A_1206 : vector<1x16xf32> to vector<16xf32>
        %add3A_1208 = arith.constant 384 : i32
        %add3A_1209 = arith.addi %add3A_1208, %scan3A_1171 : i32
        %get3A_1210 = arith.index_cast %add3A_1209 : i32 to index
        %get3A_1211 = arith.constant 0 : index
        %get3A_1212 = tpu.vector_load %arg16[%get3A_1210, %get3A_1211] {strides = array<i32>} : memref<576x64xf32, #tpu.memory_space<vmem>>, vector<1x16xf32>,
        %get3A_1213 = vector.shape_cast %get3A_1212 : vector<1x16xf32> to vector<16xf32>
        %add3A_1214 = arith.constant 448 : i32
        %add3A_1215 = arith.addi %add3A_1214, %scan3A_1171 : i32
        %get3A_1216 = arith.index_cast %add3A_1215 : i32 to index
        %get3A_1217 = arith.constant 0 : index
        %get3A_1218 = tpu.vector_load %arg16[%get3A_1216, %get3A_1217] {strides = array<i32>} : memref<576x64xf32, #tpu.memory_space<vmem>>, vector<1x16xf32>,
        %get3A_1219 = vector.shape_cast %get3A_1218 : vector<1x16xf32> to vector<16xf32>
        %add3A_1220 = arith.constant 512 : i32
        %add3A_1221 = arith.addi %add3A_1220, %scan3A_1171 : i32
        %get3A_1222 = arith.index_cast %add3A_1221 : i32 to index
        %get3A_1223 = arith.constant 0 : index
        %get3A_1224 = tpu.vector_load %arg16[%get3A_1222, %get3A_1223] {strides = array<i32>} : memref<576x64xf32, #tpu.memory_space<vmem>>, vector<1x16xf32>,
        %get3A_1225 = vector.shape_cast %get3A_1224 : vector<1x16xf32> to vector<16xf32>
        %get3A_1226 = arith.index_cast %scan3A_1171 : i32 to index
        %get3A_1227 = arith.constant 0 : index
        %get3A_1228 = tpu.vector_load %arg18[%get3A_1226, %get3A_1227] {strides = array<i32>} : memref<64x64xf32, #tpu.memory_space<vmem>>, vector<1x16xf32>,
        %get3A_1229 = vector.shape_cast %get3A_1228 : vector<1x16xf32> to vector<16xf32>
        %get3A_1230 = arith.index_cast %scan3A_1171 : i32 to index
        %get3A_1231 = arith.constant 0 : index
        %get3A_1232 = tpu.vector_load %arg20[%get3A_1230, %get3A_1231] {strides = array<i32>} : memref<64x64xf32, #tpu.memory_space<vmem>>, vector<1x16xf32>,
        %get3A_1233 = vector.shape_cast %get3A_1232 : vector<1x16xf32> to vector<16xf32>
        %add3A_1234 = arith.addf %get3A_1177, %get3A_1183 : vector<16xf32>
        %add3A_1235 = arith.addf %get3A_1189, %get3A_1195 : vector<16xf32>
        %add3A_1236 = arith.addf %get3A_1201, %get3A_1207 : vector<16xf32>
        %add3A_1237 = arith.addf %get3A_1213, %get3A_1219 : vector<16xf32>
        %add3A_1238 = arith.addf %get3A_1225, %get3A_1229 : vector<16xf32>
        %add3A_1239 = arith.addf %add3A_1234, %add3A_1235 : vector<16xf32>
        %add3A_1240 = arith.addf %add3A_1236, %add3A_1237 : vector<16xf32>
        %add3A_1241 = arith.addf %add3A_1238, %get3A_1233 : vector<16xf32>
        %add3A_1242 = arith.addf %add3A_1239, %add3A_1240 : vector<16xf32>
        %add3A_1243 = arith.addf %add3A_1242, %add3A_1241 : vector<16xf32>
        %add3A_1244 = arith.constant 1 : i32
        %add3A_1245 = arith.addi %add3A_1244, %scan3A_1171 : i32
        %swap3A_1246 = arith.index_cast %add3A_1245 : i32 to index
        %swap3A_1247 = arith.constant 0 : index
        %swap3A_1248 = tpu.vector_load %arg22[%swap3A_1246, %swap3A_1247] {strides = array<i32>} : memref<65x64xf32, #tpu.memory_space<vmem>>, vector<1x16xf32>,
        %swap3A_1249 = vector.shape_cast %swap3A_1248 : vector<1x16xf32> to vector<16xf32>
        %swap3A_1250 = vector.shape_cast %add3A_1243 : vector<16xf32> to vector<1x16xf32>
        tpu.vector_store %arg22[%swap3A_1246, %swap3A_1247], %swap3A_1250 {strides = array<i32>} : memref<65x64xf32, #tpu.memory_space<vmem>>, vector<1x16xf32>,
        %add3A_1251 = arith.constant 0 : i32
        %add3A_1252 = arith.addi %add3A_1251, %scan3A_1171 : i32
        %get3A_1253 = arith.index_cast %add3A_1252 : i32 to index
        %get3A_1254 = arith.constant 16 : index
        %get3A_1255 = tpu.vector_load %arg16[%get3A_1253, %get3A_1254] {strides = array<i32>} : memref<576x64xf32, #tpu.memory_space<vmem>>, vector<1x16xf32>,
        %get3A_1256 = vector.shape_cast %get3A_1255 : vector<1x16xf32> to vector<16xf32>
        %add3A_1257 = arith.constant 64 : i32
        %add3A_1258 = arith.addi %add3A_1257, %scan3A_1171 : i32
        %get3A_1259 = arith.index_cast %add3A_1258 : i32 to index
        %get3A_1260 = arith.constant 16 : index
        %get3A_1261 = tpu.vector_load %arg16[%get3A_1259, %get3A_1260] {strides = array<i32>} : memref<576x64xf32, #tpu.memory_space<vmem>>, vector<1x16xf32>,
        %get3A_1262 = vector.shape_cast %get3A_1261 : vector<1x16xf32> to vector<16xf32>
        %add3A_1263 = arith.constant 128 : i32
        %add3A_1264 = arith.addi %add3A_1263, %scan3A_1171 : i32
        %get3A_1265 = arith.index_cast %add3A_1264 : i32 to index
        %get3A_1266 = arith.constant 16 : index
        %get3A_1267 = tpu.vector_load %arg16[%get3A_1265, %get3A_1266] {strides = array<i32>} : memref<576x64xf32, #tpu.memory_space<vmem>>, vector<1x16xf32>,
        %get3A_1268 = vector.shape_cast %get3A_1267 : vector<1x16xf32> to vector<16xf32>
        %add3A_1269 = arith.constant 192 : i32
        %add3A_1270 = arith.addi %add3A_1269, %scan3A_1171 : i32
        %get3A_1271 = arith.index_cast %add3A_1270 : i32 to index
        %get3A_1272 = arith.constant 16 : index
        %get3A_1273 = tpu.vector_load %arg16[%get3A_1271, %get3A_1272] {strides = array<i32>} : memref<576x64xf32, #tpu.memory_space<vmem>>, vector<1x16xf32>,
        %get3A_1274 = vector.shape_cast %get3A_1273 : vector<1x16xf32> to vector<16xf32>
        %add3A_1275 = arith.constant 256 : i32
        %add3A_1276 = arith.addi %add3A_1275, %scan3A_1171 : i32
        %get3A_1277 = arith.index_cast %add3A_1276 : i32 to index
        %get3A_1278 = arith.constant 16 : index
        %get3A_1279 = tpu.vector_load %arg16[%get3A_1277, %get3A_1278] {strides = array<i32>} : memref<576x64xf32, #tpu.memory_space<vmem>>, vector<1x16xf32>,
        %get3A_1280 = vector.shape_cast %get3A_1279 : vector<1x16xf32> to vector<16xf32>
        %add3A_1281 = arith.constant 320 : i32
        %add3A_1282 = arith.addi %add3A_1281, %scan3A_1171 : i32
        %get3A_1283 = arith.index_cast %add3A_1282 : i32 to index
        %get3A_1284 = arith.constant 16 : index
        %get3A_1285 = tpu.vector_load %arg16[%get3A_1283, %get3A_1284] {strides = array<i32>} : memref<576x64xf32, #tpu.memory_space<vmem>>, vector<1x16xf32>,
        %get3A_1286 = vector.shape_cast %get3A_1285 : vector<1x16xf32> to vector<16xf32>
        %add3A_1287 = arith.constant 384 : i32
        %add3A_1288 = arith.addi %add3A_1287, %scan3A_1171 : i32
        %get3A_1289 = arith.index_cast %add3A_1288 : i32 to index
        %get3A_1290 = arith.constant 16 : index
        %get3A_1291 = tpu.vector_load %arg16[%get3A_1289, %get3A_1290] {strides = array<i32>} : memref<576x64xf32, #tpu.memory_space<vmem>>, vector<1x16xf32>,
        %get3A_1292 = vector.shape_cast %get3A_1291 : vector<1x16xf32> to vector<16xf32>
        %add3A_1293 = arith.constant 448 : i32
        %add3A_1294 = arith.addi %add3A_1293, %scan3A_1171 : i32
        %get3A_1295 = arith.index_cast %add3A_1294 : i32 to index
        %get3A_1296 = arith.constant 16 : index
        %get3A_1297 = tpu.vector_load %arg16[%get3A_1295, %get3A_1296] {strides = array<i32>} : memref<576x64xf32, #tpu.memory_space<vmem>>, vector<1x16xf32>,
        %get3A_1298 = vector.shape_cast %get3A_1297 : vector<1x16xf32> to vector<16xf32>
        %add3A_1299 = arith.constant 512 : i32
        %add3A_1300 = arith.addi %add3A_1299, %scan3A_1171 : i32
        %get3A_1301 = arith.index_cast %add3A_1300 : i32 to index
        %get3A_1302 = arith.constant 16 : index
        %get3A_1303 = tpu.vector_load %arg16[%get3A_1301, %get3A_1302] {strides = array<i32>} : memref<576x64xf32, #tpu.memory_space<vmem>>, vector<1x16xf32>,
        %get3A_1304 = vector.shape_cast %get3A_1303 : vector<1x16xf32> to vector<16xf32>
        %get3A_1305 = arith.index_cast %scan3A_1171 : i32 to index
        %get3A_1306 = arith.constant 16 : index
        %get3A_1307 = tpu.vector_load %arg18[%get3A_1305, %get3A_1306] {strides = array<i32>} : memref<64x64xf32, #tpu.memory_space<vmem>>, vector<1x16xf32>,
        %get3A_1308 = vector.shape_cast %get3A_1307 : vector<1x16xf32> to vector<16xf32>
        %get3A_1309 = arith.index_cast %scan3A_1171 : i32 to index
        %get3A_1310 = arith.constant 16 : index
        %get3A_1311 = tpu.vector_load %arg20[%get3A_1309, %get3A_1310] {strides = array<i32>} : memref<64x64xf32, #tpu.memory_space<vmem>>, vector<1x16xf32>,
        %get3A_1312 = vector.shape_cast %get3A_1311 : vector<1x16xf32> to vector<16xf32>
        %add3A_1313 = arith.addf %get3A_1256, %get3A_1262 : vector<16xf32>
        %add3A_1314 = arith.addf %get3A_1268, %get3A_1274 : vector<16xf32>
        %add3A_1315 = arith.addf %get3A_1280, %get3A_1286 : vector<16xf32>
        %add3A_1316 = arith.addf %get3A_1292, %get3A_1298 : vector<16xf32>
        %add3A_1317 = arith.addf %get3A_1304, %get3A_1308 : vector<16xf32>
        %add3A_1318 = arith.addf %add3A_1313, %add3A_1314 : vector<16xf32>
        %add3A_1319 = arith.addf %add3A_1315, %add3A_1316 : vector<16xf32>
        %add3A_1320 = arith.addf %add3A_1317, %get3A_1312 : vector<16xf32>
        %add3A_1321 = arith.addf %add3A_1318, %add3A_1319 : vector<16xf32>
        %add3A_1322 = arith.addf %add3A_1321, %add3A_1320 : vector<16xf32>
        %add3A_1323 = arith.constant 1 : i32
        %add3A_1324 = arith.addi %add3A_1323, %scan3A_1171 : i32
        %swap3A_1325 = arith.index_cast %add3A_1324 : i32 to index
        %swap3A_1326 = arith.constant 16 : index
        %swap3A_1327 = tpu.vector_load %arg22[%swap3A_1325, %swap3A_1326] {strides = array<i32>} : memref<65x64xf32, #tpu.memory_space<vmem>>, vector<1x16xf32>,
        %swap3A_1328 = vector.shape_cast %swap3A_1327 : vector<1x16xf32> to vector<16xf32>
        %swap3A_1329 = vector.shape_cast %add3A_1322 : vector<16xf32> to vector<1x16xf32>
        tpu.vector_store %arg22[%swap3A_1325, %swap3A_1326], %swap3A_1329 {strides = array<i32>} : memref<65x64xf32, #tpu.memory_space<vmem>>, vector<1x16xf32>,
        %add3A_1330 = arith.constant 0 : i32
        %add3A_1331 = arith.addi %add3A_1330, %scan3A_1171 : i32
        %get3A_1332 = arith.index_cast %add3A_1331 : i32 to index
        %get3A_1333 = arith.constant 32 : index
        %get3A_1334 = tpu.vector_load %arg16[%get3A_1332, %get3A_1333] {strides = array<i32>} : memref<576x64xf32, #tpu.memory_space<vmem>>, vector<1x16xf32>,
        %get3A_1335 = vector.shape_cast %get3A_1334 : vector<1x16xf32> to vector<16xf32>
        %add3A_1336 = arith.constant 64 : i32
        %add3A_1337 = arith.addi %add3A_1336, %scan3A_1171 : i32
        %get3A_1338 = arith.index_cast %add3A_1337 : i32 to index
        %get3A_1339 = arith.constant 32 : index
        %get3A_1340 = tpu.vector_load %arg16[%get3A_1338, %get3A_1339] {strides = array<i32>} : memref<576x64xf32, #tpu.memory_space<vmem>>, vector<1x16xf32>,
        %get3A_1341 = vector.shape_cast %get3A_1340 : vector<1x16xf32> to vector<16xf32>
        %add3A_1342 = arith.constant 128 : i32
        %add3A_1343 = arith.addi %add3A_1342, %scan3A_1171 : i32
        %get3A_1344 = arith.index_cast %add3A_1343 : i32 to index
        %get3A_1345 = arith.constant 32 : index
        %get3A_1346 = tpu.vector_load %arg16[%get3A_1344, %get3A_1345] {strides = array<i32>} : memref<576x64xf32, #tpu.memory_space<vmem>>, vector<1x16xf32>,
        %get3A_1347 = vector.shape_cast %get3A_1346 : vector<1x16xf32> to vector<16xf32>
        %add3A_1348 = arith.constant 192 : i32
        %add3A_1349 = arith.addi %add3A_1348, %scan3A_1171 : i32
        %get3A_1350 = arith.index_cast %add3A_1349 : i32 to index
        %get3A_1351 = arith.constant 32 : index
        %get3A_1352 = tpu.vector_load %arg16[%get3A_1350, %get3A_1351] {strides = array<i32>} : memref<576x64xf32, #tpu.memory_space<vmem>>, vector<1x16xf32>,
        %get3A_1353 = vector.shape_cast %get3A_1352 : vector<1x16xf32> to vector<16xf32>
        %add3A_1354 = arith.constant 256 : i32
        %add3A_1355 = arith.addi %add3A_1354, %scan3A_1171 : i32
        %get3A_1356 = arith.index_cast %add3A_1355 : i32 to index
        %get3A_1357 = arith.constant 32 : index
        %get3A_1358 = tpu.vector_load %arg16[%get3A_1356, %get3A_1357] {strides = array<i32>} : memref<576x64xf32, #tpu.memory_space<vmem>>, vector<1x16xf32>,
        %get3A_1359 = vector.shape_cast %get3A_1358 : vector<1x16xf32> to vector<16xf32>
        %add3A_1360 = arith.constant 320 : i32
        %add3A_1361 = arith.addi %add3A_1360, %scan3A_1171 : i32
        %get3A_1362 = arith.index_cast %add3A_1361 : i32 to index
        %get3A_1363 = arith.constant 32 : index
        %get3A_1364 = tpu.vector_load %arg16[%get3A_1362, %get3A_1363] {strides = array<i32>} : memref<576x64xf32, #tpu.memory_space<vmem>>, vector<1x16xf32>,
        %get3A_1365 = vector.shape_cast %get3A_1364 : vector<1x16xf32> to vector<16xf32>
        %add3A_1366 = arith.constant 384 : i32
        %add3A_1367 = arith.addi %add3A_1366, %scan3A_1171 : i32
        %get3A_1368 = arith.index_cast %add3A_1367 : i32 to index
        %get3A_1369 = arith.constant 32 : index
        %get3A_1370 = tpu.vector_load %arg16[%get3A_1368, %get3A_1369] {strides = array<i32>} : memref<576x64xf32, #tpu.memory_space<vmem>>, vector<1x16xf32>,
        %get3A_1371 = vector.shape_cast %get3A_1370 : vector<1x16xf32> to vector<16xf32>
        %add3A_1372 = arith.constant 448 : i32
        %add3A_1373 = arith.addi %add3A_1372, %scan3A_1171 : i32
        %get3A_1374 = arith.index_cast %add3A_1373 : i32 to index
        %get3A_1375 = arith.constant 32 : index
        %get3A_1376 = tpu.vector_load %arg16[%get3A_1374, %get3A_1375] {strides = array<i32>} : memref<576x64xf32, #tpu.memory_space<vmem>>, vector<1x16xf32>,
        %get3A_1377 = vector.shape_cast %get3A_1376 : vector<1x16xf32> to vector<16xf32>
        %add3A_1378 = arith.constant 512 : i32
        %add3A_1379 = arith.addi %add3A_1378, %scan3A_1171 : i32
        %get3A_1380 = arith.index_cast %add3A_1379 : i32 to index
        %get3A_1381 = arith.constant 32 : index
        %get3A_1382 = tpu.vector_load %arg16[%get3A_1380, %get3A_1381] {strides = array<i32>} : memref<576x64xf32, #tpu.memory_space<vmem>>, vector<1x16xf32>,
        %get3A_1383 = vector.shape_cast %get3A_1382 : vector<1x16xf32> to vector<16xf32>
        %get3A_1384 = arith.index_cast %scan3A_1171 : i32 to index
        %get3A_1385 = arith.constant 32 : index
        %get3A_1386 = tpu.vector_load %arg18[%get3A_1384, %get3A_1385] {strides = array<i32>} : memref<64x64xf32, #tpu.memory_space<vmem>>, vector<1x16xf32>,
        %get3A_1387 = vector.shape_cast %get3A_1386 : vector<1x16xf32> to vector<16xf32>
        %get3A_1388 = arith.index_cast %scan3A_1171 : i32 to index
        %get3A_1389 = arith.constant 32 : index
        %get3A_1390 = tpu.vector_load %arg20[%get3A_1388, %get3A_1389] {strides = array<i32>} : memref<64x64xf32, #tpu.memory_space<vmem>>, vector<1x16xf32>,
        %get3A_1391 = vector.shape_cast %get3A_1390 : vector<1x16xf32> to vector<16xf32>
        %add3A_1392 = arith.addf %get3A_1335, %get3A_1341 : vector<16xf32>
        %add3A_1393 = arith.addf %get3A_1347, %get3A_1353 : vector<16xf32>
        %add3A_1394 = arith.addf %get3A_1359, %get3A_1365 : vector<16xf32>
        %add3A_1395 = arith.addf %get3A_1371, %get3A_1377 : vector<16xf32>
        %add3A_1396 = arith.addf %get3A_1383, %get3A_1387 : vector<16xf32>
        %add3A_1397 = arith.addf %add3A_1392, %add3A_1393 : vector<16xf32>
        %add3A_1398 = arith.addf %add3A_1394, %add3A_1395 : vector<16xf32>
        %add3A_1399 = arith.addf %add3A_1396, %get3A_1391 : vector<16xf32>
        %add3A_1400 = arith.addf %add3A_1397, %add3A_1398 : vector<16xf32>
        %add3A_1401 = arith.addf %add3A_1400, %add3A_1399 : vector<16xf32>
        %add3A_1402 = arith.constant 1 : i32
        %add3A_1403 = arith.addi %add3A_1402, %scan3A_1171 : i32
        %swap3A_1404 = arith.index_cast %add3A_1403 : i32 to index
        %swap3A_1405 = arith.constant 32 : index
        %swap3A_1406 = tpu.vector_load %arg22[%swap3A_1404, %swap3A_1405] {strides = array<i32>} : memref<65x64xf32, #tpu.memory_space<vmem>>, vector<1x16xf32>,
        %swap3A_1407 = vector.shape_cast %swap3A_1406 : vector<1x16xf32> to vector<16xf32>
        %swap3A_1408 = vector.shape_cast %add3A_1401 : vector<16xf32> to vector<1x16xf32>
        tpu.vector_store %arg22[%swap3A_1404, %swap3A_1405], %swap3A_1408 {strides = array<i32>} : memref<65x64xf32, #tpu.memory_space<vmem>>, vector<1x16xf32>,
        %add3A_1409 = arith.constant 0 : i32
        %add3A_1410 = arith.addi %add3A_1409, %scan3A_1171 : i32
        %get3A_1411 = arith.index_cast %add3A_1410 : i32 to index
        %get3A_1412 = arith.constant 48 : index
        %get3A_1413 = tpu.vector_load %arg16[%get3A_1411, %get3A_1412] {strides = array<i32>} : memref<576x64xf32, #tpu.memory_space<vmem>>, vector<1x16xf32>,
        %get3A_1414 = vector.shape_cast %get3A_1413 : vector<1x16xf32> to vector<16xf32>
        %add3A_1415 = arith.constant 64 : i32
        %add3A_1416 = arith.addi %add3A_1415, %scan3A_1171 : i32
        %get3A_1417 = arith.index_cast %add3A_1416 : i32 to index
        %get3A_1418 = arith.constant 48 : index
        %get3A_1419 = tpu.vector_load %arg16[%get3A_1417, %get3A_1418] {strides = array<i32>} : memref<576x64xf32, #tpu.memory_space<vmem>>, vector<1x16xf32>,
        %get3A_1420 = vector.shape_cast %get3A_1419 : vector<1x16xf32> to vector<16xf32>
        %add3A_1421 = arith.constant 128 : i32
        %add3A_1422 = arith.addi %add3A_1421, %scan3A_1171 : i32
        %get3A_1423 = arith.index_cast %add3A_1422 : i32 to index
        %get3A_1424 = arith.constant 48 : index
        %get3A_1425 = tpu.vector_load %arg16[%get3A_1423, %get3A_1424] {strides = array<i32>} : memref<576x64xf32, #tpu.memory_space<vmem>>, vector<1x16xf32>,
        %get3A_1426 = vector.shape_cast %get3A_1425 : vector<1x16xf32> to vector<16xf32>
        %add3A_1427 = arith.constant 192 : i32
        %add3A_1428 = arith.addi %add3A_1427, %scan3A_1171 : i32
        %get3A_1429 = arith.index_cast %add3A_1428 : i32 to index
        %get3A_1430 = arith.constant 48 : index
        %get3A_1431 = tpu.vector_load %arg16[%get3A_1429, %get3A_1430] {strides = array<i32>} : memref<576x64xf32, #tpu.memory_space<vmem>>, vector<1x16xf32>,
        %get3A_1432 = vector.shape_cast %get3A_1431 : vector<1x16xf32> to vector<16xf32>
        %add3A_1433 = arith.constant 256 : i32
        %add3A_1434 = arith.addi %add3A_1433, %scan3A_1171 : i32
        %get3A_1435 = arith.index_cast %add3A_1434 : i32 to index
        %get3A_1436 = arith.constant 48 : index
        %get3A_1437 = tpu.vector_load %arg16[%get3A_1435, %get3A_1436] {strides = array<i32>} : memref<576x64xf32, #tpu.memory_space<vmem>>, vector<1x16xf32>,
        %get3A_1438 = vector.shape_cast %get3A_1437 : vector<1x16xf32> to vector<16xf32>
        %add3A_1439 = arith.constant 320 : i32
        %add3A_1440 = arith.addi %add3A_1439, %scan3A_1171 : i32
        %get3A_1441 = arith.index_cast %add3A_1440 : i32 to index
        %get3A_1442 = arith.constant 48 : index
        %get3A_1443 = tpu.vector_load %arg16[%get3A_1441, %get3A_1442] {strides = array<i32>} : memref<576x64xf32, #tpu.memory_space<vmem>>, vector<1x16xf32>,
        %get3A_1444 = vector.shape_cast %get3A_1443 : vector<1x16xf32> to vector<16xf32>
        %add3A_1445 = arith.constant 384 : i32
        %add3A_1446 = arith.addi %add3A_1445, %scan3A_1171 : i32
        %get3A_1447 = arith.index_cast %add3A_1446 : i32 to index
        %get3A_1448 = arith.constant 48 : index
        %get3A_1449 = tpu.vector_load %arg16[%get3A_1447, %get3A_1448] {strides = array<i32>} : memref<576x64xf32, #tpu.memory_space<vmem>>, vector<1x16xf32>,
        %get3A_1450 = vector.shape_cast %get3A_1449 : vector<1x16xf32> to vector<16xf32>
        %add3A_1451 = arith.constant 448 : i32
        %add3A_1452 = arith.addi %add3A_1451, %scan3A_1171 : i32
        %get3A_1453 = arith.index_cast %add3A_1452 : i32 to index
        %get3A_1454 = arith.constant 48 : index
        %get3A_1455 = tpu.vector_load %arg16[%get3A_1453, %get3A_1454] {strides = array<i32>} : memref<576x64xf32, #tpu.memory_space<vmem>>, vector<1x16xf32>,
        %get3A_1456 = vector.shape_cast %get3A_1455 : vector<1x16xf32> to vector<16xf32>
        %add3A_1457 = arith.constant 512 : i32
        %add3A_1458 = arith.addi %add3A_1457, %scan3A_1171 : i32
        %get3A_1459 = arith.index_cast %add3A_1458 : i32 to index
        %get3A_1460 = arith.constant 48 : index
        %get3A_1461 = tpu.vector_load %arg16[%get3A_1459, %get3A_1460] {strides = array<i32>} : memref<576x64xf32, #tpu.memory_space<vmem>>, vector<1x16xf32>,
        %get3A_1462 = vector.shape_cast %get3A_1461 : vector<1x16xf32> to vector<16xf32>
        %get3A_1463 = arith.index_cast %scan3A_1171 : i32 to index
        %get3A_1464 = arith.constant 48 : index
        %get3A_1465 = tpu.vector_load %arg18[%get3A_1463, %get3A_1464] {strides = array<i32>} : memref<64x64xf32, #tpu.memory_space<vmem>>, vector<1x16xf32>,
        %get3A_1466 = vector.shape_cast %get3A_1465 : vector<1x16xf32> to vector<16xf32>
        %get3A_1467 = arith.index_cast %scan3A_1171 : i32 to index
        %get3A_1468 = arith.constant 48 : index
        %get3A_1469 = tpu.vector_load %arg20[%get3A_1467, %get3A_1468] {strides = array<i32>} : memref<64x64xf32, #tpu.memory_space<vmem>>, vector<1x16xf32>,
        %get3A_1470 = vector.shape_cast %get3A_1469 : vector<1x16xf32> to vector<16xf32>
        %add3A_1471 = arith.addf %get3A_1414, %get3A_1420 : vector<16xf32>
        %add3A_1472 = arith.addf %get3A_1426, %get3A_1432 : vector<16xf32>
        %add3A_1473 = arith.addf %get3A_1438, %get3A_1444 : vector<16xf32>
        %add3A_1474 = arith.addf %get3A_1450, %get3A_1456 : vector<16xf32>
        %add3A_1475 = arith.addf %get3A_1462, %get3A_1466 : vector<16xf32>
        %add3A_1476 = arith.addf %add3A_1471, %add3A_1472 : vector<16xf32>
        %add3A_1477 = arith.addf %add3A_1473, %add3A_1474 : vector<16xf32>
        %add3A_1478 = arith.addf %add3A_1475, %get3A_1470 : vector<16xf32>
        %add3A_1479 = arith.addf %add3A_1476, %add3A_1477 : vector<16xf32>
        %add3A_1480 = arith.addf %add3A_1479, %add3A_1478 : vector<16xf32>
        %add3A_1481 = arith.constant 1 : i32
        %add3A_1482 = arith.addi %add3A_1481, %scan3A_1171 : i32
        %swap3A_1483 = arith.index_cast %add3A_1482 : i32 to index
        %swap3A_1484 = arith.constant 48 : index
        %swap3A_1485 = tpu.vector_load %arg22[%swap3A_1483, %swap3A_1484] {strides = array<i32>} : memref<65x64xf32, #tpu.memory_space<vmem>>, vector<1x16xf32>,
        %swap3A_1486 = vector.shape_cast %swap3A_1485 : vector<1x16xf32> to vector<16xf32>
        %swap3A_1487 = vector.shape_cast %add3A_1480 : vector<16xf32> to vector<1x16xf32>
        tpu.vector_store %arg22[%swap3A_1483, %swap3A_1484], %swap3A_1487 {strides = array<i32>} : memref<65x64xf32, #tpu.memory_space<vmem>>, vector<1x16xf32>,
      }
      %scan3A_705 = arith.constant 64 : i32
      %mul3A_706 = arith.constant 32 : i32
      %mul3A_707 = arith.muli %add3A, %mul3A_706 : i32
      %add3A_708 = arith.addi %mul3A_707, %scan3A_584 : i32
      %dma_start3A_709 = arith.constant 0 : i32
      %dma_start3A_710 = arith.constant 0 : i32
      %dma_start3A_711 = tpu.memref_slice %arg9[%add3A_708, %dma_start3A_709, %dma_start3A_710] : memref<1024x129x64xf32, #tpu.memory_space<hbm>> -> memref<1x65x64xf32, #tpu.memory_space<hbm>>
      %dma_start3A_712 = tpu.memref_squeeze %dma_start3A_711 : memref<1x65x64xf32, #tpu.memory_space<hbm>> -> memref<65x64xf32, #tpu.memory_space<hbm>>
      %dma_start3A_713 = arith.constant 0 : i32
      %dma_start3A_714 = arith.constant 0 : i32
      %dma_start3A_715 = tpu.memref_slice %arg9[%add3A_708, %dma_start3A_713, %dma_start3A_714] : memref<1024x129x64xf32, #tpu.memory_space<hbm>> -> memref<1x65x64xf32, #tpu.memory_space<hbm>>
      %dma_start3A_716 = tpu.memref_squeeze %dma_start3A_715 : memref<1x65x64xf32, #tpu.memory_space<hbm>> -> memref<65x64xf32, #tpu.memory_space<hbm>>
      tpu.enqueue_dma source(%arg22 : memref<65x64xf32, #tpu.memory_space<vmem>>) target(%dma_start3A_716 : memref<65x64xf32, #tpu.memory_space<hbm>>) target_semaphore(%arg29 : memref<!tpu.dma_semaphore, #tpu.memory_space<semaphore_mem>>)
      %mul3A_717 = arith.constant 2 : i32
      %mul3A_718 = arith.muli %mul3A_717, %scan3A_584 : i32
      %add3A_719 = arith.constant 1 : i32
      %add3A_720 = arith.addi %mul3A_718, %add3A_719 : i32
      %dma_wait3A_721 = arith.constant 0 : i32
      %dma_wait3A_722 = arith.constant 0 : i32
      %dma_wait3A_723 = arith.constant 0 : i32
      %dma_wait3A_724 = tpu.memref_slice %arg17[%dma_wait3A_722, %dma_wait3A_723] : memref<576x64xf32, #tpu.memory_space<vmem>> -> memref<64x64xf32, #tpu.memory_space<vmem>>
      %dma_wait3A_725 = arith.constant 0 : i32
      %dma_wait3A_726 = tpu.memref_slice %arg11[%dma_wait3A_721, %dma_wait3A_725] : memref<9x64xi32, #tpu.memory_space<vmem>> -> memref<1x64xi32, #tpu.memory_space<vmem>>
      %dma_wait3A_727 = tpu.memref_squeeze %dma_wait3A_726 : memref<1x64xi32, #tpu.memory_space<vmem>> -> memref<64xi32, #tpu.memory_space<vmem>>
      %dma_wait3A_728 = arith.constant 0 : i32
      %dma_wait3A_729 = arith.constant 0 : i32
      %dma_wait3A_730 = tpu.memref_slice %arg5[%dma_wait3A_728, %dma_wait3A_729] : memref<100001x64xf32, #tpu.memory_space<hbm>> -> memref<100001x64xf32, #tpu.memory_space<hbm>>
      tpu.wait_indirect_dma semaphore(%arg28 : memref<!tpu.dma_semaphore, #tpu.memory_space<semaphore_mem>>) src(%dma_wait3A_730 : memref<100001x64xf32, #tpu.memory_space<hbm>>) dst(%dma_wait3A_724 : memref<64x64xf32, #tpu.memory_space<vmem>>)
      %dma_wait3A_731 = arith.constant 1 : i32
      %dma_wait3A_732 = arith.constant 64 : i32
      %dma_wait3A_733 = arith.constant 0 : i32
      %dma_wait3A_734 = tpu.memref_slice %arg17[%dma_wait3A_732, %dma_wait3A_733] : memref<576x64xf32, #tpu.memory_space<vmem>> -> memref<64x64xf32, #tpu.memory_space<vmem>>
      %dma_wait3A_735 = arith.constant 0 : i32
      %dma_wait3A_736 = tpu.memref_slice %arg11[%dma_wait3A_731, %dma_wait3A_735] : memref<9x64xi32, #tpu.memory_space<vmem>> -> memref<1x64xi32, #tpu.memory_space<vmem>>
      %dma_wait3A_737 = tpu.memref_squeeze %dma_wait3A_736 : memref<1x64xi32, #tpu.memory_space<vmem>> -> memref<64xi32, #tpu.memory_space<vmem>>
      %dma_wait3A_738 = arith.constant 0 : i32
      %dma_wait3A_739 = arith.constant 0 : i32
      %dma_wait3A_740 = tpu.memref_slice %arg5[%dma_wait3A_738, %dma_wait3A_739] : memref<100001x64xf32, #tpu.memory_space<hbm>> -> memref<100001x64xf32, #tpu.memory_space<hbm>>
      tpu.wait_indirect_dma semaphore(%arg28 : memref<!tpu.dma_semaphore, #tpu.memory_space<semaphore_mem>>) src(%dma_wait3A_740 : memref<100001x64xf32, #tpu.memory_space<hbm>>) dst(%dma_wait3A_734 : memref<64x64xf32, #tpu.memory_space<vmem>>)
      %dma_wait3A_741 = arith.constant 2 : i32
      %dma_wait3A_742 = arith.constant 128 : i32
      %dma_wait3A_743 = arith.constant 0 : i32
      %dma_wait3A_744 = tpu.memref_slice %arg17[%dma_wait3A_742, %dma_wait3A_743] : memref<576x64xf32, #tpu.memory_space<vmem>> -> memref<64x64xf32, #tpu.memory_space<vmem>>
      %dma_wait3A_745 = arith.constant 0 : i32
      %dma_wait3A_746 = tpu.memref_slice %arg11[%dma_wait3A_741, %dma_wait3A_745] : memref<9x64xi32, #tpu.memory_space<vmem>> -> memref<1x64xi32, #tpu.memory_space<vmem>>
      %dma_wait3A_747 = tpu.memref_squeeze %dma_wait3A_746 : memref<1x64xi32, #tpu.memory_space<vmem>> -> memref<64xi32, #tpu.memory_space<vmem>>
      %dma_wait3A_748 = arith.constant 0 : i32
      %dma_wait3A_749 = arith.constant 0 : i32
      %dma_wait3A_750 = tpu.memref_slice %arg5[%dma_wait3A_748, %dma_wait3A_749] : memref<100001x64xf32, #tpu.memory_space<hbm>> -> memref<100001x64xf32, #tpu.memory_space<hbm>>
      tpu.wait_indirect_dma semaphore(%arg28 : memref<!tpu.dma_semaphore, #tpu.memory_space<semaphore_mem>>) src(%dma_wait3A_750 : memref<100001x64xf32, #tpu.memory_space<hbm>>) dst(%dma_wait3A_744 : memref<64x64xf32, #tpu.memory_space<vmem>>)
      %dma_wait3A_751 = arith.constant 3 : i32
      %dma_wait3A_752 = arith.constant 192 : i32
      %dma_wait3A_753 = arith.constant 0 : i32
      %dma_wait3A_754 = tpu.memref_slice %arg17[%dma_wait3A_752, %dma_wait3A_753] : memref<576x64xf32, #tpu.memory_space<vmem>> -> memref<64x64xf32, #tpu.memory_space<vmem>>
      %dma_wait3A_755 = arith.constant 0 : i32
      %dma_wait3A_756 = tpu.memref_slice %arg11[%dma_wait3A_751, %dma_wait3A_755] : memref<9x64xi32, #tpu.memory_space<vmem>> -> memref<1x64xi32, #tpu.memory_space<vmem>>
      %dma_wait3A_757 = tpu.memref_squeeze %dma_wait3A_756 : memref<1x64xi32, #tpu.memory_space<vmem>> -> memref<64xi32, #tpu.memory_space<vmem>>
      %dma_wait3A_758 = arith.constant 0 : i32
      %dma_wait3A_759 = arith.constant 0 : i32
      %dma_wait3A_760 = tpu.memref_slice %arg5[%dma_wait3A_758, %dma_wait3A_759] : memref<100001x64xf32, #tpu.memory_space<hbm>> -> memref<100001x64xf32, #tpu.memory_space<hbm>>
      tpu.wait_indirect_dma semaphore(%arg28 : memref<!tpu.dma_semaphore, #tpu.memory_space<semaphore_mem>>) src(%dma_wait3A_760 : memref<100001x64xf32, #tpu.memory_space<hbm>>) dst(%dma_wait3A_754 : memref<64x64xf32, #tpu.memory_space<vmem>>)
      %dma_wait3A_761 = arith.constant 4 : i32
      %dma_wait3A_762 = arith.constant 256 : i32
      %dma_wait3A_763 = arith.constant 0 : i32
      %dma_wait3A_764 = tpu.memref_slice %arg17[%dma_wait3A_762, %dma_wait3A_763] : memref<576x64xf32, #tpu.memory_space<vmem>> -> memref<64x64xf32, #tpu.memory_space<vmem>>
      %dma_wait3A_765 = arith.constant 0 : i32
      %dma_wait3A_766 = tpu.memref_slice %arg11[%dma_wait3A_761, %dma_wait3A_765] : memref<9x64xi32, #tpu.memory_space<vmem>> -> memref<1x64xi32, #tpu.memory_space<vmem>>
      %dma_wait3A_767 = tpu.memref_squeeze %dma_wait3A_766 : memref<1x64xi32, #tpu.memory_space<vmem>> -> memref<64xi32, #tpu.memory_space<vmem>>
      %dma_wait3A_768 = arith.constant 0 : i32
      %dma_wait3A_769 = arith.constant 0 : i32
      %dma_wait3A_770 = tpu.memref_slice %arg5[%dma_wait3A_768, %dma_wait3A_769] : memref<100001x64xf32, #tpu.memory_space<hbm>> -> memref<100001x64xf32, #tpu.memory_space<hbm>>
      tpu.wait_indirect_dma semaphore(%arg28 : memref<!tpu.dma_semaphore, #tpu.memory_space<semaphore_mem>>) src(%dma_wait3A_770 : memref<100001x64xf32, #tpu.memory_space<hbm>>) dst(%dma_wait3A_764 : memref<64x64xf32, #tpu.memory_space<vmem>>)
      %dma_wait3A_771 = arith.constant 5 : i32
      %dma_wait3A_772 = arith.constant 320 : i32
      %dma_wait3A_773 = arith.constant 0 : i32
      %dma_wait3A_774 = tpu.memref_slice %arg17[%dma_wait3A_772, %dma_wait3A_773] : memref<576x64xf32, #tpu.memory_space<vmem>> -> memref<64x64xf32, #tpu.memory_space<vmem>>
      %dma_wait3A_775 = arith.constant 0 : i32
      %dma_wait3A_776 = tpu.memref_slice %arg11[%dma_wait3A_771, %dma_wait3A_775] : memref<9x64xi32, #tpu.memory_space<vmem>> -> memref<1x64xi32, #tpu.memory_space<vmem>>
      %dma_wait3A_777 = tpu.memref_squeeze %dma_wait3A_776 : memref<1x64xi32, #tpu.memory_space<vmem>> -> memref<64xi32, #tpu.memory_space<vmem>>
      %dma_wait3A_778 = arith.constant 0 : i32
      %dma_wait3A_779 = arith.constant 0 : i32
      %dma_wait3A_780 = tpu.memref_slice %arg5[%dma_wait3A_778, %dma_wait3A_779] : memref<100001x64xf32, #tpu.memory_space<hbm>> -> memref<100001x64xf32, #tpu.memory_space<hbm>>
      tpu.wait_indirect_dma semaphore(%arg28 : memref<!tpu.dma_semaphore, #tpu.memory_space<semaphore_mem>>) src(%dma_wait3A_780 : memref<100001x64xf32, #tpu.memory_space<hbm>>) dst(%dma_wait3A_774 : memref<64x64xf32, #tpu.memory_space<vmem>>)
      %dma_wait3A_781 = arith.constant 6 : i32
      %dma_wait3A_782 = arith.constant 384 : i32
      %dma_wait3A_783 = arith.constant 0 : i32
      %dma_wait3A_784 = tpu.memref_slice %arg17[%dma_wait3A_782, %dma_wait3A_783] : memref<576x64xf32, #tpu.memory_space<vmem>> -> memref<64x64xf32, #tpu.memory_space<vmem>>
      %dma_wait3A_785 = arith.constant 0 : i32
      %dma_wait3A_786 = tpu.memref_slice %arg11[%dma_wait3A_781, %dma_wait3A_785] : memref<9x64xi32, #tpu.memory_space<vmem>> -> memref<1x64xi32, #tpu.memory_space<vmem>>
      %dma_wait3A_787 = tpu.memref_squeeze %dma_wait3A_786 : memref<1x64xi32, #tpu.memory_space<vmem>> -> memref<64xi32, #tpu.memory_space<vmem>>
      %dma_wait3A_788 = arith.constant 0 : i32
      %dma_wait3A_789 = arith.constant 0 : i32
      %dma_wait3A_790 = tpu.memref_slice %arg5[%dma_wait3A_788, %dma_wait3A_789] : memref<100001x64xf32, #tpu.memory_space<hbm>> -> memref<100001x64xf32, #tpu.memory_space<hbm>>
      tpu.wait_indirect_dma semaphore(%arg28 : memref<!tpu.dma_semaphore, #tpu.memory_space<semaphore_mem>>) src(%dma_wait3A_790 : memref<100001x64xf32, #tpu.memory_space<hbm>>) dst(%dma_wait3A_784 : memref<64x64xf32, #tpu.memory_space<vmem>>)
      %dma_wait3A_791 = arith.constant 7 : i32
      %dma_wait3A_792 = arith.constant 448 : i32
      %dma_wait3A_793 = arith.constant 0 : i32
      %dma_wait3A_794 = tpu.memref_slice %arg17[%dma_wait3A_792, %dma_wait3A_793] : memref<576x64xf32, #tpu.memory_space<vmem>> -> memref<64x64xf32, #tpu.memory_space<vmem>>
      %dma_wait3A_795 = arith.constant 0 : i32
      %dma_wait3A_796 = tpu.memref_slice %arg11[%dma_wait3A_791, %dma_wait3A_795] : memref<9x64xi32, #tpu.memory_space<vmem>> -> memref<1x64xi32, #tpu.memory_space<vmem>>
      %dma_wait3A_797 = tpu.memref_squeeze %dma_wait3A_796 : memref<1x64xi32, #tpu.memory_space<vmem>> -> memref<64xi32, #tpu.memory_space<vmem>>
      %dma_wait3A_798 = arith.constant 0 : i32
      %dma_wait3A_799 = arith.constant 0 : i32
      %dma_wait3A_800 = tpu.memref_slice %arg5[%dma_wait3A_798, %dma_wait3A_799] : memref<100001x64xf32, #tpu.memory_space<hbm>> -> memref<100001x64xf32, #tpu.memory_space<hbm>>
      tpu.wait_indirect_dma semaphore(%arg28 : memref<!tpu.dma_semaphore, #tpu.memory_space<semaphore_mem>>) src(%dma_wait3A_800 : memref<100001x64xf32, #tpu.memory_space<hbm>>) dst(%dma_wait3A_794 : memref<64x64xf32, #tpu.memory_space<vmem>>)
      %dma_wait3A_801 = arith.constant 8 : i32
      %dma_wait3A_802 = arith.constant 512 : i32
      %dma_wait3A_803 = arith.constant 0 : i32
      %dma_wait3A_804 = tpu.memref_slice %arg17[%dma_wait3A_802, %dma_wait3A_803] : memref<576x64xf32, #tpu.memory_space<vmem>> -> memref<64x64xf32, #tpu.memory_space<vmem>>
      %dma_wait3A_805 = arith.constant 0 : i32
      %dma_wait3A_806 = tpu.memref_slice %arg11[%dma_wait3A_801, %dma_wait3A_805] : memref<9x64xi32, #tpu.memory_space<vmem>> -> memref<1x64xi32, #tpu.memory_space<vmem>>
      %dma_wait3A_807 = tpu.memref_squeeze %dma_wait3A_806 : memref<1x64xi32, #tpu.memory_space<vmem>> -> memref<64xi32, #tpu.memory_space<vmem>>
      %dma_wait3A_808 = arith.constant 0 : i32
      %dma_wait3A_809 = arith.constant 0 : i32
      %dma_wait3A_810 = tpu.memref_slice %arg5[%dma_wait3A_808, %dma_wait3A_809] : memref<100001x64xf32, #tpu.memory_space<hbm>> -> memref<100001x64xf32, #tpu.memory_space<hbm>>
      tpu.wait_indirect_dma semaphore(%arg28 : memref<!tpu.dma_semaphore, #tpu.memory_space<semaphore_mem>>) src(%dma_wait3A_810 : memref<100001x64xf32, #tpu.memory_space<hbm>>) dst(%dma_wait3A_804 : memref<64x64xf32, #tpu.memory_space<vmem>>)
      %dma_wait3A_811 = arith.constant 0 : i32
      %dma_wait3A_812 = arith.constant 0 : i32
      %dma_wait3A_813 = tpu.memref_slice %arg6[%dma_wait3A_811, %dma_wait3A_812] : memref<512x64xf32, #tpu.memory_space<hbm>> -> memref<512x64xf32, #tpu.memory_space<hbm>>
      tpu.wait_indirect_dma semaphore(%arg28 : memref<!tpu.dma_semaphore, #tpu.memory_space<semaphore_mem>>) src(%dma_wait3A_813 : memref<512x64xf32, #tpu.memory_space<hbm>>) dst(%arg19 : memref<64x64xf32, #tpu.memory_space<vmem>>)
      %dma_wait3A_814 = arith.constant 0 : i32
      %dma_wait3A_815 = arith.constant 0 : i32
      %dma_wait3A_816 = tpu.memref_slice %arg7[%dma_wait3A_814, %dma_wait3A_815] : memref<512x64xf32, #tpu.memory_space<hbm>> -> memref<512x64xf32, #tpu.memory_space<hbm>>
      tpu.wait_indirect_dma semaphore(%arg28 : memref<!tpu.dma_semaphore, #tpu.memory_space<semaphore_mem>>) src(%dma_wait3A_816 : memref<512x64xf32, #tpu.memory_space<hbm>>) dst(%arg21 : memref<64x64xf32, #tpu.memory_space<vmem>>)
      %add3A_817 = arith.constant 2 : i32
      %add3A_818 = arith.addi %add3A_720, %add3A_817 : i32
      %lt3A_819 = arith.constant 64 : i32
      %lt3A_820 = arith.cmpi slt, %add3A_818, %lt3A_819 : i32
      %convert_element_type3A_821 = arith.extui %lt3A_820 : i1 to i32
      %cond3A_822 = arith.constant 0 : i32
      %cond3A_823 = arith.cmpi ne, %convert_element_type3A_821, %cond3A_822 : i32
      scf.if %cond3A_823 {
        %add3A_853 = arith.constant 2 : i32
        %add3A_854 = arith.addi %add3A_720, %add3A_853 : i32
        %mul3A_855 = arith.constant 32 : i32
        %mul3A_856 = arith.muli %add3A, %mul3A_855 : i32
        %jit3A = arith.constant 2 : i32
        %div3A = arith.divsi %add3A_854, %jit3A : i32
        %sign3A = arith.constant 0 : i32
        %sign3A_857 = arith.cmpi sgt, %add3A_854, %sign3A : i32
        %sign3A_858 = arith.extui %sign3A_857 : i1 to i32
        %sign3A_859 = arith.constant 0 : i32
        %sign3A_860 = arith.cmpi slt, %add3A_854, %sign3A_859 : i32
        %sign3A_861 = arith.extui %sign3A_860 : i1 to i32
        %sign3A_862 = arith.subi %sign3A_858, %sign3A_861 : i32
        %sign3A_863 = arith.constant 0 : i32
        %sign3A_864 = arith.cmpi sgt, %jit3A, %sign3A_863 : i32
        %sign3A_865 = arith.extui %sign3A_864 : i1 to i32
        %sign3A_866 = arith.constant 0 : i32
        %sign3A_867 = arith.cmpi slt, %jit3A, %sign3A_866 : i32
        %sign3A_868 = arith.extui %sign3A_867 : i1 to i32
        %sign3A_869 = arith.subi %sign3A_865, %sign3A_868 : i32
        %ne3A = arith.cmpi ne, %sign3A_862, %sign3A_869 : i32
        %rem3A = arith.remsi %add3A_854, %jit3A : i32
        %ne3A_870 = arith.constant 0 : i32
        %ne3A_871 = arith.cmpi ne, %rem3A, %ne3A_870 : i32
        %and3A = arith.andi %ne3A, %ne3A_871 : i1
        %sub3A = arith.constant 1 : i32
        %sub3A_872 = arith.subi %div3A, %sub3A : i32
        %select_n3A = arith.select %and3A, %sub3A_872, %div3A : i32
        %add3A_873 = arith.addi %mul3A_856, %select_n3A : i32
        %jit3A_874 = arith.constant 2 : i32
        %eq3A = arith.constant 0 : i32
        %eq3A_875 = arith.cmpi eq, %jit3A_874, %eq3A : i32
        %jit3A_876 = arith.constant 1 : i32
        %select_n3A_877 = arith.select %eq3A_875, %jit3A_876, %jit3A_874 : i32
        %rem3A_878 = arith.remsi %add3A_854, %select_n3A_877 : i32
        %ne3A_879 = arith.constant 0 : i32
        %ne3A_880 = arith.cmpi ne, %rem3A_878, %ne3A_879 : i32
        %lt3A_881 = arith.constant 0 : i32
        %lt3A_882 = arith.cmpi slt, %rem3A_878, %lt3A_881 : i32
        %lt3A_883 = arith.constant 0 : i32
        %lt3A_884 = arith.cmpi slt, %select_n3A_877, %lt3A_883 : i32
        %ne3A_885 = arith.xori %lt3A_882, %lt3A_884 : i1
        %and3A_886 = arith.andi %ne3A_885, %ne3A_880 : i1
        %add3A_887 = arith.addi %rem3A_878, %select_n3A_877 : i32
        %select_n3A_888 = arith.select %and3A_886, %add3A_887, %rem3A_878 : i32
        %mul3A_889 = arith.constant 64 : i32
        %mul3A_890 = arith.muli %select_n3A_888, %mul3A_889 : i32
        %mul3A_891 = arith.constant 64 : i32
        %mul3A_892 = arith.muli %select_n3A_888, %mul3A_891 : i32
        %mul3A_893 = arith.constant 64 : i32
        %mul3A_894 = arith.muli %select_n3A_888, %mul3A_893 : i32
        %mul3A_895 = arith.constant 64 : i32
        %mul3A_896 = arith.muli %select_n3A_888, %mul3A_895 : i32
        %mul3A_897 = arith.constant 64 : i32
        %mul3A_898 = arith.muli %select_n3A_888, %mul3A_897 : i32
        %mul3A_899 = arith.constant 64 : i32
        %mul3A_900 = arith.muli %select_n3A_888, %mul3A_899 : i32
        %mul3A_901 = arith.constant 64 : i32
        %mul3A_902 = arith.muli %select_n3A_888, %mul3A_901 : i32
        %mul3A_903 = arith.constant 64 : i32
        %mul3A_904 = arith.muli %select_n3A_888, %mul3A_903 : i32
        %mul3A_905 = arith.constant 64 : i32
        %mul3A_906 = arith.muli %select_n3A_888, %mul3A_905 : i32
        %mul3A_907 = arith.constant 4096 : i32
        %mul3A_908 = arith.muli %add3A, %mul3A_907 : i32
        %mul3A_909 = arith.constant 64 : i32
        %mul3A_910 = arith.muli %add3A_854, %mul3A_909 : i32
        %add3A_911 = arith.addi %mul3A_908, %mul3A_910 : i32
        %mul3A_912 = arith.constant 4096 : i32
        %mul3A_913 = arith.muli %add3A, %mul3A_912 : i32
        %mul3A_914 = arith.constant 64 : i32
        %mul3A_915 = arith.muli %add3A_854, %mul3A_914 : i32
        %add3A_916 = arith.addi %mul3A_913, %mul3A_915 : i32
        %dma_start3A_917 = arith.constant 0 : i32
        %dma_start3A_918 = arith.constant 0 : i32
        %dma_start3A_919 = arith.constant 0 : i32
        %dma_start3A_920 = tpu.memref_slice %arg11[%dma_start3A_918, %dma_start3A_919] : memref<9x64xi32, #tpu.memory_space<vmem>> -> memref<1x64xi32, #tpu.memory_space<vmem>>
        %dma_start3A_921 = tpu.memref_squeeze %dma_start3A_920 : memref<1x64xi32, #tpu.memory_space<vmem>> -> memref<64xi32, #tpu.memory_space<vmem>>
        %dma_start3A_922 = tpu.memref_slice %arg2[%dma_start3A_917, %add3A_873, %mul3A_890] : memref<9x1024x128xi32, #tpu.memory_space<hbm>> -> memref<1x1x64xi32, #tpu.memory_space<hbm>>
        %dma_start3A_923 = tpu.memref_squeeze %dma_start3A_922 : memref<1x1x64xi32, #tpu.memory_space<hbm>> -> memref<64xi32, #tpu.memory_space<hbm>>
        %dma_start3A_924 = arith.constant 0 : i32
        %dma_start3A_925 = tpu.memref_slice %arg11[%dma_start3A_918, %dma_start3A_924] : memref<9x64xi32, #tpu.memory_space<vmem>> -> memref<1x64xi32, #tpu.memory_space<vmem>>
        %dma_start3A_926 = tpu.memref_squeeze %dma_start3A_925 : memref<1x64xi32, #tpu.memory_space<vmem>> -> memref<64xi32, #tpu.memory_space<vmem>>
        %dma_start3A_927 = tpu.memref_slice %arg2[%dma_start3A_917, %add3A_873, %mul3A_890] : memref<9x1024x128xi32, #tpu.memory_space<hbm>> -> memref<1x1x64xi32, #tpu.memory_space<hbm>>
        %dma_start3A_928 = tpu.memref_squeeze %dma_start3A_927 : memref<1x1x64xi32, #tpu.memory_space<hbm>> -> memref<64xi32, #tpu.memory_space<hbm>>
        tpu.enqueue_dma source(%dma_start3A_928 : memref<64xi32, #tpu.memory_space<hbm>>) target(%dma_start3A_926 : memref<64xi32, #tpu.memory_space<vmem>>) target_semaphore(%arg26 : memref<!tpu.dma_semaphore, #tpu.memory_space<semaphore_mem>>)
        %dma_start3A_929 = arith.constant 1 : i32
        %dma_start3A_930 = arith.constant 1 : i32
        %dma_start3A_931 = arith.constant 0 : i32
        %dma_start3A_932 = tpu.memref_slice %arg11[%dma_start3A_930, %dma_start3A_931] : memref<9x64xi32, #tpu.memory_space<vmem>> -> memref<1x64xi32, #tpu.memory_space<vmem>>
        %dma_start3A_933 = tpu.memref_squeeze %dma_start3A_932 : memref<1x64xi32, #tpu.memory_space<vmem>> -> memref<64xi32, #tpu.memory_space<vmem>>
        %dma_start3A_934 = tpu.memref_slice %arg2[%dma_start3A_929, %add3A_873, %mul3A_892] : memref<9x1024x128xi32, #tpu.memory_space<hbm>> -> memref<1x1x64xi32, #tpu.memory_space<hbm>>
        %dma_start3A_935 = tpu.memref_squeeze %dma_start3A_934 : memref<1x1x64xi32, #tpu.memory_space<hbm>> -> memref<64xi32, #tpu.memory_space<hbm>>
        %dma_start3A_936 = arith.constant 0 : i32
        %dma_start3A_937 = tpu.memref_slice %arg11[%dma_start3A_930, %dma_start3A_936] : memref<9x64xi32, #tpu.memory_space<vmem>> -> memref<1x64xi32, #tpu.memory_space<vmem>>
        %dma_start3A_938 = tpu.memref_squeeze %dma_start3A_937 : memref<1x64xi32, #tpu.memory_space<vmem>> -> memref<64xi32, #tpu.memory_space<vmem>>
        %dma_start3A_939 = tpu.memref_slice %arg2[%dma_start3A_929, %add3A_873, %mul3A_892] : memref<9x1024x128xi32, #tpu.memory_space<hbm>> -> memref<1x1x64xi32, #tpu.memory_space<hbm>>
        %dma_start3A_940 = tpu.memref_squeeze %dma_start3A_939 : memref<1x1x64xi32, #tpu.memory_space<hbm>> -> memref<64xi32, #tpu.memory_space<hbm>>
        tpu.enqueue_dma source(%dma_start3A_940 : memref<64xi32, #tpu.memory_space<hbm>>) target(%dma_start3A_938 : memref<64xi32, #tpu.memory_space<vmem>>) target_semaphore(%arg26 : memref<!tpu.dma_semaphore, #tpu.memory_space<semaphore_mem>>)
        %dma_start3A_941 = arith.constant 2 : i32
        %dma_start3A_942 = arith.constant 2 : i32
        %dma_start3A_943 = arith.constant 0 : i32
        %dma_start3A_944 = tpu.memref_slice %arg11[%dma_start3A_942, %dma_start3A_943] : memref<9x64xi32, #tpu.memory_space<vmem>> -> memref<1x64xi32, #tpu.memory_space<vmem>>
        %dma_start3A_945 = tpu.memref_squeeze %dma_start3A_944 : memref<1x64xi32, #tpu.memory_space<vmem>> -> memref<64xi32, #tpu.memory_space<vmem>>
        %dma_start3A_946 = tpu.memref_slice %arg2[%dma_start3A_941, %add3A_873, %mul3A_894] : memref<9x1024x128xi32, #tpu.memory_space<hbm>> -> memref<1x1x64xi32, #tpu.memory_space<hbm>>
        %dma_start3A_947 = tpu.memref_squeeze %dma_start3A_946 : memref<1x1x64xi32, #tpu.memory_space<hbm>> -> memref<64xi32, #tpu.memory_space<hbm>>
        %dma_start3A_948 = arith.constant 0 : i32
        %dma_start3A_949 = tpu.memref_slice %arg11[%dma_start3A_942, %dma_start3A_948] : memref<9x64xi32, #tpu.memory_space<vmem>> -> memref<1x64xi32, #tpu.memory_space<vmem>>
        %dma_start3A_950 = tpu.memref_squeeze %dma_start3A_949 : memref<1x64xi32, #tpu.memory_space<vmem>> -> memref<64xi32, #tpu.memory_space<vmem>>
        %dma_start3A_951 = tpu.memref_slice %arg2[%dma_start3A_941, %add3A_873, %mul3A_894] : memref<9x1024x128xi32, #tpu.memory_space<hbm>> -> memref<1x1x64xi32, #tpu.memory_space<hbm>>
        %dma_start3A_952 = tpu.memref_squeeze %dma_start3A_951 : memref<1x1x64xi32, #tpu.memory_space<hbm>> -> memref<64xi32, #tpu.memory_space<hbm>>
        tpu.enqueue_dma source(%dma_start3A_952 : memref<64xi32, #tpu.memory_space<hbm>>) target(%dma_start3A_950 : memref<64xi32, #tpu.memory_space<vmem>>) target_semaphore(%arg26 : memref<!tpu.dma_semaphore, #tpu.memory_space<semaphore_mem>>)
        %dma_start3A_953 = arith.constant 3 : i32
        %dma_start3A_954 = arith.constant 3 : i32
        %dma_start3A_955 = arith.constant 0 : i32
        %dma_start3A_956 = tpu.memref_slice %arg11[%dma_start3A_954, %dma_start3A_955] : memref<9x64xi32, #tpu.memory_space<vmem>> -> memref<1x64xi32, #tpu.memory_space<vmem>>
        %dma_start3A_957 = tpu.memref_squeeze %dma_start3A_956 : memref<1x64xi32, #tpu.memory_space<vmem>> -> memref<64xi32, #tpu.memory_space<vmem>>
        %dma_start3A_958 = tpu.memref_slice %arg2[%dma_start3A_953, %add3A_873, %mul3A_896] : memref<9x1024x128xi32, #tpu.memory_space<hbm>> -> memref<1x1x64xi32, #tpu.memory_space<hbm>>
        %dma_start3A_959 = tpu.memref_squeeze %dma_start3A_958 : memref<1x1x64xi32, #tpu.memory_space<hbm>> -> memref<64xi32, #tpu.memory_space<hbm>>
        %dma_start3A_960 = arith.constant 0 : i32
        %dma_start3A_961 = tpu.memref_slice %arg11[%dma_start3A_954, %dma_start3A_960] : memref<9x64xi32, #tpu.memory_space<vmem>> -> memref<1x64xi32, #tpu.memory_space<vmem>>
        %dma_start3A_962 = tpu.memref_squeeze %dma_start3A_961 : memref<1x64xi32, #tpu.memory_space<vmem>> -> memref<64xi32, #tpu.memory_space<vmem>>
        %dma_start3A_963 = tpu.memref_slice %arg2[%dma_start3A_953, %add3A_873, %mul3A_896] : memref<9x1024x128xi32, #tpu.memory_space<hbm>> -> memref<1x1x64xi32, #tpu.memory_space<hbm>>
        %dma_start3A_964 = tpu.memref_squeeze %dma_start3A_963 : memref<1x1x64xi32, #tpu.memory_space<hbm>> -> memref<64xi32, #tpu.memory_space<hbm>>
        tpu.enqueue_dma source(%dma_start3A_964 : memref<64xi32, #tpu.memory_space<hbm>>) target(%dma_start3A_962 : memref<64xi32, #tpu.memory_space<vmem>>) target_semaphore(%arg26 : memref<!tpu.dma_semaphore, #tpu.memory_space<semaphore_mem>>)
        %dma_start3A_965 = arith.constant 4 : i32
        %dma_start3A_966 = arith.constant 4 : i32
        %dma_start3A_967 = arith.constant 0 : i32
        %dma_start3A_968 = tpu.memref_slice %arg11[%dma_start3A_966, %dma_start3A_967] : memref<9x64xi32, #tpu.memory_space<vmem>> -> memref<1x64xi32, #tpu.memory_space<vmem>>
        %dma_start3A_969 = tpu.memref_squeeze %dma_start3A_968 : memref<1x64xi32, #tpu.memory_space<vmem>> -> memref<64xi32, #tpu.memory_space<vmem>>
        %dma_start3A_970 = tpu.memref_slice %arg2[%dma_start3A_965, %add3A_873, %mul3A_898] : memref<9x1024x128xi32, #tpu.memory_space<hbm>> -> memref<1x1x64xi32, #tpu.memory_space<hbm>>
        %dma_start3A_971 = tpu.memref_squeeze %dma_start3A_970 : memref<1x1x64xi32, #tpu.memory_space<hbm>> -> memref<64xi32, #tpu.memory_space<hbm>>
        %dma_start3A_972 = arith.constant 0 : i32
        %dma_start3A_973 = tpu.memref_slice %arg11[%dma_start3A_966, %dma_start3A_972] : memref<9x64xi32, #tpu.memory_space<vmem>> -> memref<1x64xi32, #tpu.memory_space<vmem>>
        %dma_start3A_974 = tpu.memref_squeeze %dma_start3A_973 : memref<1x64xi32, #tpu.memory_space<vmem>> -> memref<64xi32, #tpu.memory_space<vmem>>
        %dma_start3A_975 = tpu.memref_slice %arg2[%dma_start3A_965, %add3A_873, %mul3A_898] : memref<9x1024x128xi32, #tpu.memory_space<hbm>> -> memref<1x1x64xi32, #tpu.memory_space<hbm>>
        %dma_start3A_976 = tpu.memref_squeeze %dma_start3A_975 : memref<1x1x64xi32, #tpu.memory_space<hbm>> -> memref<64xi32, #tpu.memory_space<hbm>>
        tpu.enqueue_dma source(%dma_start3A_976 : memref<64xi32, #tpu.memory_space<hbm>>) target(%dma_start3A_974 : memref<64xi32, #tpu.memory_space<vmem>>) target_semaphore(%arg26 : memref<!tpu.dma_semaphore, #tpu.memory_space<semaphore_mem>>)
        %dma_start3A_977 = arith.constant 5 : i32
        %dma_start3A_978 = arith.constant 5 : i32
        %dma_start3A_979 = arith.constant 0 : i32
        %dma_start3A_980 = tpu.memref_slice %arg11[%dma_start3A_978, %dma_start3A_979] : memref<9x64xi32, #tpu.memory_space<vmem>> -> memref<1x64xi32, #tpu.memory_space<vmem>>
        %dma_start3A_981 = tpu.memref_squeeze %dma_start3A_980 : memref<1x64xi32, #tpu.memory_space<vmem>> -> memref<64xi32, #tpu.memory_space<vmem>>
        %dma_start3A_982 = tpu.memref_slice %arg2[%dma_start3A_977, %add3A_873, %mul3A_900] : memref<9x1024x128xi32, #tpu.memory_space<hbm>> -> memref<1x1x64xi32, #tpu.memory_space<hbm>>
        %dma_start3A_983 = tpu.memref_squeeze %dma_start3A_982 : memref<1x1x64xi32, #tpu.memory_space<hbm>> -> memref<64xi32, #tpu.memory_space<hbm>>
        %dma_start3A_984 = arith.constant 0 : i32
        %dma_start3A_985 = tpu.memref_slice %arg11[%dma_start3A_978, %dma_start3A_984] : memref<9x64xi32, #tpu.memory_space<vmem>> -> memref<1x64xi32, #tpu.memory_space<vmem>>
        %dma_start3A_986 = tpu.memref_squeeze %dma_start3A_985 : memref<1x64xi32, #tpu.memory_space<vmem>> -> memref<64xi32, #tpu.memory_space<vmem>>
        %dma_start3A_987 = tpu.memref_slice %arg2[%dma_start3A_977, %add3A_873, %mul3A_900] : memref<9x1024x128xi32, #tpu.memory_space<hbm>> -> memref<1x1x64xi32, #tpu.memory_space<hbm>>
        %dma_start3A_988 = tpu.memref_squeeze %dma_start3A_987 : memref<1x1x64xi32, #tpu.memory_space<hbm>> -> memref<64xi32, #tpu.memory_space<hbm>>
        tpu.enqueue_dma source(%dma_start3A_988 : memref<64xi32, #tpu.memory_space<hbm>>) target(%dma_start3A_986 : memref<64xi32, #tpu.memory_space<vmem>>) target_semaphore(%arg26 : memref<!tpu.dma_semaphore, #tpu.memory_space<semaphore_mem>>)
        %dma_start3A_989 = arith.constant 6 : i32
        %dma_start3A_990 = arith.constant 6 : i32
        %dma_start3A_991 = arith.constant 0 : i32
        %dma_start3A_992 = tpu.memref_slice %arg11[%dma_start3A_990, %dma_start3A_991] : memref<9x64xi32, #tpu.memory_space<vmem>> -> memref<1x64xi32, #tpu.memory_space<vmem>>
        %dma_start3A_993 = tpu.memref_squeeze %dma_start3A_992 : memref<1x64xi32, #tpu.memory_space<vmem>> -> memref<64xi32, #tpu.memory_space<vmem>>
        %dma_start3A_994 = tpu.memref_slice %arg2[%dma_start3A_989, %add3A_873, %mul3A_902] : memref<9x1024x128xi32, #tpu.memory_space<hbm>> -> memref<1x1x64xi32, #tpu.memory_space<hbm>>
        %dma_start3A_995 = tpu.memref_squeeze %dma_start3A_994 : memref<1x1x64xi32, #tpu.memory_space<hbm>> -> memref<64xi32, #tpu.memory_space<hbm>>
        %dma_start3A_996 = arith.constant 0 : i32
        %dma_start3A_997 = tpu.memref_slice %arg11[%dma_start3A_990, %dma_start3A_996] : memref<9x64xi32, #tpu.memory_space<vmem>> -> memref<1x64xi32, #tpu.memory_space<vmem>>
        %dma_start3A_998 = tpu.memref_squeeze %dma_start3A_997 : memref<1x64xi32, #tpu.memory_space<vmem>> -> memref<64xi32, #tpu.memory_space<vmem>>
        %dma_start3A_999 = tpu.memref_slice %arg2[%dma_start3A_989, %add3A_873, %mul3A_902] : memref<9x1024x128xi32, #tpu.memory_space<hbm>> -> memref<1x1x64xi32, #tpu.memory_space<hbm>>
        %dma_start3A_1000 = tpu.memref_squeeze %dma_start3A_999 : memref<1x1x64xi32, #tpu.memory_space<hbm>> -> memref<64xi32, #tpu.memory_space<hbm>>
        tpu.enqueue_dma source(%dma_start3A_1000 : memref<64xi32, #tpu.memory_space<hbm>>) target(%dma_start3A_998 : memref<64xi32, #tpu.memory_space<vmem>>) target_semaphore(%arg26 : memref<!tpu.dma_semaphore, #tpu.memory_space<semaphore_mem>>)
        %dma_start3A_1001 = arith.constant 7 : i32
        %dma_start3A_1002 = arith.constant 7 : i32
        %dma_start3A_1003 = arith.constant 0 : i32
        %dma_start3A_1004 = tpu.memref_slice %arg11[%dma_start3A_1002, %dma_start3A_1003] : memref<9x64xi32, #tpu.memory_space<vmem>> -> memref<1x64xi32, #tpu.memory_space<vmem>>
        %dma_start3A_1005 = tpu.memref_squeeze %dma_start3A_1004 : memref<1x64xi32, #tpu.memory_space<vmem>> -> memref<64xi32, #tpu.memory_space<vmem>>
        %dma_start3A_1006 = tpu.memref_slice %arg2[%dma_start3A_1001, %add3A_873, %mul3A_904] : memref<9x1024x128xi32, #tpu.memory_space<hbm>> -> memref<1x1x64xi32, #tpu.memory_space<hbm>>
        %dma_start3A_1007 = tpu.memref_squeeze %dma_start3A_1006 : memref<1x1x64xi32, #tpu.memory_space<hbm>> -> memref<64xi32, #tpu.memory_space<hbm>>
        %dma_start3A_1008 = arith.constant 0 : i32
        %dma_start3A_1009 = tpu.memref_slice %arg11[%dma_start3A_1002, %dma_start3A_1008] : memref<9x64xi32, #tpu.memory_space<vmem>> -> memref<1x64xi32, #tpu.memory_space<vmem>>
        %dma_start3A_1010 = tpu.memref_squeeze %dma_start3A_1009 : memref<1x64xi32, #tpu.memory_space<vmem>> -> memref<64xi32, #tpu.memory_space<vmem>>
        %dma_start3A_1011 = tpu.memref_slice %arg2[%dma_start3A_1001, %add3A_873, %mul3A_904] : memref<9x1024x128xi32, #tpu.memory_space<hbm>> -> memref<1x1x64xi32, #tpu.memory_space<hbm>>
        %dma_start3A_1012 = tpu.memref_squeeze %dma_start3A_1011 : memref<1x1x64xi32, #tpu.memory_space<hbm>> -> memref<64xi32, #tpu.memory_space<hbm>>
        tpu.enqueue_dma source(%dma_start3A_1012 : memref<64xi32, #tpu.memory_space<hbm>>) target(%dma_start3A_1010 : memref<64xi32, #tpu.memory_space<vmem>>) target_semaphore(%arg26 : memref<!tpu.dma_semaphore, #tpu.memory_space<semaphore_mem>>)
        %dma_start3A_1013 = arith.constant 8 : i32
        %dma_start3A_1014 = arith.constant 8 : i32
        %dma_start3A_1015 = arith.constant 0 : i32
        %dma_start3A_1016 = tpu.memref_slice %arg11[%dma_start3A_1014, %dma_start3A_1015] : memref<9x64xi32, #tpu.memory_space<vmem>> -> memref<1x64xi32, #tpu.memory_space<vmem>>
        %dma_start3A_1017 = tpu.memref_squeeze %dma_start3A_1016 : memref<1x64xi32, #tpu.memory_space<vmem>> -> memref<64xi32, #tpu.memory_space<vmem>>
        %dma_start3A_1018 = tpu.memref_slice %arg2[%dma_start3A_1013, %add3A_873, %mul3A_906] : memref<9x1024x128xi32, #tpu.memory_space<hbm>> -> memref<1x1x64xi32, #tpu.memory_space<hbm>>
        %dma_start3A_1019 = tpu.memref_squeeze %dma_start3A_1018 : memref<1x1x64xi32, #tpu.memory_space<hbm>> -> memref<64xi32, #tpu.memory_space<hbm>>
        %dma_start3A_1020 = arith.constant 0 : i32
        %dma_start3A_1021 = tpu.memref_slice %arg11[%dma_start3A_1014, %dma_start3A_1020] : memref<9x64xi32, #tpu.memory_space<vmem>> -> memref<1x64xi32, #tpu.memory_space<vmem>>
        %dma_start3A_1022 = tpu.memref_squeeze %dma_start3A_1021 : memref<1x64xi32, #tpu.memory_space<vmem>> -> memref<64xi32, #tpu.memory_space<vmem>>
        %dma_start3A_1023 = tpu.memref_slice %arg2[%dma_start3A_1013, %add3A_873, %mul3A_906] : memref<9x1024x128xi32, #tpu.memory_space<hbm>> -> memref<1x1x64xi32, #tpu.memory_space<hbm>>
        %dma_start3A_1024 = tpu.memref_squeeze %dma_start3A_1023 : memref<1x1x64xi32, #tpu.memory_space<hbm>> -> memref<64xi32, #tpu.memory_space<hbm>>
        tpu.enqueue_dma source(%dma_start3A_1024 : memref<64xi32, #tpu.memory_space<hbm>>) target(%dma_start3A_1022 : memref<64xi32, #tpu.memory_space<vmem>>) target_semaphore(%arg26 : memref<!tpu.dma_semaphore, #tpu.memory_space<semaphore_mem>>)
        %dma_start3A_1025 = tpu.memref_slice %arg3[%add3A_911] : memref<131072xi32, #tpu.memory_space<hbm>> -> memref<64xi32, #tpu.memory_space<hbm>>
        %dma_start3A_1026 = tpu.memref_slice %arg3[%add3A_911] : memref<131072xi32, #tpu.memory_space<hbm>> -> memref<64xi32, #tpu.memory_space<hbm>>
        tpu.enqueue_dma source(%dma_start3A_1026 : memref<64xi32, #tpu.memory_space<hbm>>) target(%arg13 : memref<64xi32, #tpu.memory_space<vmem>>) target_semaphore(%arg26 : memref<!tpu.dma_semaphore, #tpu.memory_space<semaphore_mem>>)
        %dma_start3A_1027 = tpu.memref_slice %arg4[%add3A_916] : memref<131072xi32, #tpu.memory_space<hbm>> -> memref<64xi32, #tpu.memory_space<hbm>>
        %dma_start3A_1028 = tpu.memref_slice %arg4[%add3A_916] : memref<131072xi32, #tpu.memory_space<hbm>> -> memref<64xi32, #tpu.memory_space<hbm>>
        tpu.enqueue_dma source(%dma_start3A_1028 : memref<64xi32, #tpu.memory_space<hbm>>) target(%arg15 : memref<64xi32, #tpu.memory_space<vmem>>) target_semaphore(%arg26 : memref<!tpu.dma_semaphore, #tpu.memory_space<semaphore_mem>>)
      } else {
      }
      %add3A_824 = arith.constant 1 : i32
      %add3A_825 = arith.addi %add3A_720, %add3A_824 : i32
      %lt3A_826 = arith.constant 64 : i32
      %lt3A_827 = arith.cmpi slt, %add3A_825, %lt3A_826 : i32
      %convert_element_type3A_828 = arith.extui %lt3A_827 : i1 to i32
      %cond3A_829 = arith.constant 0 : i32
      %cond3A_830 = arith.cmpi ne, %convert_element_type3A_828, %cond3A_829 : i32
      scf.if %cond3A_830 {
        %add3A_853 = arith.constant 1 : i32
        %add3A_854 = arith.addi %add3A_720, %add3A_853 : i32
        %mul3A_855 = arith.constant 32 : i32
        %mul3A_856 = arith.muli %add3A, %mul3A_855 : i32
        %jit3A = arith.constant 2 : i32
        %div3A = arith.divsi %add3A_854, %jit3A : i32
        %sign3A = arith.constant 0 : i32
        %sign3A_857 = arith.cmpi sgt, %add3A_854, %sign3A : i32
        %sign3A_858 = arith.extui %sign3A_857 : i1 to i32
        %sign3A_859 = arith.constant 0 : i32
        %sign3A_860 = arith.cmpi slt, %add3A_854, %sign3A_859 : i32
        %sign3A_861 = arith.extui %sign3A_860 : i1 to i32
        %sign3A_862 = arith.subi %sign3A_858, %sign3A_861 : i32
        %sign3A_863 = arith.constant 0 : i32
        %sign3A_864 = arith.cmpi sgt, %jit3A, %sign3A_863 : i32
        %sign3A_865 = arith.extui %sign3A_864 : i1 to i32
        %sign3A_866 = arith.constant 0 : i32
        %sign3A_867 = arith.cmpi slt, %jit3A, %sign3A_866 : i32
        %sign3A_868 = arith.extui %sign3A_867 : i1 to i32
        %sign3A_869 = arith.subi %sign3A_865, %sign3A_868 : i32
        %ne3A = arith.cmpi ne, %sign3A_862, %sign3A_869 : i32
        %rem3A = arith.remsi %add3A_854, %jit3A : i32
        %ne3A_870 = arith.constant 0 : i32
        %ne3A_871 = arith.cmpi ne, %rem3A, %ne3A_870 : i32
        %and3A = arith.andi %ne3A, %ne3A_871 : i1
        %sub3A = arith.constant 1 : i32
        %sub3A_872 = arith.subi %div3A, %sub3A : i32
        %select_n3A = arith.select %and3A, %sub3A_872, %div3A : i32
        %add3A_873 = arith.addi %mul3A_856, %select_n3A : i32
        %jit3A_874 = arith.constant 2 : i32
        %eq3A = arith.constant 0 : i32
        %eq3A_875 = arith.cmpi eq, %jit3A_874, %eq3A : i32
        %jit3A_876 = arith.constant 1 : i32
        %select_n3A_877 = arith.select %eq3A_875, %jit3A_876, %jit3A_874 : i32
        %rem3A_878 = arith.remsi %add3A_854, %select_n3A_877 : i32
        %ne3A_879 = arith.constant 0 : i32
        %ne3A_880 = arith.cmpi ne, %rem3A_878, %ne3A_879 : i32
        %lt3A_881 = arith.constant 0 : i32
        %lt3A_882 = arith.cmpi slt, %rem3A_878, %lt3A_881 : i32
        %lt3A_883 = arith.constant 0 : i32
        %lt3A_884 = arith.cmpi slt, %select_n3A_877, %lt3A_883 : i32
        %ne3A_885 = arith.xori %lt3A_882, %lt3A_884 : i1
        %and3A_886 = arith.andi %ne3A_885, %ne3A_880 : i1
        %add3A_887 = arith.addi %rem3A_878, %select_n3A_877 : i32
        %select_n3A_888 = arith.select %and3A_886, %add3A_887, %rem3A_878 : i32
        %mul3A_889 = arith.constant 64 : i32
        %mul3A_890 = arith.muli %select_n3A_888, %mul3A_889 : i32
        %mul3A_891 = arith.constant 64 : i32
        %mul3A_892 = arith.muli %select_n3A_888, %mul3A_891 : i32
        %mul3A_893 = arith.constant 64 : i32
        %mul3A_894 = arith.muli %select_n3A_888, %mul3A_893 : i32
        %mul3A_895 = arith.constant 64 : i32
        %mul3A_896 = arith.muli %select_n3A_888, %mul3A_895 : i32
        %mul3A_897 = arith.constant 64 : i32
        %mul3A_898 = arith.muli %select_n3A_888, %mul3A_897 : i32
        %mul3A_899 = arith.constant 64 : i32
        %mul3A_900 = arith.muli %select_n3A_888, %mul3A_899 : i32
        %mul3A_901 = arith.constant 64 : i32
        %mul3A_902 = arith.muli %select_n3A_888, %mul3A_901 : i32
        %mul3A_903 = arith.constant 64 : i32
        %mul3A_904 = arith.muli %select_n3A_888, %mul3A_903 : i32
        %mul3A_905 = arith.constant 64 : i32
        %mul3A_906 = arith.muli %select_n3A_888, %mul3A_905 : i32
        %mul3A_907 = arith.constant 4096 : i32
        %mul3A_908 = arith.muli %add3A, %mul3A_907 : i32
        %mul3A_909 = arith.constant 64 : i32
        %mul3A_910 = arith.muli %add3A_854, %mul3A_909 : i32
        %add3A_911 = arith.addi %mul3A_908, %mul3A_910 : i32
        %mul3A_912 = arith.constant 4096 : i32
        %mul3A_913 = arith.muli %add3A, %mul3A_912 : i32
        %mul3A_914 = arith.constant 64 : i32
        %mul3A_915 = arith.muli %add3A_854, %mul3A_914 : i32
        %add3A_916 = arith.addi %mul3A_913, %mul3A_915 : i32
        %dma_wait3A_917 = arith.constant 0 : i32
        %dma_wait3A_918 = arith.constant 0 : i32
        %dma_wait3A_919 = arith.constant 0 : i32
        %dma_wait3A_920 = tpu.memref_slice %arg10[%dma_wait3A_918, %dma_wait3A_919] : memref<9x64xi32, #tpu.memory_space<vmem>> -> memref<1x64xi32, #tpu.memory_space<vmem>>
        %dma_wait3A_921 = tpu.memref_squeeze %dma_wait3A_920 : memref<1x64xi32, #tpu.memory_space<vmem>> -> memref<64xi32, #tpu.memory_space<vmem>>
        %dma_wait3A_922 = tpu.memref_slice %arg2[%dma_wait3A_917, %add3A_873, %mul3A_890] : memref<9x1024x128xi32, #tpu.memory_space<hbm>> -> memref<1x1x64xi32, #tpu.memory_space<hbm>>
        %dma_wait3A_923 = tpu.memref_squeeze %dma_wait3A_922 : memref<1x1x64xi32, #tpu.memory_space<hbm>> -> memref<64xi32, #tpu.memory_space<hbm>>
        %dma_wait3A_924 = arith.constant 0 : i32
        %dma_wait3A_925 = tpu.memref_slice %arg10[%dma_wait3A_918, %dma_wait3A_924] : memref<9x64xi32, #tpu.memory_space<vmem>> -> memref<1x64xi32, #tpu.memory_space<vmem>>
        %dma_wait3A_926 = tpu.memref_squeeze %dma_wait3A_925 : memref<1x64xi32, #tpu.memory_space<vmem>> -> memref<64xi32, #tpu.memory_space<vmem>>
        %dma_wait3A_927 = tpu.memref_slice %arg2[%dma_wait3A_917, %add3A_873, %mul3A_890] : memref<9x1024x128xi32, #tpu.memory_space<hbm>> -> memref<1x1x64xi32, #tpu.memory_space<hbm>>
        %dma_wait3A_928 = tpu.memref_squeeze %dma_wait3A_927 : memref<1x1x64xi32, #tpu.memory_space<hbm>> -> memref<64xi32, #tpu.memory_space<hbm>>
        tpu.wait_dma2 semaphore(%arg25 : memref<!tpu.dma_semaphore, #tpu.memory_space<semaphore_mem>>) src(%dma_wait3A_928 : memref<64xi32, #tpu.memory_space<hbm>>) dst(%dma_wait3A_926 : memref<64xi32, #tpu.memory_space<vmem>>)
        %dma_wait3A_929 = arith.constant 1 : i32
        %dma_wait3A_930 = arith.constant 1 : i32
        %dma_wait3A_931 = arith.constant 0 : i32
        %dma_wait3A_932 = tpu.memref_slice %arg10[%dma_wait3A_930, %dma_wait3A_931] : memref<9x64xi32, #tpu.memory_space<vmem>> -> memref<1x64xi32, #tpu.memory_space<vmem>>
        %dma_wait3A_933 = tpu.memref_squeeze %dma_wait3A_932 : memref<1x64xi32, #tpu.memory_space<vmem>> -> memref<64xi32, #tpu.memory_space<vmem>>
        %dma_wait3A_934 = tpu.memref_slice %arg2[%dma_wait3A_929, %add3A_873, %mul3A_892] : memref<9x1024x128xi32, #tpu.memory_space<hbm>> -> memref<1x1x64xi32, #tpu.memory_space<hbm>>
        %dma_wait3A_935 = tpu.memref_squeeze %dma_wait3A_934 : memref<1x1x64xi32, #tpu.memory_space<hbm>> -> memref<64xi32, #tpu.memory_space<hbm>>
        %dma_wait3A_936 = arith.constant 0 : i32
        %dma_wait3A_937 = tpu.memref_slice %arg10[%dma_wait3A_930, %dma_wait3A_936] : memref<9x64xi32, #tpu.memory_space<vmem>> -> memref<1x64xi32, #tpu.memory_space<vmem>>
        %dma_wait3A_938 = tpu.memref_squeeze %dma_wait3A_937 : memref<1x64xi32, #tpu.memory_space<vmem>> -> memref<64xi32, #tpu.memory_space<vmem>>
        %dma_wait3A_939 = tpu.memref_slice %arg2[%dma_wait3A_929, %add3A_873, %mul3A_892] : memref<9x1024x128xi32, #tpu.memory_space<hbm>> -> memref<1x1x64xi32, #tpu.memory_space<hbm>>
        %dma_wait3A_940 = tpu.memref_squeeze %dma_wait3A_939 : memref<1x1x64xi32, #tpu.memory_space<hbm>> -> memref<64xi32, #tpu.memory_space<hbm>>
        tpu.wait_dma2 semaphore(%arg25 : memref<!tpu.dma_semaphore, #tpu.memory_space<semaphore_mem>>) src(%dma_wait3A_940 : memref<64xi32, #tpu.memory_space<hbm>>) dst(%dma_wait3A_938 : memref<64xi32, #tpu.memory_space<vmem>>)
        %dma_wait3A_941 = arith.constant 2 : i32
        %dma_wait3A_942 = arith.constant 2 : i32
        %dma_wait3A_943 = arith.constant 0 : i32
        %dma_wait3A_944 = tpu.memref_slice %arg10[%dma_wait3A_942, %dma_wait3A_943] : memref<9x64xi32, #tpu.memory_space<vmem>> -> memref<1x64xi32, #tpu.memory_space<vmem>>
        %dma_wait3A_945 = tpu.memref_squeeze %dma_wait3A_944 : memref<1x64xi32, #tpu.memory_space<vmem>> -> memref<64xi32, #tpu.memory_space<vmem>>
        %dma_wait3A_946 = tpu.memref_slice %arg2[%dma_wait3A_941, %add3A_873, %mul3A_894] : memref<9x1024x128xi32, #tpu.memory_space<hbm>> -> memref<1x1x64xi32, #tpu.memory_space<hbm>>
        %dma_wait3A_947 = tpu.memref_squeeze %dma_wait3A_946 : memref<1x1x64xi32, #tpu.memory_space<hbm>> -> memref<64xi32, #tpu.memory_space<hbm>>
        %dma_wait3A_948 = arith.constant 0 : i32
        %dma_wait3A_949 = tpu.memref_slice %arg10[%dma_wait3A_942, %dma_wait3A_948] : memref<9x64xi32, #tpu.memory_space<vmem>> -> memref<1x64xi32, #tpu.memory_space<vmem>>
        %dma_wait3A_950 = tpu.memref_squeeze %dma_wait3A_949 : memref<1x64xi32, #tpu.memory_space<vmem>> -> memref<64xi32, #tpu.memory_space<vmem>>
        %dma_wait3A_951 = tpu.memref_slice %arg2[%dma_wait3A_941, %add3A_873, %mul3A_894] : memref<9x1024x128xi32, #tpu.memory_space<hbm>> -> memref<1x1x64xi32, #tpu.memory_space<hbm>>
        %dma_wait3A_952 = tpu.memref_squeeze %dma_wait3A_951 : memref<1x1x64xi32, #tpu.memory_space<hbm>> -> memref<64xi32, #tpu.memory_space<hbm>>
        tpu.wait_dma2 semaphore(%arg25 : memref<!tpu.dma_semaphore, #tpu.memory_space<semaphore_mem>>) src(%dma_wait3A_952 : memref<64xi32, #tpu.memory_space<hbm>>) dst(%dma_wait3A_950 : memref<64xi32, #tpu.memory_space<vmem>>)
        %dma_wait3A_953 = arith.constant 3 : i32
        %dma_wait3A_954 = arith.constant 3 : i32
        %dma_wait3A_955 = arith.constant 0 : i32
        %dma_wait3A_956 = tpu.memref_slice %arg10[%dma_wait3A_954, %dma_wait3A_955] : memref<9x64xi32, #tpu.memory_space<vmem>> -> memref<1x64xi32, #tpu.memory_space<vmem>>
        %dma_wait3A_957 = tpu.memref_squeeze %dma_wait3A_956 : memref<1x64xi32, #tpu.memory_space<vmem>> -> memref<64xi32, #tpu.memory_space<vmem>>
        %dma_wait3A_958 = tpu.memref_slice %arg2[%dma_wait3A_953, %add3A_873, %mul3A_896] : memref<9x1024x128xi32, #tpu.memory_space<hbm>> -> memref<1x1x64xi32, #tpu.memory_space<hbm>>
        %dma_wait3A_959 = tpu.memref_squeeze %dma_wait3A_958 : memref<1x1x64xi32, #tpu.memory_space<hbm>> -> memref<64xi32, #tpu.memory_space<hbm>>
        %dma_wait3A_960 = arith.constant 0 : i32
        %dma_wait3A_961 = tpu.memref_slice %arg10[%dma_wait3A_954, %dma_wait3A_960] : memref<9x64xi32, #tpu.memory_space<vmem>> -> memref<1x64xi32, #tpu.memory_space<vmem>>
        %dma_wait3A_962 = tpu.memref_squeeze %dma_wait3A_961 : memref<1x64xi32, #tpu.memory_space<vmem>> -> memref<64xi32, #tpu.memory_space<vmem>>
        %dma_wait3A_963 = tpu.memref_slice %arg2[%dma_wait3A_953, %add3A_873, %mul3A_896] : memref<9x1024x128xi32, #tpu.memory_space<hbm>> -> memref<1x1x64xi32, #tpu.memory_space<hbm>>
        %dma_wait3A_964 = tpu.memref_squeeze %dma_wait3A_963 : memref<1x1x64xi32, #tpu.memory_space<hbm>> -> memref<64xi32, #tpu.memory_space<hbm>>
        tpu.wait_dma2 semaphore(%arg25 : memref<!tpu.dma_semaphore, #tpu.memory_space<semaphore_mem>>) src(%dma_wait3A_964 : memref<64xi32, #tpu.memory_space<hbm>>) dst(%dma_wait3A_962 : memref<64xi32, #tpu.memory_space<vmem>>)
        %dma_wait3A_965 = arith.constant 4 : i32
        %dma_wait3A_966 = arith.constant 4 : i32
        %dma_wait3A_967 = arith.constant 0 : i32
        %dma_wait3A_968 = tpu.memref_slice %arg10[%dma_wait3A_966, %dma_wait3A_967] : memref<9x64xi32, #tpu.memory_space<vmem>> -> memref<1x64xi32, #tpu.memory_space<vmem>>
        %dma_wait3A_969 = tpu.memref_squeeze %dma_wait3A_968 : memref<1x64xi32, #tpu.memory_space<vmem>> -> memref<64xi32, #tpu.memory_space<vmem>>
        %dma_wait3A_970 = tpu.memref_slice %arg2[%dma_wait3A_965, %add3A_873, %mul3A_898] : memref<9x1024x128xi32, #tpu.memory_space<hbm>> -> memref<1x1x64xi32, #tpu.memory_space<hbm>>
        %dma_wait3A_971 = tpu.memref_squeeze %dma_wait3A_970 : memref<1x1x64xi32, #tpu.memory_space<hbm>> -> memref<64xi32, #tpu.memory_space<hbm>>
        %dma_wait3A_972 = arith.constant 0 : i32
        %dma_wait3A_973 = tpu.memref_slice %arg10[%dma_wait3A_966, %dma_wait3A_972] : memref<9x64xi32, #tpu.memory_space<vmem>> -> memref<1x64xi32, #tpu.memory_space<vmem>>
        %dma_wait3A_974 = tpu.memref_squeeze %dma_wait3A_973 : memref<1x64xi32, #tpu.memory_space<vmem>> -> memref<64xi32, #tpu.memory_space<vmem>>
        %dma_wait3A_975 = tpu.memref_slice %arg2[%dma_wait3A_965, %add3A_873, %mul3A_898] : memref<9x1024x128xi32, #tpu.memory_space<hbm>> -> memref<1x1x64xi32, #tpu.memory_space<hbm>>
        %dma_wait3A_976 = tpu.memref_squeeze %dma_wait3A_975 : memref<1x1x64xi32, #tpu.memory_space<hbm>> -> memref<64xi32, #tpu.memory_space<hbm>>
        tpu.wait_dma2 semaphore(%arg25 : memref<!tpu.dma_semaphore, #tpu.memory_space<semaphore_mem>>) src(%dma_wait3A_976 : memref<64xi32, #tpu.memory_space<hbm>>) dst(%dma_wait3A_974 : memref<64xi32, #tpu.memory_space<vmem>>)
        %dma_wait3A_977 = arith.constant 5 : i32
        %dma_wait3A_978 = arith.constant 5 : i32
        %dma_wait3A_979 = arith.constant 0 : i32
        %dma_wait3A_980 = tpu.memref_slice %arg10[%dma_wait3A_978, %dma_wait3A_979] : memref<9x64xi32, #tpu.memory_space<vmem>> -> memref<1x64xi32, #tpu.memory_space<vmem>>
        %dma_wait3A_981 = tpu.memref_squeeze %dma_wait3A_980 : memref<1x64xi32, #tpu.memory_space<vmem>> -> memref<64xi32, #tpu.memory_space<vmem>>
        %dma_wait3A_982 = tpu.memref_slice %arg2[%dma_wait3A_977, %add3A_873, %mul3A_900] : memref<9x1024x128xi32, #tpu.memory_space<hbm>> -> memref<1x1x64xi32, #tpu.memory_space<hbm>>
        %dma_wait3A_983 = tpu.memref_squeeze %dma_wait3A_982 : memref<1x1x64xi32, #tpu.memory_space<hbm>> -> memref<64xi32, #tpu.memory_space<hbm>>
        %dma_wait3A_984 = arith.constant 0 : i32
        %dma_wait3A_985 = tpu.memref_slice %arg10[%dma_wait3A_978, %dma_wait3A_984] : memref<9x64xi32, #tpu.memory_space<vmem>> -> memref<1x64xi32, #tpu.memory_space<vmem>>
        %dma_wait3A_986 = tpu.memref_squeeze %dma_wait3A_985 : memref<1x64xi32, #tpu.memory_space<vmem>> -> memref<64xi32, #tpu.memory_space<vmem>>
        %dma_wait3A_987 = tpu.memref_slice %arg2[%dma_wait3A_977, %add3A_873, %mul3A_900] : memref<9x1024x128xi32, #tpu.memory_space<hbm>> -> memref<1x1x64xi32, #tpu.memory_space<hbm>>
        %dma_wait3A_988 = tpu.memref_squeeze %dma_wait3A_987 : memref<1x1x64xi32, #tpu.memory_space<hbm>> -> memref<64xi32, #tpu.memory_space<hbm>>
        tpu.wait_dma2 semaphore(%arg25 : memref<!tpu.dma_semaphore, #tpu.memory_space<semaphore_mem>>) src(%dma_wait3A_988 : memref<64xi32, #tpu.memory_space<hbm>>) dst(%dma_wait3A_986 : memref<64xi32, #tpu.memory_space<vmem>>)
        %dma_wait3A_989 = arith.constant 6 : i32
        %dma_wait3A_990 = arith.constant 6 : i32
        %dma_wait3A_991 = arith.constant 0 : i32
        %dma_wait3A_992 = tpu.memref_slice %arg10[%dma_wait3A_990, %dma_wait3A_991] : memref<9x64xi32, #tpu.memory_space<vmem>> -> memref<1x64xi32, #tpu.memory_space<vmem>>
        %dma_wait3A_993 = tpu.memref_squeeze %dma_wait3A_992 : memref<1x64xi32, #tpu.memory_space<vmem>> -> memref<64xi32, #tpu.memory_space<vmem>>
        %dma_wait3A_994 = tpu.memref_slice %arg2[%dma_wait3A_989, %add3A_873, %mul3A_902] : memref<9x1024x128xi32, #tpu.memory_space<hbm>> -> memref<1x1x64xi32, #tpu.memory_space<hbm>>
        %dma_wait3A_995 = tpu.memref_squeeze %dma_wait3A_994 : memref<1x1x64xi32, #tpu.memory_space<hbm>> -> memref<64xi32, #tpu.memory_space<hbm>>
        %dma_wait3A_996 = arith.constant 0 : i32
        %dma_wait3A_997 = tpu.memref_slice %arg10[%dma_wait3A_990, %dma_wait3A_996] : memref<9x64xi32, #tpu.memory_space<vmem>> -> memref<1x64xi32, #tpu.memory_space<vmem>>
        %dma_wait3A_998 = tpu.memref_squeeze %dma_wait3A_997 : memref<1x64xi32, #tpu.memory_space<vmem>> -> memref<64xi32, #tpu.memory_space<vmem>>
        %dma_wait3A_999 = tpu.memref_slice %arg2[%dma_wait3A_989, %add3A_873, %mul3A_902] : memref<9x1024x128xi32, #tpu.memory_space<hbm>> -> memref<1x1x64xi32, #tpu.memory_space<hbm>>
        %dma_wait3A_1000 = tpu.memref_squeeze %dma_wait3A_999 : memref<1x1x64xi32, #tpu.memory_space<hbm>> -> memref<64xi32, #tpu.memory_space<hbm>>
        tpu.wait_dma2 semaphore(%arg25 : memref<!tpu.dma_semaphore, #tpu.memory_space<semaphore_mem>>) src(%dma_wait3A_1000 : memref<64xi32, #tpu.memory_space<hbm>>) dst(%dma_wait3A_998 : memref<64xi32, #tpu.memory_space<vmem>>)
        %dma_wait3A_1001 = arith.constant 7 : i32
        %dma_wait3A_1002 = arith.constant 7 : i32
        %dma_wait3A_1003 = arith.constant 0 : i32
        %dma_wait3A_1004 = tpu.memref_slice %arg10[%dma_wait3A_1002, %dma_wait3A_1003] : memref<9x64xi32, #tpu.memory_space<vmem>> -> memref<1x64xi32, #tpu.memory_space<vmem>>
        %dma_wait3A_1005 = tpu.memref_squeeze %dma_wait3A_1004 : memref<1x64xi32, #tpu.memory_space<vmem>> -> memref<64xi32, #tpu.memory_space<vmem>>
        %dma_wait3A_1006 = tpu.memref_slice %arg2[%dma_wait3A_1001, %add3A_873, %mul3A_904] : memref<9x1024x128xi32, #tpu.memory_space<hbm>> -> memref<1x1x64xi32, #tpu.memory_space<hbm>>
        %dma_wait3A_1007 = tpu.memref_squeeze %dma_wait3A_1006 : memref<1x1x64xi32, #tpu.memory_space<hbm>> -> memref<64xi32, #tpu.memory_space<hbm>>
        %dma_wait3A_1008 = arith.constant 0 : i32
        %dma_wait3A_1009 = tpu.memref_slice %arg10[%dma_wait3A_1002, %dma_wait3A_1008] : memref<9x64xi32, #tpu.memory_space<vmem>> -> memref<1x64xi32, #tpu.memory_space<vmem>>
        %dma_wait3A_1010 = tpu.memref_squeeze %dma_wait3A_1009 : memref<1x64xi32, #tpu.memory_space<vmem>> -> memref<64xi32, #tpu.memory_space<vmem>>
        %dma_wait3A_1011 = tpu.memref_slice %arg2[%dma_wait3A_1001, %add3A_873, %mul3A_904] : memref<9x1024x128xi32, #tpu.memory_space<hbm>> -> memref<1x1x64xi32, #tpu.memory_space<hbm>>
        %dma_wait3A_1012 = tpu.memref_squeeze %dma_wait3A_1011 : memref<1x1x64xi32, #tpu.memory_space<hbm>> -> memref<64xi32, #tpu.memory_space<hbm>>
        tpu.wait_dma2 semaphore(%arg25 : memref<!tpu.dma_semaphore, #tpu.memory_space<semaphore_mem>>) src(%dma_wait3A_1012 : memref<64xi32, #tpu.memory_space<hbm>>) dst(%dma_wait3A_1010 : memref<64xi32, #tpu.memory_space<vmem>>)
        %dma_wait3A_1013 = arith.constant 8 : i32
        %dma_wait3A_1014 = arith.constant 8 : i32
        %dma_wait3A_1015 = arith.constant 0 : i32
        %dma_wait3A_1016 = tpu.memref_slice %arg10[%dma_wait3A_1014, %dma_wait3A_1015] : memref<9x64xi32, #tpu.memory_space<vmem>> -> memref<1x64xi32, #tpu.memory_space<vmem>>
        %dma_wait3A_1017 = tpu.memref_squeeze %dma_wait3A_1016 : memref<1x64xi32, #tpu.memory_space<vmem>> -> memref<64xi32, #tpu.memory_space<vmem>>
        %dma_wait3A_1018 = tpu.memref_slice %arg2[%dma_wait3A_1013, %add3A_873, %mul3A_906] : memref<9x1024x128xi32, #tpu.memory_space<hbm>> -> memref<1x1x64xi32, #tpu.memory_space<hbm>>
        %dma_wait3A_1019 = tpu.memref_squeeze %dma_wait3A_1018 : memref<1x1x64xi32, #tpu.memory_space<hbm>> -> memref<64xi32, #tpu.memory_space<hbm>>
        %dma_wait3A_1020 = arith.constant 0 : i32
        %dma_wait3A_1021 = tpu.memref_slice %arg10[%dma_wait3A_1014, %dma_wait3A_1020] : memref<9x64xi32, #tpu.memory_space<vmem>> -> memref<1x64xi32, #tpu.memory_space<vmem>>
        %dma_wait3A_1022 = tpu.memref_squeeze %dma_wait3A_1021 : memref<1x64xi32, #tpu.memory_space<vmem>> -> memref<64xi32, #tpu.memory_space<vmem>>
        %dma_wait3A_1023 = tpu.memref_slice %arg2[%dma_wait3A_1013, %add3A_873, %mul3A_906] : memref<9x1024x128xi32, #tpu.memory_space<hbm>> -> memref<1x1x64xi32, #tpu.memory_space<hbm>>
        %dma_wait3A_1024 = tpu.memref_squeeze %dma_wait3A_1023 : memref<1x1x64xi32, #tpu.memory_space<hbm>> -> memref<64xi32, #tpu.memory_space<hbm>>
        tpu.wait_dma2 semaphore(%arg25 : memref<!tpu.dma_semaphore, #tpu.memory_space<semaphore_mem>>) src(%dma_wait3A_1024 : memref<64xi32, #tpu.memory_space<hbm>>) dst(%dma_wait3A_1022 : memref<64xi32, #tpu.memory_space<vmem>>)
        %dma_wait3A_1025 = tpu.memref_slice %arg3[%add3A_911] : memref<131072xi32, #tpu.memory_space<hbm>> -> memref<64xi32, #tpu.memory_space<hbm>>
        %dma_wait3A_1026 = tpu.memref_slice %arg3[%add3A_911] : memref<131072xi32, #tpu.memory_space<hbm>> -> memref<64xi32, #tpu.memory_space<hbm>>
        tpu.wait_dma2 semaphore(%arg25 : memref<!tpu.dma_semaphore, #tpu.memory_space<semaphore_mem>>) src(%dma_wait3A_1026 : memref<64xi32, #tpu.memory_space<hbm>>) dst(%arg12 : memref<64xi32, #tpu.memory_space<vmem>>)
        %dma_wait3A_1027 = tpu.memref_slice %arg4[%add3A_916] : memref<131072xi32, #tpu.memory_space<hbm>> -> memref<64xi32, #tpu.memory_space<hbm>>
        %dma_wait3A_1028 = tpu.memref_slice %arg4[%add3A_916] : memref<131072xi32, #tpu.memory_space<hbm>> -> memref<64xi32, #tpu.memory_space<hbm>>
        tpu.wait_dma2 semaphore(%arg25 : memref<!tpu.dma_semaphore, #tpu.memory_space<semaphore_mem>>) src(%dma_wait3A_1028 : memref<64xi32, #tpu.memory_space<hbm>>) dst(%arg14 : memref<64xi32, #tpu.memory_space<vmem>>)
        %dma_start3A_1029 = arith.constant 0 : i32
        %dma_start3A_1030 = arith.constant 0 : i32
        %dma_start3A_1031 = arith.constant 0 : i32
        %dma_start3A_1032 = tpu.memref_slice %arg16[%dma_start3A_1030, %dma_start3A_1031] : memref<576x64xf32, #tpu.memory_space<vmem>> -> memref<64x64xf32, #tpu.memory_space<vmem>>
        %dma_start3A_1033 = arith.constant 0 : i32
        %dma_start3A_1034 = tpu.memref_slice %arg10[%dma_start3A_1029, %dma_start3A_1033] : memref<9x64xi32, #tpu.memory_space<vmem>> -> memref<1x64xi32, #tpu.memory_space<vmem>>
        %dma_start3A_1035 = tpu.memref_squeeze %dma_start3A_1034 : memref<1x64xi32, #tpu.memory_space<vmem>> -> memref<64xi32, #tpu.memory_space<vmem>>
        %dma_start3A_1036 = arith.constant 0 : i32
        %dma_start3A_1037 = arith.constant 0 : i32
        %dma_start3A_1038 = tpu.memref_slice %arg5[%dma_start3A_1036, %dma_start3A_1037] : memref<100001x64xf32, #tpu.memory_space<hbm>> -> memref<100001x64xf32, #tpu.memory_space<hbm>>
        tpu.enqueue_indirect_dma source(%dma_start3A_1038 : memref<100001x64xf32, #tpu.memory_space<hbm>>) target(%dma_start3A_1032 : memref<64x64xf32, #tpu.memory_space<vmem>>) offsets(%dma_start3A_1035 : memref<64xi32, #tpu.memory_space<vmem>>) semaphore(%arg27 : memref<!tpu.dma_semaphore, #tpu.memory_space<semaphore_mem>>)
        %dma_start3A_1039 = arith.constant 1 : i32
        %dma_start3A_1040 = arith.constant 64 : i32
        %dma_start3A_1041 = arith.constant 0 : i32
        %dma_start3A_1042 = tpu.memref_slice %arg16[%dma_start3A_1040, %dma_start3A_1041] : memref<576x64xf32, #tpu.memory_space<vmem>> -> memref<64x64xf32, #tpu.memory_space<vmem>>
        %dma_start3A_1043 = arith.constant 0 : i32
        %dma_start3A_1044 = tpu.memref_slice %arg10[%dma_start3A_1039, %dma_start3A_1043] : memref<9x64xi32, #tpu.memory_space<vmem>> -> memref<1x64xi32, #tpu.memory_space<vmem>>
        %dma_start3A_1045 = tpu.memref_squeeze %dma_start3A_1044 : memref<1x64xi32, #tpu.memory_space<vmem>> -> memref<64xi32, #tpu.memory_space<vmem>>
        %dma_start3A_1046 = arith.constant 0 : i32
        %dma_start3A_1047 = arith.constant 0 : i32
        %dma_start3A_1048 = tpu.memref_slice %arg5[%dma_start3A_1046, %dma_start3A_1047] : memref<100001x64xf32, #tpu.memory_space<hbm>> -> memref<100001x64xf32, #tpu.memory_space<hbm>>
        tpu.enqueue_indirect_dma source(%dma_start3A_1048 : memref<100001x64xf32, #tpu.memory_space<hbm>>) target(%dma_start3A_1042 : memref<64x64xf32, #tpu.memory_space<vmem>>) offsets(%dma_start3A_1045 : memref<64xi32, #tpu.memory_space<vmem>>) semaphore(%arg27 : memref<!tpu.dma_semaphore, #tpu.memory_space<semaphore_mem>>)
        %dma_start3A_1049 = arith.constant 2 : i32
        %dma_start3A_1050 = arith.constant 128 : i32
        %dma_start3A_1051 = arith.constant 0 : i32
        %dma_start3A_1052 = tpu.memref_slice %arg16[%dma_start3A_1050, %dma_start3A_1051] : memref<576x64xf32, #tpu.memory_space<vmem>> -> memref<64x64xf32, #tpu.memory_space<vmem>>
        %dma_start3A_1053 = arith.constant 0 : i32
        %dma_start3A_1054 = tpu.memref_slice %arg10[%dma_start3A_1049, %dma_start3A_1053] : memref<9x64xi32, #tpu.memory_space<vmem>> -> memref<1x64xi32, #tpu.memory_space<vmem>>
        %dma_start3A_1055 = tpu.memref_squeeze %dma_start3A_1054 : memref<1x64xi32, #tpu.memory_space<vmem>> -> memref<64xi32, #tpu.memory_space<vmem>>
        %dma_start3A_1056 = arith.constant 0 : i32
        %dma_start3A_1057 = arith.constant 0 : i32
        %dma_start3A_1058 = tpu.memref_slice %arg5[%dma_start3A_1056, %dma_start3A_1057] : memref<100001x64xf32, #tpu.memory_space<hbm>> -> memref<100001x64xf32, #tpu.memory_space<hbm>>
        tpu.enqueue_indirect_dma source(%dma_start3A_1058 : memref<100001x64xf32, #tpu.memory_space<hbm>>) target(%dma_start3A_1052 : memref<64x64xf32, #tpu.memory_space<vmem>>) offsets(%dma_start3A_1055 : memref<64xi32, #tpu.memory_space<vmem>>) semaphore(%arg27 : memref<!tpu.dma_semaphore, #tpu.memory_space<semaphore_mem>>)
        %dma_start3A_1059 = arith.constant 3 : i32
        %dma_start3A_1060 = arith.constant 192 : i32
        %dma_start3A_1061 = arith.constant 0 : i32
        %dma_start3A_1062 = tpu.memref_slice %arg16[%dma_start3A_1060, %dma_start3A_1061] : memref<576x64xf32, #tpu.memory_space<vmem>> -> memref<64x64xf32, #tpu.memory_space<vmem>>
        %dma_start3A_1063 = arith.constant 0 : i32
        %dma_start3A_1064 = tpu.memref_slice %arg10[%dma_start3A_1059, %dma_start3A_1063] : memref<9x64xi32, #tpu.memory_space<vmem>> -> memref<1x64xi32, #tpu.memory_space<vmem>>
        %dma_start3A_1065 = tpu.memref_squeeze %dma_start3A_1064 : memref<1x64xi32, #tpu.memory_space<vmem>> -> memref<64xi32, #tpu.memory_space<vmem>>
        %dma_start3A_1066 = arith.constant 0 : i32
        %dma_start3A_1067 = arith.constant 0 : i32
        %dma_start3A_1068 = tpu.memref_slice %arg5[%dma_start3A_1066, %dma_start3A_1067] : memref<100001x64xf32, #tpu.memory_space<hbm>> -> memref<100001x64xf32, #tpu.memory_space<hbm>>
        tpu.enqueue_indirect_dma source(%dma_start3A_1068 : memref<100001x64xf32, #tpu.memory_space<hbm>>) target(%dma_start3A_1062 : memref<64x64xf32, #tpu.memory_space<vmem>>) offsets(%dma_start3A_1065 : memref<64xi32, #tpu.memory_space<vmem>>) semaphore(%arg27 : memref<!tpu.dma_semaphore, #tpu.memory_space<semaphore_mem>>)
        %dma_start3A_1069 = arith.constant 4 : i32
        %dma_start3A_1070 = arith.constant 256 : i32
        %dma_start3A_1071 = arith.constant 0 : i32
        %dma_start3A_1072 = tpu.memref_slice %arg16[%dma_start3A_1070, %dma_start3A_1071] : memref<576x64xf32, #tpu.memory_space<vmem>> -> memref<64x64xf32, #tpu.memory_space<vmem>>
        %dma_start3A_1073 = arith.constant 0 : i32
        %dma_start3A_1074 = tpu.memref_slice %arg10[%dma_start3A_1069, %dma_start3A_1073] : memref<9x64xi32, #tpu.memory_space<vmem>> -> memref<1x64xi32, #tpu.memory_space<vmem>>
        %dma_start3A_1075 = tpu.memref_squeeze %dma_start3A_1074 : memref<1x64xi32, #tpu.memory_space<vmem>> -> memref<64xi32, #tpu.memory_space<vmem>>
        %dma_start3A_1076 = arith.constant 0 : i32
        %dma_start3A_1077 = arith.constant 0 : i32
        %dma_start3A_1078 = tpu.memref_slice %arg5[%dma_start3A_1076, %dma_start3A_1077] : memref<100001x64xf32, #tpu.memory_space<hbm>> -> memref<100001x64xf32, #tpu.memory_space<hbm>>
        tpu.enqueue_indirect_dma source(%dma_start3A_1078 : memref<100001x64xf32, #tpu.memory_space<hbm>>) target(%dma_start3A_1072 : memref<64x64xf32, #tpu.memory_space<vmem>>) offsets(%dma_start3A_1075 : memref<64xi32, #tpu.memory_space<vmem>>) semaphore(%arg27 : memref<!tpu.dma_semaphore, #tpu.memory_space<semaphore_mem>>)
        %dma_start3A_1079 = arith.constant 5 : i32
        %dma_start3A_1080 = arith.constant 320 : i32
        %dma_start3A_1081 = arith.constant 0 : i32
        %dma_start3A_1082 = tpu.memref_slice %arg16[%dma_start3A_1080, %dma_start3A_1081] : memref<576x64xf32, #tpu.memory_space<vmem>> -> memref<64x64xf32, #tpu.memory_space<vmem>>
        %dma_start3A_1083 = arith.constant 0 : i32
        %dma_start3A_1084 = tpu.memref_slice %arg10[%dma_start3A_1079, %dma_start3A_1083] : memref<9x64xi32, #tpu.memory_space<vmem>> -> memref<1x64xi32, #tpu.memory_space<vmem>>
        %dma_start3A_1085 = tpu.memref_squeeze %dma_start3A_1084 : memref<1x64xi32, #tpu.memory_space<vmem>> -> memref<64xi32, #tpu.memory_space<vmem>>
        %dma_start3A_1086 = arith.constant 0 : i32
        %dma_start3A_1087 = arith.constant 0 : i32
        %dma_start3A_1088 = tpu.memref_slice %arg5[%dma_start3A_1086, %dma_start3A_1087] : memref<100001x64xf32, #tpu.memory_space<hbm>> -> memref<100001x64xf32, #tpu.memory_space<hbm>>
        tpu.enqueue_indirect_dma source(%dma_start3A_1088 : memref<100001x64xf32, #tpu.memory_space<hbm>>) target(%dma_start3A_1082 : memref<64x64xf32, #tpu.memory_space<vmem>>) offsets(%dma_start3A_1085 : memref<64xi32, #tpu.memory_space<vmem>>) semaphore(%arg27 : memref<!tpu.dma_semaphore, #tpu.memory_space<semaphore_mem>>)
        %dma_start3A_1089 = arith.constant 6 : i32
        %dma_start3A_1090 = arith.constant 384 : i32
        %dma_start3A_1091 = arith.constant 0 : i32
        %dma_start3A_1092 = tpu.memref_slice %arg16[%dma_start3A_1090, %dma_start3A_1091] : memref<576x64xf32, #tpu.memory_space<vmem>> -> memref<64x64xf32, #tpu.memory_space<vmem>>
        %dma_start3A_1093 = arith.constant 0 : i32
        %dma_start3A_1094 = tpu.memref_slice %arg10[%dma_start3A_1089, %dma_start3A_1093] : memref<9x64xi32, #tpu.memory_space<vmem>> -> memref<1x64xi32, #tpu.memory_space<vmem>>
        %dma_start3A_1095 = tpu.memref_squeeze %dma_start3A_1094 : memref<1x64xi32, #tpu.memory_space<vmem>> -> memref<64xi32, #tpu.memory_space<vmem>>
        %dma_start3A_1096 = arith.constant 0 : i32
        %dma_start3A_1097 = arith.constant 0 : i32
        %dma_start3A_1098 = tpu.memref_slice %arg5[%dma_start3A_1096, %dma_start3A_1097] : memref<100001x64xf32, #tpu.memory_space<hbm>> -> memref<100001x64xf32, #tpu.memory_space<hbm>>
        tpu.enqueue_indirect_dma source(%dma_start3A_1098 : memref<100001x64xf32, #tpu.memory_space<hbm>>) target(%dma_start3A_1092 : memref<64x64xf32, #tpu.memory_space<vmem>>) offsets(%dma_start3A_1095 : memref<64xi32, #tpu.memory_space<vmem>>) semaphore(%arg27 : memref<!tpu.dma_semaphore, #tpu.memory_space<semaphore_mem>>)
        %dma_start3A_1099 = arith.constant 7 : i32
        %dma_start3A_1100 = arith.constant 448 : i32
        %dma_start3A_1101 = arith.constant 0 : i32
        %dma_start3A_1102 = tpu.memref_slice %arg16[%dma_start3A_1100, %dma_start3A_1101] : memref<576x64xf32, #tpu.memory_space<vmem>> -> memref<64x64xf32, #tpu.memory_space<vmem>>
        %dma_start3A_1103 = arith.constant 0 : i32
        %dma_start3A_1104 = tpu.memref_slice %arg10[%dma_start3A_1099, %dma_start3A_1103] : memref<9x64xi32, #tpu.memory_space<vmem>> -> memref<1x64xi32, #tpu.memory_space<vmem>>
        %dma_start3A_1105 = tpu.memref_squeeze %dma_start3A_1104 : memref<1x64xi32, #tpu.memory_space<vmem>> -> memref<64xi32, #tpu.memory_space<vmem>>
        %dma_start3A_1106 = arith.constant 0 : i32
        %dma_start3A_1107 = arith.constant 0 : i32
        %dma_start3A_1108 = tpu.memref_slice %arg5[%dma_start3A_1106, %dma_start3A_1107] : memref<100001x64xf32, #tpu.memory_space<hbm>> -> memref<100001x64xf32, #tpu.memory_space<hbm>>
        tpu.enqueue_indirect_dma source(%dma_start3A_1108 : memref<100001x64xf32, #tpu.memory_space<hbm>>) target(%dma_start3A_1102 : memref<64x64xf32, #tpu.memory_space<vmem>>) offsets(%dma_start3A_1105 : memref<64xi32, #tpu.memory_space<vmem>>) semaphore(%arg27 : memref<!tpu.dma_semaphore, #tpu.memory_space<semaphore_mem>>)
        %dma_start3A_1109 = arith.constant 8 : i32
        %dma_start3A_1110 = arith.constant 512 : i32
        %dma_start3A_1111 = arith.constant 0 : i32
        %dma_start3A_1112 = tpu.memref_slice %arg16[%dma_start3A_1110, %dma_start3A_1111] : memref<576x64xf32, #tpu.memory_space<vmem>> -> memref<64x64xf32, #tpu.memory_space<vmem>>
        %dma_start3A_1113 = arith.constant 0 : i32
        %dma_start3A_1114 = tpu.memref_slice %arg10[%dma_start3A_1109, %dma_start3A_1113] : memref<9x64xi32, #tpu.memory_space<vmem>> -> memref<1x64xi32, #tpu.memory_space<vmem>>
        %dma_start3A_1115 = tpu.memref_squeeze %dma_start3A_1114 : memref<1x64xi32, #tpu.memory_space<vmem>> -> memref<64xi32, #tpu.memory_space<vmem>>
        %dma_start3A_1116 = arith.constant 0 : i32
        %dma_start3A_1117 = arith.constant 0 : i32
        %dma_start3A_1118 = tpu.memref_slice %arg5[%dma_start3A_1116, %dma_start3A_1117] : memref<100001x64xf32, #tpu.memory_space<hbm>> -> memref<100001x64xf32, #tpu.memory_space<hbm>>
        tpu.enqueue_indirect_dma source(%dma_start3A_1118 : memref<100001x64xf32, #tpu.memory_space<hbm>>) target(%dma_start3A_1112 : memref<64x64xf32, #tpu.memory_space<vmem>>) offsets(%dma_start3A_1115 : memref<64xi32, #tpu.memory_space<vmem>>) semaphore(%arg27 : memref<!tpu.dma_semaphore, #tpu.memory_space<semaphore_mem>>)
        %dma_start3A_1119 = arith.constant 0 : i32
        %dma_start3A_1120 = arith.constant 0 : i32
        %dma_start3A_1121 = tpu.memref_slice %arg6[%dma_start3A_1119, %dma_start3A_1120] : memref<512x64xf32, #tpu.memory_space<hbm>> -> memref<512x64xf32, #tpu.memory_space<hbm>>
        tpu.enqueue_indirect_dma source(%dma_start3A_1121 : memref<512x64xf32, #tpu.memory_space<hbm>>) target(%arg18 : memref<64x64xf32, #tpu.memory_space<vmem>>) offsets(%arg12 : memref<64xi32, #tpu.memory_space<vmem>>) semaphore(%arg27 : memref<!tpu.dma_semaphore, #tpu.memory_space<semaphore_mem>>)
        %dma_start3A_1122 = arith.constant 0 : i32
        %dma_start3A_1123 = arith.constant 0 : i32
        %dma_start3A_1124 = tpu.memref_slice %arg7[%dma_start3A_1122, %dma_start3A_1123] : memref<512x64xf32, #tpu.memory_space<hbm>> -> memref<512x64xf32, #tpu.memory_space<hbm>>
        tpu.enqueue_indirect_dma source(%dma_start3A_1124 : memref<512x64xf32, #tpu.memory_space<hbm>>) target(%arg20 : memref<64x64xf32, #tpu.memory_space<vmem>>) offsets(%arg14 : memref<64xi32, #tpu.memory_space<vmem>>) semaphore(%arg27 : memref<!tpu.dma_semaphore, #tpu.memory_space<semaphore_mem>>)
      } else {
      }
      %ge3A_831 = arith.constant 2 : i32
      %ge3A_832 = arith.cmpi sge, %add3A_720, %ge3A_831 : i32
      %convert_element_type3A_833 = arith.extui %ge3A_832 : i1 to i32
      %cond3A_834 = arith.constant 0 : i32
      %cond3A_835 = arith.cmpi ne, %convert_element_type3A_833, %cond3A_834 : i32
      scf.if %cond3A_835 {
        %sub3A = arith.constant 1 : i32
        %sub3A_853 = arith.subi %scan3A_584, %sub3A : i32
        %mul3A_854 = arith.constant 32 : i32
        %mul3A_855 = arith.muli %add3A, %mul3A_854 : i32
        %add3A_856 = arith.addi %mul3A_855, %sub3A_853 : i32
        %dma_wait3A_857 = arith.constant 65 : i32
        %dma_wait3A_858 = arith.constant 0 : i32
        %dma_wait3A_859 = tpu.memref_slice %arg9[%add3A_856, %dma_wait3A_857, %dma_wait3A_858] : memref<1024x129x64xf32, #tpu.memory_space<hbm>> -> memref<1x64x64xf32, #tpu.memory_space<hbm>>
        %dma_wait3A_860 = tpu.memref_squeeze %dma_wait3A_859 : memref<1x64x64xf32, #tpu.memory_space<hbm>> -> memref<64x64xf32, #tpu.memory_space<hbm>>
        %dma_wait3A_861 = arith.constant 65 : i32
        %dma_wait3A_862 = arith.constant 0 : i32
        %dma_wait3A_863 = tpu.memref_slice %arg9[%add3A_856, %dma_wait3A_861, %dma_wait3A_862] : memref<1024x129x64xf32, #tpu.memory_space<hbm>> -> memref<1x64x64xf32, #tpu.memory_space<hbm>>
        %dma_wait3A_864 = tpu.memref_squeeze %dma_wait3A_863 : memref<1x64x64xf32, #tpu.memory_space<hbm>> -> memref<64x64xf32, #tpu.memory_space<hbm>>
        tpu.wait_dma2 semaphore(%arg30 : memref<!tpu.dma_semaphore, #tpu.memory_space<semaphore_mem>>) src(%arg23 : memref<64x64xf32, #tpu.memory_space<vmem>>) dst(%dma_wait3A_864 : memref<64x64xf32, #tpu.memory_space<hbm>>)
      } else {
      }
      %scan3A_836 = arith.constant 0 : i32
      %scan3A_837 = arith.constant 0 : i32
      %scan3A_838 = arith.constant 64 : i32
      %scan3A_839 = arith.addi %scan3A_837, %scan3A_838 : i32
      %scan3A_840 = arith.constant 2 : i32
      scf.for %scan3A_853 = %scan3A_837 to %scan3A_839 step %scan3A_840  : i32 {
        %add3A_854 = arith.constant 0 : i32
        %add3A_855 = arith.addi %add3A_854, %scan3A_853 : i32
        %get3A_856 = arith.index_cast %add3A_855 : i32 to index
        %get3A_857 = arith.constant 0 : index
        %get3A_858 = tpu.vector_load %arg17[%get3A_856, %get3A_857] {strides = array<i32>} : memref<576x64xf32, #tpu.memory_space<vmem>>, vector<1x16xf32>,
        %get3A_859 = vector.shape_cast %get3A_858 : vector<1x16xf32> to vector<16xf32>
        %add3A_860 = arith.constant 64 : i32
        %add3A_861 = arith.addi %add3A_860, %scan3A_853 : i32
        %get3A_862 = arith.index_cast %add3A_861 : i32 to index
        %get3A_863 = arith.constant 0 : index
        %get3A_864 = tpu.vector_load %arg17[%get3A_862, %get3A_863] {strides = array<i32>} : memref<576x64xf32, #tpu.memory_space<vmem>>, vector<1x16xf32>,
        %get3A_865 = vector.shape_cast %get3A_864 : vector<1x16xf32> to vector<16xf32>
        %add3A_866 = arith.constant 128 : i32
        %add3A_867 = arith.addi %add3A_866, %scan3A_853 : i32
        %get3A_868 = arith.index_cast %add3A_867 : i32 to index
        %get3A_869 = arith.constant 0 : index
        %get3A_870 = tpu.vector_load %arg17[%get3A_868, %get3A_869] {strides = array<i32>} : memref<576x64xf32, #tpu.memory_space<vmem>>, vector<1x16xf32>,
        %get3A_871 = vector.shape_cast %get3A_870 : vector<1x16xf32> to vector<16xf32>
        %add3A_872 = arith.constant 192 : i32
        %add3A_873 = arith.addi %add3A_872, %scan3A_853 : i32
        %get3A_874 = arith.index_cast %add3A_873 : i32 to index
        %get3A_875 = arith.constant 0 : index
        %get3A_876 = tpu.vector_load %arg17[%get3A_874, %get3A_875] {strides = array<i32>} : memref<576x64xf32, #tpu.memory_space<vmem>>, vector<1x16xf32>,
        %get3A_877 = vector.shape_cast %get3A_876 : vector<1x16xf32> to vector<16xf32>
        %add3A_878 = arith.constant 256 : i32
        %add3A_879 = arith.addi %add3A_878, %scan3A_853 : i32
        %get3A_880 = arith.index_cast %add3A_879 : i32 to index
        %get3A_881 = arith.constant 0 : index
        %get3A_882 = tpu.vector_load %arg17[%get3A_880, %get3A_881] {strides = array<i32>} : memref<576x64xf32, #tpu.memory_space<vmem>>, vector<1x16xf32>,
        %get3A_883 = vector.shape_cast %get3A_882 : vector<1x16xf32> to vector<16xf32>
        %add3A_884 = arith.constant 320 : i32
        %add3A_885 = arith.addi %add3A_884, %scan3A_853 : i32
        %get3A_886 = arith.index_cast %add3A_885 : i32 to index
        %get3A_887 = arith.constant 0 : index
        %get3A_888 = tpu.vector_load %arg17[%get3A_886, %get3A_887] {strides = array<i32>} : memref<576x64xf32, #tpu.memory_space<vmem>>, vector<1x16xf32>,
        %get3A_889 = vector.shape_cast %get3A_888 : vector<1x16xf32> to vector<16xf32>
        %add3A_890 = arith.constant 384 : i32
        %add3A_891 = arith.addi %add3A_890, %scan3A_853 : i32
        %get3A_892 = arith.index_cast %add3A_891 : i32 to index
        %get3A_893 = arith.constant 0 : index
        %get3A_894 = tpu.vector_load %arg17[%get3A_892, %get3A_893] {strides = array<i32>} : memref<576x64xf32, #tpu.memory_space<vmem>>, vector<1x16xf32>,
        %get3A_895 = vector.shape_cast %get3A_894 : vector<1x16xf32> to vector<16xf32>
        %add3A_896 = arith.constant 448 : i32
        %add3A_897 = arith.addi %add3A_896, %scan3A_853 : i32
        %get3A_898 = arith.index_cast %add3A_897 : i32 to index
        %get3A_899 = arith.constant 0 : index
        %get3A_900 = tpu.vector_load %arg17[%get3A_898, %get3A_899] {strides = array<i32>} : memref<576x64xf32, #tpu.memory_space<vmem>>, vector<1x16xf32>,
        %get3A_901 = vector.shape_cast %get3A_900 : vector<1x16xf32> to vector<16xf32>
        %add3A_902 = arith.constant 512 : i32
        %add3A_903 = arith.addi %add3A_902, %scan3A_853 : i32
        %get3A_904 = arith.index_cast %add3A_903 : i32 to index
        %get3A_905 = arith.constant 0 : index
        %get3A_906 = tpu.vector_load %arg17[%get3A_904, %get3A_905] {strides = array<i32>} : memref<576x64xf32, #tpu.memory_space<vmem>>, vector<1x16xf32>,
        %get3A_907 = vector.shape_cast %get3A_906 : vector<1x16xf32> to vector<16xf32>
        %get3A_908 = arith.index_cast %scan3A_853 : i32 to index
        %get3A_909 = arith.constant 0 : index
        %get3A_910 = tpu.vector_load %arg19[%get3A_908, %get3A_909] {strides = array<i32>} : memref<64x64xf32, #tpu.memory_space<vmem>>, vector<1x16xf32>,
        %get3A_911 = vector.shape_cast %get3A_910 : vector<1x16xf32> to vector<16xf32>
        %get3A_912 = arith.index_cast %scan3A_853 : i32 to index
        %get3A_913 = arith.constant 0 : index
        %get3A_914 = tpu.vector_load %arg21[%get3A_912, %get3A_913] {strides = array<i32>} : memref<64x64xf32, #tpu.memory_space<vmem>>, vector<1x16xf32>,
        %get3A_915 = vector.shape_cast %get3A_914 : vector<1x16xf32> to vector<16xf32>
        %add3A_916 = arith.addf %get3A_859, %get3A_865 : vector<16xf32>
        %add3A_917 = arith.addf %get3A_871, %get3A_877 : vector<16xf32>
        %add3A_918 = arith.addf %get3A_883, %get3A_889 : vector<16xf32>
        %add3A_919 = arith.addf %get3A_895, %get3A_901 : vector<16xf32>
        %add3A_920 = arith.addf %get3A_907, %get3A_911 : vector<16xf32>
        %add3A_921 = arith.addf %add3A_916, %add3A_917 : vector<16xf32>
        %add3A_922 = arith.addf %add3A_918, %add3A_919 : vector<16xf32>
        %add3A_923 = arith.addf %add3A_920, %get3A_915 : vector<16xf32>
        %add3A_924 = arith.addf %add3A_921, %add3A_922 : vector<16xf32>
        %add3A_925 = arith.addf %add3A_924, %add3A_923 : vector<16xf32>
        %add3A_926 = arith.constant 0 : i32
        %add3A_927 = arith.addi %add3A_926, %scan3A_853 : i32
        %swap3A_928 = arith.index_cast %add3A_927 : i32 to index
        %swap3A_929 = arith.constant 0 : index
        %swap3A_930 = tpu.vector_load %arg23[%swap3A_928, %swap3A_929] {strides = array<i32>} : memref<64x64xf32, #tpu.memory_space<vmem>>, vector<1x16xf32>,
        %swap3A_931 = vector.shape_cast %swap3A_930 : vector<1x16xf32> to vector<16xf32>
        %swap3A_932 = vector.shape_cast %add3A_925 : vector<16xf32> to vector<1x16xf32>
        tpu.vector_store %arg23[%swap3A_928, %swap3A_929], %swap3A_932 {strides = array<i32>} : memref<64x64xf32, #tpu.memory_space<vmem>>, vector<1x16xf32>,
        %add3A_933 = arith.constant 0 : i32
        %add3A_934 = arith.addi %add3A_933, %scan3A_853 : i32
        %get3A_935 = arith.index_cast %add3A_934 : i32 to index
        %get3A_936 = arith.constant 16 : index
        %get3A_937 = tpu.vector_load %arg17[%get3A_935, %get3A_936] {strides = array<i32>} : memref<576x64xf32, #tpu.memory_space<vmem>>, vector<1x16xf32>,
        %get3A_938 = vector.shape_cast %get3A_937 : vector<1x16xf32> to vector<16xf32>
        %add3A_939 = arith.constant 64 : i32
        %add3A_940 = arith.addi %add3A_939, %scan3A_853 : i32
        %get3A_941 = arith.index_cast %add3A_940 : i32 to index
        %get3A_942 = arith.constant 16 : index
        %get3A_943 = tpu.vector_load %arg17[%get3A_941, %get3A_942] {strides = array<i32>} : memref<576x64xf32, #tpu.memory_space<vmem>>, vector<1x16xf32>,
        %get3A_944 = vector.shape_cast %get3A_943 : vector<1x16xf32> to vector<16xf32>
        %add3A_945 = arith.constant 128 : i32
        %add3A_946 = arith.addi %add3A_945, %scan3A_853 : i32
        %get3A_947 = arith.index_cast %add3A_946 : i32 to index
        %get3A_948 = arith.constant 16 : index
        %get3A_949 = tpu.vector_load %arg17[%get3A_947, %get3A_948] {strides = array<i32>} : memref<576x64xf32, #tpu.memory_space<vmem>>, vector<1x16xf32>,
        %get3A_950 = vector.shape_cast %get3A_949 : vector<1x16xf32> to vector<16xf32>
        %add3A_951 = arith.constant 192 : i32
        %add3A_952 = arith.addi %add3A_951, %scan3A_853 : i32
        %get3A_953 = arith.index_cast %add3A_952 : i32 to index
        %get3A_954 = arith.constant 16 : index
        %get3A_955 = tpu.vector_load %arg17[%get3A_953, %get3A_954] {strides = array<i32>} : memref<576x64xf32, #tpu.memory_space<vmem>>, vector<1x16xf32>,
        %get3A_956 = vector.shape_cast %get3A_955 : vector<1x16xf32> to vector<16xf32>
        %add3A_957 = arith.constant 256 : i32
        %add3A_958 = arith.addi %add3A_957, %scan3A_853 : i32
        %get3A_959 = arith.index_cast %add3A_958 : i32 to index
        %get3A_960 = arith.constant 16 : index
        %get3A_961 = tpu.vector_load %arg17[%get3A_959, %get3A_960] {strides = array<i32>} : memref<576x64xf32, #tpu.memory_space<vmem>>, vector<1x16xf32>,
        %get3A_962 = vector.shape_cast %get3A_961 : vector<1x16xf32> to vector<16xf32>
        %add3A_963 = arith.constant 320 : i32
        %add3A_964 = arith.addi %add3A_963, %scan3A_853 : i32
        %get3A_965 = arith.index_cast %add3A_964 : i32 to index
        %get3A_966 = arith.constant 16 : index
        %get3A_967 = tpu.vector_load %arg17[%get3A_965, %get3A_966] {strides = array<i32>} : memref<576x64xf32, #tpu.memory_space<vmem>>, vector<1x16xf32>,
        %get3A_968 = vector.shape_cast %get3A_967 : vector<1x16xf32> to vector<16xf32>
        %add3A_969 = arith.constant 384 : i32
        %add3A_970 = arith.addi %add3A_969, %scan3A_853 : i32
        %get3A_971 = arith.index_cast %add3A_970 : i32 to index
        %get3A_972 = arith.constant 16 : index
        %get3A_973 = tpu.vector_load %arg17[%get3A_971, %get3A_972] {strides = array<i32>} : memref<576x64xf32, #tpu.memory_space<vmem>>, vector<1x16xf32>,
        %get3A_974 = vector.shape_cast %get3A_973 : vector<1x16xf32> to vector<16xf32>
        %add3A_975 = arith.constant 448 : i32
        %add3A_976 = arith.addi %add3A_975, %scan3A_853 : i32
        %get3A_977 = arith.index_cast %add3A_976 : i32 to index
        %get3A_978 = arith.constant 16 : index
        %get3A_979 = tpu.vector_load %arg17[%get3A_977, %get3A_978] {strides = array<i32>} : memref<576x64xf32, #tpu.memory_space<vmem>>, vector<1x16xf32>,
        %get3A_980 = vector.shape_cast %get3A_979 : vector<1x16xf32> to vector<16xf32>
        %add3A_981 = arith.constant 512 : i32
        %add3A_982 = arith.addi %add3A_981, %scan3A_853 : i32
        %get3A_983 = arith.index_cast %add3A_982 : i32 to index
        %get3A_984 = arith.constant 16 : index
        %get3A_985 = tpu.vector_load %arg17[%get3A_983, %get3A_984] {strides = array<i32>} : memref<576x64xf32, #tpu.memory_space<vmem>>, vector<1x16xf32>,
        %get3A_986 = vector.shape_cast %get3A_985 : vector<1x16xf32> to vector<16xf32>
        %get3A_987 = arith.index_cast %scan3A_853 : i32 to index
        %get3A_988 = arith.constant 16 : index
        %get3A_989 = tpu.vector_load %arg19[%get3A_987, %get3A_988] {strides = array<i32>} : memref<64x64xf32, #tpu.memory_space<vmem>>, vector<1x16xf32>,
        %get3A_990 = vector.shape_cast %get3A_989 : vector<1x16xf32> to vector<16xf32>
        %get3A_991 = arith.index_cast %scan3A_853 : i32 to index
        %get3A_992 = arith.constant 16 : index
        %get3A_993 = tpu.vector_load %arg21[%get3A_991, %get3A_992] {strides = array<i32>} : memref<64x64xf32, #tpu.memory_space<vmem>>, vector<1x16xf32>,
        %get3A_994 = vector.shape_cast %get3A_993 : vector<1x16xf32> to vector<16xf32>
        %add3A_995 = arith.addf %get3A_938, %get3A_944 : vector<16xf32>
        %add3A_996 = arith.addf %get3A_950, %get3A_956 : vector<16xf32>
        %add3A_997 = arith.addf %get3A_962, %get3A_968 : vector<16xf32>
        %add3A_998 = arith.addf %get3A_974, %get3A_980 : vector<16xf32>
        %add3A_999 = arith.addf %get3A_986, %get3A_990 : vector<16xf32>
        %add3A_1000 = arith.addf %add3A_995, %add3A_996 : vector<16xf32>
        %add3A_1001 = arith.addf %add3A_997, %add3A_998 : vector<16xf32>
        %add3A_1002 = arith.addf %add3A_999, %get3A_994 : vector<16xf32>
        %add3A_1003 = arith.addf %add3A_1000, %add3A_1001 : vector<16xf32>
        %add3A_1004 = arith.addf %add3A_1003, %add3A_1002 : vector<16xf32>
        %add3A_1005 = arith.constant 0 : i32
        %add3A_1006 = arith.addi %add3A_1005, %scan3A_853 : i32
        %swap3A_1007 = arith.index_cast %add3A_1006 : i32 to index
        %swap3A_1008 = arith.constant 16 : index
        %swap3A_1009 = tpu.vector_load %arg23[%swap3A_1007, %swap3A_1008] {strides = array<i32>} : memref<64x64xf32, #tpu.memory_space<vmem>>, vector<1x16xf32>,
        %swap3A_1010 = vector.shape_cast %swap3A_1009 : vector<1x16xf32> to vector<16xf32>
        %swap3A_1011 = vector.shape_cast %add3A_1004 : vector<16xf32> to vector<1x16xf32>
        tpu.vector_store %arg23[%swap3A_1007, %swap3A_1008], %swap3A_1011 {strides = array<i32>} : memref<64x64xf32, #tpu.memory_space<vmem>>, vector<1x16xf32>,
        %add3A_1012 = arith.constant 0 : i32
        %add3A_1013 = arith.addi %add3A_1012, %scan3A_853 : i32
        %get3A_1014 = arith.index_cast %add3A_1013 : i32 to index
        %get3A_1015 = arith.constant 32 : index
        %get3A_1016 = tpu.vector_load %arg17[%get3A_1014, %get3A_1015] {strides = array<i32>} : memref<576x64xf32, #tpu.memory_space<vmem>>, vector<1x16xf32>,
        %get3A_1017 = vector.shape_cast %get3A_1016 : vector<1x16xf32> to vector<16xf32>
        %add3A_1018 = arith.constant 64 : i32
        %add3A_1019 = arith.addi %add3A_1018, %scan3A_853 : i32
        %get3A_1020 = arith.index_cast %add3A_1019 : i32 to index
        %get3A_1021 = arith.constant 32 : index
        %get3A_1022 = tpu.vector_load %arg17[%get3A_1020, %get3A_1021] {strides = array<i32>} : memref<576x64xf32, #tpu.memory_space<vmem>>, vector<1x16xf32>,
        %get3A_1023 = vector.shape_cast %get3A_1022 : vector<1x16xf32> to vector<16xf32>
        %add3A_1024 = arith.constant 128 : i32
        %add3A_1025 = arith.addi %add3A_1024, %scan3A_853 : i32
        %get3A_1026 = arith.index_cast %add3A_1025 : i32 to index
        %get3A_1027 = arith.constant 32 : index
        %get3A_1028 = tpu.vector_load %arg17[%get3A_1026, %get3A_1027] {strides = array<i32>} : memref<576x64xf32, #tpu.memory_space<vmem>>, vector<1x16xf32>,
        %get3A_1029 = vector.shape_cast %get3A_1028 : vector<1x16xf32> to vector<16xf32>
        %add3A_1030 = arith.constant 192 : i32
        %add3A_1031 = arith.addi %add3A_1030, %scan3A_853 : i32
        %get3A_1032 = arith.index_cast %add3A_1031 : i32 to index
        %get3A_1033 = arith.constant 32 : index
        %get3A_1034 = tpu.vector_load %arg17[%get3A_1032, %get3A_1033] {strides = array<i32>} : memref<576x64xf32, #tpu.memory_space<vmem>>, vector<1x16xf32>,
        %get3A_1035 = vector.shape_cast %get3A_1034 : vector<1x16xf32> to vector<16xf32>
        %add3A_1036 = arith.constant 256 : i32
        %add3A_1037 = arith.addi %add3A_1036, %scan3A_853 : i32
        %get3A_1038 = arith.index_cast %add3A_1037 : i32 to index
        %get3A_1039 = arith.constant 32 : index
        %get3A_1040 = tpu.vector_load %arg17[%get3A_1038, %get3A_1039] {strides = array<i32>} : memref<576x64xf32, #tpu.memory_space<vmem>>, vector<1x16xf32>,
        %get3A_1041 = vector.shape_cast %get3A_1040 : vector<1x16xf32> to vector<16xf32>
        %add3A_1042 = arith.constant 320 : i32
        %add3A_1043 = arith.addi %add3A_1042, %scan3A_853 : i32
        %get3A_1044 = arith.index_cast %add3A_1043 : i32 to index
        %get3A_1045 = arith.constant 32 : index
        %get3A_1046 = tpu.vector_load %arg17[%get3A_1044, %get3A_1045] {strides = array<i32>} : memref<576x64xf32, #tpu.memory_space<vmem>>, vector<1x16xf32>,
        %get3A_1047 = vector.shape_cast %get3A_1046 : vector<1x16xf32> to vector<16xf32>
        %add3A_1048 = arith.constant 384 : i32
        %add3A_1049 = arith.addi %add3A_1048, %scan3A_853 : i32
        %get3A_1050 = arith.index_cast %add3A_1049 : i32 to index
        %get3A_1051 = arith.constant 32 : index
        %get3A_1052 = tpu.vector_load %arg17[%get3A_1050, %get3A_1051] {strides = array<i32>} : memref<576x64xf32, #tpu.memory_space<vmem>>, vector<1x16xf32>,
        %get3A_1053 = vector.shape_cast %get3A_1052 : vector<1x16xf32> to vector<16xf32>
        %add3A_1054 = arith.constant 448 : i32
        %add3A_1055 = arith.addi %add3A_1054, %scan3A_853 : i32
        %get3A_1056 = arith.index_cast %add3A_1055 : i32 to index
        %get3A_1057 = arith.constant 32 : index
        %get3A_1058 = tpu.vector_load %arg17[%get3A_1056, %get3A_1057] {strides = array<i32>} : memref<576x64xf32, #tpu.memory_space<vmem>>, vector<1x16xf32>,
        %get3A_1059 = vector.shape_cast %get3A_1058 : vector<1x16xf32> to vector<16xf32>
        %add3A_1060 = arith.constant 512 : i32
        %add3A_1061 = arith.addi %add3A_1060, %scan3A_853 : i32
        %get3A_1062 = arith.index_cast %add3A_1061 : i32 to index
        %get3A_1063 = arith.constant 32 : index
        %get3A_1064 = tpu.vector_load %arg17[%get3A_1062, %get3A_1063] {strides = array<i32>} : memref<576x64xf32, #tpu.memory_space<vmem>>, vector<1x16xf32>,
        %get3A_1065 = vector.shape_cast %get3A_1064 : vector<1x16xf32> to vector<16xf32>
        %get3A_1066 = arith.index_cast %scan3A_853 : i32 to index
        %get3A_1067 = arith.constant 32 : index
        %get3A_1068 = tpu.vector_load %arg19[%get3A_1066, %get3A_1067] {strides = array<i32>} : memref<64x64xf32, #tpu.memory_space<vmem>>, vector<1x16xf32>,
        %get3A_1069 = vector.shape_cast %get3A_1068 : vector<1x16xf32> to vector<16xf32>
        %get3A_1070 = arith.index_cast %scan3A_853 : i32 to index
        %get3A_1071 = arith.constant 32 : index
        %get3A_1072 = tpu.vector_load %arg21[%get3A_1070, %get3A_1071] {strides = array<i32>} : memref<64x64xf32, #tpu.memory_space<vmem>>, vector<1x16xf32>,
        %get3A_1073 = vector.shape_cast %get3A_1072 : vector<1x16xf32> to vector<16xf32>
        %add3A_1074 = arith.addf %get3A_1017, %get3A_1023 : vector<16xf32>
        %add3A_1075 = arith.addf %get3A_1029, %get3A_1035 : vector<16xf32>
        %add3A_1076 = arith.addf %get3A_1041, %get3A_1047 : vector<16xf32>
        %add3A_1077 = arith.addf %get3A_1053, %get3A_1059 : vector<16xf32>
        %add3A_1078 = arith.addf %get3A_1065, %get3A_1069 : vector<16xf32>
        %add3A_1079 = arith.addf %add3A_1074, %add3A_1075 : vector<16xf32>
        %add3A_1080 = arith.addf %add3A_1076, %add3A_1077 : vector<16xf32>
        %add3A_1081 = arith.addf %add3A_1078, %get3A_1073 : vector<16xf32>
        %add3A_1082 = arith.addf %add3A_1079, %add3A_1080 : vector<16xf32>
        %add3A_1083 = arith.addf %add3A_1082, %add3A_1081 : vector<16xf32>
        %add3A_1084 = arith.constant 0 : i32
        %add3A_1085 = arith.addi %add3A_1084, %scan3A_853 : i32
        %swap3A_1086 = arith.index_cast %add3A_1085 : i32 to index
        %swap3A_1087 = arith.constant 32 : index
        %swap3A_1088 = tpu.vector_load %arg23[%swap3A_1086, %swap3A_1087] {strides = array<i32>} : memref<64x64xf32, #tpu.memory_space<vmem>>, vector<1x16xf32>,
        %swap3A_1089 = vector.shape_cast %swap3A_1088 : vector<1x16xf32> to vector<16xf32>
        %swap3A_1090 = vector.shape_cast %add3A_1083 : vector<16xf32> to vector<1x16xf32>
        tpu.vector_store %arg23[%swap3A_1086, %swap3A_1087], %swap3A_1090 {strides = array<i32>} : memref<64x64xf32, #tpu.memory_space<vmem>>, vector<1x16xf32>,
        %add3A_1091 = arith.constant 0 : i32
        %add3A_1092 = arith.addi %add3A_1091, %scan3A_853 : i32
        %get3A_1093 = arith.index_cast %add3A_1092 : i32 to index
        %get3A_1094 = arith.constant 48 : index
        %get3A_1095 = tpu.vector_load %arg17[%get3A_1093, %get3A_1094] {strides = array<i32>} : memref<576x64xf32, #tpu.memory_space<vmem>>, vector<1x16xf32>,
        %get3A_1096 = vector.shape_cast %get3A_1095 : vector<1x16xf32> to vector<16xf32>
        %add3A_1097 = arith.constant 64 : i32
        %add3A_1098 = arith.addi %add3A_1097, %scan3A_853 : i32
        %get3A_1099 = arith.index_cast %add3A_1098 : i32 to index
        %get3A_1100 = arith.constant 48 : index
        %get3A_1101 = tpu.vector_load %arg17[%get3A_1099, %get3A_1100] {strides = array<i32>} : memref<576x64xf32, #tpu.memory_space<vmem>>, vector<1x16xf32>,
        %get3A_1102 = vector.shape_cast %get3A_1101 : vector<1x16xf32> to vector<16xf32>
        %add3A_1103 = arith.constant 128 : i32
        %add3A_1104 = arith.addi %add3A_1103, %scan3A_853 : i32
        %get3A_1105 = arith.index_cast %add3A_1104 : i32 to index
        %get3A_1106 = arith.constant 48 : index
        %get3A_1107 = tpu.vector_load %arg17[%get3A_1105, %get3A_1106] {strides = array<i32>} : memref<576x64xf32, #tpu.memory_space<vmem>>, vector<1x16xf32>,
        %get3A_1108 = vector.shape_cast %get3A_1107 : vector<1x16xf32> to vector<16xf32>
        %add3A_1109 = arith.constant 192 : i32
        %add3A_1110 = arith.addi %add3A_1109, %scan3A_853 : i32
        %get3A_1111 = arith.index_cast %add3A_1110 : i32 to index
        %get3A_1112 = arith.constant 48 : index
        %get3A_1113 = tpu.vector_load %arg17[%get3A_1111, %get3A_1112] {strides = array<i32>} : memref<576x64xf32, #tpu.memory_space<vmem>>, vector<1x16xf32>,
        %get3A_1114 = vector.shape_cast %get3A_1113 : vector<1x16xf32> to vector<16xf32>
        %add3A_1115 = arith.constant 256 : i32
        %add3A_1116 = arith.addi %add3A_1115, %scan3A_853 : i32
        %get3A_1117 = arith.index_cast %add3A_1116 : i32 to index
        %get3A_1118 = arith.constant 48 : index
        %get3A_1119 = tpu.vector_load %arg17[%get3A_1117, %get3A_1118] {strides = array<i32>} : memref<576x64xf32, #tpu.memory_space<vmem>>, vector<1x16xf32>,
        %get3A_1120 = vector.shape_cast %get3A_1119 : vector<1x16xf32> to vector<16xf32>
        %add3A_1121 = arith.constant 320 : i32
        %add3A_1122 = arith.addi %add3A_1121, %scan3A_853 : i32
        %get3A_1123 = arith.index_cast %add3A_1122 : i32 to index
        %get3A_1124 = arith.constant 48 : index
        %get3A_1125 = tpu.vector_load %arg17[%get3A_1123, %get3A_1124] {strides = array<i32>} : memref<576x64xf32, #tpu.memory_space<vmem>>, vector<1x16xf32>,
        %get3A_1126 = vector.shape_cast %get3A_1125 : vector<1x16xf32> to vector<16xf32>
        %add3A_1127 = arith.constant 384 : i32
        %add3A_1128 = arith.addi %add3A_1127, %scan3A_853 : i32
        %get3A_1129 = arith.index_cast %add3A_1128 : i32 to index
        %get3A_1130 = arith.constant 48 : index
        %get3A_1131 = tpu.vector_load %arg17[%get3A_1129, %get3A_1130] {strides = array<i32>} : memref<576x64xf32, #tpu.memory_space<vmem>>, vector<1x16xf32>,
        %get3A_1132 = vector.shape_cast %get3A_1131 : vector<1x16xf32> to vector<16xf32>
        %add3A_1133 = arith.constant 448 : i32
        %add3A_1134 = arith.addi %add3A_1133, %scan3A_853 : i32
        %get3A_1135 = arith.index_cast %add3A_1134 : i32 to index
        %get3A_1136 = arith.constant 48 : index
        %get3A_1137 = tpu.vector_load %arg17[%get3A_1135, %get3A_1136] {strides = array<i32>} : memref<576x64xf32, #tpu.memory_space<vmem>>, vector<1x16xf32>,
        %get3A_1138 = vector.shape_cast %get3A_1137 : vector<1x16xf32> to vector<16xf32>
        %add3A_1139 = arith.constant 512 : i32
        %add3A_1140 = arith.addi %add3A_1139, %scan3A_853 : i32
        %get3A_1141 = arith.index_cast %add3A_1140 : i32 to index
        %get3A_1142 = arith.constant 48 : index
        %get3A_1143 = tpu.vector_load %arg17[%get3A_1141, %get3A_1142] {strides = array<i32>} : memref<576x64xf32, #tpu.memory_space<vmem>>, vector<1x16xf32>,
        %get3A_1144 = vector.shape_cast %get3A_1143 : vector<1x16xf32> to vector<16xf32>
        %get3A_1145 = arith.index_cast %scan3A_853 : i32 to index
        %get3A_1146 = arith.constant 48 : index
        %get3A_1147 = tpu.vector_load %arg19[%get3A_1145, %get3A_1146] {strides = array<i32>} : memref<64x64xf32, #tpu.memory_space<vmem>>, vector<1x16xf32>,
        %get3A_1148 = vector.shape_cast %get3A_1147 : vector<1x16xf32> to vector<16xf32>
        %get3A_1149 = arith.index_cast %scan3A_853 : i32 to index
        %get3A_1150 = arith.constant 48 : index
        %get3A_1151 = tpu.vector_load %arg21[%get3A_1149, %get3A_1150] {strides = array<i32>} : memref<64x64xf32, #tpu.memory_space<vmem>>, vector<1x16xf32>,
        %get3A_1152 = vector.shape_cast %get3A_1151 : vector<1x16xf32> to vector<16xf32>
        %add3A_1153 = arith.addf %get3A_1096, %get3A_1102 : vector<16xf32>
        %add3A_1154 = arith.addf %get3A_1108, %get3A_1114 : vector<16xf32>
        %add3A_1155 = arith.addf %get3A_1120, %get3A_1126 : vector<16xf32>
        %add3A_1156 = arith.addf %get3A_1132, %get3A_1138 : vector<16xf32>
        %add3A_1157 = arith.addf %get3A_1144, %get3A_1148 : vector<16xf32>
        %add3A_1158 = arith.addf %add3A_1153, %add3A_1154 : vector<16xf32>
        %add3A_1159 = arith.addf %add3A_1155, %add3A_1156 : vector<16xf32>
        %add3A_1160 = arith.addf %add3A_1157, %get3A_1152 : vector<16xf32>
        %add3A_1161 = arith.addf %add3A_1158, %add3A_1159 : vector<16xf32>
        %add3A_1162 = arith.addf %add3A_1161, %add3A_1160 : vector<16xf32>
        %add3A_1163 = arith.constant 0 : i32
        %add3A_1164 = arith.addi %add3A_1163, %scan3A_853 : i32
        %swap3A_1165 = arith.index_cast %add3A_1164 : i32 to index
        %swap3A_1166 = arith.constant 48 : index
        %swap3A_1167 = tpu.vector_load %arg23[%swap3A_1165, %swap3A_1166] {strides = array<i32>} : memref<64x64xf32, #tpu.memory_space<vmem>>, vector<1x16xf32>,
        %swap3A_1168 = vector.shape_cast %swap3A_1167 : vector<1x16xf32> to vector<16xf32>
        %swap3A_1169 = vector.shape_cast %add3A_1162 : vector<16xf32> to vector<1x16xf32>
        tpu.vector_store %arg23[%swap3A_1165, %swap3A_1166], %swap3A_1169 {strides = array<i32>} : memref<64x64xf32, #tpu.memory_space<vmem>>, vector<1x16xf32>,
        %scan3A_1170 = arith.constant 1 : i32
        %scan3A_1171 = arith.addi %scan3A_853, %scan3A_1170 : i32
        %add3A_1172 = arith.constant 0 : i32
        %add3A_1173 = arith.addi %add3A_1172, %scan3A_1171 : i32
        %get3A_1174 = arith.index_cast %add3A_1173 : i32 to index
        %get3A_1175 = arith.constant 0 : index
        %get3A_1176 = tpu.vector_load %arg17[%get3A_1174, %get3A_1175] {strides = array<i32>} : memref<576x64xf32, #tpu.memory_space<vmem>>, vector<1x16xf32>,
        %get3A_1177 = vector.shape_cast %get3A_1176 : vector<1x16xf32> to vector<16xf32>
        %add3A_1178 = arith.constant 64 : i32
        %add3A_1179 = arith.addi %add3A_1178, %scan3A_1171 : i32
        %get3A_1180 = arith.index_cast %add3A_1179 : i32 to index
        %get3A_1181 = arith.constant 0 : index
        %get3A_1182 = tpu.vector_load %arg17[%get3A_1180, %get3A_1181] {strides = array<i32>} : memref<576x64xf32, #tpu.memory_space<vmem>>, vector<1x16xf32>,
        %get3A_1183 = vector.shape_cast %get3A_1182 : vector<1x16xf32> to vector<16xf32>
        %add3A_1184 = arith.constant 128 : i32
        %add3A_1185 = arith.addi %add3A_1184, %scan3A_1171 : i32
        %get3A_1186 = arith.index_cast %add3A_1185 : i32 to index
        %get3A_1187 = arith.constant 0 : index
        %get3A_1188 = tpu.vector_load %arg17[%get3A_1186, %get3A_1187] {strides = array<i32>} : memref<576x64xf32, #tpu.memory_space<vmem>>, vector<1x16xf32>,
        %get3A_1189 = vector.shape_cast %get3A_1188 : vector<1x16xf32> to vector<16xf32>
        %add3A_1190 = arith.constant 192 : i32
        %add3A_1191 = arith.addi %add3A_1190, %scan3A_1171 : i32
        %get3A_1192 = arith.index_cast %add3A_1191 : i32 to index
        %get3A_1193 = arith.constant 0 : index
        %get3A_1194 = tpu.vector_load %arg17[%get3A_1192, %get3A_1193] {strides = array<i32>} : memref<576x64xf32, #tpu.memory_space<vmem>>, vector<1x16xf32>,
        %get3A_1195 = vector.shape_cast %get3A_1194 : vector<1x16xf32> to vector<16xf32>
        %add3A_1196 = arith.constant 256 : i32
        %add3A_1197 = arith.addi %add3A_1196, %scan3A_1171 : i32
        %get3A_1198 = arith.index_cast %add3A_1197 : i32 to index
        %get3A_1199 = arith.constant 0 : index
        %get3A_1200 = tpu.vector_load %arg17[%get3A_1198, %get3A_1199] {strides = array<i32>} : memref<576x64xf32, #tpu.memory_space<vmem>>, vector<1x16xf32>,
        %get3A_1201 = vector.shape_cast %get3A_1200 : vector<1x16xf32> to vector<16xf32>
        %add3A_1202 = arith.constant 320 : i32
        %add3A_1203 = arith.addi %add3A_1202, %scan3A_1171 : i32
        %get3A_1204 = arith.index_cast %add3A_1203 : i32 to index
        %get3A_1205 = arith.constant 0 : index
        %get3A_1206 = tpu.vector_load %arg17[%get3A_1204, %get3A_1205] {strides = array<i32>} : memref<576x64xf32, #tpu.memory_space<vmem>>, vector<1x16xf32>,
        %get3A_1207 = vector.shape_cast %get3A_1206 : vector<1x16xf32> to vector<16xf32>
        %add3A_1208 = arith.constant 384 : i32
        %add3A_1209 = arith.addi %add3A_1208, %scan3A_1171 : i32
        %get3A_1210 = arith.index_cast %add3A_1209 : i32 to index
        %get3A_1211 = arith.constant 0 : index
        %get3A_1212 = tpu.vector_load %arg17[%get3A_1210, %get3A_1211] {strides = array<i32>} : memref<576x64xf32, #tpu.memory_space<vmem>>, vector<1x16xf32>,
        %get3A_1213 = vector.shape_cast %get3A_1212 : vector<1x16xf32> to vector<16xf32>
        %add3A_1214 = arith.constant 448 : i32
        %add3A_1215 = arith.addi %add3A_1214, %scan3A_1171 : i32
        %get3A_1216 = arith.index_cast %add3A_1215 : i32 to index
        %get3A_1217 = arith.constant 0 : index
        %get3A_1218 = tpu.vector_load %arg17[%get3A_1216, %get3A_1217] {strides = array<i32>} : memref<576x64xf32, #tpu.memory_space<vmem>>, vector<1x16xf32>,
        %get3A_1219 = vector.shape_cast %get3A_1218 : vector<1x16xf32> to vector<16xf32>
        %add3A_1220 = arith.constant 512 : i32
        %add3A_1221 = arith.addi %add3A_1220, %scan3A_1171 : i32
        %get3A_1222 = arith.index_cast %add3A_1221 : i32 to index
        %get3A_1223 = arith.constant 0 : index
        %get3A_1224 = tpu.vector_load %arg17[%get3A_1222, %get3A_1223] {strides = array<i32>} : memref<576x64xf32, #tpu.memory_space<vmem>>, vector<1x16xf32>,
        %get3A_1225 = vector.shape_cast %get3A_1224 : vector<1x16xf32> to vector<16xf32>
        %get3A_1226 = arith.index_cast %scan3A_1171 : i32 to index
        %get3A_1227 = arith.constant 0 : index
        %get3A_1228 = tpu.vector_load %arg19[%get3A_1226, %get3A_1227] {strides = array<i32>} : memref<64x64xf32, #tpu.memory_space<vmem>>, vector<1x16xf32>,
        %get3A_1229 = vector.shape_cast %get3A_1228 : vector<1x16xf32> to vector<16xf32>
        %get3A_1230 = arith.index_cast %scan3A_1171 : i32 to index
        %get3A_1231 = arith.constant 0 : index
        %get3A_1232 = tpu.vector_load %arg21[%get3A_1230, %get3A_1231] {strides = array<i32>} : memref<64x64xf32, #tpu.memory_space<vmem>>, vector<1x16xf32>,
        %get3A_1233 = vector.shape_cast %get3A_1232 : vector<1x16xf32> to vector<16xf32>
        %add3A_1234 = arith.addf %get3A_1177, %get3A_1183 : vector<16xf32>
        %add3A_1235 = arith.addf %get3A_1189, %get3A_1195 : vector<16xf32>
        %add3A_1236 = arith.addf %get3A_1201, %get3A_1207 : vector<16xf32>
        %add3A_1237 = arith.addf %get3A_1213, %get3A_1219 : vector<16xf32>
        %add3A_1238 = arith.addf %get3A_1225, %get3A_1229 : vector<16xf32>
        %add3A_1239 = arith.addf %add3A_1234, %add3A_1235 : vector<16xf32>
        %add3A_1240 = arith.addf %add3A_1236, %add3A_1237 : vector<16xf32>
        %add3A_1241 = arith.addf %add3A_1238, %get3A_1233 : vector<16xf32>
        %add3A_1242 = arith.addf %add3A_1239, %add3A_1240 : vector<16xf32>
        %add3A_1243 = arith.addf %add3A_1242, %add3A_1241 : vector<16xf32>
        %add3A_1244 = arith.constant 0 : i32
        %add3A_1245 = arith.addi %add3A_1244, %scan3A_1171 : i32
        %swap3A_1246 = arith.index_cast %add3A_1245 : i32 to index
        %swap3A_1247 = arith.constant 0 : index
        %swap3A_1248 = tpu.vector_load %arg23[%swap3A_1246, %swap3A_1247] {strides = array<i32>} : memref<64x64xf32, #tpu.memory_space<vmem>>, vector<1x16xf32>,
        %swap3A_1249 = vector.shape_cast %swap3A_1248 : vector<1x16xf32> to vector<16xf32>
        %swap3A_1250 = vector.shape_cast %add3A_1243 : vector<16xf32> to vector<1x16xf32>
        tpu.vector_store %arg23[%swap3A_1246, %swap3A_1247], %swap3A_1250 {strides = array<i32>} : memref<64x64xf32, #tpu.memory_space<vmem>>, vector<1x16xf32>,
        %add3A_1251 = arith.constant 0 : i32
        %add3A_1252 = arith.addi %add3A_1251, %scan3A_1171 : i32
        %get3A_1253 = arith.index_cast %add3A_1252 : i32 to index
        %get3A_1254 = arith.constant 16 : index
        %get3A_1255 = tpu.vector_load %arg17[%get3A_1253, %get3A_1254] {strides = array<i32>} : memref<576x64xf32, #tpu.memory_space<vmem>>, vector<1x16xf32>,
        %get3A_1256 = vector.shape_cast %get3A_1255 : vector<1x16xf32> to vector<16xf32>
        %add3A_1257 = arith.constant 64 : i32
        %add3A_1258 = arith.addi %add3A_1257, %scan3A_1171 : i32
        %get3A_1259 = arith.index_cast %add3A_1258 : i32 to index
        %get3A_1260 = arith.constant 16 : index
        %get3A_1261 = tpu.vector_load %arg17[%get3A_1259, %get3A_1260] {strides = array<i32>} : memref<576x64xf32, #tpu.memory_space<vmem>>, vector<1x16xf32>,
        %get3A_1262 = vector.shape_cast %get3A_1261 : vector<1x16xf32> to vector<16xf32>
        %add3A_1263 = arith.constant 128 : i32
        %add3A_1264 = arith.addi %add3A_1263, %scan3A_1171 : i32
        %get3A_1265 = arith.index_cast %add3A_1264 : i32 to index
        %get3A_1266 = arith.constant 16 : index
        %get3A_1267 = tpu.vector_load %arg17[%get3A_1265, %get3A_1266] {strides = array<i32>} : memref<576x64xf32, #tpu.memory_space<vmem>>, vector<1x16xf32>,
        %get3A_1268 = vector.shape_cast %get3A_1267 : vector<1x16xf32> to vector<16xf32>
        %add3A_1269 = arith.constant 192 : i32
        %add3A_1270 = arith.addi %add3A_1269, %scan3A_1171 : i32
        %get3A_1271 = arith.index_cast %add3A_1270 : i32 to index
        %get3A_1272 = arith.constant 16 : index
        %get3A_1273 = tpu.vector_load %arg17[%get3A_1271, %get3A_1272] {strides = array<i32>} : memref<576x64xf32, #tpu.memory_space<vmem>>, vector<1x16xf32>,
        %get3A_1274 = vector.shape_cast %get3A_1273 : vector<1x16xf32> to vector<16xf32>
        %add3A_1275 = arith.constant 256 : i32
        %add3A_1276 = arith.addi %add3A_1275, %scan3A_1171 : i32
        %get3A_1277 = arith.index_cast %add3A_1276 : i32 to index
        %get3A_1278 = arith.constant 16 : index
        %get3A_1279 = tpu.vector_load %arg17[%get3A_1277, %get3A_1278] {strides = array<i32>} : memref<576x64xf32, #tpu.memory_space<vmem>>, vector<1x16xf32>,
        %get3A_1280 = vector.shape_cast %get3A_1279 : vector<1x16xf32> to vector<16xf32>
        %add3A_1281 = arith.constant 320 : i32
        %add3A_1282 = arith.addi %add3A_1281, %scan3A_1171 : i32
        %get3A_1283 = arith.index_cast %add3A_1282 : i32 to index
        %get3A_1284 = arith.constant 16 : index
        %get3A_1285 = tpu.vector_load %arg17[%get3A_1283, %get3A_1284] {strides = array<i32>} : memref<576x64xf32, #tpu.memory_space<vmem>>, vector<1x16xf32>,
        %get3A_1286 = vector.shape_cast %get3A_1285 : vector<1x16xf32> to vector<16xf32>
        %add3A_1287 = arith.constant 384 : i32
        %add3A_1288 = arith.addi %add3A_1287, %scan3A_1171 : i32
        %get3A_1289 = arith.index_cast %add3A_1288 : i32 to index
        %get3A_1290 = arith.constant 16 : index
        %get3A_1291 = tpu.vector_load %arg17[%get3A_1289, %get3A_1290] {strides = array<i32>} : memref<576x64xf32, #tpu.memory_space<vmem>>, vector<1x16xf32>,
        %get3A_1292 = vector.shape_cast %get3A_1291 : vector<1x16xf32> to vector<16xf32>
        %add3A_1293 = arith.constant 448 : i32
        %add3A_1294 = arith.addi %add3A_1293, %scan3A_1171 : i32
        %get3A_1295 = arith.index_cast %add3A_1294 : i32 to index
        %get3A_1296 = arith.constant 16 : index
        %get3A_1297 = tpu.vector_load %arg17[%get3A_1295, %get3A_1296] {strides = array<i32>} : memref<576x64xf32, #tpu.memory_space<vmem>>, vector<1x16xf32>,
        %get3A_1298 = vector.shape_cast %get3A_1297 : vector<1x16xf32> to vector<16xf32>
        %add3A_1299 = arith.constant 512 : i32
        %add3A_1300 = arith.addi %add3A_1299, %scan3A_1171 : i32
        %get3A_1301 = arith.index_cast %add3A_1300 : i32 to index
        %get3A_1302 = arith.constant 16 : index
        %get3A_1303 = tpu.vector_load %arg17[%get3A_1301, %get3A_1302] {strides = array<i32>} : memref<576x64xf32, #tpu.memory_space<vmem>>, vector<1x16xf32>,
        %get3A_1304 = vector.shape_cast %get3A_1303 : vector<1x16xf32> to vector<16xf32>
        %get3A_1305 = arith.index_cast %scan3A_1171 : i32 to index
        %get3A_1306 = arith.constant 16 : index
        %get3A_1307 = tpu.vector_load %arg19[%get3A_1305, %get3A_1306] {strides = array<i32>} : memref<64x64xf32, #tpu.memory_space<vmem>>, vector<1x16xf32>,
        %get3A_1308 = vector.shape_cast %get3A_1307 : vector<1x16xf32> to vector<16xf32>
        %get3A_1309 = arith.index_cast %scan3A_1171 : i32 to index
        %get3A_1310 = arith.constant 16 : index
        %get3A_1311 = tpu.vector_load %arg21[%get3A_1309, %get3A_1310] {strides = array<i32>} : memref<64x64xf32, #tpu.memory_space<vmem>>, vector<1x16xf32>,
        %get3A_1312 = vector.shape_cast %get3A_1311 : vector<1x16xf32> to vector<16xf32>
        %add3A_1313 = arith.addf %get3A_1256, %get3A_1262 : vector<16xf32>
        %add3A_1314 = arith.addf %get3A_1268, %get3A_1274 : vector<16xf32>
        %add3A_1315 = arith.addf %get3A_1280, %get3A_1286 : vector<16xf32>
        %add3A_1316 = arith.addf %get3A_1292, %get3A_1298 : vector<16xf32>
        %add3A_1317 = arith.addf %get3A_1304, %get3A_1308 : vector<16xf32>
        %add3A_1318 = arith.addf %add3A_1313, %add3A_1314 : vector<16xf32>
        %add3A_1319 = arith.addf %add3A_1315, %add3A_1316 : vector<16xf32>
        %add3A_1320 = arith.addf %add3A_1317, %get3A_1312 : vector<16xf32>
        %add3A_1321 = arith.addf %add3A_1318, %add3A_1319 : vector<16xf32>
        %add3A_1322 = arith.addf %add3A_1321, %add3A_1320 : vector<16xf32>
        %add3A_1323 = arith.constant 0 : i32
        %add3A_1324 = arith.addi %add3A_1323, %scan3A_1171 : i32
        %swap3A_1325 = arith.index_cast %add3A_1324 : i32 to index
        %swap3A_1326 = arith.constant 16 : index
        %swap3A_1327 = tpu.vector_load %arg23[%swap3A_1325, %swap3A_1326] {strides = array<i32>} : memref<64x64xf32, #tpu.memory_space<vmem>>, vector<1x16xf32>,
        %swap3A_1328 = vector.shape_cast %swap3A_1327 : vector<1x16xf32> to vector<16xf32>
        %swap3A_1329 = vector.shape_cast %add3A_1322 : vector<16xf32> to vector<1x16xf32>
        tpu.vector_store %arg23[%swap3A_1325, %swap3A_1326], %swap3A_1329 {strides = array<i32>} : memref<64x64xf32, #tpu.memory_space<vmem>>, vector<1x16xf32>,
        %add3A_1330 = arith.constant 0 : i32
        %add3A_1331 = arith.addi %add3A_1330, %scan3A_1171 : i32
        %get3A_1332 = arith.index_cast %add3A_1331 : i32 to index
        %get3A_1333 = arith.constant 32 : index
        %get3A_1334 = tpu.vector_load %arg17[%get3A_1332, %get3A_1333] {strides = array<i32>} : memref<576x64xf32, #tpu.memory_space<vmem>>, vector<1x16xf32>,
        %get3A_1335 = vector.shape_cast %get3A_1334 : vector<1x16xf32> to vector<16xf32>
        %add3A_1336 = arith.constant 64 : i32
        %add3A_1337 = arith.addi %add3A_1336, %scan3A_1171 : i32
        %get3A_1338 = arith.index_cast %add3A_1337 : i32 to index
        %get3A_1339 = arith.constant 32 : index
        %get3A_1340 = tpu.vector_load %arg17[%get3A_1338, %get3A_1339] {strides = array<i32>} : memref<576x64xf32, #tpu.memory_space<vmem>>, vector<1x16xf32>,
        %get3A_1341 = vector.shape_cast %get3A_1340 : vector<1x16xf32> to vector<16xf32>
        %add3A_1342 = arith.constant 128 : i32
        %add3A_1343 = arith.addi %add3A_1342, %scan3A_1171 : i32
        %get3A_1344 = arith.index_cast %add3A_1343 : i32 to index
        %get3A_1345 = arith.constant 32 : index
        %get3A_1346 = tpu.vector_load %arg17[%get3A_1344, %get3A_1345] {strides = array<i32>} : memref<576x64xf32, #tpu.memory_space<vmem>>, vector<1x16xf32>,
        %get3A_1347 = vector.shape_cast %get3A_1346 : vector<1x16xf32> to vector<16xf32>
        %add3A_1348 = arith.constant 192 : i32
        %add3A_1349 = arith.addi %add3A_1348, %scan3A_1171 : i32
        %get3A_1350 = arith.index_cast %add3A_1349 : i32 to index
        %get3A_1351 = arith.constant 32 : index
        %get3A_1352 = tpu.vector_load %arg17[%get3A_1350, %get3A_1351] {strides = array<i32>} : memref<576x64xf32, #tpu.memory_space<vmem>>, vector<1x16xf32>,
        %get3A_1353 = vector.shape_cast %get3A_1352 : vector<1x16xf32> to vector<16xf32>
        %add3A_1354 = arith.constant 256 : i32
        %add3A_1355 = arith.addi %add3A_1354, %scan3A_1171 : i32
        %get3A_1356 = arith.index_cast %add3A_1355 : i32 to index
        %get3A_1357 = arith.constant 32 : index
        %get3A_1358 = tpu.vector_load %arg17[%get3A_1356, %get3A_1357] {strides = array<i32>} : memref<576x64xf32, #tpu.memory_space<vmem>>, vector<1x16xf32>,
        %get3A_1359 = vector.shape_cast %get3A_1358 : vector<1x16xf32> to vector<16xf32>
        %add3A_1360 = arith.constant 320 : i32
        %add3A_1361 = arith.addi %add3A_1360, %scan3A_1171 : i32
        %get3A_1362 = arith.index_cast %add3A_1361 : i32 to index
        %get3A_1363 = arith.constant 32 : index
        %get3A_1364 = tpu.vector_load %arg17[%get3A_1362, %get3A_1363] {strides = array<i32>} : memref<576x64xf32, #tpu.memory_space<vmem>>, vector<1x16xf32>,
        %get3A_1365 = vector.shape_cast %get3A_1364 : vector<1x16xf32> to vector<16xf32>
        %add3A_1366 = arith.constant 384 : i32
        %add3A_1367 = arith.addi %add3A_1366, %scan3A_1171 : i32
        %get3A_1368 = arith.index_cast %add3A_1367 : i32 to index
        %get3A_1369 = arith.constant 32 : index
        %get3A_1370 = tpu.vector_load %arg17[%get3A_1368, %get3A_1369] {strides = array<i32>} : memref<576x64xf32, #tpu.memory_space<vmem>>, vector<1x16xf32>,
        %get3A_1371 = vector.shape_cast %get3A_1370 : vector<1x16xf32> to vector<16xf32>
        %add3A_1372 = arith.constant 448 : i32
        %add3A_1373 = arith.addi %add3A_1372, %scan3A_1171 : i32
        %get3A_1374 = arith.index_cast %add3A_1373 : i32 to index
        %get3A_1375 = arith.constant 32 : index
        %get3A_1376 = tpu.vector_load %arg17[%get3A_1374, %get3A_1375] {strides = array<i32>} : memref<576x64xf32, #tpu.memory_space<vmem>>, vector<1x16xf32>,
        %get3A_1377 = vector.shape_cast %get3A_1376 : vector<1x16xf32> to vector<16xf32>
        %add3A_1378 = arith.constant 512 : i32
        %add3A_1379 = arith.addi %add3A_1378, %scan3A_1171 : i32
        %get3A_1380 = arith.index_cast %add3A_1379 : i32 to index
        %get3A_1381 = arith.constant 32 : index
        %get3A_1382 = tpu.vector_load %arg17[%get3A_1380, %get3A_1381] {strides = array<i32>} : memref<576x64xf32, #tpu.memory_space<vmem>>, vector<1x16xf32>,
        %get3A_1383 = vector.shape_cast %get3A_1382 : vector<1x16xf32> to vector<16xf32>
        %get3A_1384 = arith.index_cast %scan3A_1171 : i32 to index
        %get3A_1385 = arith.constant 32 : index
        %get3A_1386 = tpu.vector_load %arg19[%get3A_1384, %get3A_1385] {strides = array<i32>} : memref<64x64xf32, #tpu.memory_space<vmem>>, vector<1x16xf32>,
        %get3A_1387 = vector.shape_cast %get3A_1386 : vector<1x16xf32> to vector<16xf32>
        %get3A_1388 = arith.index_cast %scan3A_1171 : i32 to index
        %get3A_1389 = arith.constant 32 : index
        %get3A_1390 = tpu.vector_load %arg21[%get3A_1388, %get3A_1389] {strides = array<i32>} : memref<64x64xf32, #tpu.memory_space<vmem>>, vector<1x16xf32>,
        %get3A_1391 = vector.shape_cast %get3A_1390 : vector<1x16xf32> to vector<16xf32>
        %add3A_1392 = arith.addf %get3A_1335, %get3A_1341 : vector<16xf32>
        %add3A_1393 = arith.addf %get3A_1347, %get3A_1353 : vector<16xf32>
        %add3A_1394 = arith.addf %get3A_1359, %get3A_1365 : vector<16xf32>
        %add3A_1395 = arith.addf %get3A_1371, %get3A_1377 : vector<16xf32>
        %add3A_1396 = arith.addf %get3A_1383, %get3A_1387 : vector<16xf32>
        %add3A_1397 = arith.addf %add3A_1392, %add3A_1393 : vector<16xf32>
        %add3A_1398 = arith.addf %add3A_1394, %add3A_1395 : vector<16xf32>
        %add3A_1399 = arith.addf %add3A_1396, %get3A_1391 : vector<16xf32>
        %add3A_1400 = arith.addf %add3A_1397, %add3A_1398 : vector<16xf32>
        %add3A_1401 = arith.addf %add3A_1400, %add3A_1399 : vector<16xf32>
        %add3A_1402 = arith.constant 0 : i32
        %add3A_1403 = arith.addi %add3A_1402, %scan3A_1171 : i32
        %swap3A_1404 = arith.index_cast %add3A_1403 : i32 to index
        %swap3A_1405 = arith.constant 32 : index
        %swap3A_1406 = tpu.vector_load %arg23[%swap3A_1404, %swap3A_1405] {strides = array<i32>} : memref<64x64xf32, #tpu.memory_space<vmem>>, vector<1x16xf32>,
        %swap3A_1407 = vector.shape_cast %swap3A_1406 : vector<1x16xf32> to vector<16xf32>
        %swap3A_1408 = vector.shape_cast %add3A_1401 : vector<16xf32> to vector<1x16xf32>
        tpu.vector_store %arg23[%swap3A_1404, %swap3A_1405], %swap3A_1408 {strides = array<i32>} : memref<64x64xf32, #tpu.memory_space<vmem>>, vector<1x16xf32>,
        %add3A_1409 = arith.constant 0 : i32
        %add3A_1410 = arith.addi %add3A_1409, %scan3A_1171 : i32
        %get3A_1411 = arith.index_cast %add3A_1410 : i32 to index
        %get3A_1412 = arith.constant 48 : index
        %get3A_1413 = tpu.vector_load %arg17[%get3A_1411, %get3A_1412] {strides = array<i32>} : memref<576x64xf32, #tpu.memory_space<vmem>>, vector<1x16xf32>,
        %get3A_1414 = vector.shape_cast %get3A_1413 : vector<1x16xf32> to vector<16xf32>
        %add3A_1415 = arith.constant 64 : i32
        %add3A_1416 = arith.addi %add3A_1415, %scan3A_1171 : i32
        %get3A_1417 = arith.index_cast %add3A_1416 : i32 to index
        %get3A_1418 = arith.constant 48 : index
        %get3A_1419 = tpu.vector_load %arg17[%get3A_1417, %get3A_1418] {strides = array<i32>} : memref<576x64xf32, #tpu.memory_space<vmem>>, vector<1x16xf32>,
        %get3A_1420 = vector.shape_cast %get3A_1419 : vector<1x16xf32> to vector<16xf32>
        %add3A_1421 = arith.constant 128 : i32
        %add3A_1422 = arith.addi %add3A_1421, %scan3A_1171 : i32
        %get3A_1423 = arith.index_cast %add3A_1422 : i32 to index
        %get3A_1424 = arith.constant 48 : index
        %get3A_1425 = tpu.vector_load %arg17[%get3A_1423, %get3A_1424] {strides = array<i32>} : memref<576x64xf32, #tpu.memory_space<vmem>>, vector<1x16xf32>,
        %get3A_1426 = vector.shape_cast %get3A_1425 : vector<1x16xf32> to vector<16xf32>
        %add3A_1427 = arith.constant 192 : i32
        %add3A_1428 = arith.addi %add3A_1427, %scan3A_1171 : i32
        %get3A_1429 = arith.index_cast %add3A_1428 : i32 to index
        %get3A_1430 = arith.constant 48 : index
        %get3A_1431 = tpu.vector_load %arg17[%get3A_1429, %get3A_1430] {strides = array<i32>} : memref<576x64xf32, #tpu.memory_space<vmem>>, vector<1x16xf32>,
        %get3A_1432 = vector.shape_cast %get3A_1431 : vector<1x16xf32> to vector<16xf32>
        %add3A_1433 = arith.constant 256 : i32
        %add3A_1434 = arith.addi %add3A_1433, %scan3A_1171 : i32
        %get3A_1435 = arith.index_cast %add3A_1434 : i32 to index
        %get3A_1436 = arith.constant 48 : index
        %get3A_1437 = tpu.vector_load %arg17[%get3A_1435, %get3A_1436] {strides = array<i32>} : memref<576x64xf32, #tpu.memory_space<vmem>>, vector<1x16xf32>,
        %get3A_1438 = vector.shape_cast %get3A_1437 : vector<1x16xf32> to vector<16xf32>
        %add3A_1439 = arith.constant 320 : i32
        %add3A_1440 = arith.addi %add3A_1439, %scan3A_1171 : i32
        %get3A_1441 = arith.index_cast %add3A_1440 : i32 to index
        %get3A_1442 = arith.constant 48 : index
        %get3A_1443 = tpu.vector_load %arg17[%get3A_1441, %get3A_1442] {strides = array<i32>} : memref<576x64xf32, #tpu.memory_space<vmem>>, vector<1x16xf32>,
        %get3A_1444 = vector.shape_cast %get3A_1443 : vector<1x16xf32> to vector<16xf32>
        %add3A_1445 = arith.constant 384 : i32
        %add3A_1446 = arith.addi %add3A_1445, %scan3A_1171 : i32
        %get3A_1447 = arith.index_cast %add3A_1446 : i32 to index
        %get3A_1448 = arith.constant 48 : index
        %get3A_1449 = tpu.vector_load %arg17[%get3A_1447, %get3A_1448] {strides = array<i32>} : memref<576x64xf32, #tpu.memory_space<vmem>>, vector<1x16xf32>,
        %get3A_1450 = vector.shape_cast %get3A_1449 : vector<1x16xf32> to vector<16xf32>
        %add3A_1451 = arith.constant 448 : i32
        %add3A_1452 = arith.addi %add3A_1451, %scan3A_1171 : i32
        %get3A_1453 = arith.index_cast %add3A_1452 : i32 to index
        %get3A_1454 = arith.constant 48 : index
        %get3A_1455 = tpu.vector_load %arg17[%get3A_1453, %get3A_1454] {strides = array<i32>} : memref<576x64xf32, #tpu.memory_space<vmem>>, vector<1x16xf32>,
        %get3A_1456 = vector.shape_cast %get3A_1455 : vector<1x16xf32> to vector<16xf32>
        %add3A_1457 = arith.constant 512 : i32
        %add3A_1458 = arith.addi %add3A_1457, %scan3A_1171 : i32
        %get3A_1459 = arith.index_cast %add3A_1458 : i32 to index
        %get3A_1460 = arith.constant 48 : index
        %get3A_1461 = tpu.vector_load %arg17[%get3A_1459, %get3A_1460] {strides = array<i32>} : memref<576x64xf32, #tpu.memory_space<vmem>>, vector<1x16xf32>,
        %get3A_1462 = vector.shape_cast %get3A_1461 : vector<1x16xf32> to vector<16xf32>
        %get3A_1463 = arith.index_cast %scan3A_1171 : i32 to index
        %get3A_1464 = arith.constant 48 : index
        %get3A_1465 = tpu.vector_load %arg19[%get3A_1463, %get3A_1464] {strides = array<i32>} : memref<64x64xf32, #tpu.memory_space<vmem>>, vector<1x16xf32>,
        %get3A_1466 = vector.shape_cast %get3A_1465 : vector<1x16xf32> to vector<16xf32>
        %get3A_1467 = arith.index_cast %scan3A_1171 : i32 to index
        %get3A_1468 = arith.constant 48 : index
        %get3A_1469 = tpu.vector_load %arg21[%get3A_1467, %get3A_1468] {strides = array<i32>} : memref<64x64xf32, #tpu.memory_space<vmem>>, vector<1x16xf32>,
        %get3A_1470 = vector.shape_cast %get3A_1469 : vector<1x16xf32> to vector<16xf32>
        %add3A_1471 = arith.addf %get3A_1414, %get3A_1420 : vector<16xf32>
        %add3A_1472 = arith.addf %get3A_1426, %get3A_1432 : vector<16xf32>
        %add3A_1473 = arith.addf %get3A_1438, %get3A_1444 : vector<16xf32>
        %add3A_1474 = arith.addf %get3A_1450, %get3A_1456 : vector<16xf32>
        %add3A_1475 = arith.addf %get3A_1462, %get3A_1466 : vector<16xf32>
        %add3A_1476 = arith.addf %add3A_1471, %add3A_1472 : vector<16xf32>
        %add3A_1477 = arith.addf %add3A_1473, %add3A_1474 : vector<16xf32>
        %add3A_1478 = arith.addf %add3A_1475, %get3A_1470 : vector<16xf32>
        %add3A_1479 = arith.addf %add3A_1476, %add3A_1477 : vector<16xf32>
        %add3A_1480 = arith.addf %add3A_1479, %add3A_1478 : vector<16xf32>
        %add3A_1481 = arith.constant 0 : i32
        %add3A_1482 = arith.addi %add3A_1481, %scan3A_1171 : i32
        %swap3A_1483 = arith.index_cast %add3A_1482 : i32 to index
        %swap3A_1484 = arith.constant 48 : index
        %swap3A_1485 = tpu.vector_load %arg23[%swap3A_1483, %swap3A_1484] {strides = array<i32>} : memref<64x64xf32, #tpu.memory_space<vmem>>, vector<1x16xf32>,
        %swap3A_1486 = vector.shape_cast %swap3A_1485 : vector<1x16xf32> to vector<16xf32>
        %swap3A_1487 = vector.shape_cast %add3A_1480 : vector<16xf32> to vector<1x16xf32>
        tpu.vector_store %arg23[%swap3A_1483, %swap3A_1484], %swap3A_1487 {strides = array<i32>} : memref<64x64xf32, #tpu.memory_space<vmem>>, vector<1x16xf32>,
      }
      %scan3A_841 = arith.constant 64 : i32
      %mul3A_842 = arith.constant 32 : i32
      %mul3A_843 = arith.muli %add3A, %mul3A_842 : i32
      %add3A_844 = arith.addi %mul3A_843, %scan3A_584 : i32
      %dma_start3A_845 = arith.constant 65 : i32
      %dma_start3A_846 = arith.constant 0 : i32
      %dma_start3A_847 = tpu.memref_slice %arg9[%add3A_844, %dma_start3A_845, %dma_start3A_846] : memref<1024x129x64xf32, #tpu.memory_space<hbm>> -> memref<1x64x64xf32, #tpu.memory_space<hbm>>
      %dma_start3A_848 = tpu.memref_squeeze %dma_start3A_847 : memref<1x64x64xf32, #tpu.memory_space<hbm>> -> memref<64x64xf32, #tpu.memory_space<hbm>>
      %dma_start3A_849 = arith.constant 65 : i32
      %dma_start3A_850 = arith.constant 0 : i32
      %dma_start3A_851 = tpu.memref_slice %arg9[%add3A_844, %dma_start3A_849, %dma_start3A_850] : memref<1024x129x64xf32, #tpu.memory_space<hbm>> -> memref<1x64x64xf32, #tpu.memory_space<hbm>>
      %dma_start3A_852 = tpu.memref_squeeze %dma_start3A_851 : memref<1x64x64xf32, #tpu.memory_space<hbm>> -> memref<64x64xf32, #tpu.memory_space<hbm>>
      tpu.enqueue_dma source(%arg23 : memref<64x64xf32, #tpu.memory_space<vmem>>) target(%dma_start3A_852 : memref<64x64xf32, #tpu.memory_space<hbm>>) target_semaphore(%arg30 : memref<!tpu.dma_semaphore, #tpu.memory_space<semaphore_mem>>)
    }
    %scan3A_559 = arith.constant 32 : i32
    %mul3A_560 = arith.constant 32 : i32
    %mul3A_561 = arith.muli %add3A, %mul3A_560 : i32
    %add3A_562 = arith.constant 31 : i32
    %add3A_563 = arith.addi %mul3A_561, %add3A_562 : i32
    %dma_wait3A_564 = arith.constant 0 : i32
    %dma_wait3A_565 = arith.constant 0 : i32
    %dma_wait3A_566 = tpu.memref_slice %arg9[%add3A_563, %dma_wait3A_564, %dma_wait3A_565] : memref<1024x129x64xf32, #tpu.memory_space<hbm>> -> memref<1x65x64xf32, #tpu.memory_space<hbm>>
    %dma_wait3A_567 = tpu.memref_squeeze %dma_wait3A_566 : memref<1x65x64xf32, #tpu.memory_space<hbm>> -> memref<65x64xf32, #tpu.memory_space<hbm>>
    %dma_wait3A_568 = arith.constant 0 : i32
    %dma_wait3A_569 = arith.constant 0 : i32
    %dma_wait3A_570 = tpu.memref_slice %arg9[%add3A_563, %dma_wait3A_568, %dma_wait3A_569] : memref<1024x129x64xf32, #tpu.memory_space<hbm>> -> memref<1x65x64xf32, #tpu.memory_space<hbm>>
    %dma_wait3A_571 = tpu.memref_squeeze %dma_wait3A_570 : memref<1x65x64xf32, #tpu.memory_space<hbm>> -> memref<65x64xf32, #tpu.memory_space<hbm>>
    tpu.wait_dma2 semaphore(%arg29 : memref<!tpu.dma_semaphore, #tpu.memory_space<semaphore_mem>>) src(%arg22 : memref<65x64xf32, #tpu.memory_space<vmem>>) dst(%dma_wait3A_571 : memref<65x64xf32, #tpu.memory_space<hbm>>)
    %mul3A_572 = arith.constant 32 : i32
    %mul3A_573 = arith.muli %add3A, %mul3A_572 : i32
    %add3A_574 = arith.constant 31 : i32
    %add3A_575 = arith.addi %mul3A_573, %add3A_574 : i32
    %dma_wait3A_576 = arith.constant 65 : i32
    %dma_wait3A_577 = arith.constant 0 : i32
    %dma_wait3A_578 = tpu.memref_slice %arg9[%add3A_575, %dma_wait3A_576, %dma_wait3A_577] : memref<1024x129x64xf32, #tpu.memory_space<hbm>> -> memref<1x64x64xf32, #tpu.memory_space<hbm>>
    %dma_wait3A_579 = tpu.memref_squeeze %dma_wait3A_578 : memref<1x64x64xf32, #tpu.memory_space<hbm>> -> memref<64x64xf32, #tpu.memory_space<hbm>>
    %dma_wait3A_580 = arith.constant 65 : i32
    %dma_wait3A_581 = arith.constant 0 : i32
    %dma_wait3A_582 = tpu.memref_slice %arg9[%add3A_575, %dma_wait3A_580, %dma_wait3A_581] : memref<1024x129x64xf32, #tpu.memory_space<hbm>> -> memref<1x64x64xf32, #tpu.memory_space<hbm>>
    %dma_wait3A_583 = tpu.memref_squeeze %dma_wait3A_582 : memref<1x64x64xf32, #tpu.memory_space<hbm>> -> memref<64x64xf32, #tpu.memory_space<hbm>>
    tpu.wait_dma2 semaphore(%arg30 : memref<!tpu.dma_semaphore, #tpu.memory_space<semaphore_mem>>) src(%arg23 : memref<64x64xf32, #tpu.memory_space<vmem>>) dst(%dma_wait3A_583 : memref<64x64xf32, #tpu.memory_space<hbm>>)
    return
  }
}

</mosaic_0001>

<sc_bundles>
// kernel: kernel.3.cloned.1.call-start
scs
__scs_entry_jumppad:
0x0: {  	(pc) =	sbr.rel $0x88, $3  }
0x1: {  	(tag) =	ssettag $0x0;
	lr =	simm.s32 $0x1  }
0x2: {  	[smem:$0x3F9A] =	sst lr;
	_ =	strace $0xD0000000  }
0x3: {  	_ = 	snop  }
0x4: {  	_ = 	snop  }
0x5: {  	_ = 	snop  }
0x6: {  	_ = 	snop  }
0x7: {  	_ = 	snop  }
__scs_overlays_trampoline_lowered:
0x8: {  	[smem:$0x3FA9] =	sst s0  }
0x9: {  	[smem:$0x3FAA] =	sst s1  }
0xa: {  	[smem:$0x3FAB] =	sst s2  }
0xb: {  	[smem:$0x3FAC] =	sst s3  }
0xc: {  	[smem:$0x3FAD] =	sst s4  }
0xd: {  	[smem:$0x3FAE] =	sst s5  }
0xe: {  	[smem:$0x3FAF] =	sst s6  }
0xf: {  	[smem:$0x3FB0] =	sst s7  }
0x10: {  	[smem:$0x3FB1] =	sst s8  }
0x11: {  	[smem:$0x3FB2] =	sst s9;
	s0 =	simm.s32 @!p0 $0x0  }
0x12: {  	s1 =	sld [smem:$0x3F98];
	s0 =	simm.s32 @p0 $0x1  }
0x13: {  	[smem:$0x3FB3] =	sst s0;
	s0 =	simm.s32 @!p1 $0x0  }
0x14: {  	s2 =	sld [smem:$0x3F97];
	s0 =	simm.s32 @p1 $0x1  }
0x15: {  	[smem:$0x3FB4] =	sst s0;
	s0 =	simm.s32 @!p2 $0x0  }
0x16: {  	s3 =	sld [smem:$0x3FDB];
	s0 =	simm.s32 @p2 $0x1  }
0x17: {  	s4 =	simm.s32 $0x1BF5;
	[smem:$0x3FB6] =	sst s0  }
0x18: {  	s0 =	sld [smem:$0x3F99];
	_ =	swait.ge [sflag:s4], $0x0  }
0x19: {  	s7 =	sld [smem:$0x3F9A]  }
0x1a: {  	s8 =	sadd.s32 $0xFFFFE003, lr  }
0x1b: {  	s9 =	sadd.s32 $0xFFFFFEF7, lr;
	s5 =	simm.s32 $0xFFFFFFFF;
	p2 =	slt.u32 s8, $0xFFFFF086  }
0x1c: {  	p1 =	slt.u32 s9, $0xF7A;
	s5 =	simm.s32 @!p2 $0x0  }
0x1d: {  	s5 =	simm.s32 @p1 $0x1;
	p0 =	seq.s32 s7, s2  }
0x1e: {  	s7 =	smul.u32 @!p0 $0xF7A, s2;
	p2 =	seq.s32 @!p0 s5, $0x0  }
0x1f: {  	s9 =	smul.u32 $0xF7A, s1;
	s8 =	simm.s32 @!p0 $0x1BF5;
	p2 =	por !p2, p0  }
0x20: {  	[sflag:s8] =	ssyncset.s32 @!p0 $0xFFFFF086;
	s6 =	sadd.s32 @!p0 s3, s7;
	s7 =	simm.s32 @!p0 $0x108  }
0x21: {  	s3 =	sadd.s32 s3, s9;
	s6 =	sadd.s32 @!p0 $0x88, s6;
	s7 =	simm.s32 @p2 $0x1082  }
0x22: {  	[simem:s7], [sflag:s8] =	dma.local @!p0 [hbm:s6], $0xF7A  }
0x23: {  	s9 =	sor.u32 $0xD0000000, s2;
	s6 =	simm.s32 $0x108;
	_ =	swait.ge @!p0 [sflag:s8], $0x0  }
0x24: {  	s3 =	sadd.s32 $0x88, s3;
	s6 =	simm.s32 @!p1 $0x1082;
	[sflag:s4] =	ssyncset.s32 $0xFFFFF086  }
0x25: {  	[simem:s6], [sflag:s4] =	dma.local [hbm:s3], $0xF7A  }
0x26: {  	[smem:$0x3F9A] =	sst s1;
	(tag) =	ssettag s2;
	_ =	strace s9  }
0x27: {  	s1 =	sld [smem:$0x3FAA]  }
0x28: {  	s2 =	sld [smem:$0x3FAB]  }
0x29: {  	s4 =	sld [smem:$0x3FAD]  }
0x2a: {  	p0 =	seq.s32 s5, $0x0;
	s5 =	sld [smem:$0x3FAE]  }
0x2b: {  	s6 =	sld [smem:$0x3FAF]  }
0x2c: {  	s7 =	sld [smem:$0x3FB0]  }
0x2d: {  	s3 =	simm.s32 $0x108;
	s8 =	sld [smem:$0x3FB1]  }
0x2e: {  	s3 =	simm.s32 @!p0 $0x1082;
	s9 =	sld [smem:$0x3FB2]  }
0x2f: {  	lr =	sadd.s32 s0, s3;
	s0 =	sld [smem:$0x3FA9]  }
0x30: {  	s3 =	sld [smem:$0x3FAC]  }
0x31: {  	[smem:$0x3FB5] =	sst s10  }
0x32: {  	s10 =	sld [smem:$0x3FB3];
	_ =	sdelay $0x3  }
0x33: {  	p0 =	seq.s32 s10, $0x1;
	s10 =	sld [smem:$0x3FB5];
	_ =	sdelay $0x3  }
0x34: {  	[smem:$0x3FB5] =	sst s10  }
0x35: {  	s10 =	sld [smem:$0x3FB4];
	_ =	sdelay $0x3  }
0x36: {  	p1 =	seq.s32 s10, $0x1;
	s10 =	sld [smem:$0x3FB5];
	_ =	sdelay $0x3  }
0x37: {  	[smem:$0x3FB5] =	sst s10  }
0x38: {  	s10 =	sld [smem:$0x3FB6]  }
0x39: {  	_ = 	snop;
	(pc) =	sbr.ind lr, $3  }
0x3a: {  	_ = 	snop  }
0x3b: {  	_ = 	snop  }
0x3c: {  	p2 =	seq.s32 s10, $0x1;
	s10 =	sld [smem:$0x3FB5]  }
0x3d: {  	_ =	shalt  }
0x3e: {  	_ =	shalt  }
0x3f: {  	_ =	shalt  }
0x40: {  	_ =	shalt  }
0x41: {  	_ =	shalt  }
0x42: {  	_ =	shalt  }
0x43: {  	_ =	shalt  }
0x44: {  	_ =	shalt  }
0x45: {  	_ =	shalt  }
0x46: {  	_ =	shalt  }
0x47: {  	_ =	shalt  }
0x48: {  	_ =	shalt  }
0x49: {  	_ =	shalt  }
0x4a: {  	_ =	shalt  }
0x4b: {  	_ =	shalt  }
0x4c: {  	_ =	shalt  }
0x4d: {  	_ =	shalt  }
0x4e: {  	_ =	shalt  }
0x4f: {  	_ =	shalt  }
0x50: {  	_ =	shalt  }
0x51: {  	_ =	shalt  }
0x52: {  	_ =	shalt  }
0x53: {  	_ =	shalt  }
0x54: {  	_ =	shalt  }
0x55: {  	_ =	shalt  }
0x56: {  	_ =	shalt  }
0x57: {  	_ =	shalt  }
0x58: {  	_ =	shalt  }
0x59: {  	_ =	shalt  }
0x5a: {  	_ =	shalt  }
0x5b: {  	_ =	shalt  }
0x5c: {  	_ =	shalt  }
0x5d: {  	_ =	shalt  }
0x5e: {  	_ =	shalt  }
0x5f: {  	_ =	shalt  }
0x60: {  	_ =	shalt  }
0x61: {  	_ =	shalt  }
0x62: {  	_ =	shalt  }
0x63: {  	_ =	shalt  }
0x64: {  	_ =	shalt  }
0x65: {  	_ =	shalt  }
0x66: {  	_ =	shalt  }
0x67: {  	_ =	shalt  }
0x68: {  	_ =	shalt  }
0x69: {  	_ =	shalt  }
0x6a: {  	_ =	shalt  }
0x6b: {  	_ =	shalt  }
0x6c: {  	_ =	shalt  }
0x6d: {  	_ =	shalt  }
0x6e: {  	_ =	shalt  }
0x6f: {  	_ =	shalt  }
0x70: {  	_ =	shalt  }
0x71: {  	_ =	shalt  }
0x72: {  	_ =	shalt  }
0x73: {  	_ =	shalt  }
0x74: {  	_ =	shalt  }
0x75: {  	_ =	shalt  }
0x76: {  	_ =	shalt  }
0x77: {  	_ =	shalt  }
0x78: {  	_ =	shalt  }
0x79: {  	_ =	shalt  }
0x7a: {  	_ =	shalt  }
0x7b: {  	_ =	shalt  }
0x7c: {  	_ =	shalt  }
0x7d: {  	_ =	shalt  }
0x7e: {  	_ =	shalt  }
0x7f: {  	_ =	shalt  }
0x80: {  	_ =	shalt  }
0x81: {  	_ =	shalt  }
0x82: {  	_ =	shalt  }
0x83: {  	_ =	shalt  }
0x84: {  	_ =	shalt  }
0x85: {  	_ =	shalt  }
0x86: {  	_ =	shalt  }
0x87: {  	_ =	shalt  }
.Lfunc_end0:
.L_simem_size_0:
called_computation.1_lowered:
.L_overlay_start_0:
0x88: {  	s2 =	sld [smem:$0x3FD9]  }
0x89: {  	s3 =	sld [smem:$0x3FFE];
	_ =	sdelay $0x1  }
0x8a: {  	s1 =	srdreg.scid  }
0x8b: {  	s0 =	sand.u32 $0x1, s1  }
0x8c: {  	s17 =	sshll.u32 s0, $0xA;
	s2 =	sadd.s32 s3, s2  }
0x8d: {  	s2 =	sadd.s32 s2, s17  }
0x8e: {  	[smem:$0x3FC1] =	sst s2  }
0x8f: {  	_ = 	snop  }
0x90: {  	s2 =	sld [smem:$0x3FC9]  }
0x91: {  	s18 =	sld [smem:$0x3FC8]  }
0x92: {  	s4 =	sld [smem:$0x3FC7]  }
0x93: {  	s5 =	sld [smem:$0x3FC3]  }
0x94: {  	s6 =	sld [smem:$0x3FD0];
	(tm) =	ssettm $0x1  }
0x95: {  	s7 =	sld [smem:$0x3FFB];
	_ =	sdelay $0x3  }
0x96: {  	_ =	strace s7  }
0x97: {  	s7 =	sld [smem:$0x3FFC];
	_ =	sdelay $0x3  }
0x98: {  	_ =	strace s7  }
0x99: {  	s7 =	sld [smem:$0x3FFD];
	_ =	sdelay $0x3  }
0x9a: {  	_ =	strace s7  }
0x9b: {  	_ =	strace $0x8FFFFFFF  }
0x9c: {  	s19 =	sld [smem:$0x3FDB];
	_ =	sdelay $0x1  }
0x9d: {  	s8 =	simm.s32 $_scs_section_size  }
0x9e: {  	s9 =	simm.s32 $_size__tile_overlayer_lowered;
	s10 =	simm.s32 $_tile_overlayer_lowered  }
0x9f: {  	s22 =	simm.s32 $0x1BFF;
	s21 =	sshll.u32 s10, $0x1;
	s7 =	sadd.s32 s8, s19  }
0xa0: {  	s11 =	simm.s32 $0x0;
	s20 =	sshll.u32 s9, $0x1;
	s9 =	sadd.s32 s21, s7  }
0xa1: {  	[timem:s11], [sflag:s22] =	dma.local [hbm:s9], s20  }
0xa2: {  	_ =	swait.ge [sflag:s22], s20  }
0xa3: {  	s8 =	ssub.s32 $0x0, s20;
	[sflag:s22] =	ssyncset.done $0x0  }
0xa4: {  	[sflag:s22] =	ssyncadd.s32 s8;
	_ =	sdelay $0x1  }
0xa5: {  	s23 =	simm.s32 $0x1B8B  }
0xa6: {  	_ =	swait.ge [sflag:s23], $0x1  }
0xa7: {  	[sflag:s23] =	ssyncset.done $0x0  }
0xa8: {  	s25 =	simm.s32 $0x1B8E;
	s24 =	sld [smem:$0x3FFE];
	[sflag:s23] =	ssyncadd.s32 $0xFFFFFFFF  }
0xa9: {  	s26 =	simm.s32 $execute0_lowered;
	[smem:$0x3FD2] =	sst s25  }
0xaa: {  	s9 =	sshll.u32 s26, $0x1;
	_ =	strace $0x80000046;
	[dreg:$0x1] =	wrdreg $0xFFFFFFFF  }
0xab: {  	s28 =	simm.s32 $_size_execute0_lowered;
	s7 =	sadd.s32 s7, s9;
	[dreg:$0x0] =	wrdreg $0x0  }
0xac: {  	s9 =	sshll.u32 s28, $0x1;
	[dreg:$0x2] =	wrdreg s7  }
0xad: {  	[dreg:$0x3] =	wrdreg s9  }
0xae: {  	[dreg:$0x4] =	wrdreg $0xC0  }
0xaf: {  	_ =	task [dreg:s11], $0x5FFFF  }
0xb0: {  	[dreg:$0x1] =	wrdreg $0xFFFFFFFF  }
0xb1: {  	[dreg:$0x0] =	wrdreg $0x60  }
0xb2: {  	[dreg:$0x2] =	wrdreg s2  }
0xb3: {  	[dreg:$0x3] =	wrdreg s18  }
0xb4: {  	[dreg:$0x4] =	wrdreg s4  }
0xb5: {  	[dreg:$0x5] =	wrdreg s24  }
0xb6: {  	[dreg:$0x6] =	wrdreg s5  }
0xb7: {  	[dreg:$0x7] =	wrdreg s6  }
0xb8: {  	[dreg:$0x8] =	wrdreg $0x9  }
0xb9: {  	_ =	task.clear_ibuf [dreg:s11], $0x9FFFF;
	_ =	strace $0x90000046  }
0xba: {  	s29 =	simm.s32 $0x9;
	_ =	strace $0x80000048  }
0xbb: {  	_ =	swait.ge [sflag:s29], $0x1  }
0xbc: {  	[sflag:s29] =	ssyncadd.s32 $0xFFFFFFFF  }
0xbd: {  	_ =	strace $0x90000048  }
0xbe: {  	_ =	sfence  }
0xbf: {  	s30 =	sld [smem:$0x0];
	_ =	sdelay $0x2  }
0xc0: {  	s31 =	sshll.u32 s1, $0xD;
	s1 =	sshrl.u32 s1, $0x2  }
0xc1: {  	s3 =	sand.u32 $0x4000, s31;
	s1 =	sadd.s32 s1, s30  }
0xc2: {  	s0 =	sor.u32 s3, s0;
	s1 =	sshll.u32 s1, $0x11  }
0xc3: {  	s0 =	sor.u32 s1, s0  }
0xc4: {  	s0 =	sadd.s32 $0x8F2B, s0  }
0xc5: {  	[sflag:s0] =	ssyncadd.remote.s32 $0x1  }
0xc6: {  	_ =	sfence.sel $0xFFFF  }
0xc7: {  	[dreg:$0x0] =	wrdreg $0xFFFFFFFF;
	(pc) =	sbr.abs _section_cstart, $3  }
0xc8: {  	[dreg:$0x1] =	wrdreg $0xFFFFFFFF  }
0xc9: {  	_ =	task.clear_ibuf [dreg:s11], $0x2FFFF;
	_ =	strace $0x9FFFFFFF  }
0xca: {  	(tm) =	ssettm $0x7FFFFFFF  }
0xcb: {  	_ =	shalt  }
tec
execute0_lowered:
.L_overlay_start_1:
0x0: {  	(tag) =	ssettag $0x1  }
0x1: {  	s1 =	rddreg [dreg:$0x0]  }
0x2: {  	s4 =	srdreg.scid;
	s6 =	stileid.u32  }
0x3: {  	s2 =	rddreg [dreg:$0x1];
	s4 =	sand.u32 $0x1, s4;
	s6 =	sshll.u32 s6, $0x1  }
0x4: {  	s3 =	rddreg [dreg:$0x2];
	s5 =	ssub.s32 $0x2, s4;
	s4 =	sor.u32 s4, s6  }
0x5: {  	s0 =	rddreg [dreg:$0x3];
	s7 =	simm.s32 $0x0;
	s29 =	sshll.u32 s4, $0x9  }
0x6: {  	[smem:$0x7FF] =	sst s7;
	s17 =	sadd.s32 s2, s29  }
0x7: {  	_ =	strace $0x80000047;
	s18 =	sadd.s32 s3, s29;
	[dreg:$0xe] =	wrdreg s17  }
0x8: {  	s6 =	sadd.s32 s1, s29;
	[dreg:$0xf] =	wrdreg s18  }
0x9: {  	s30 =	sadd.s32 $0x4000, s6;
	[dreg:$0x7] =	wrdreg s6  }
0xa: {  	s31 =	sadd.s32 $0x8000, s6;
	[dreg:$0x8] =	wrdreg s30  }
0xb: {  	s8 =	sadd.s32 $0x189400, s0;
	s13 =	sadd.s32 $0xC000, s6;
	[dreg:$0x9] =	wrdreg s31  }
0xc: {  	s9 =	sadd.s32 $0x800, s0;
	s14 =	sadd.s32 $0x10000, s6;
	[dreg:$0xa] =	wrdreg s13  }
0xd: {  	s11 =	sshrl.u32 s5, $0x1;
	s15 =	sadd.s32 $0x14000, s6;
	[dreg:$0xb] =	wrdreg s14  }
0xe: {  	s19 =	sor.u32 $0x8, s29;
	s16 =	sadd.s32 $0x18000, s6;
	[dreg:$0xc] =	wrdreg s15  }
0xf: {  	s28 =	ssub.s32 s5, s11;
	s5 =	sadd.s32 s1, s19;
	[dreg:$0xd] =	wrdreg s16  }
0x10: {  	s12 =	sshll.u32 s4, $0xC;
	s20 =	sadd.s32 s2, s19;
	[dreg:$0x10] =	wrdreg s5  }
0x11: {  	s11 =	sshll.u32 s4, $0x5;
	s4 =	sadd.s32 s3, s19;
	[dreg:$0x11] =	wrdreg s20  }
0x12: {  	s10 =	sadd.s32 $0x1800, s0;
	s0 =	smax.u32 s28, $0x1;
	[dreg:$0x12] =	wrdreg s4  }
0x13: {  	s21 =	sadd.s32 $0x1C000, s6;
	[dreg:$0x13] =	wrdreg s0  }
0x14: {  	s22 =	sadd.s32 $0x20000, s6;
	[dreg:$0x14] =	wrdreg s21  }
0x15: {  	s23 =	sadd.s32 $0x4008, s6;
	[dreg:$0x15] =	wrdreg s22  }
0x16: {  	s24 =	sadd.s32 $0x8008, s6;
	[dreg:$0x16] =	wrdreg s23  }
0x17: {  	s25 =	sadd.s32 $0xC008, s6;
	[dreg:$0x17] =	wrdreg s24  }
0x18: {  	s26 =	sadd.s32 $0x10008, s6;
	[dreg:$0x18] =	wrdreg s25  }
0x19: {  	s28 =	sadd.s32 $0x14008, s6;
	[dreg:$0x19] =	wrdreg s26  }
0x1a: {  	s29 =	sadd.s32 $0x18008, s6;
	[dreg:$0x1a] =	wrdreg s28  }
0x1b: {  	s18 =	simm.s32 $0x40;
	[dreg:$0x1b] =	wrdreg s29;
	s30 =	sadd.s32 $0x1C008, s6  }
0x1c: {  	s31 =	sadd.s32 $0x20008, s6;
	s16 =	sadd.s32 $0x8, s1;
	s0 =	simm.s32 $0x3  }
0x1d: {  	s6 =	simm.s32 $0x2;
	s4 =	simm.s32 $0x4;
	[dreg:$0x1c] =	wrdreg s30  }
0x1e: {  	s15 =	simm.s32 $0x6;
	s13 =	simm.s32 $0x0;
	[dreg:$0x1d] =	wrdreg s31  }
.LBB2_1:
0x1f: {  	[dreg:$0x1e] =	wrdreg s13  }
0x20: {  	s5 =	rddreg [dreg:$0x4];
	s19 =	simm.s32 $0x185C0;
	s20 =	simm.s32 $0x7  }
0x21: {  	[tilespmem:s19], [sflag:$0x7] =	stream.linear.gather [hbm4b:s5+s7], $0x40, $0x38;
	[tilespmem:$0x18600] =	vst v63  }
0x22: {  	_ =	swait.ge [sflag:s20], $0x40  }
0x23: {  	[sflag:s20] =	ssyncset.done $0x0  }
0x24: {  	[sflag:s20] =	ssyncadd.s32 $0xFFFFFFC0  }
0x25: {  	v0 =	vld [tilespmem:$0x185C0]  }
0x26: {  	v1 =	vld [tilespmem:$0x185D0]  }
0x27: {  	v2 =	vld [tilespmem:$0x185E0]  }
0x28: {  	v3 =	vld [tilespmem:$0x185F0];
	_ =	sdelay $0x1  }
0x29: {  	[tilespmem:$0x16580] =	vst v0  }
0x2a: {  	[tilespmem:$0x16590] =	vst v1  }
0x2b: {  	[tilespmem:$0x165A0] =	vst v2  }
0x2c: {  	s21 =	rddreg [dreg:$0x7];
	[tilespmem:$0x165B0] =	vst v3  }
0x2d: {  	[tilespmem:s7], [sflag:$0x1] =	stream.linear.gather [hbm4b:s21+s7], $0x40, $0x38;
	[tilespmem:$0x18600] =	vst v63  }
0x2e: {  	s22 =	rddreg [dreg:$0x8]  }
0x2f: {  	[tilespmem:s18], [sflag:$0x1] =	stream.linear.gather [hbm4b:s22+s7], $0x40, $0x38;
	[tilespmem:$0x18600] =	vst v63  }
0x30: {  	s13 =	simm.s32 $0x80;
	s23 =	rddreg [dreg:$0x9]  }
0x31: {  	[tilespmem:s13], [sflag:$0x1] =	stream.linear.gather [hbm4b:s23+s7], $0x40, $0x38;
	[tilespmem:$0x18600] =	vst v63  }
0x32: {  	s14 =	simm.s32 $0xC0;
	s24 =	rddreg [dreg:$0xa]  }
0x33: {  	[tilespmem:s14], [sflag:$0x1] =	stream.linear.gather [hbm4b:s24+s7], $0x40, $0x38;
	[tilespmem:$0x18600] =	vst v63  }
0x34: {  	s17 =	simm.s32 $0x100;
	s25 =	rddreg [dreg:$0xb]  }
0x35: {  	[tilespmem:s17], [sflag:$0x1] =	stream.linear.gather [hbm4b:s25+s7], $0x40, $0x38;
	[tilespmem:$0x18600] =	vst v63  }
0x36: {  	s26 =	rddreg [dreg:$0xc];
	s20 =	simm.s32 $0x140  }
0x37: {  	[tilespmem:s20], [sflag:$0x1] =	stream.linear.gather [hbm4b:s26+s7], $0x40, $0x38;
	[tilespmem:$0x18600] =	vst v63  }
0x38: {  	s19 =	rddreg [dreg:$0xd];
	s21 =	simm.s32 $0x180  }
0x39: {  	[tilespmem:s21], [sflag:$0x1] =	stream.linear.gather [hbm4b:s19+s7], $0x40, $0x38;
	[tilespmem:$0x18600] =	vst v63  }
0x3a: {  	s22 =	rddreg [dreg:$0x14];
	s24 =	simm.s32 $0x1C0  }
0x3b: {  	[tilespmem:s24], [sflag:$0x1] =	stream.linear.gather [hbm4b:s22+s7], $0x40, $0x38;
	[tilespmem:$0x18600] =	vst v63  }
0x3c: {  	s23 =	rddreg [dreg:$0x15];
	s25 =	simm.s32 $0x200  }
0x3d: {  	[tilespmem:s25], [sflag:$0x1] =	stream.linear.gather [hbm4b:s23+s7], $0x40, $0x38;
	[tilespmem:$0x18600] =	vst v63  }
0x3e: {  	s26 =	rddreg [dreg:$0xe];
	s22 =	simm.s32 $0x480  }
0x3f: {  	[tilespmem:s22], [sflag:$0x1] =	stream.linear.gather [hbm4b:s26+s7], $0x40, $0x38;
	[tilespmem:$0x18600] =	vst v63  }
0x40: {  	s23 =	rddreg [dreg:$0xf];
	s26 =	simm.s32 $0x500  }
0x41: {  	[tilespmem:s26], [sflag:$0x1] =	stream.linear.gather [hbm4b:s23+s7], $0x40, $0x38;
	[tilespmem:$0x18600] =	vst v63  }
0x42: {  	s19 =	simm.s32 $0x240;
	s23 =	rddreg [dreg:$0x10]  }
0x43: {  	[tilespmem:s19], [sflag:$0x2] =	stream.linear.gather [hbm4b:s23+s7], $0x40, $0x38;
	[tilespmem:$0x18600] =	vst v63  }
0x44: {  	s19 =	simm.s32 $0x280;
	s23 =	rddreg [dreg:$0x16]  }
0x45: {  	[tilespmem:s19], [sflag:$0x2] =	stream.linear.gather [hbm4b:s23+s7], $0x40, $0x38;
	[tilespmem:$0x18600] =	vst v63  }
0x46: {  	s28 =	simm.s32 $0x2C0;
	s23 =	rddreg [dreg:$0x17]  }
0x47: {  	[tilespmem:s28], [sflag:$0x2] =	stream.linear.gather [hbm4b:s23+s7], $0x40, $0x38;
	[tilespmem:$0x18600] =	vst v63  }
0x48: {  	s28 =	simm.s32 $0x300;
	s23 =	rddreg [dreg:$0x18]  }
0x49: {  	[tilespmem:s28], [sflag:$0x2] =	stream.linear.gather [hbm4b:s23+s7], $0x40, $0x38;
	[tilespmem:$0x18600] =	vst v63  }
0x4a: {  	s5 =	rddreg [dreg:$0x19];
	s23 =	simm.s32 $0x340  }
0x4b: {  	[tilespmem:s23], [sflag:$0x2] =	stream.linear.gather [hbm4b:s5+s7], $0x40, $0x38;
	[tilespmem:$0x18600] =	vst v63  }
0x4c: {  	s23 =	simm.s32 $0x380;
	s5 =	rddreg [dreg:$0x1a]  }
0x4d: {  	[tilespmem:s23], [sflag:$0x2] =	stream.linear.gather [hbm4b:s5+s7], $0x40, $0x38;
	[tilespmem:$0x18600] =	vst v63  }
0x4e: {  	s29 =	simm.s32 $0x3C0;
	s5 =	rddreg [dreg:$0x1b]  }
0x4f: {  	[tilespmem:s29], [sflag:$0x2] =	stream.linear.gather [hbm4b:s5+s7], $0x40, $0x38;
	[tilespmem:$0x18600] =	vst v63  }
0x50: {  	s29 =	simm.s32 $0x400;
	s5 =	rddreg [dreg:$0x1c]  }
0x51: {  	[tilespmem:s29], [sflag:$0x2] =	stream.linear.gather [hbm4b:s5+s7], $0x40, $0x38;
	[tilespmem:$0x18600] =	vst v63  }
0x52: {  	s30 =	simm.s32 $0x440;
	s5 =	rddreg [dreg:$0x1d]  }
0x53: {  	[tilespmem:s30], [sflag:$0x2] =	stream.linear.gather [hbm4b:s5+s7], $0x40, $0x38;
	[tilespmem:$0x18600] =	vst v63  }
0x54: {  	s30 =	simm.s32 $0x4C0;
	s5 =	rddreg [dreg:$0x11]  }
0x55: {  	[tilespmem:s30], [sflag:$0x2] =	stream.linear.gather [hbm4b:s5+s7], $0x40, $0x38;
	[tilespmem:$0x18600] =	vst v63  }
0x56: {  	s31 =	simm.s32 $0x540;
	s5 =	rddreg [dreg:$0x12]  }
0x57: {  	[tilespmem:s31], [sflag:$0x2] =	stream.linear.gather [hbm4b:s5+s7], $0x40, $0x38;
	[tilespmem:$0x18600] =	vst v63  }
0x58: {  	s5 =	simm.s32 $0x1  }
0x59: {  	_ =	swait.ge [sflag:s5], $0x40  }
0x5a: {  	[sflag:s5] =	ssyncset.done $0x0  }
0x5b: {  	[sflag:s5] =	ssyncadd.s32 $0xFFFFFFC0  }
0x5c: {  	_ =	swait.ge [sflag:s5], $0x40  }
0x5d: {  	[sflag:s5] =	ssyncset.done $0x0  }
0x5e: {  	[sflag:s5] =	ssyncadd.s32 $0xFFFFFFC0  }
0x5f: {  	_ =	swait.ge [sflag:s5], $0x40  }
0x60: {  	[sflag:s5] =	ssyncset.done $0x0  }
0x61: {  	[sflag:s5] =	ssyncadd.s32 $0xFFFFFFC0  }
0x62: {  	_ =	swait.ge [sflag:s5], $0x40  }
0x63: {  	[sflag:s5] =	ssyncset.done $0x0  }
0x64: {  	[sflag:s5] =	ssyncadd.s32 $0xFFFFFFC0  }
0x65: {  	_ =	swait.ge [sflag:s5], $0x40  }
0x66: {  	[sflag:s5] =	ssyncset.done $0x0  }
0x67: {  	[sflag:s5] =	ssyncadd.s32 $0xFFFFFFC0  }
0x68: {  	_ =	swait.ge [sflag:s5], $0x40  }
0x69: {  	[sflag:s5] =	ssyncset.done $0x0  }
0x6a: {  	[sflag:s5] =	ssyncadd.s32 $0xFFFFFFC0  }
0x6b: {  	_ =	swait.ge [sflag:s5], $0x40  }
0x6c: {  	[sflag:s5] =	ssyncset.done $0x0  }
0x6d: {  	[sflag:s5] =	ssyncadd.s32 $0xFFFFFFC0  }
0x6e: {  	_ =	swait.ge [sflag:s5], $0x40  }
0x6f: {  	[sflag:s5] =	ssyncset.done $0x0  }
0x70: {  	[sflag:s5] =	ssyncadd.s32 $0xFFFFFFC0  }
0x71: {  	_ =	swait.ge [sflag:s5], $0x40  }
0x72: {  	[sflag:s5] =	ssyncset.done $0x0  }
0x73: {  	[sflag:s5] =	ssyncadd.s32 $0xFFFFFFC0  }
0x74: {  	_ =	swait.ge [sflag:s5], $0x40  }
0x75: {  	[sflag:s5] =	ssyncset.done $0x0  }
0x76: {  	[sflag:s5] =	ssyncadd.s32 $0xFFFFFFC0  }
0x77: {  	_ =	swait.ge [sflag:s5], $0x40  }
0x78: {  	[sflag:s5] =	ssyncset.done $0x0  }
0x79: {  	[sflag:s5] =	ssyncadd.s32 $0xFFFFFFC0;
	s5 =	simm.s32 $0x580  }
0x7a: {  	[tilespmem:s5], [sflag:$0x3] =	stream.indirect.gather [hbm4b:s8+s18], $0x40, s7, s18, $0xb8;
	[tilespmem:$0x18600] =	vst v63  }
0x7b: {  	s5 =	simm.s32 $0x1580  }
0x7c: {  	[tilespmem:s5], [sflag:$0x3] =	stream.indirect.gather [hbm4b:s8+s18], $0x40, s18, s18, $0xb8;
	[tilespmem:$0x18600] =	vst v63  }
0x7d: {  	s5 =	simm.s32 $0x2580  }
0x7e: {  	[tilespmem:s5], [sflag:$0x3] =	stream.indirect.gather [hbm4b:s8+s18], $0x40, s13, s18, $0xb8;
	[tilespmem:$0x18600] =	vst v63  }
0x7f: {  	s13 =	simm.s32 $0x3580  }
0x80: {  	[tilespmem:s13], [sflag:$0x3] =	stream.indirect.gather [hbm4b:s8+s18], $0x40, s14, s18, $0xb8;
	[tilespmem:$0x18600] =	vst v63  }
0x81: {  	s13 =	simm.s32 $0x4580  }
0x82: {  	[tilespmem:s13], [sflag:$0x3] =	stream.indirect.gather [hbm4b:s8+s18], $0x40, s17, s18, $0xb8;
	[tilespmem:$0x18600] =	vst v63  }
0x83: {  	s14 =	simm.s32 $0x5580  }
0x84: {  	[tilespmem:s14], [sflag:$0x3] =	stream.indirect.gather [hbm4b:s8+s18], $0x40, s20, s18, $0xb8;
	[tilespmem:$0x18600] =	vst v63  }
0x85: {  	s17 =	simm.s32 $0x6580  }
0x86: {  	[tilespmem:s17], [sflag:$0x3] =	stream.indirect.gather [hbm4b:s8+s18], $0x40, s21, s18, $0xb8;
	[tilespmem:$0x18600] =	vst v63  }
0x87: {  	s20 =	simm.s32 $0x7580  }
0x88: {  	[tilespmem:s20], [sflag:$0x3] =	stream.indirect.gather [hbm4b:s8+s18], $0x40, s24, s18, $0xb8;
	[tilespmem:$0x18600] =	vst v63  }
0x89: {  	s21 =	simm.s32 $0x8580  }
0x8a: {  	[tilespmem:s21], [sflag:$0x3] =	stream.indirect.gather [hbm4b:s8+s18], $0x40, s25, s18, $0xb8;
	[tilespmem:$0x18600] =	vst v63  }
0x8b: {  	s24 =	simm.s32 $0x12580  }
0x8c: {  	[tilespmem:s24], [sflag:$0x3] =	stream.indirect.gather [hbm4b:s9+s18], $0x40, s22, s18, $0xb8;
	[tilespmem:$0x18600] =	vst v63  }
0x8d: {  	s31 =	simm.s32 $0x9580;
	s25 =	simm.s32 $0x14580  }
0x8e: {  	[tilespmem:s25], [sflag:$0x3] =	stream.indirect.gather [hbm4b:s10+s18], $0x40, s26, s18, $0xb8;
	[tilespmem:$0x18600] =	vst v63  }
0x8f: {  	s13 =	simm.s32 $0x0;
	s22 =	simm.s32 $0x240;
	s26 =	simm.s32 $0x2C0  }
.LBB2_2:
0x90: {  	_ =	swait.ge [sflag:s0], $0x1000  }
0x91: {  	[sflag:s0] =	ssyncset.done $0x0  }
0x92: {  	[sflag:s0] =	ssyncadd.s32 $0xFFFFF000  }
0x93: {  	_ =	swait.ge [sflag:s0], $0x1000  }
0x94: {  	[sflag:s0] =	ssyncset.done $0x0  }
0x95: {  	[sflag:s0] =	ssyncadd.s32 $0xFFFFF000  }
0x96: {  	_ =	swait.ge [sflag:s0], $0x1000  }
0x97: {  	[sflag:s0] =	ssyncset.done $0x0  }
0x98: {  	[sflag:s0] =	ssyncadd.s32 $0xFFFFF000  }
0x99: {  	_ =	swait.ge [sflag:s0], $0x1000  }
0x9a: {  	[sflag:s0] =	ssyncset.done $0x0  }
0x9b: {  	[sflag:s0] =	ssyncadd.s32 $0xFFFFF000  }
0x9c: {  	_ =	swait.ge [sflag:s0], $0x1000  }
0x9d: {  	[sflag:s0] =	ssyncset.done $0x0  }
0x9e: {  	[sflag:s0] =	ssyncadd.s32 $0xFFFFF000  }
0x9f: {  	_ =	swait.ge [sflag:s0], $0x1000  }
0xa0: {  	[sflag:s0] =	ssyncset.done $0x0  }
0xa1: {  	[sflag:s0] =	ssyncadd.s32 $0xFFFFF000  }
0xa2: {  	_ =	swait.ge [sflag:s0], $0x1000  }
0xa3: {  	[sflag:s0] =	ssyncset.done $0x0  }
0xa4: {  	[sflag:s0] =	ssyncadd.s32 $0xFFFFF000  }
0xa5: {  	_ =	swait.ge [sflag:s0], $0x1000  }
0xa6: {  	[sflag:s0] =	ssyncset.done $0x0  }
0xa7: {  	[sflag:s0] =	ssyncadd.s32 $0xFFFFF000  }
0xa8: {  	_ =	swait.ge [sflag:s0], $0x1000  }
0xa9: {  	[sflag:s0] =	ssyncset.done $0x0  }
0xaa: {  	[sflag:s0] =	ssyncadd.s32 $0xFFFFF000  }
0xab: {  	s5 =	sshll.u32 s13, $0x1;
	p0 =	seq.s32 s13, $0x1F;
	_ =	swait.ge [sflag:s0], $0x1000  }
0xac: {  	s14 =	sadd.s32 @!p0 $0x2, s5;
	[sflag:s0] =	ssyncset.done $0x0  }
0xad: {  	s17 =	sshrl.u32 @!p0 s14, $0x1;
	[sflag:s0] =	ssyncadd.s32 $0xFFFFF000  }
0xae: {  	s17 =	sadd.s32 @!p0 s11, s17;
	_ =	swait.ge [sflag:s0], $0x1000  }
0xaf: {  	s17 =	sshll.u32 @!p0 s17, $0x4;
	[sflag:s0] =	ssyncset.done $0x0  }
0xb0: {  	s24 =	simm.s32 @!p0 $0x0;
	s21 =	sadd.s32 @!p0 s1, s17;
	[sflag:s0] =	ssyncadd.s32 $0xFFFFF000  }
0xb1: {  	[tilespmem:s24], [sflag:$0x1] =	stream.linear.gather @!p0 [hbm4b:s21+s24], $0x40, $0x38;
	[tilespmem:$0x18600] =	vst v63  }
0xb2: {  	s21 =	sand.u32 @!p0 $0x1FFFFFF0, s17  }
0xb3: {  	s21 =	sadd.s32 @!p0 s1, s21  }
0xb4: {  	s25 =	simm.s32 @!p0 $0x40;
	s20 =	sadd.s32 @!p0 $0x4000, s21  }
0xb5: {  	[tilespmem:s25], [sflag:$0x1] =	stream.linear.gather @!p0 [hbm4b:s20+s24], $0x40, $0x38;
	[tilespmem:$0x18600] =	vst v63  }
0xb6: {  	s20 =	sor.u32 @!p0 $0x8000, s17  }
0xb7: {  	s25 =	simm.s32 @!p0 $0x80;
	s20 =	sadd.s32 @!p0 s1, s20  }
0xb8: {  	[tilespmem:s25], [sflag:$0x1] =	stream.linear.gather @!p0 [hbm4b:s20+s24], $0x40, $0x38;
	[tilespmem:$0x18600] =	vst v63  }
0xb9: {  	s20 =	sadd.s32 @!p0 $0xC000, s21;
	s25 =	simm.s32 @!p0 $0xC0  }
0xba: {  	[tilespmem:s25], [sflag:$0x1] =	stream.linear.gather @!p0 [hbm4b:s20+s24], $0x40, $0x38;
	[tilespmem:$0x18600] =	vst v63  }
0xbb: {  	s20 =	sor.u32 @!p0 $0x10000, s17  }
0xbc: {  	s25 =	simm.s32 @!p0 $0x100;
	s20 =	sadd.s32 @!p0 s1, s20  }
0xbd: {  	[tilespmem:s25], [sflag:$0x1] =	stream.linear.gather @!p0 [hbm4b:s20+s24], $0x40, $0x38;
	[tilespmem:$0x18600] =	vst v63  }
0xbe: {  	s20 =	sadd.s32 @!p0 $0x14000, s21;
	s25 =	simm.s32 @!p0 $0x140  }
0xbf: {  	[tilespmem:s25], [sflag:$0x1] =	stream.linear.gather @!p0 [hbm4b:s20+s24], $0x40, $0x38;
	[tilespmem:$0x18600] =	vst v63  }
0xc0: {  	s14 =	sshll.u32 @!p0 s14, $0x6;
	s20 =	sor.u32 @!p0 $0x18000, s17  }
0xc1: {  	s14 =	sadd.s32 @!p0 s12, s14;
	s25 =	simm.s32 @!p0 $0x180;
	s20 =	sadd.s32 @!p0 s1, s20  }
0xc2: {  	[tilespmem:s25], [sflag:$0x1] =	stream.linear.gather @!p0 [hbm4b:s20+s24], $0x40, $0x38;
	[tilespmem:$0x18600] =	vst v63  }
0xc3: {  	s17 =	sor.u32 @!p0 $0x20000, s17;
	s20 =	sadd.s32 @!p0 $0x1C000, s21;
	s21 =	simm.s32 @!p0 $0x1C0  }
0xc4: {  	[tilespmem:s21], [sflag:$0x1] =	stream.linear.gather @!p0 [hbm4b:s20+s24], $0x40, $0x38;
	[tilespmem:$0x18600] =	vst v63  }
0xc5: {  	s14 =	sshrl.u32 @!p0 s14, $0x3;
	s17 =	sadd.s32 @!p0 s1, s17;
	s20 =	simm.s32 @!p0 $0x200  }
0xc6: {  	[tilespmem:s20], [sflag:$0x1] =	stream.linear.gather @!p0 [hbm4b:s17+s24], $0x40, $0x38;
	[tilespmem:$0x18600] =	vst v63  }
0xc7: {  	s17 =	sadd.s32 @!p0 s2, s14;
	s20 =	simm.s32 @!p0 $0x480  }
0xc8: {  	[tilespmem:s20], [sflag:$0x1] =	stream.linear.gather @!p0 [hbm4b:s17+s24], $0x40, $0x38;
	[tilespmem:$0x18600] =	vst v63  }
0xc9: {  	s14 =	sadd.s32 @!p0 s3, s14;
	s17 =	simm.s32 @!p0 $0x500  }
0xca: {  	[tilespmem:s17], [sflag:$0x1] =	stream.linear.gather @!p0 [hbm4b:s14+s24], $0x40, $0x38;
	[tilespmem:$0x18600] =	vst v63  }
0xcb: {  	_ =	swait.ge [sflag:s6], $0x40  }
0xcc: {  	[sflag:s6] =	ssyncset.done $0x0  }
0xcd: {  	[sflag:s6] =	ssyncadd.s32 $0xFFFFFFC0  }
0xce: {  	_ =	swait.ge [sflag:s6], $0x40  }
0xcf: {  	[sflag:s6] =	ssyncset.done $0x0  }
0xd0: {  	[sflag:s6] =	ssyncadd.s32 $0xFFFFFFC0  }
0xd1: {  	_ =	swait.ge [sflag:s6], $0x40  }
0xd2: {  	[sflag:s6] =	ssyncset.done $0x0  }
0xd3: {  	[sflag:s6] =	ssyncadd.s32 $0xFFFFFFC0  }
0xd4: {  	_ =	swait.ge [sflag:s6], $0x40  }
0xd5: {  	[sflag:s6] =	ssyncset.done $0x0  }
0xd6: {  	[sflag:s6] =	ssyncadd.s32 $0xFFFFFFC0  }
0xd7: {  	_ =	swait.ge [sflag:s6], $0x40  }
0xd8: {  	[sflag:s6] =	ssyncset.done $0x0  }
0xd9: {  	[sflag:s6] =	ssyncadd.s32 $0xFFFFFFC0  }
0xda: {  	_ =	swait.ge [sflag:s6], $0x40  }
0xdb: {  	[sflag:s6] =	ssyncset.done $0x0  }
0xdc: {  	[sflag:s6] =	ssyncadd.s32 $0xFFFFFFC0  }
0xdd: {  	_ =	swait.ge [sflag:s6], $0x40  }
0xde: {  	[sflag:s6] =	ssyncset.done $0x0  }
0xdf: {  	[sflag:s6] =	ssyncadd.s32 $0xFFFFFFC0  }
0xe0: {  	_ =	swait.ge [sflag:s6], $0x40  }
0xe1: {  	[sflag:s6] =	ssyncset.done $0x0  }
0xe2: {  	[sflag:s6] =	ssyncadd.s32 $0xFFFFFFC0  }
0xe3: {  	_ =	swait.ge [sflag:s6], $0x40  }
0xe4: {  	[sflag:s6] =	ssyncset.done $0x0  }
0xe5: {  	[sflag:s6] =	ssyncadd.s32 $0xFFFFFFC0  }
0xe6: {  	_ =	swait.ge [sflag:s6], $0x40  }
0xe7: {  	[sflag:s6] =	ssyncset.done $0x0  }
0xe8: {  	[sflag:s6] =	ssyncadd.s32 $0xFFFFFFC0  }
0xe9: {  	_ =	swait.ge [sflag:s6], $0x40  }
0xea: {  	[sflag:s6] =	ssyncset.done $0x0  }
0xeb: {  	[sflag:s6] =	ssyncadd.s32 $0xFFFFFFC0  }
0xec: {  	[tilespmem:s31], [sflag:$0x4] =	stream.indirect.gather [hbm4b:s8+s18], $0x40, s22, s18, $0xb8;
	[tilespmem:$0x18600] =	vst v63  }
0xed: {  	s17 =	simm.s32 $0xA580  }
0xee: {  	[tilespmem:s17], [sflag:$0x4] =	stream.indirect.gather [hbm4b:s8+s18], $0x40, s19, s18, $0xb8;
	[tilespmem:$0x18600] =	vst v63  }
0xef: {  	s20 =	simm.s32 $0xB580  }
0xf0: {  	[tilespmem:s20], [sflag:$0x4] =	stream.indirect.gather [hbm4b:s8+s18], $0x40, s26, s18, $0xb8;
	[tilespmem:$0x18600] =	vst v63  }
0xf1: {  	s21 =	simm.s32 $0xC580  }
0xf2: {  	[tilespmem:s21], [sflag:$0x4] =	stream.indirect.gather [hbm4b:s8+s18], $0x40, s28, s18, $0xb8;
	[tilespmem:$0x18600] =	vst v63  }
0xf3: {  	s25 =	simm.s32 $0xD580;
	s24 =	simm.s32 $0x340  }
0xf4: {  	[tilespmem:s25], [sflag:$0x4] =	stream.indirect.gather [hbm4b:s8+s18], $0x40, s24, s18, $0xb8;
	[tilespmem:$0x18600] =	vst v63  }
0xf5: {  	s20 =	simm.s32 $0xE580  }
0xf6: {  	[tilespmem:s20], [sflag:$0x4] =	stream.indirect.gather [hbm4b:s8+s18], $0x40, s23, s18, $0xb8;
	[tilespmem:$0x18600] =	vst v63  }
0xf7: {  	s21 =	simm.s32 $0x3C0;
	s24 =	simm.s32 $0xF580  }
0xf8: {  	[tilespmem:s24], [sflag:$0x4] =	stream.indirect.gather [hbm4b:s8+s18], $0x40, s21, s18, $0xb8;
	[tilespmem:$0x18600] =	vst v63  }
0xf9: {  	s25 =	simm.s32 $0x10580  }
0xfa: {  	[tilespmem:s25], [sflag:$0x4] =	stream.indirect.gather [hbm4b:s8+s18], $0x40, s29, s18, $0xb8;
	[tilespmem:$0x18600] =	vst v63  }
0xfb: {  	s17 =	simm.s32 $0x440;
	s20 =	simm.s32 $0x11580  }
0xfc: {  	[tilespmem:s20], [sflag:$0x4] =	stream.indirect.gather [hbm4b:s8+s18], $0x40, s17, s18, $0xb8;
	[tilespmem:$0x18600] =	vst v63  }
0xfd: {  	p1 =	seq.s32 s13, $0x0;
	s21 =	simm.s32 $0x13580  }
0xfe: {  	[tilespmem:s21], [sflag:$0x4] =	stream.indirect.gather [hbm4b:s9+s18], $0x40, s30, s18, $0xb8;
	[tilespmem:$0x18600] =	vst v63  }
0xff: {  	s14 =	simm.s32 @!p1 $0x5;
	s24 =	simm.s32 $0x540;
	s25 =	simm.s32 $0x15580  }
0x100: {  	[tilespmem:s25], [sflag:$0x4] =	stream.indirect.gather [hbm4b:s10+s18], $0x40, s24, s18, $0xb8;
	[tilespmem:$0x18600] =	vst v63  }
0x101: {  	_ =	swait.ge @!p1 [sflag:s14], $0x1040  }
0x102: {  	[sflag:s14] =	ssyncset.done @!p1 $0x0  }
0x103: {  	s17 =	simm.s32 $0x0;
	[sflag:s14] =	ssyncadd.s32 @!p1 $0xFFFFEFC0  }
0x104: {  	v0 =	vld [tilespmem:s17+$0x85F0]  }
0x105: {  	v1 =	vld [tilespmem:s17+$0x5F0]  }
0x106: {  	v2 =	vld [tilespmem:s17+$0x15F0]  }
0x107: {  	v3 =	vld [tilespmem:s17+$0x25F0]  }
0x108: {  	v4 =	vld [tilespmem:s17+$0x35F0]  }
0x109: {  	v5 =	vld [tilespmem:s17+$0x45F0]  }
0x10a: {  	v6 =	vld [tilespmem:s17+$0x55F0]  }
0x10b: {  	v7 =	vld [tilespmem:s17+$0x65F0]  }
0x10c: {  	v8 =	vld [tilespmem:s17+$0x75F0]  }
0x10d: {  	v9 =	vld [tilespmem:s17+$0x125F0]  }
0x10e: {  	v10 =	vld [tilespmem:s17+$0x580]  }
0x10f: {  	v11 =	vld [tilespmem:s17+$0x1580]  }
0x110: {  	v12 =	vld [tilespmem:s17+$0x145F0]  }
0x111: {  	v13 =	vld [tilespmem:s17+$0x4590]  }
0x112: {  	v14 =	vld [tilespmem:s17+$0x5590]  }
0x113: {  	v15 =	vld [tilespmem:s17+$0x6590]  }
0x114: {  	v16 =	vld [tilespmem:s17+$0x7590]  }
0x115: {  	v17 =	vld [tilespmem:s17+$0x5A0]  }
0x116: {  	v18 =	vld [tilespmem:s17+$0x15A0]  }
0x117: {  	v19 =	vld [tilespmem:s17+$0x25A0]  }
0x118: {  	v20 =	vld [tilespmem:s17+$0x35A0]  }
0x119: {  	v21 =	vld [tilespmem:s17+$0x45A0]  }
0x11a: {  	v22 =	vld [tilespmem:s17+$0x55A0]  }
0x11b: {  	v23 =	vld [tilespmem:s17+$0x65A0]  }
0x11c: {  	v24 =	vld [tilespmem:s17+$0x75A0]  }
0x11d: {  	v25 =	vld [tilespmem:s17+$0x5B0]  }
0x11e: {  	v26 =	vld [tilespmem:s17+$0x15B0]  }
0x11f: {  	v27 =	vld [tilespmem:s17+$0x25B0]  }
0x120: {  	v28 =	vld [tilespmem:s17+$0x35B0]  }
0x121: {  	v29 =	vld [tilespmem:s17+$0x45B0]  }
0x122: {  	v30 =	vld [tilespmem:s17+$0x55B0]  }
0x123: {  	v31 =	vld [tilespmem:s17+$0x65B0]  }
0x124: {  	v32 =	vld [tilespmem:s17+$0x75B0]  }
0x125: {  	v33 =	vld [tilespmem:s17+$0x5C0]  }
0x126: {  	v34 =	vld [tilespmem:s17+$0x15C0]  }
0x127: {  	v35 =	vld [tilespmem:s17+$0x25C0]  }
0x128: {  	v36 =	vld [tilespmem:s17+$0x35C0]  }
0x129: {  	v37 =	vld [tilespmem:s17+$0x45C0]  }
0x12a: {  	v38 =	vld [tilespmem:s17+$0x55C0]  }
0x12b: {  	v39 =	vld [tilespmem:s17+$0x65C0]  }
0x12c: {  	v40 =	vld [tilespmem:s17+$0x75C0]  }
0x12d: {  	v41 =	vld [tilespmem:s17+$0x5D0]  }
0x12e: {  	v42 =	vld [tilespmem:s17+$0x15D0]  }
0x12f: {  	v43 =	vld [tilespmem:s17+$0x25D0]  }
0x130: {  	v44 =	vld [tilespmem:s17+$0x35D0]  }
0x131: {  	v45 =	vld [tilespmem:s17+$0x45D0]  }
0x132: {  	v46 =	vld [tilespmem:s17+$0x55D0]  }
0x133: {  	v52 =	vld [tilespmem:s17+$0x85A0]  }
0x134: {  	v55 =	vld [tilespmem:s17+$0x125A0]  }
0x135: {  	v57 =	vld [tilespmem:s17+$0x125B0]  }
0x136: {  	v59 =	vld [tilespmem:s17+$0x85C0]  }
0x137: {  	v60 =	vld [tilespmem:s17+$0x125C0]  }
0x138: {  	v62 =	vld [tilespmem:s17+$0x85D0]  }
0x139: {  	v1 =	vadd.f32 v2, v1;
	v2 =	vadd.f32 v4, v3;
	v3 =	vld [tilespmem:s17+$0x2580]  }
0x13a: {  	v4 =	vadd.f32 v6, v5;
	v5 =	vadd.f32 v8, v7;
	v6 =	vld [tilespmem:s17+$0x3580]  }
0x13b: {  	v0 =	vadd.f32 v9, v0;
	v7 =	vld [tilespmem:s17+$0x4580]  }
0x13c: {  	v1 =	vadd.f32 v2, v1;
	v2 =	vadd.f32 v5, v4;
	v4 =	vld [tilespmem:s17+$0x5580]  }
0x13d: {  	v50 =	vadd.f32 v34, v33;
	v51 =	vadd.f32 v36, v35;
	v5 =	vld [tilespmem:s17+$0x6580]  }
0x13e: {  	v0 =	vadd.f32 v12, v0;
	v1 =	vadd.f32 v2, v1;
	v2 =	vld [tilespmem:s17+$0x7580]  }
0x13f: {  	v8 =	vld [tilespmem:s17+$0x590];
	v53 =	vadd.f32 v38, v37;
	v54 =	vadd.f32 v40, v39  }
0x140: {  	v9 =	vld [tilespmem:s17+$0x2590];
	v58 =	vadd.f32 v42, v41;
	v0 =	vadd.f32 v0, v1  }
0x141: {  	v61 =	vadd.f32 v46, v45;
	v56 =	vadd.f32 v54, v53;
	v1 =	vld [tilespmem:s17+$0x1590]  }
0x142: {  	v12 =	vld [tilespmem:s17+$0x3590];
	v3 =	vadd.f32 v6, v3;
	[tilespmem:s17+$0x16630] =	vst v0;
	v0 =	vadd.f32 v11, v10  }
0x143: {  	v6 =	vld [tilespmem:s17+$0x65D0];
	v4 =	vadd.f32 v4, v7;
	v2 =	vadd.f32 v2, v5  }
0x144: {  	v7 =	vld [tilespmem:s17+$0x5E0];
	v0 =	vadd.f32 v3, v0;
	v3 =	vadd.f32 v14, v13  }
0x145: {  	v10 =	vld [tilespmem:s17+$0x15E0];
	v13 =	vadd.f32 v20, v19;
	v19 =	vadd.f32 v32, v31  }
0x146: {  	v11 =	vld [tilespmem:s17+$0x45E0];
	v2 =	vadd.f32 v2, v4;
	v1 =	vadd.f32 v1, v8  }
0x147: {  	v5 =	vld [tilespmem:s17+$0x75D0];
	v4 =	vadd.f32 v16, v15;
	v15 =	vadd.f32 v22, v21  }
0x148: {  	v14 =	vld [tilespmem:s17+$0x55E0];
	v0 =	vadd.f32 v2, v0;
	v2 =	vadd.f32 v12, v9  }
0x149: {  	v8 =	vld [tilespmem:s17+$0x25E0];
	v16 =	vadd.f32 v24, v23;
	v12 =	vadd.f32 v18, v17  }
0x14a: {  	v9 =	vld [tilespmem:s17+$0x35E0];
	v1 =	vadd.f32 v2, v1;
	v2 =	vadd.f32 v4, v3  }
0x14b: {  	v20 =	vld [tilespmem:s17+$0x12590];
	v3 =	vadd.f32 v13, v12;
	v4 =	vadd.f32 v16, v15  }
0x14c: {  	v17 =	vld [tilespmem:s17+$0x65E0];
	v5 =	vadd.f32 v5, v6;
	v13 =	vadd.f32 v26, v25  }
0x14d: {  	v18 =	vld [tilespmem:s17+$0x75E0];
	v1 =	vadd.f32 v2, v1;
	v2 =	vadd.f32 v4, v3  }
0x14e: {  	v12 =	vld [tilespmem:s17+$0x8580];
	v3 =	vadd.f32 v28, v27;
	v4 =	vadd.f32 v30, v29  }
0x14f: {  	v6 =	vadd.f32 v10, v7;
	v15 =	vld [tilespmem:s17+$0x12580];
	v7 =	vadd.f32 v9, v8  }
0x150: {  	v16 =	vld [tilespmem:s17+$0x8590];
	v3 =	vadd.f32 v3, v13;
	v4 =	vadd.f32 v19, v4  }
0x151: {  	v8 =	vld [tilespmem:s17+$0x125D0];
	v9 =	vadd.f32 v14, v11;
	v19 =	vadd.f32 v51, v50  }
0x152: {  	v10 =	vadd.f32 v18, v17;
	v14 =	vld [tilespmem:s17+$0x85E0];
	v3 =	vadd.f32 v4, v3  }
0x153: {  	v18 =	vld [tilespmem:s17+$0x125E0];
	v4 =	vadd.f32 v56, v19;
	v19 =	vadd.f32 v44, v43  }
0x154: {  	v5 =	vadd.f32 v5, v61;
	v13 =	vld [tilespmem:s17+$0x85B0];
	v6 =	vadd.f32 v7, v6  }
0x155: {  	v7 =	vadd.f32 v10, v9;
	v11 =	vadd.f32 v19, v58;
	v19 =	vld [tilespmem:s17+$0x14580]  }
0x156: {  	v17 =	vld [tilespmem:s17+$0x14590];
	v63 =	vadd.f32 v15, v12;
	v9 =	vadd.f32 v20, v16  }
0x157: {  	v15 =	vld [tilespmem:s17+$0x145A0];
	v10 =	vadd.f32 v55, v52;
	v12 =	vadd.f32 v60, v59  }
0x158: {  	v16 =	vld [tilespmem:s17+$0x145B0];
	v6 =	vadd.f32 v7, v6;
	v7 =	vadd.f32 v8, v62  }
0x159: {  	v5 =	vadd.f32 v5, v11;
	v11 =	vadd.f32 v57, v13;
	v13 =	vld [tilespmem:s17+$0x145C0]  }
0x15a: {  	s21 =	simm.s32 $0x200;
	s14 =	simm.s32 $0x0;
	v8 =	vadd.f32 v18, v14;
	v14 =	vld [tilespmem:s17+$0x145D0];
	v18 =	vadd.f32 v19, v63  }
.LBB2_3:
0x15b: {  	s20 =	sshra.s32 s21, $0x2;
	v9 =	vadd.f32 v17, v9;
	v17 =	vld [tilespmem:s17+$0x145E0]  }
0x15c: {  	v19 =	vld [tilespmem:s20+$0x85F0];
	v0 =	vadd.f32 v18, v0;
	v10 =	vadd.f32 v15, v10  }
0x15d: {  	v15 =	vld [tilespmem:s20+$0x5F0];
	v1 =	vadd.f32 v9, v1;
	v9 =	vadd.f32 v16, v11  }
0x15e: {  	v11 =	vld [tilespmem:s20+$0x15F0];
	[tilespmem:s17+$0x165C0] =	vst v0;
	v0 =	vadd.f32 v10, v2;
	v2 =	vadd.f32 v13, v12  }
0x15f: {  	v10 =	vld [tilespmem:s20+$0x25F0];
	[tilespmem:s17+$0x165D0] =	vst v1;
	v1 =	vadd.f32 v9, v3;
	v3 =	vadd.f32 v14, v7  }
0x160: {  	v7 =	vld [tilespmem:s20+$0x35F0];
	[tilespmem:s17+$0x165E0] =	vst v0;
	v0 =	vadd.f32 v2, v4;
	v2 =	vadd.f32 v17, v8  }
0x161: {  	v4 =	vld [tilespmem:s20+$0x45F0];
	[tilespmem:s17+$0x165F0] =	vst v1;
	v1 =	vadd.f32 v3, v5  }
0x162: {  	v3 =	vld [tilespmem:s20+$0x55F0];
	[tilespmem:s17+$0x16600] =	vst v0;
	v0 =	vadd.f32 v2, v6  }
0x163: {  	s14 =	sadd.s32 $0x2, s14;
	v2 =	vld [tilespmem:s20+$0x65F0];
	[tilespmem:s17+$0x16610] =	vst v1  }
0x164: {  	p1 =	slt.u32 s14, $0x3E;
	v1 =	vld [tilespmem:s20+$0x75F0];
	[tilespmem:s17+$0x16620] =	vst v0;
	s17 =	smov.u32 s20  }
0x165: {  	v0 =	vld [tilespmem:s17+$0x125F0]  }
0x166: {  	v5 =	vld [tilespmem:s17+$0x580]  }
0x167: {  	v6 =	vld [tilespmem:s17+$0x1580]  }
0x168: {  	v9 =	vadd.f32 v11, v15;
	v7 =	vadd.f32 v7, v10;
	v8 =	vld [tilespmem:s17+$0x145F0]  }
0x169: {  	v3 =	vadd.f32 v3, v4;
	v10 =	vld [tilespmem:s17+$0x2580];
	v1 =	vadd.f32 v1, v2  }
0x16a: {  	v2 =	vld [tilespmem:s17+$0x3580];
	v0 =	vadd.f32 v0, v19  }
0x16b: {  	v7 =	vadd.f32 v7, v9;
	v4 =	vld [tilespmem:s17+$0x4580];
	v1 =	vadd.f32 v1, v3  }
0x16c: {  	v3 =	vld [tilespmem:s17+$0x5580];
	v5 =	vadd.f32 v6, v5  }
0x16d: {  	v6 =	vld [tilespmem:s17+$0x6580];
	v0 =	vadd.f32 v8, v0;
	v1 =	vadd.f32 v1, v7  }
0x16e: {  	v7 =	vld [tilespmem:s17+$0x7580]  }
0x16f: {  	v2 =	vadd.f32 v2, v10;
	v8 =	vld [tilespmem:s17+$0x590];
	v0 =	vadd.f32 v0, v1  }
0x170: {  	v1 =	vld [tilespmem:s17+$0x1590]  }
0x171: {  	v3 =	vadd.f32 v3, v4;
	v2 =	vadd.f32 v2, v5;
	v4 =	vld [tilespmem:s17+$0x2590];
	[tilespmem:s17+$0x16630] =	vst v0  }
0x172: {  	v5 =	vld [tilespmem:s17+$0x3590]  }
0x173: {  	v0 =	vadd.f32 v7, v6;
	v6 =	vld [tilespmem:s17+$0x4590]  }
0x174: {  	v7 =	vld [tilespmem:s17+$0x5590]  }
0x175: {  	v0 =	vadd.f32 v0, v3;
	v3 =	vld [tilespmem:s17+$0x6590];
	v1 =	vadd.f32 v1, v8  }
0x176: {  	v8 =	vld [tilespmem:s17+$0x7590]  }
0x177: {  	v0 =	vadd.f32 v0, v2;
	v2 =	vadd.f32 v5, v4;
	v4 =	vld [tilespmem:s17+$0x5A0]  }
0x178: {  	v5 =	vld [tilespmem:s17+$0x15A0]  }
0x179: {  	v6 =	vadd.f32 v7, v6;
	v1 =	vadd.f32 v2, v1;
	v2 =	vld [tilespmem:s17+$0x25A0]  }
0x17a: {  	v7 =	vld [tilespmem:s17+$0x35A0]  }
0x17b: {  	v3 =	vadd.f32 v8, v3;
	v8 =	vld [tilespmem:s17+$0x45A0]  }
0x17c: {  	v9 =	vld [tilespmem:s17+$0x55A0]  }
0x17d: {  	v3 =	vadd.f32 v3, v6;
	v6 =	vld [tilespmem:s17+$0x65A0];
	v4 =	vadd.f32 v5, v4  }
0x17e: {  	v5 =	vld [tilespmem:s17+$0x75A0]  }
0x17f: {  	v1 =	vadd.f32 v3, v1;
	v2 =	vadd.f32 v7, v2;
	v3 =	vld [tilespmem:s17+$0x5B0]  }
0x180: {  	v7 =	vld [tilespmem:s17+$0x15B0]  }
0x181: {  	v8 =	vadd.f32 v9, v8;
	v2 =	vadd.f32 v2, v4;
	v4 =	vld [tilespmem:s17+$0x25B0]  }
0x182: {  	v9 =	vld [tilespmem:s17+$0x35B0]  }
0x183: {  	v5 =	vadd.f32 v5, v6;
	v6 =	vld [tilespmem:s17+$0x45B0]  }
0x184: {  	v10 =	vld [tilespmem:s17+$0x55B0]  }
0x185: {  	v5 =	vadd.f32 v5, v8;
	v8 =	vld [tilespmem:s17+$0x65B0];
	v3 =	vadd.f32 v7, v3  }
0x186: {  	v7 =	vld [tilespmem:s17+$0x75B0]  }
0x187: {  	v2 =	vadd.f32 v5, v2;
	v4 =	vadd.f32 v9, v4;
	v5 =	vld [tilespmem:s17+$0x5C0]  }
0x188: {  	v9 =	vld [tilespmem:s17+$0x15C0]  }
0x189: {  	v6 =	vadd.f32 v10, v6;
	v3 =	vadd.f32 v4, v3;
	v4 =	vld [tilespmem:s17+$0x25C0]  }
0x18a: {  	v10 =	vld [tilespmem:s17+$0x35C0]  }
0x18b: {  	v7 =	vadd.f32 v7, v8;
	v8 =	vld [tilespmem:s17+$0x45C0]  }
0x18c: {  	v11 =	vld [tilespmem:s17+$0x55C0]  }
0x18d: {  	v6 =	vadd.f32 v7, v6;
	v7 =	vld [tilespmem:s17+$0x65C0];
	v5 =	vadd.f32 v9, v5  }
0x18e: {  	v9 =	vld [tilespmem:s17+$0x75C0]  }
0x18f: {  	v3 =	vadd.f32 v6, v3;
	v4 =	vadd.f32 v10, v4;
	v6 =	vld [tilespmem:s17+$0x5D0]  }
0x190: {  	v10 =	vld [tilespmem:s17+$0x15D0]  }
0x191: {  	v8 =	vadd.f32 v11, v8;
	v4 =	vadd.f32 v4, v5;
	v5 =	vld [tilespmem:s17+$0x25D0]  }
0x192: {  	v11 =	vld [tilespmem:s17+$0x35D0]  }
0x193: {  	v7 =	vadd.f32 v9, v7;
	v9 =	vld [tilespmem:s17+$0x45D0]  }
0x194: {  	v12 =	vld [tilespmem:s17+$0x55D0]  }
0x195: {  	v7 =	vadd.f32 v7, v8;
	v8 =	vld [tilespmem:s17+$0x65D0];
	v6 =	vadd.f32 v10, v6  }
0x196: {  	v10 =	vld [tilespmem:s17+$0x75D0]  }
0x197: {  	v4 =	vadd.f32 v7, v4;
	v5 =	vadd.f32 v11, v5;
	v7 =	vld [tilespmem:s17+$0x5E0]  }
0x198: {  	v11 =	vld [tilespmem:s17+$0x15E0]  }
0x199: {  	v9 =	vadd.f32 v12, v9;
	v5 =	vadd.f32 v5, v6;
	v6 =	vld [tilespmem:s17+$0x25E0]  }
0x19a: {  	v12 =	vld [tilespmem:s17+$0x35E0]  }
0x19b: {  	v8 =	vadd.f32 v10, v8;
	v10 =	vld [tilespmem:s17+$0x45E0]  }
0x19c: {  	v13 =	vld [tilespmem:s17+$0x55E0]  }
0x19d: {  	v8 =	vadd.f32 v8, v9;
	v9 =	vld [tilespmem:s17+$0x65E0];
	v7 =	vadd.f32 v11, v7  }
0x19e: {  	v11 =	vld [tilespmem:s17+$0x75E0]  }
0x19f: {  	v14 =	vld [tilespmem:s17+$0x8580];
	v5 =	vadd.f32 v8, v5;
	v6 =	vadd.f32 v12, v6  }
0x1a0: {  	v8 =	vld [tilespmem:s17+$0x12580]  }
0x1a1: {  	v12 =	vld [tilespmem:s17+$0x8590];
	v10 =	vadd.f32 v13, v10;
	v6 =	vadd.f32 v6, v7  }
0x1a2: {  	v7 =	vld [tilespmem:s17+$0x12590]  }
0x1a3: {  	v13 =	vld [tilespmem:s17+$0x85A0];
	v9 =	vadd.f32 v11, v9  }
0x1a4: {  	v11 =	vld [tilespmem:s17+$0x125A0]  }
0x1a5: {  	v14 =	vadd.f32 v8, v14;
	v8 =	vld [tilespmem:s17+$0x85B0];
	v10 =	vadd.f32 v9, v10  }
0x1a6: {  	v15 =	vld [tilespmem:s17+$0x125B0]  }
0x1a7: {  	v9 =	vadd.f32 v7, v12;
	v7 =	vld [tilespmem:s17+$0x85C0];
	v6 =	vadd.f32 v10, v6  }
0x1a8: {  	v12 =	vld [tilespmem:s17+$0x125C0]  }
0x1a9: {  	v10 =	vadd.f32 v11, v13;
	v13 =	vld [tilespmem:s17+$0x85D0]  }
0x1aa: {  	v16 =	vld [tilespmem:s17+$0x125D0]  }
0x1ab: {  	v11 =	vadd.f32 v15, v8;
	v8 =	vld [tilespmem:s17+$0x85E0]  }
0x1ac: {  	v18 =	vld [tilespmem:s17+$0x125E0]  }
0x1ad: {  	v19 =	vld [tilespmem:s17+$0x14580];
	v12 =	vadd.f32 v12, v7  }
.Ltmp0:
0x1ae: {  	v17 =	vld [tilespmem:s17+$0x14590];
	(pc) =	sbr.rel @p1 .LBB2_3-.Ltmp0, $4  }
0x1af: {  	v15 =	vld [tilespmem:s17+$0x145A0];
	v7 =	vadd.f32 v16, v13  }
0x1b0: {  	v16 =	vld [tilespmem:s17+$0x145B0]  }
0x1b1: {  	v13 =	vld [tilespmem:s17+$0x145C0];
	v8 =	vadd.f32 v18, v8  }
0x1b2: {  	s21 =	sadd.s32 $0x200, s21;
	v18 =	vadd.f32 v19, v14;
	v14 =	vld [tilespmem:s17+$0x145D0]  }
0x1b3: {  	v9 =	vadd.f32 v17, v9;
	v17 =	vld [tilespmem:s17+$0x145E0]  }
0x1b4: {  	v0 =	vadd.f32 v18, v0;
	v10 =	vadd.f32 v15, v10  }
0x1b5: {  	v1 =	vadd.f32 v9, v1;
	v9 =	vadd.f32 v16, v11  }
0x1b6: {  	[tilespmem:s17+$0x165C0] =	vst v0;
	v0 =	vadd.f32 v10, v2;
	v2 =	vadd.f32 v13, v12  }
0x1b7: {  	[tilespmem:s17+$0x165D0] =	vst v1;
	v1 =	vadd.f32 v9, v3;
	v3 =	vadd.f32 v14, v7  }
0x1b8: {  	s14 =	sor.u32 s11, s13;
	[tilespmem:s17+$0x165E0] =	vst v0;
	v0 =	vadd.f32 v2, v4;
	v2 =	vadd.f32 v17, v8  }
0x1b9: {  	s14 =	smul.u32 $0x2040, s14;
	[tilespmem:s17+$0x165F0] =	vst v1;
	v1 =	vadd.f32 v3, v5  }
0x1ba: {  	[tilespmem:s17+$0x16600] =	vst v0;
	v0 =	vadd.f32 v2, v6  }
0x1bb: {  	s24 =	rddreg [dreg:$0x5];
	s14 =	sshrl.u32 s14, $0x3;
	[tilespmem:s17+$0x16610] =	vst v1  }
0x1bc: {  	s25 =	simm.s32 $0x16580;
	[tilespmem:s17+$0x16620] =	vst v0;
	s17 =	sadd.s32 s24, s14  }
0x1bd: {  	[hbm4b:s17+s7] =	stream.linear.scatter [tilespmem:s25], [sflag:$0x5], $0x1040, $0x38;
	[tilespmem:$0x18600] =	vst v63  }
0x1be: {  	_ =	swait.ge [sflag:s4], $0x1000  }
0x1bf: {  	[sflag:s4] =	ssyncset.done $0x0  }
0x1c0: {  	[sflag:s4] =	ssyncadd.s32 $0xFFFFF000  }
0x1c1: {  	_ =	swait.ge [sflag:s4], $0x1000  }
0x1c2: {  	[sflag:s4] =	ssyncset.done $0x0  }
0x1c3: {  	[sflag:s4] =	ssyncadd.s32 $0xFFFFF000  }
0x1c4: {  	_ =	swait.ge [sflag:s4], $0x1000  }
0x1c5: {  	[sflag:s4] =	ssyncset.done $0x0  }
0x1c6: {  	[sflag:s4] =	ssyncadd.s32 $0xFFFFF000  }
0x1c7: {  	_ =	swait.ge [sflag:s4], $0x1000  }
0x1c8: {  	[sflag:s4] =	ssyncset.done $0x0  }
0x1c9: {  	[sflag:s4] =	ssyncadd.s32 $0xFFFFF000  }
0x1ca: {  	_ =	swait.ge [sflag:s4], $0x1000  }
0x1cb: {  	[sflag:s4] =	ssyncset.done $0x0  }
0x1cc: {  	[sflag:s4] =	ssyncadd.s32 $0xFFFFF000  }
0x1cd: {  	_ =	swait.ge [sflag:s4], $0x1000  }
0x1ce: {  	[sflag:s4] =	ssyncset.done $0x0  }
0x1cf: {  	[sflag:s4] =	ssyncadd.s32 $0xFFFFF000  }
0x1d0: {  	_ =	swait.ge [sflag:s4], $0x1000  }
0x1d1: {  	[sflag:s4] =	ssyncset.done $0x0  }
0x1d2: {  	[sflag:s4] =	ssyncadd.s32 $0xFFFFF000  }
0x1d3: {  	_ =	swait.ge [sflag:s4], $0x1000  }
0x1d4: {  	[sflag:s4] =	ssyncset.done $0x0  }
0x1d5: {  	[sflag:s4] =	ssyncadd.s32 $0xFFFFF000  }
0x1d6: {  	_ =	swait.ge [sflag:s4], $0x1000  }
0x1d7: {  	[sflag:s4] =	ssyncset.done $0x0  }
0x1d8: {  	[sflag:s4] =	ssyncadd.s32 $0xFFFFF000  }
0x1d9: {  	_ =	swait.ge [sflag:s4], $0x1000  }
0x1da: {  	s14 =	sadd.s32 @!p0 $0x3, s5;
	[sflag:s4] =	ssyncset.done $0x0  }
0x1db: {  	s5 =	sshrl.u32 @!p0 s14, $0x1;
	[sflag:s4] =	ssyncadd.s32 $0xFFFFF000  }
0x1dc: {  	s5 =	sadd.s32 @!p0 s11, s5;
	_ =	swait.ge [sflag:s4], $0x1000  }
0x1dd: {  	s24 =	simm.s32 @!p0 $0x240;
	s20 =	sshll.u32 @!p0 s5, $0x4;
	[sflag:s4] =	ssyncset.done $0x0  }
0x1de: {  	s5 =	simm.s32 @!p0 $0x0;
	s21 =	sadd.s32 @!p0 s20, s16;
	[sflag:s4] =	ssyncadd.s32 $0xFFFFF000  }
0x1df: {  	[tilespmem:s24], [sflag:$0x2] =	stream.linear.gather @!p0 [hbm4b:s21+s5], $0x40, $0x38;
	[tilespmem:$0x18600] =	vst v63  }
0x1e0: {  	s21 =	sand.u32 @!p0 $0x1FFFFFF0, s20  }
0x1e1: {  	s21 =	sadd.s32 @!p0 s1, s21  }
0x1e2: {  	s25 =	simm.s32 @!p0 $0x280;
	s24 =	sadd.s32 @!p0 $0x4008, s21  }
0x1e3: {  	[tilespmem:s25], [sflag:$0x2] =	stream.linear.gather @!p0 [hbm4b:s24+s5], $0x40, $0x38;
	[tilespmem:$0x18600] =	vst v63  }
0x1e4: {  	s24 =	sor.u32 @!p0 $0x8008, s20  }
0x1e5: {  	s25 =	simm.s32 @!p0 $0x2C0;
	s24 =	sadd.s32 @!p0 s1, s24  }
0x1e6: {  	[tilespmem:s25], [sflag:$0x2] =	stream.linear.gather @!p0 [hbm4b:s24+s5], $0x40, $0x38;
	[tilespmem:$0x18600] =	vst v63  }
0x1e7: {  	s24 =	sadd.s32 @!p0 $0xC008, s21;
	s25 =	simm.s32 @!p0 $0x300  }
0x1e8: {  	[tilespmem:s25], [sflag:$0x2] =	stream.linear.gather @!p0 [hbm4b:s24+s5], $0x40, $0x38;
	[tilespmem:$0x18600] =	vst v63  }
0x1e9: {  	s24 =	sor.u32 @!p0 $0x10008, s20  }
0x1ea: {  	s25 =	simm.s32 @!p0 $0x340;
	s24 =	sadd.s32 @!p0 s1, s24  }
0x1eb: {  	[tilespmem:s25], [sflag:$0x2] =	stream.linear.gather @!p0 [hbm4b:s24+s5], $0x40, $0x38;
	[tilespmem:$0x18600] =	vst v63  }
0x1ec: {  	s24 =	sadd.s32 @!p0 $0x14008, s21;
	s25 =	simm.s32 @!p0 $0x380  }
0x1ed: {  	[tilespmem:s25], [sflag:$0x2] =	stream.linear.gather @!p0 [hbm4b:s24+s5], $0x40, $0x38;
	[tilespmem:$0x18600] =	vst v63  }
0x1ee: {  	s14 =	sshll.u32 @!p0 s14, $0x6;
	s24 =	sor.u32 @!p0 $0x18008, s20  }
0x1ef: {  	s14 =	sadd.s32 @!p0 s12, s14;
	s25 =	simm.s32 @!p0 $0x3C0;
	s24 =	sadd.s32 @!p0 s1, s24  }
0x1f0: {  	[tilespmem:s25], [sflag:$0x2] =	stream.linear.gather @!p0 [hbm4b:s24+s5], $0x40, $0x38;
	[tilespmem:$0x18600] =	vst v63  }
0x1f1: {  	s21 =	sadd.s32 @!p0 $0x1C008, s21;
	s20 =	sor.u32 @!p0 $0x20008, s20;
	s24 =	simm.s32 @!p0 $0x400  }
0x1f2: {  	[tilespmem:s24], [sflag:$0x2] =	stream.linear.gather @!p0 [hbm4b:s21+s5], $0x40, $0x38;
	[tilespmem:$0x18600] =	vst v63  }
0x1f3: {  	s14 =	sshrl.u32 @!p0 s14, $0x3;
	s20 =	sadd.s32 @!p0 s1, s20;
	s21 =	simm.s32 @!p0 $0x440  }
0x1f4: {  	[tilespmem:s21], [sflag:$0x2] =	stream.linear.gather @!p0 [hbm4b:s20+s5], $0x40, $0x38;
	[tilespmem:$0x18600] =	vst v63  }
0x1f5: {  	s20 =	sadd.s32 @!p0 s2, s14;
	s21 =	simm.s32 @!p0 $0x4C0  }
0x1f6: {  	[tilespmem:s21], [sflag:$0x2] =	stream.linear.gather @!p0 [hbm4b:s20+s5], $0x40, $0x38;
	[tilespmem:$0x18600] =	vst v63  }
0x1f7: {  	s14 =	sadd.s32 @!p0 s3, s14;
	s20 =	simm.s32 @!p0 $0x540  }
0x1f8: {  	[tilespmem:s20], [sflag:$0x2] =	stream.linear.gather @!p0 [hbm4b:s14+s5], $0x40, $0x38;
	[tilespmem:$0x18600] =	vst v63  }
0x1f9: {  	s14 =	simm.s32 @!p0 $0x1  }
0x1fa: {  	_ =	swait.ge @!p0 [sflag:s14], $0x40  }
0x1fb: {  	[sflag:s14] =	ssyncset.done @!p0 $0x0  }
0x1fc: {  	[sflag:s14] =	ssyncadd.s32 @!p0 $0xFFFFFFC0  }
0x1fd: {  	_ =	swait.ge @!p0 [sflag:s14], $0x40  }
0x1fe: {  	[sflag:s14] =	ssyncset.done @!p0 $0x0  }
0x1ff: {  	[sflag:s14] =	ssyncadd.s32 @!p0 $0xFFFFFFC0  }
0x200: {  	_ =	swait.ge @!p0 [sflag:s14], $0x40  }
0x201: {  	[sflag:s14] =	ssyncset.done @!p0 $0x0  }
0x202: {  	[sflag:s14] =	ssyncadd.s32 @!p0 $0xFFFFFFC0  }
0x203: {  	_ =	swait.ge @!p0 [sflag:s14], $0x40  }
0x204: {  	[sflag:s14] =	ssyncset.done @!p0 $0x0  }
0x205: {  	[sflag:s14] =	ssyncadd.s32 @!p0 $0xFFFFFFC0  }
0x206: {  	_ =	swait.ge @!p0 [sflag:s14], $0x40  }
0x207: {  	[sflag:s14] =	ssyncset.done @!p0 $0x0  }
0x208: {  	[sflag:s14] =	ssyncadd.s32 @!p0 $0xFFFFFFC0  }
0x209: {  	_ =	swait.ge @!p0 [sflag:s14], $0x40  }
0x20a: {  	[sflag:s14] =	ssyncset.done @!p0 $0x0  }
0x20b: {  	[sflag:s14] =	ssyncadd.s32 @!p0 $0xFFFFFFC0  }
0x20c: {  	_ =	swait.ge @!p0 [sflag:s14], $0x40  }
0x20d: {  	[sflag:s14] =	ssyncset.done @!p0 $0x0  }
0x20e: {  	[sflag:s14] =	ssyncadd.s32 @!p0 $0xFFFFFFC0  }
0x20f: {  	_ =	swait.ge @!p0 [sflag:s14], $0x40  }
0x210: {  	[sflag:s14] =	ssyncset.done @!p0 $0x0  }
0x211: {  	[sflag:s14] =	ssyncadd.s32 @!p0 $0xFFFFFFC0  }
0x212: {  	_ =	swait.ge @!p0 [sflag:s14], $0x40  }
0x213: {  	[sflag:s14] =	ssyncset.done @!p0 $0x0  }
0x214: {  	[sflag:s14] =	ssyncadd.s32 @!p0 $0xFFFFFFC0  }
0x215: {  	_ =	swait.ge @!p0 [sflag:s14], $0x40  }
0x216: {  	[sflag:s14] =	ssyncset.done @!p0 $0x0  }
0x217: {  	[sflag:s14] =	ssyncadd.s32 @!p0 $0xFFFFFFC0  }
0x218: {  	_ =	swait.ge @!p0 [sflag:s14], $0x40  }
0x219: {  	[sflag:s14] =	ssyncset.done @!p0 $0x0  }
0x21a: {  	s20 =	simm.s32 @!p0 $0x580;
	[sflag:s14] =	ssyncadd.s32 @!p0 $0xFFFFFFC0;
	s14 =	simm.s32 @!p0 $0x40  }
0x21b: {  	[tilespmem:s20], [sflag:$0x3] =	stream.indirect.gather @!p0 [hbm4b:s8+s14], $0x40, s5, s14, $0xb8;
	[tilespmem:$0x18600] =	vst v63  }
0x21c: {  	s5 =	simm.s32 @!p0 $0x1580  }
0x21d: {  	[tilespmem:s5], [sflag:$0x3] =	stream.indirect.gather @!p0 [hbm4b:s8+s14], $0x40, s14, s14, $0xb8;
	[tilespmem:$0x18600] =	vst v63  }
0x21e: {  	s20 =	simm.s32 @!p0 $0x2580;
	s5 =	simm.s32 @!p0 $0x80  }
0x21f: {  	[tilespmem:s20], [sflag:$0x3] =	stream.indirect.gather @!p0 [hbm4b:s8+s14], $0x40, s5, s14, $0xb8;
	[tilespmem:$0x18600] =	vst v63  }
0x220: {  	s5 =	simm.s32 @!p0 $0xC0;
	s20 =	simm.s32 @!p0 $0x3580  }
0x221: {  	[tilespmem:s20], [sflag:$0x3] =	stream.indirect.gather @!p0 [hbm4b:s8+s14], $0x40, s5, s14, $0xb8;
	[tilespmem:$0x18600] =	vst v63  }
0x222: {  	s5 =	simm.s32 @!p0 $0x100;
	s20 =	simm.s32 @!p0 $0x4580  }
0x223: {  	[tilespmem:s20], [sflag:$0x3] =	stream.indirect.gather @!p0 [hbm4b:s8+s14], $0x40, s5, s14, $0xb8;
	[tilespmem:$0x18600] =	vst v63  }
0x224: {  	s5 =	simm.s32 @!p0 $0x140;
	s20 =	simm.s32 @!p0 $0x5580  }
0x225: {  	[tilespmem:s20], [sflag:$0x3] =	stream.indirect.gather @!p0 [hbm4b:s8+s14], $0x40, s5, s14, $0xb8;
	[tilespmem:$0x18600] =	vst v63  }
0x226: {  	s5 =	simm.s32 @!p0 $0x180;
	s20 =	simm.s32 @!p0 $0x6580  }
0x227: {  	[tilespmem:s20], [sflag:$0x3] =	stream.indirect.gather @!p0 [hbm4b:s8+s14], $0x40, s5, s14, $0xb8;
	[tilespmem:$0x18600] =	vst v63  }
0x228: {  	s5 =	simm.s32 @!p0 $0x1C0;
	s20 =	simm.s32 @!p0 $0x7580  }
0x229: {  	[tilespmem:s20], [sflag:$0x3] =	stream.indirect.gather @!p0 [hbm4b:s8+s14], $0x40, s5, s14, $0xb8;
	[tilespmem:$0x18600] =	vst v63  }
0x22a: {  	s5 =	simm.s32 @!p0 $0x200;
	s20 =	simm.s32 @!p0 $0x8580  }
0x22b: {  	[tilespmem:s20], [sflag:$0x3] =	stream.indirect.gather @!p0 [hbm4b:s8+s14], $0x40, s5, s14, $0xb8;
	[tilespmem:$0x18600] =	vst v63  }
0x22c: {  	s5 =	simm.s32 @!p0 $0x480;
	s20 =	simm.s32 @!p0 $0x12580  }
0x22d: {  	[tilespmem:s20], [sflag:$0x3] =	stream.indirect.gather @!p0 [hbm4b:s9+s14], $0x40, s5, s14, $0xb8;
	[tilespmem:$0x18600] =	vst v63  }
0x22e: {  	p1 =	seq.s32 @!p0 s13, $0x0;
	s5 =	simm.s32 @!p0 $0x500;
	s20 =	simm.s32 @!p0 $0x14580  }
0x22f: {  	[tilespmem:s20], [sflag:$0x3] =	stream.indirect.gather @!p0 [hbm4b:s10+s14], $0x40, s5, s14, $0xb8;
	[tilespmem:$0x18600] =	vst v63  }
0x230: {  	p0 =	por p0, !p1  }
0x231: {  	_ =	swait.ge @p0 [sflag:s15], $0x1000  }
0x232: {  	[sflag:s15] =	ssyncset.done @p0 $0x0  }
0x233: {  	s5 =	simm.s32 $0x0;
	[sflag:s15] =	ssyncadd.s32 @p0 $0xFFFFF000  }
0x234: {  	v0 =	vld [tilespmem:s5+$0x115F0]  }
0x235: {  	v1 =	vld [tilespmem:s5+$0x95F0]  }
0x236: {  	v2 =	vld [tilespmem:s5+$0xA5F0]  }
0x237: {  	v3 =	vld [tilespmem:s5+$0xB5F0]  }
0x238: {  	v4 =	vld [tilespmem:s5+$0xC5F0]  }
0x239: {  	v5 =	vld [tilespmem:s5+$0xD5F0]  }
0x23a: {  	v6 =	vld [tilespmem:s5+$0xE5F0]  }
0x23b: {  	v7 =	vld [tilespmem:s5+$0xF5F0]  }
0x23c: {  	v8 =	vld [tilespmem:s5+$0x105F0]  }
0x23d: {  	v9 =	vld [tilespmem:s5+$0x135F0]  }
0x23e: {  	v10 =	vld [tilespmem:s5+$0x9580]  }
0x23f: {  	v11 =	vld [tilespmem:s5+$0xA580]  }
0x240: {  	v12 =	vld [tilespmem:s5+$0x155F0]  }
0x241: {  	v13 =	vld [tilespmem:s5+$0xD590]  }
0x242: {  	v14 =	vld [tilespmem:s5+$0xE590]  }
0x243: {  	v15 =	vld [tilespmem:s5+$0xF590]  }
0x244: {  	v16 =	vld [tilespmem:s5+$0x10590]  }
0x245: {  	v17 =	vld [tilespmem:s5+$0x95A0]  }
0x246: {  	v18 =	vld [tilespmem:s5+$0xA5A0]  }
0x247: {  	v19 =	vld [tilespmem:s5+$0xB5A0]  }
0x248: {  	v20 =	vld [tilespmem:s5+$0xC5A0]  }
0x249: {  	v21 =	vld [tilespmem:s5+$0xD5A0]  }
0x24a: {  	v22 =	vld [tilespmem:s5+$0xE5A0]  }
0x24b: {  	v23 =	vld [tilespmem:s5+$0xF5A0]  }
0x24c: {  	v24 =	vld [tilespmem:s5+$0x105A0]  }
0x24d: {  	v25 =	vld [tilespmem:s5+$0x95B0]  }
0x24e: {  	v26 =	vld [tilespmem:s5+$0xA5B0]  }
0x24f: {  	v27 =	vld [tilespmem:s5+$0xB5B0]  }
0x250: {  	v28 =	vld [tilespmem:s5+$0xC5B0]  }
0x251: {  	v29 =	vld [tilespmem:s5+$0xD5B0]  }
0x252: {  	v30 =	vld [tilespmem:s5+$0xE5B0]  }
0x253: {  	v31 =	vld [tilespmem:s5+$0xF5B0]  }
0x254: {  	v32 =	vld [tilespmem:s5+$0x105B0]  }
0x255: {  	v33 =	vld [tilespmem:s5+$0x95C0]  }
0x256: {  	v34 =	vld [tilespmem:s5+$0xA5C0]  }
0x257: {  	v35 =	vld [tilespmem:s5+$0xB5C0]  }
0x258: {  	v36 =	vld [tilespmem:s5+$0xC5C0]  }
0x259: {  	v37 =	vld [tilespmem:s5+$0xD5C0]  }
0x25a: {  	v38 =	vld [tilespmem:s5+$0xE5C0]  }
0x25b: {  	v39 =	vld [tilespmem:s5+$0xF5C0]  }
0x25c: {  	v40 =	vld [tilespmem:s5+$0x105C0]  }
0x25d: {  	v41 =	vld [tilespmem:s5+$0x95D0]  }
0x25e: {  	v42 =	vld [tilespmem:s5+$0xA5D0]  }
0x25f: {  	v43 =	vld [tilespmem:s5+$0xB5D0]  }
0x260: {  	v44 =	vld [tilespmem:s5+$0xC5D0]  }
0x261: {  	v45 =	vld [tilespmem:s5+$0xD5D0]  }
0x262: {  	v46 =	vld [tilespmem:s5+$0xE5D0]  }
0x263: {  	v52 =	vld [tilespmem:s5+$0x115A0]  }
0x264: {  	v55 =	vld [tilespmem:s5+$0x135A0]  }
0x265: {  	v57 =	vld [tilespmem:s5+$0x135B0]  }
0x266: {  	v59 =	vld [tilespmem:s5+$0x115C0]  }
0x267: {  	v60 =	vld [tilespmem:s5+$0x135C0]  }
0x268: {  	v62 =	vld [tilespmem:s5+$0x115D0]  }
0x269: {  	v1 =	vadd.f32 v2, v1;
	v2 =	vadd.f32 v4, v3;
	v3 =	vld [tilespmem:s5+$0xB580]  }
0x26a: {  	v4 =	vadd.f32 v6, v5;
	v5 =	vadd.f32 v8, v7;
	v6 =	vld [tilespmem:s5+$0xC580]  }
0x26b: {  	v0 =	vadd.f32 v9, v0;
	v7 =	vld [tilespmem:s5+$0xD580]  }
0x26c: {  	v1 =	vadd.f32 v2, v1;
	v2 =	vadd.f32 v5, v4;
	v4 =	vld [tilespmem:s5+$0xE580]  }
0x26d: {  	v50 =	vadd.f32 v34, v33;
	v51 =	vadd.f32 v36, v35;
	v5 =	vld [tilespmem:s5+$0xF580]  }
0x26e: {  	v0 =	vadd.f32 v12, v0;
	v1 =	vadd.f32 v2, v1;
	v2 =	vld [tilespmem:s5+$0x10580]  }
0x26f: {  	v8 =	vld [tilespmem:s5+$0x9590];
	v53 =	vadd.f32 v38, v37;
	v54 =	vadd.f32 v40, v39  }
0x270: {  	v9 =	vld [tilespmem:s5+$0xB590];
	v58 =	vadd.f32 v42, v41;
	v0 =	vadd.f32 v0, v1  }
0x271: {  	v61 =	vadd.f32 v46, v45;
	v56 =	vadd.f32 v54, v53;
	v1 =	vld [tilespmem:s5+$0xA590]  }
0x272: {  	v12 =	vld [tilespmem:s5+$0xC590];
	v3 =	vadd.f32 v6, v3;
	[tilespmem:s5+$0x17630] =	vst v0;
	v0 =	vadd.f32 v11, v10  }
0x273: {  	v6 =	vld [tilespmem:s5+$0xF5D0];
	v4 =	vadd.f32 v4, v7;
	v2 =	vadd.f32 v2, v5  }
0x274: {  	v7 =	vld [tilespmem:s5+$0x95E0];
	v0 =	vadd.f32 v3, v0;
	v3 =	vadd.f32 v14, v13  }
0x275: {  	v10 =	vld [tilespmem:s5+$0xA5E0];
	v13 =	vadd.f32 v20, v19;
	v19 =	vadd.f32 v32, v31  }
0x276: {  	v11 =	vld [tilespmem:s5+$0xD5E0];
	v2 =	vadd.f32 v2, v4;
	v1 =	vadd.f32 v1, v8  }
0x277: {  	v5 =	vld [tilespmem:s5+$0x105D0];
	v4 =	vadd.f32 v16, v15;
	v15 =	vadd.f32 v22, v21  }
0x278: {  	v14 =	vld [tilespmem:s5+$0xE5E0];
	v0 =	vadd.f32 v2, v0;
	v2 =	vadd.f32 v12, v9  }
0x279: {  	v8 =	vld [tilespmem:s5+$0xB5E0];
	v16 =	vadd.f32 v24, v23;
	v12 =	vadd.f32 v18, v17  }
0x27a: {  	v9 =	vld [tilespmem:s5+$0xC5E0];
	v1 =	vadd.f32 v2, v1;
	v2 =	vadd.f32 v4, v3  }
0x27b: {  	v20 =	vld [tilespmem:s5+$0x13590];
	v3 =	vadd.f32 v13, v12;
	v4 =	vadd.f32 v16, v15  }
0x27c: {  	v17 =	vld [tilespmem:s5+$0xF5E0];
	v5 =	vadd.f32 v5, v6;
	v13 =	vadd.f32 v26, v25  }
0x27d: {  	v18 =	vld [tilespmem:s5+$0x105E0];
	v1 =	vadd.f32 v2, v1;
	v2 =	vadd.f32 v4, v3  }
0x27e: {  	v12 =	vld [tilespmem:s5+$0x11580];
	v3 =	vadd.f32 v28, v27;
	v4 =	vadd.f32 v30, v29  }
0x27f: {  	v6 =	vadd.f32 v10, v7;
	v15 =	vld [tilespmem:s5+$0x13580];
	v7 =	vadd.f32 v9, v8  }
0x280: {  	v16 =	vld [tilespmem:s5+$0x11590];
	v3 =	vadd.f32 v3, v13;
	v4 =	vadd.f32 v19, v4  }
0x281: {  	v8 =	vld [tilespmem:s5+$0x135D0];
	v9 =	vadd.f32 v14, v11;
	v19 =	vadd.f32 v51, v50  }
0x282: {  	v10 =	vadd.f32 v18, v17;
	v14 =	vld [tilespmem:s5+$0x115E0];
	v3 =	vadd.f32 v4, v3  }
0x283: {  	v18 =	vld [tilespmem:s5+$0x135E0];
	v4 =	vadd.f32 v56, v19;
	v19 =	vadd.f32 v44, v43  }
0x284: {  	v5 =	vadd.f32 v5, v61;
	v13 =	vld [tilespmem:s5+$0x115B0];
	v6 =	vadd.f32 v7, v6  }
0x285: {  	v7 =	vadd.f32 v10, v9;
	v11 =	vadd.f32 v19, v58;
	v19 =	vld [tilespmem:s5+$0x15580]  }
0x286: {  	v17 =	vld [tilespmem:s5+$0x15590];
	v63 =	vadd.f32 v15, v12;
	v9 =	vadd.f32 v20, v16  }
0x287: {  	v15 =	vld [tilespmem:s5+$0x155A0];
	v10 =	vadd.f32 v55, v52;
	v12 =	vadd.f32 v60, v59  }
0x288: {  	v16 =	vld [tilespmem:s5+$0x155B0];
	v6 =	vadd.f32 v7, v6;
	v7 =	vadd.f32 v8, v62  }
0x289: {  	v5 =	vadd.f32 v5, v11;
	v11 =	vadd.f32 v57, v13;
	v13 =	vld [tilespmem:s5+$0x155C0]  }
0x28a: {  	s21 =	simm.s32 $0x200;
	s14 =	simm.s32 $0x0;
	v8 =	vadd.f32 v18, v14;
	v14 =	vld [tilespmem:s5+$0x155D0];
	v18 =	vadd.f32 v19, v63  }
.LBB2_5:
0x28b: {  	s20 =	sshra.s32 s21, $0x2;
	v9 =	vadd.f32 v17, v9;
	v17 =	vld [tilespmem:s5+$0x155E0]  }
0x28c: {  	v19 =	vld [tilespmem:s20+$0x115F0];
	v0 =	vadd.f32 v18, v0;
	v10 =	vadd.f32 v15, v10  }
0x28d: {  	v15 =	vld [tilespmem:s20+$0x95F0];
	v1 =	vadd.f32 v9, v1;
	v9 =	vadd.f32 v16, v11  }
0x28e: {  	v11 =	vld [tilespmem:s20+$0xA5F0];
	[tilespmem:s5+$0x175C0] =	vst v0;
	v0 =	vadd.f32 v10, v2;
	v2 =	vadd.f32 v13, v12  }
0x28f: {  	v10 =	vld [tilespmem:s20+$0xB5F0];
	[tilespmem:s5+$0x175D0] =	vst v1;
	v1 =	vadd.f32 v9, v3;
	v3 =	vadd.f32 v14, v7  }
0x290: {  	v7 =	vld [tilespmem:s20+$0xC5F0];
	[tilespmem:s5+$0x175E0] =	vst v0;
	v0 =	vadd.f32 v2, v4;
	v2 =	vadd.f32 v17, v8  }
0x291: {  	v4 =	vld [tilespmem:s20+$0xD5F0];
	[tilespmem:s5+$0x175F0] =	vst v1;
	v1 =	vadd.f32 v3, v5  }
0x292: {  	v3 =	vld [tilespmem:s20+$0xE5F0];
	[tilespmem:s5+$0x17600] =	vst v0;
	v0 =	vadd.f32 v2, v6  }
0x293: {  	s14 =	sadd.s32 $0x2, s14;
	v2 =	vld [tilespmem:s20+$0xF5F0];
	[tilespmem:s5+$0x17610] =	vst v1  }
0x294: {  	p0 =	slt.u32 s14, $0x3E;
	v1 =	vld [tilespmem:s20+$0x105F0];
	[tilespmem:s5+$0x17620] =	vst v0;
	s5 =	smov.u32 s20  }
0x295: {  	v0 =	vld [tilespmem:s5+$0x135F0]  }
0x296: {  	v5 =	vld [tilespmem:s5+$0x9580]  }
0x297: {  	v6 =	vld [tilespmem:s5+$0xA580]  }
0x298: {  	v9 =	vadd.f32 v11, v15;
	v7 =	vadd.f32 v7, v10;
	v8 =	vld [tilespmem:s5+$0x155F0]  }
0x299: {  	v3 =	vadd.f32 v3, v4;
	v10 =	vld [tilespmem:s5+$0xB580];
	v1 =	vadd.f32 v1, v2  }
0x29a: {  	v2 =	vld [tilespmem:s5+$0xC580];
	v0 =	vadd.f32 v0, v19  }
0x29b: {  	v7 =	vadd.f32 v7, v9;
	v4 =	vld [tilespmem:s5+$0xD580];
	v1 =	vadd.f32 v1, v3  }
0x29c: {  	v3 =	vld [tilespmem:s5+$0xE580];
	v5 =	vadd.f32 v6, v5  }
0x29d: {  	v6 =	vld [tilespmem:s5+$0xF580];
	v0 =	vadd.f32 v8, v0;
	v1 =	vadd.f32 v1, v7  }
0x29e: {  	v7 =	vld [tilespmem:s5+$0x10580]  }
0x29f: {  	v2 =	vadd.f32 v2, v10;
	v8 =	vld [tilespmem:s5+$0x9590];
	v0 =	vadd.f32 v0, v1  }
0x2a0: {  	v1 =	vld [tilespmem:s5+$0xA590]  }
0x2a1: {  	v3 =	vadd.f32 v3, v4;
	v2 =	vadd.f32 v2, v5;
	v4 =	vld [tilespmem:s5+$0xB590];
	[tilespmem:s5+$0x17630] =	vst v0  }
0x2a2: {  	v5 =	vld [tilespmem:s5+$0xC590]  }
0x2a3: {  	v0 =	vadd.f32 v7, v6;
	v6 =	vld [tilespmem:s5+$0xD590]  }
0x2a4: {  	v7 =	vld [tilespmem:s5+$0xE590]  }
0x2a5: {  	v0 =	vadd.f32 v0, v3;
	v3 =	vld [tilespmem:s5+$0xF590];
	v1 =	vadd.f32 v1, v8  }
0x2a6: {  	v8 =	vld [tilespmem:s5+$0x10590]  }
0x2a7: {  	v0 =	vadd.f32 v0, v2;
	v2 =	vadd.f32 v5, v4;
	v4 =	vld [tilespmem:s5+$0x95A0]  }
0x2a8: {  	v5 =	vld [tilespmem:s5+$0xA5A0]  }
0x2a9: {  	v6 =	vadd.f32 v7, v6;
	v1 =	vadd.f32 v2, v1;
	v2 =	vld [tilespmem:s5+$0xB5A0]  }
0x2aa: {  	v7 =	vld [tilespmem:s5+$0xC5A0]  }
0x2ab: {  	v3 =	vadd.f32 v8, v3;
	v8 =	vld [tilespmem:s5+$0xD5A0]  }
0x2ac: {  	v9 =	vld [tilespmem:s5+$0xE5A0]  }
0x2ad: {  	v3 =	vadd.f32 v3, v6;
	v6 =	vld [tilespmem:s5+$0xF5A0];
	v4 =	vadd.f32 v5, v4  }
0x2ae: {  	v5 =	vld [tilespmem:s5+$0x105A0]  }
0x2af: {  	v1 =	vadd.f32 v3, v1;
	v2 =	vadd.f32 v7, v2;
	v3 =	vld [tilespmem:s5+$0x95B0]  }
0x2b0: {  	v7 =	vld [tilespmem:s5+$0xA5B0]  }
0x2b1: {  	v8 =	vadd.f32 v9, v8;
	v2 =	vadd.f32 v2, v4;
	v4 =	vld [tilespmem:s5+$0xB5B0]  }
0x2b2: {  	v9 =	vld [tilespmem:s5+$0xC5B0]  }
0x2b3: {  	v5 =	vadd.f32 v5, v6;
	v6 =	vld [tilespmem:s5+$0xD5B0]  }
0x2b4: {  	v10 =	vld [tilespmem:s5+$0xE5B0]  }
0x2b5: {  	v5 =	vadd.f32 v5, v8;
	v8 =	vld [tilespmem:s5+$0xF5B0];
	v3 =	vadd.f32 v7, v3  }
0x2b6: {  	v7 =	vld [tilespmem:s5+$0x105B0]  }
0x2b7: {  	v2 =	vadd.f32 v5, v2;
	v4 =	vadd.f32 v9, v4;
	v5 =	vld [tilespmem:s5+$0x95C0]  }
0x2b8: {  	v9 =	vld [tilespmem:s5+$0xA5C0]  }
0x2b9: {  	v6 =	vadd.f32 v10, v6;
	v3 =	vadd.f32 v4, v3;
	v4 =	vld [tilespmem:s5+$0xB5C0]  }
0x2ba: {  	v10 =	vld [tilespmem:s5+$0xC5C0]  }
0x2bb: {  	v7 =	vadd.f32 v7, v8;
	v8 =	vld [tilespmem:s5+$0xD5C0]  }
0x2bc: {  	v11 =	vld [tilespmem:s5+$0xE5C0]  }
0x2bd: {  	v6 =	vadd.f32 v7, v6;
	v7 =	vld [tilespmem:s5+$0xF5C0];
	v5 =	vadd.f32 v9, v5  }
0x2be: {  	v9 =	vld [tilespmem:s5+$0x105C0]  }
0x2bf: {  	v3 =	vadd.f32 v6, v3;
	v4 =	vadd.f32 v10, v4;
	v6 =	vld [tilespmem:s5+$0x95D0]  }
0x2c0: {  	v10 =	vld [tilespmem:s5+$0xA5D0]  }
0x2c1: {  	v8 =	vadd.f32 v11, v8;
	v4 =	vadd.f32 v4, v5;
	v5 =	vld [tilespmem:s5+$0xB5D0]  }
0x2c2: {  	v11 =	vld [tilespmem:s5+$0xC5D0]  }
0x2c3: {  	v7 =	vadd.f32 v9, v7;
	v9 =	vld [tilespmem:s5+$0xD5D0]  }
0x2c4: {  	v12 =	vld [tilespmem:s5+$0xE5D0]  }
0x2c5: {  	v7 =	vadd.f32 v7, v8;
	v8 =	vld [tilespmem:s5+$0xF5D0];
	v6 =	vadd.f32 v10, v6  }
0x2c6: {  	v10 =	vld [tilespmem:s5+$0x105D0]  }
0x2c7: {  	v4 =	vadd.f32 v7, v4;
	v5 =	vadd.f32 v11, v5;
	v7 =	vld [tilespmem:s5+$0x95E0]  }
0x2c8: {  	v11 =	vld [tilespmem:s5+$0xA5E0]  }
0x2c9: {  	v9 =	vadd.f32 v12, v9;
	v5 =	vadd.f32 v5, v6;
	v6 =	vld [tilespmem:s5+$0xB5E0]  }
0x2ca: {  	v12 =	vld [tilespmem:s5+$0xC5E0]  }
0x2cb: {  	v8 =	vadd.f32 v10, v8;
	v10 =	vld [tilespmem:s5+$0xD5E0]  }
0x2cc: {  	v13 =	vld [tilespmem:s5+$0xE5E0]  }
0x2cd: {  	v8 =	vadd.f32 v8, v9;
	v9 =	vld [tilespmem:s5+$0xF5E0];
	v7 =	vadd.f32 v11, v7  }
0x2ce: {  	v11 =	vld [tilespmem:s5+$0x105E0]  }
0x2cf: {  	v14 =	vld [tilespmem:s5+$0x11580];
	v5 =	vadd.f32 v8, v5;
	v6 =	vadd.f32 v12, v6  }
0x2d0: {  	v8 =	vld [tilespmem:s5+$0x13580]  }
0x2d1: {  	v12 =	vld [tilespmem:s5+$0x11590];
	v10 =	vadd.f32 v13, v10;
	v6 =	vadd.f32 v6, v7  }
0x2d2: {  	v7 =	vld [tilespmem:s5+$0x13590]  }
0x2d3: {  	v13 =	vld [tilespmem:s5+$0x115A0];
	v9 =	vadd.f32 v11, v9  }
0x2d4: {  	v11 =	vld [tilespmem:s5+$0x135A0]  }
0x2d5: {  	v14 =	vadd.f32 v8, v14;
	v8 =	vld [tilespmem:s5+$0x115B0];
	v10 =	vadd.f32 v9, v10  }
0x2d6: {  	v15 =	vld [tilespmem:s5+$0x135B0]  }
0x2d7: {  	v9 =	vadd.f32 v7, v12;
	v7 =	vld [tilespmem:s5+$0x115C0];
	v6 =	vadd.f32 v10, v6  }
0x2d8: {  	v12 =	vld [tilespmem:s5+$0x135C0]  }
0x2d9: {  	v10 =	vadd.f32 v11, v13;
	v13 =	vld [tilespmem:s5+$0x115D0]  }
0x2da: {  	v16 =	vld [tilespmem:s5+$0x135D0]  }
0x2db: {  	v11 =	vadd.f32 v15, v8;
	v8 =	vld [tilespmem:s5+$0x115E0]  }
0x2dc: {  	v18 =	vld [tilespmem:s5+$0x135E0]  }
0x2dd: {  	v19 =	vld [tilespmem:s5+$0x15580];
	v12 =	vadd.f32 v12, v7  }
.Ltmp1:
0x2de: {  	v17 =	vld [tilespmem:s5+$0x15590];
	(pc) =	sbr.rel @p0 .LBB2_5-.Ltmp1, $4  }
0x2df: {  	v15 =	vld [tilespmem:s5+$0x155A0];
	v7 =	vadd.f32 v16, v13  }
0x2e0: {  	v16 =	vld [tilespmem:s5+$0x155B0]  }
0x2e1: {  	v13 =	vld [tilespmem:s5+$0x155C0];
	v8 =	vadd.f32 v18, v8  }
0x2e2: {  	s21 =	sadd.s32 $0x200, s21;
	v18 =	vadd.f32 v19, v14;
	v14 =	vld [tilespmem:s5+$0x155D0]  }
0x2e3: {  	v9 =	vadd.f32 v17, v9;
	v54 =	vld [tilespmem:s5+$0x155E0]  }
0x2e4: {  	v0 =	vadd.f32 v18, v0;
	v10 =	vadd.f32 v15, v10  }
0x2e5: {  	v1 =	vadd.f32 v9, v1;
	v55 =	vadd.f32 v16, v11  }
0x2e6: {  	[tilespmem:s5+$0x175C0] =	vst v0;
	v56 =	vadd.f32 v10, v2;
	v57 =	vadd.f32 v13, v12  }
0x2e7: {  	s13 =	sadd.s32 $0x1, s13;
	[tilespmem:s5+$0x175D0] =	vst v1;
	v58 =	vadd.f32 v55, v3;
	v59 =	vadd.f32 v14, v7  }
0x2e8: {  	p0 =	sne.s32 s13, $0x20;
	[tilespmem:s5+$0x175E0] =	vst v56;
	v60 =	vadd.f32 v57, v4;
	v61 =	vadd.f32 v54, v8  }
.Ltmp2:
0x2e9: {  	[tilespmem:s5+$0x175F0] =	vst v58;
	v62 =	vadd.f32 v59, v5;
	(pc) =	sbr.rel @p0 .LBB2_2-.Ltmp2, $4  }
0x2ea: {  	[tilespmem:s5+$0x17600] =	vst v60;
	v63 =	vadd.f32 v61, v6  }
0x2eb: {  	[tilespmem:s5+$0x17610] =	vst v62  }
0x2ec: {  	s25 =	sadd.s32 $0x208, s17;
	s14 =	simm.s32 $0x175C0;
	[tilespmem:s5+$0x17620] =	vst v63  }
0x2ed: {  	[hbm4b:s25+s7] =	stream.linear.scatter [tilespmem:s14], [sflag:$0x6], $0x1000, $0x38;
	[tilespmem:$0x18600] =	vst v63  }
0x2ee: {  	s5 =	simm.s32 $0x5  }
0x2ef: {  	_ =	swait.ge [sflag:s5], $0x1040  }
0x2f0: {  	[sflag:s5] =	ssyncset.done $0x0  }
0x2f1: {  	[sflag:s5] =	ssyncadd.s32 $0xFFFFEFC0  }
0x2f2: {  	_ =	swait.ge [sflag:s15], $0x1000  }
0x2f3: {  	s13 =	rddreg [dreg:$0x1e]  }
0x2f4: {  	s31 =	rddreg [dreg:$0x13];
	s13 =	sadd.s32 $0x1, s13  }
0x2f5: {  	p0 =	sne.s32 s13, s31  }
.Ltmp3:
0x2f6: {  	_ = 	snop;
	(pc) =	sbr.rel @p0 .LBB2_1-.Ltmp3, $3  }
0x2f7: {  	_ =	sdelay $0x1  }
0x2f8: {  	[sflag:s15] =	ssyncset.done $0x0  }
0x2f9: {  	[sflag:s15] =	ssyncadd.s32 $0xFFFFF000  }
0x2fa: {  	_ =	sfence.sel $0x180000  }
0x2fb: {  	[bflag:$0x0] =	sbarrier.arrive $0xFFFF  }
0x2fc: {  	_ =	strace $0x90000047  }
0x2fd: {  	s0 =	stileid.u32;
	[bflag:$0x2] =	sbarrier.arrive $0xFFFF  }
0x2fe: {  	p0 =	sne.s32 s0, $0x0;
	s0 =	rddreg [dreg:$0x6]  }
0x2ff: {  	s0 =	sadd.s32 @!p0 $0x100000, s0  }
0x300: {  	[sflag:s0] =	ssyncadd.tile.s32 @!p0 $0x1;
	_ =	shalt  }
.Lfunc_end2:
_tile_overlayer_lowered:
.L_overlay_start_2:
0x301: {  	(tag) =	ssettag $0x2  }
0x302: {  	s0 =	rddreg [dreg:$0x0];
	s2 =	stileid.u32  }
0x303: {  	s1 =	rddreg [dreg:$0x1];
	p0 =	sne.s32 s2, $0x0  }
0x304: {  	s3 =	rddreg [dreg:$0x2];
	[bflag:$0x3] =	sbarrier.arrive $0xFFFF;
	s2 =	simm.s32 @!p0 $0x1C07  }
0x305: {  	[timem:s3], [sflag:s2] =	dma.local @!p0 [hbm:s0], s1  }
0x306: {  	s0 =	simm.s32 @!p0 $0x7  }
0x307: {  	_ =	swait.ge @!p0 [sflag:s0], s1  }
0x308: {  	s1 =	ssub.s32 @!p0 $0x0, s1;
	[sflag:s0] =	ssyncset.done @!p0 $0x0  }
0x309: {  	[sflag:s0] =	ssyncadd.s32 @!p0 s1  }
0x30a: {  	[bflag:$0x3] =	sbarrier.arrive $0xFFFF  }
0x30b: {  	_ =	shalt  }

// kernel: sparse-core-data-format-call.cloned.1.call-start
scs
called_computation_lowered:
.L_overlay_start_0:
0x0: {  	s2 =	sld [smem:$0x3FD9]  }
0x1: {  	s3 =	sld [smem:$0x3FFE];
	_ =	sdelay $0x1  }
0x2: {  	s1 =	srdreg.scid  }
0x3: {  	s0 =	sand.u32 $0x1, s1  }
0x4: {  	s18 =	sshll.u32 s0, $0xA;
	s2 =	sadd.s32 s3, s2  }
0x5: {  	s2 =	sadd.s32 s2, s18  }
0x6: {  	[smem:$0x3FC1] =	sst s2  }
0x7: {  	_ = 	snop  }
0x8: {  	s2 =	sld [smem:$0x3FD0];
	(tm) =	ssettm $0x1  }
0x9: {  	s19 =	sld [smem:$0x3FFB];
	_ =	sdelay $0x3  }
0xa: {  	_ =	strace s19  }
0xb: {  	s3 =	sld [smem:$0x3FFC];
	_ =	sdelay $0x3  }
0xc: {  	_ =	strace s3  }
0xd: {  	s3 =	sld [smem:$0x3FFD];
	_ =	sdelay $0x3  }
0xe: {  	_ =	strace s3  }
0xf: {  	_ =	strace $0x8FFFFFFF  }
0x10: {  	s20 =	sld [smem:$0x3FDB];
	_ =	sdelay $0x1  }
0x11: {  	s4 =	simm.s32 $_scs_section_size  }
0x12: {  	s5 =	simm.s32 $_size__tile_overlayer_lowered;
	s6 =	simm.s32 $_tile_overlayer_lowered  }
0x13: {  	s23 =	simm.s32 $0x1BFF;
	s22 =	sshll.u32 s6, $0x1;
	s3 =	sadd.s32 s4, s20  }
0x14: {  	s7 =	simm.s32 $0x0;
	s21 =	sshll.u32 s5, $0x1;
	s5 =	sadd.s32 s22, s3  }
0x15: {  	[timem:s7], [sflag:s23] =	dma.local [hbm:s5], s21  }
0x16: {  	_ =	swait.ge [sflag:s23], s21  }
0x17: {  	s4 =	ssub.s32 $0x0, s21;
	[sflag:s23] =	ssyncset.done $0x0  }
0x18: {  	[sflag:s23] =	ssyncadd.s32 s4;
	_ =	sdelay $0x1  }
0x19: {  	s24 =	simm.s32 $0x1B8B  }
0x1a: {  	_ =	swait.ge [sflag:s24], $0x1  }
0x1b: {  	[sflag:s24] =	ssyncset.done $0x0  }
0x1c: {  	s26 =	simm.s32 $0x1B8E;
	s25 =	sld [smem:$0x3FFE];
	[sflag:s24] =	ssyncadd.s32 $0xFFFFFFFF  }
0x1d: {  	s27 =	simm.s32 $execute0_lowered;
	[smem:$0x3FD2] =	sst s26  }
0x1e: {  	s5 =	sshll.u32 s27, $0x1;
	_ =	strace $0x80000049;
	[dreg:$0x1] =	wrdreg $0xFFFFFFFF  }
0x1f: {  	s28 =	simm.s32 $_size_execute0_lowered;
	s3 =	sadd.s32 s3, s5;
	[dreg:$0x0] =	wrdreg $0x0  }
0x20: {  	s5 =	sshll.u32 s28, $0x1;
	[dreg:$0x2] =	wrdreg s3  }
0x21: {  	[dreg:$0x3] =	wrdreg s5  }
0x22: {  	[dreg:$0x4] =	wrdreg $0xC0  }
0x23: {  	_ =	task [dreg:s7], $0x5FFFF  }
0x24: {  	[dreg:$0x1] =	wrdreg $0xFFFFFFFF  }
0x25: {  	[dreg:$0x0] =	wrdreg $0x60  }
0x26: {  	[dreg:$0x2] =	wrdreg s25  }
0x27: {  	[dreg:$0x3] =	wrdreg s2  }
0x28: {  	[dreg:$0x4] =	wrdreg $0x9  }
0x29: {  	_ =	task.clear_ibuf [dreg:s7], $0x5FFFF;
	_ =	strace $0x90000049  }
0x2a: {  	s29 =	simm.s32 $0x9;
	_ =	strace $0x8000004B  }
0x2b: {  	_ =	swait.ge [sflag:s29], $0x1  }
0x2c: {  	[sflag:s29] =	ssyncadd.s32 $0xFFFFFFFF  }
0x2d: {  	_ =	strace $0x9000004B  }
0x2e: {  	_ =	sfence  }
0x2f: {  	s30 =	sld [smem:$0x0];
	_ =	sdelay $0x2  }
0x30: {  	s31 =	sshll.u32 s1, $0xD;
	s1 =	sshrl.u32 s1, $0x2  }
0x31: {  	s3 =	sand.u32 $0x4000, s31;
	s1 =	sadd.s32 s1, s30  }
0x32: {  	s0 =	sor.u32 s3, s0;
	s1 =	sshll.u32 s1, $0x11  }
0x33: {  	s0 =	sor.u32 s1, s0  }
0x34: {  	s0 =	sadd.s32 $0x8F2B, s0  }
0x35: {  	[sflag:s0] =	ssyncadd.remote.s32 $0x1  }
0x36: {  	_ =	sfence.sel $0xFFFF  }
0x37: {  	[dreg:$0x0] =	wrdreg $0xFFFFFFFF;
	(pc) =	sbr.abs _section_cstart, $3  }
0x38: {  	[dreg:$0x1] =	wrdreg $0xFFFFFFFF  }
0x39: {  	_ =	task.clear_ibuf [dreg:s7], $0x2FFFF;
	_ =	strace $0x9FFFFFFF  }
0x3a: {  	(tm) =	ssettm $0x7FFFFFFF  }
0x3b: {  	_ =	shalt  }
tec
execute0_lowered:
.L_overlay_start_1:
0x0: {  	(tag) =	ssettag $0x1  }
0x1: {  	s0 =	stileid.u32  }
0x2: {  	s7 =	rddreg [dreg:$0x0];
	s1 =	srdreg.scid  }
0x3: {  	s2 =	rddreg [dreg:$0x1];
	s31 =	simm.s32 $0x2;
	s13 =	simm.s32 $0x0  }
0x4: {  	s14 =	simm.s32 $0x0;
	s3 =	sshll.u32 s0, $0x7;
	s4 =	sshll.u32 s1, $0x4  }
0x5: {  	s12 =	simm.s32 $0x0;
	s3 =	sand.u32 $0x380, s3;
	s4 =	sand.u32 $0x10, s4  }
0x6: {  	s1 =	rddreg [dreg:$0x2];
	s5 =	ssub.s32 $0x400, s3;
	s4 =	sor.u32 s0, s4  }
0x7: {  	_ =	strace $0x8000004A;
	s6 =	sand.u32 $0x380, s5;
	s4 =	sshrl.u32 s4, $0x3  }
0x8: {  	s8 =	sshrl.u32 s5, $0xA;
	p0 =	sne.s32 s6, $0x0;
	s6 =	simm.s32 $0x1  }
.Ltmp0:
0x9: {  	s9 =	ssub.s32 $0x84, s4;
	s6 =	simm.s32 @!p0 $0x0;
	(pc) =	sbr.rel .LBB1_1-.Ltmp0, $4  }
0xa: {  	s5 =	simm.s32 $0x1;
	s30 =	sshrl.u32 s9, $0x2;
	s6 =	sadd.s32 s6, s8  }
0xb: {  	s7 =	sadd.s32 $0x800, s7;
	[sflag:s5] =	ssyncpa.u1 $0x0;
	s6 =	smul.u32 s30, s6  }
0xc: {  	s11 =	smov.u32 s3;
	s10 =	smov.u32 s4;
	[sflag:s31] =	ssyncpa.u1 $0x0  }
0xd: {  	p0 =	por $0x0, $0x0;
	s9 =	simm.s32 $0x2000;
	s8 =	sadd.s32 $0x1, s6  }
.LBB1_4:
0xe: {  	s17 =	sand.u32 $0x1F80, s14;
	s13 =	sshll.u32 s13, $0xD  }
0xf: {  	[tilespmem:s16+$0x810 ss:$0x81] =	vst.msk $0xffff, v2;
	s18 =	sshrl.u32 s14, $0x3;
	s31 =	sand.u32 $0x7, s14;
	s17 =	sadd.s32 s2, s17  }
0x10: {  	[tilespmem:s16+$0x1020 ss:$0x81] =	vst.msk $0xffff, v0;
	s18 =	sand.u32 $0xF, s18;
	s14 =	sshll.u32 s31, $0x12;
	s13 =	sadd.s32 s13, s17  }
0x11: {  	[tilespmem:s16+$0x0 ss:$0x81] =	vst.msk $0xffff, v1;
	s14 =	sor.u32 $0x400, s14;
	s13 =	sadd.s32 s18, s13  }
0x12: {  	[hbm4b:s13+s14] =	stream.strided.scatter [tilespmem:s15], [sflag:$0x2], $0x2000, s9, s14, $0x20;
	[tilespmem:$0x8080] =	vst v63  }
.LBB1_5:
0x13: {  	s15 =	sadd.s32 $0x4, s10  }
0x14: {  	s13 =	sadd.s32 $0x400, s11;
	s17 =	smov.u32 s11;
	p2 =	sgt.s32 s15, $0x80  }
0x15: {  	s17 =	smov.u32 @p2 s13  }
0x16: {  	s15 =	smov.u32 @p2 s4;
	p2 =	sgt.s32 s17, $0x3FF  }
0x17: {  	s17 =	smov.u32 @p2 s3;
	p2 =	sne.s32 s12, s8  }
.Ltmp1:
0x18: {  	p1 =	slt.u32 s12, $0x2;
	(pc) =	sbr.rel @!p2 .LBB1_6-.Ltmp1, $4  }
0x19: {  	s16 =	simm.s32 @!p1 $0x2  }
0x1a: {  	s14 =	smov.u32 s11;
	p0 =	por !p0, !p0;
	_ =	swait.ge @!p1 [sflag:s16], $0x2000  }
0x1b: {  	s13 =	smov.u32 s10;
	[sflag:s16] =	ssyncset.done @!p1 $0x0;
	s10 =	smov.u32 s15  }
0x1c: {  	s12 =	sadd.s32 $0x1, s12;
	[sflag:s16] =	ssyncadd.s32 @!p1 $0xFFFFE000;
	s11 =	smov.u32 s17  }
.LBB1_1:
0x1d: {  	p1 =	sge.u32 s12, s6  }
0x1e: {  	s15 =	sand.u32 @!p1 $0x1FFFFFF, s10  }
0x1f: {  	s16 =	smulhi.u32 @!p1 $0x1E1E1E2, s15;
	_ =	sdelay $0x1  }
0x20: {  	s16 =	smul.u32 @!p1 $0x88, s16  }
0x21: {  	s17 =	sxor.u32 @!p1 $0xFFFFFFFF, s12;
	s18 =	smul.u32 @!p1 $0x880, s11  }
0x22: {  	s31 =	sadd.s32 $0xFFFFFFFF, s12;
	s17 =	sshll.u32 @!p1 s17, $0xD;
	s15 =	ssub.s32 @!p1 s15, s16  }
0x23: {  	s16 =	sand.u32 @!p1 $0x2000, s17;
	s17 =	sadd.s32 @!p1 s7, s18;
	s15 =	sshll.u32 @!p1 s15, $0x4  }
0x24: {  	s18 =	simm.s32 @!p1 $0x4400;
	s15 =	sadd.s32 @!p1 s15, s17;
	s17 =	simm.s32 @!p1 $0x40  }
0x25: {  	[tilespmem:s16], [sflag:$0x1] =	stream.strided.gather @!p1 [hbm4b:s15+s17], $0x2000, s18, s17, $0x38;
	[tilespmem:$0x8080] =	vst v63  }
0x26: {  	p1 =	sge.u32 s31, s6  }
.Ltmp2:
0x27: {  	_ = 	snop;
	(pc) =	sbr.rel @p1 .LBB1_5-.Ltmp2, $1  }
0x28: {  	_ =	sdelay $0x3  }
0x29: {  	s15 =	simm.s32 $0x1  }
0x2a: {  	_ =	swait.ge [sflag:s5], $0x2000;
	s15 =	simm.s32 @!p0 $0x0  }
0x2b: {  	[sflag:s5] =	ssyncset.done $0x0;
	s16 =	sshll.u32 s15, $0xD  }
0x2c: {  	[sflag:s5] =	ssyncadd.s32 $0xFFFFE000;
	s19 =	sor.u32 $0x20, s16  }
0x2d: {  	s15 =	smul.u32 $0x8100, s15;
	v3 =	vld [tilespmem:s19+$0x10]  }
0x2e: {  	s30 =	sand.u32 $0x1, s12;
	v2 =	vld [tilespmem:s19+$0xFFFFFFF0]  }
0x2f: {  	s16 =	smul.u32 $0x8100, s30;
	s15 =	sshrl.u32 s15, $0x2;
	v0 =	vld [tilespmem:s19+$0x0]  }
0x30: {  	v1 =	vld [tilespmem:s19+$0xFFFFFFE0];
	s17 =	sor.u32 $0x4000, s15  }
0x31: {  	s31 =	sshrl.u32 s16, $0x2;
	s16 =	sadd.s32 $0x0, s17  }
0x32: {  	s18 =	simm.s32 $0x4;
	s19 =	sadd.s32 $0x40, s19;
	s15 =	sor.u32 $0x4000, s31;
	[tilespmem:s16+$0x1830 ss:$0x81] =	vst.msk $0xffff, v3  }
.LBB1_3:
0x33: {  	v3 =	vld [tilespmem:s19+$0x10];
	p1 =	sne.s32 s18, $0x1FC;
	[tilespmem:s16+$0x810 ss:$0x81] =	vst.msk $0xffff, v2;
	s20 =	smov.u32 s18;
	s18 =	sadd.s32 $0x4, s18  }
.Ltmp3:
0x34: {  	v2 =	vld [tilespmem:s19+$0xFFFFFFF0];
	[tilespmem:s16+$0x1020 ss:$0x81] =	vst.msk $0xffff, v0;
	(pc) =	sbr.rel @p1 .LBB1_3-.Ltmp3, $4  }
0x35: {  	v0 =	vld [tilespmem:s19+$0x0];
	[tilespmem:s16+$0x0 ss:$0x81] =	vst.msk $0xffff, v1  }
0x36: {  	s16 =	sshra.s32 s20, $0x2;
	v1 =	vld [tilespmem:s19+$0xFFFFFFE0]  }
0x37: {  	s16 =	sadd.s32 s16, s17  }
0x38: {  	s19 =	sadd.s32 $0x40, s19;
	[tilespmem:s16+$0x1830 ss:$0x81] =	vst.msk $0xffff, v3  }
.Ltmp4:
0x39: {  	_ = 	snop;
	(pc) =	sbr.rel .LBB1_4-.Ltmp4, $1  }
0x3a: {  	_ =	sdelay $0x3  }
.LBB1_6:
0x3b: {  	_ =	sfence.sel $0x180000  }
0x3c: {  	s2 =	simm.s32 $0x1;
	[bflag:$0x0] =	sbarrier.arrive $0xFFFF  }
0x3d: {  	s31 =	simm.s32 $0x2;
	[sflag:s2] =	ssyncpa.u1 $0x1  }
0x3e: {  	[sflag:s31] =	ssyncpa.u1 $0x1  }
0x3f: {  	p0 =	sne.s32 s0, $0x0;
	_ =	strace $0x9000004A  }
0x40: {  	s0 =	sadd.s32 @!p0 $0x100000, s1;
	[bflag:$0x2] =	sbarrier.arrive $0xFFFF  }
0x41: {  	[sflag:s0] =	ssyncadd.tile.s32 @!p0 $0x1;
	_ =	shalt  }
.Lfunc_end1:
_tile_overlayer_lowered:
.L_overlay_start_2:
0x42: {  	(tag) =	ssettag $0x2  }
0x43: {  	s0 =	rddreg [dreg:$0x0];
	s2 =	stileid.u32  }
0x44: {  	s1 =	rddreg [dreg:$0x1];
	p0 =	sne.s32 s2, $0x0  }
0x45: {  	s3 =	rddreg [dreg:$0x2];
	[bflag:$0x3] =	sbarrier.arrive $0xFFFF;
	s2 =	simm.s32 @!p0 $0x1C01  }
0x46: {  	[timem:s3], [sflag:s2] =	dma.local @!p0 [hbm:s0], s1  }
0x47: {  	s0 =	simm.s32 @!p0 $0x1  }
0x48: {  	_ =	swait.ge @!p0 [sflag:s0], s1  }
0x49: {  	s1 =	ssub.s32 @!p0 $0x0, s1;
	[sflag:s0] =	ssyncset.done @!p0 $0x0  }
0x4a: {  	[sflag:s0] =	ssyncadd.s32 @!p0 s1  }
0x4b: {  	[bflag:$0x3] =	sbarrier.arrive $0xFFFF  }
0x4c: {  	_ =	shalt  }

</sc_bundles>
